<compile_context>
chip_gen: v7x
topology: tpu7x:2x2x1
jax: 0.10.2.dev20260603
libtpu: 0.0.44.dev20260713+nightly
codegen_flags: <defaults>
</compile_context>

<pallas_src>
import functools

import jax
import jax.numpy as jnp
from jax import lax
from jax.experimental import pallas as pl
from jax.experimental.pallas import tpu as pltpu
from jax.experimental.pallas import tpu_sc as plsc

_MASK_RATIO = 0.15
_LANES = 16
_NWORKERS = 32
_RB = 4


def _sc_mul_kernel(t, rows_per_w, idx_pad, x_hbm, idx_hbm, out_hbm,
                   bin0, bin1, bout0, bout1, mask_v, idx_v,
                   sin0, sin1, sout0, sout1):
    wid = lax.axis_index("s") * 2 + lax.axis_index("c")
    row0 = wid * rows_per_w

    pltpu.sync_copy(idx_hbm, idx_v)
    ones = jnp.ones((_LANES,), jnp.float32)
    for i in range((t + _LANES) // _LANES):
        mask_v[pl.ds(i * _LANES, _LANES)] = ones
    zeros = jnp.zeros((_LANES,), jnp.float32)
    for i in range(idx_pad // _LANES):
        iv = idx_v[pl.ds(i * _LANES, _LANES)]
        plsc.store_scatter(mask_v, [iv], zeros)

    bins, bouts = [bin0, bin1], [bout0, bout1]
    sins, souts = [sin0, sin1], [sout0, sout1]
    nch = rows_per_w // _RB

    def in_copy(g):
        return pltpu.async_copy(
            x_hbm.at[pl.ds(row0 + g * _RB, _RB)], bins[g % 2], sins[g % 2])

    def out_copy(g):
        return pltpu.async_copy(
            bouts[g % 2], out_hbm.at[pl.ds(row0 + g * _RB, _RB)], souts[g % 2])

    pending_in = {0: in_copy(0), 1: in_copy(1)}
    pending_out = {}
    for g in range(nch):
        pending_in.pop(g).wait()
        if g >= 2:
            pending_out.pop(g - 2).wait()
        bi, bo = bins[g % 2], bouts[g % 2]

        def body(j, _, bi=bi, bo=bo):
            off = j * _LANES
            mv = mask_v[pl.ds(off, _LANES)]
            for r in range(_RB):
                bo[r, pl.ds(off, _LANES)] = bi[r, pl.ds(off, _LANES)] * mv
            return 0

        lax.fori_loop(0, t // _LANES, body, 0)
        pending_out[g] = out_copy(g)
        if g + 2 < nch:
            pending_in[g + 2] = in_copy(g + 2)
    for g in sorted(pending_out):
        pending_out.pop(g).wait()


def kernel(x):
    B, C, T = x.shape
    n_mask = int(T * _MASK_RATIO)
    if n_mask <= 0:
        return x

    key = jax.random.fold_in(jax.random.key(0), 1)
    mask_indices = jax.random.permutation(key, T)[:n_mask].astype(jnp.int32)

    idx_pad = ((n_mask + _LANES - 1) // _LANES) * _LANES
    idx1d = jnp.concatenate(
        [mask_indices, jnp.full((idx_pad - n_mask,), T, jnp.int32)]
    )

    rows = B * C
    rows_per_w = rows // _NWORKERS
    xr = x.reshape(rows, T)

    mesh = plsc.VectorSubcoreMesh(core_axis_name="c", subcore_axis_name="s")
    sc_mul = functools.partial(
        pl.kernel,
        mesh=mesh,
        out_type=jax.ShapeDtypeStruct((rows, T), jnp.float32),
        scratch_types=[
            pltpu.VMEM((_RB, T), jnp.float32),
            pltpu.VMEM((_RB, T), jnp.float32),
            pltpu.VMEM((_RB, T), jnp.float32),
            pltpu.VMEM((_RB, T), jnp.float32),
            pltpu.VMEM((T + _LANES,), jnp.float32),
            pltpu.VMEM((idx_pad,), jnp.int32),
            pltpu.SemaphoreType.DMA,
            pltpu.SemaphoreType.DMA,
            pltpu.SemaphoreType.DMA,
            pltpu.SemaphoreType.DMA,
        ],
        compiler_params=pltpu.CompilerParams(needs_layout_passes=False),
    )(functools.partial(_sc_mul_kernel, T, rows_per_w, idx_pad))

    out = sc_mul(xr, idx1d)
    return out.reshape(B, C, T)

# --- scband reference (transcript-rebuilt; emitter-appended) ---
"""Pipeline reference for scband-random-time-masking-35811437314797 (READ-ONLY COPY).

The authoritative reference and input builder live on the scoring server;
editing this copy changes nothing except your own understanding.
"""

import jax, jax.numpy as jnp
import numpy as np

MASK_RATIO = 0.15

def setup_inputs(seed: int = 0) -> dict:
    key = jax.random.key(seed)
    k_x, k_perm = jax.random.split(key)
    x = jax.random.normal(k_x, (4, 1024, 4096), dtype=jnp.float32)
    return {"x": x}

def reference(x):
    # training-mode RandomTimeMasking with mask_ratio=0.15
    B, C, T = x.shape
    n_mask = int(T * MASK_RATIO)
    if n_mask <= 0:
        return x
    key = jax.random.fold_in(jax.random.key(0), 1)
    mask_indices = jax.random.permutation(key, T)[:n_mask]
    time_mask = jnp.ones((T,), dtype=bool).at[mask_indices].set(False)
    time_mask = time_mask.reshape(1, 1, T)
    masked_x = x * time_mask
    return masked_x

if __name__ == "__main__":
    import jax
    _d = setup_inputs()
    print(jax.jit(kernel)(*tuple(_d.values())))

</pallas_src>

<mosaic_0001>
#map = affine_map<(d0, d1) -> (0, 0)>
#map1 = affine_map<(d0, d1) -> (0)>
module attributes {stable_mosaic.version = 14 : i64} {
  func.func @_sc_mul_kernel(%arg0: i32, %arg1: i32, %arg2: memref<4096x4096xf32, #tpu.memory_space<hbm>>, %arg3: memref<624xi32, #tpu.memory_space<hbm>>, %arg4: memref<4096x4096xf32, #tpu.memory_space<hbm>>, %arg5: memref<4x4096xf32, #tpu.memory_space<vmem>>, %arg6: memref<4x4096xf32, #tpu.memory_space<vmem>>, %arg7: memref<4x4096xf32, #tpu.memory_space<vmem>>, %arg8: memref<4x4096xf32, #tpu.memory_space<vmem>>, %arg9: memref<4112xf32, #tpu.memory_space<vmem>>, %arg10: memref<624xi32, #tpu.memory_space<vmem>>, %arg11: memref<!tpu.dma_semaphore, #tpu.memory_space<semaphore_mem>>, %arg12: memref<!tpu.dma_semaphore, #tpu.memory_space<semaphore_mem>>, %arg13: memref<!tpu.dma_semaphore, #tpu.memory_space<semaphore_mem>>, %arg14: memref<!tpu.dma_semaphore, #tpu.memory_space<semaphore_mem>>) attributes {dimension_semantics = [#tpu.dimension_semantics<core_parallel>, #tpu.dimension_semantics<subcore_parallel>], iteration_bounds = array<i64: 2, 16>, scalar_prefetch = 0 : i64, scratch_operands = 10 : i64, tpu.core_type = #tpu.core_type<sc_vector_subcore>, window_params = [{transform_indices = #map}, {transform_indices = #map1}, {transform_indices = #map}]} {
    %mul3A = arith.constant 2 : i32
    %mul3A_0 = arith.muli %arg1, %mul3A : i32
    %add3A = arith.addi %mul3A_0, %arg0 : i32
    %mul3A_1 = arith.constant 128 : i32
    %mul3A_2 = arith.muli %add3A, %mul3A_1 : i32
    "tpu.region"() ({
      %run_scoped3A = tpu.sem_alloc : memref<!tpu.dma_semaphore, #tpu.memory_space<semaphore_mem>>
      tpu.enqueue_dma source(%arg3 : memref<624xi32, #tpu.memory_space<hbm>>) target(%arg10 : memref<624xi32, #tpu.memory_space<vmem>>) target_semaphore(%run_scoped3A : memref<!tpu.dma_semaphore, #tpu.memory_space<semaphore_mem>>)
      tpu.wait_dma2 semaphore(%run_scoped3A : memref<!tpu.dma_semaphore, #tpu.memory_space<semaphore_mem>>) src(%arg3 : memref<624xi32, #tpu.memory_space<hbm>>) dst(%arg10 : memref<624xi32, #tpu.memory_space<vmem>>)
      tpu.yield
    }) : () -> ()
    %broadcast_in_dim3A = arith.constant 1.000000e+00 : f32
    %broadcast_in_dim3A_3 = vector.broadcast %broadcast_in_dim3A : f32 to vector<16xf32>
    %swap3A = arith.constant 0 : index
    %swap3A_4 = tpu.vector_load %arg9[%swap3A] {strides = array<i32>} : memref<4112xf32, #tpu.memory_space<vmem>>, vector<16xf32>,
    tpu.vector_store %arg9[%swap3A], %broadcast_in_dim3A_3 {strides = array<i32>} : memref<4112xf32, #tpu.memory_space<vmem>>, vector<16xf32>,
    %swap3A_5 = arith.constant 16 : index
    %swap3A_6 = tpu.vector_load %arg9[%swap3A_5] {strides = array<i32>} : memref<4112xf32, #tpu.memory_space<vmem>>, vector<16xf32>,
    tpu.vector_store %arg9[%swap3A_5], %broadcast_in_dim3A_3 {strides = array<i32>} : memref<4112xf32, #tpu.memory_space<vmem>>, vector<16xf32>,
    %swap3A_7 = arith.constant 32 : index
    %swap3A_8 = tpu.vector_load %arg9[%swap3A_7] {strides = array<i32>} : memref<4112xf32, #tpu.memory_space<vmem>>, vector<16xf32>,
    tpu.vector_store %arg9[%swap3A_7], %broadcast_in_dim3A_3 {strides = array<i32>} : memref<4112xf32, #tpu.memory_space<vmem>>, vector<16xf32>,
    %swap3A_9 = arith.constant 48 : index
    %swap3A_10 = tpu.vector_load %arg9[%swap3A_9] {strides = array<i32>} : memref<4112xf32, #tpu.memory_space<vmem>>, vector<16xf32>,
    tpu.vector_store %arg9[%swap3A_9], %broadcast_in_dim3A_3 {strides = array<i32>} : memref<4112xf32, #tpu.memory_space<vmem>>, vector<16xf32>,
    %swap3A_11 = arith.constant 64 : index
    %swap3A_12 = tpu.vector_load %arg9[%swap3A_11] {strides = array<i32>} : memref<4112xf32, #tpu.memory_space<vmem>>, vector<16xf32>,
    tpu.vector_store %arg9[%swap3A_11], %broadcast_in_dim3A_3 {strides = array<i32>} : memref<4112xf32, #tpu.memory_space<vmem>>, vector<16xf32>,
    %swap3A_13 = arith.constant 80 : index
    %swap3A_14 = tpu.vector_load %arg9[%swap3A_13] {strides = array<i32>} : memref<4112xf32, #tpu.memory_space<vmem>>, vector<16xf32>,
    tpu.vector_store %arg9[%swap3A_13], %broadcast_in_dim3A_3 {strides = array<i32>} : memref<4112xf32, #tpu.memory_space<vmem>>, vector<16xf32>,
    %swap3A_15 = arith.constant 96 : index
    %swap3A_16 = tpu.vector_load %arg9[%swap3A_15] {strides = array<i32>} : memref<4112xf32, #tpu.memory_space<vmem>>, vector<16xf32>,
    tpu.vector_store %arg9[%swap3A_15], %broadcast_in_dim3A_3 {strides = array<i32>} : memref<4112xf32, #tpu.memory_space<vmem>>, vector<16xf32>,
    %swap3A_17 = arith.constant 112 : index
    %swap3A_18 = tpu.vector_load %arg9[%swap3A_17] {strides = array<i32>} : memref<4112xf32, #tpu.memory_space<vmem>>, vector<16xf32>,
    tpu.vector_store %arg9[%swap3A_17], %broadcast_in_dim3A_3 {strides = array<i32>} : memref<4112xf32, #tpu.memory_space<vmem>>, vector<16xf32>,
    %swap3A_19 = arith.constant 128 : index
    %swap3A_20 = tpu.vector_load %arg9[%swap3A_19] {strides = array<i32>} : memref<4112xf32, #tpu.memory_space<vmem>>, vector<16xf32>,
    tpu.vector_store %arg9[%swap3A_19], %broadcast_in_dim3A_3 {strides = array<i32>} : memref<4112xf32, #tpu.memory_space<vmem>>, vector<16xf32>,
    %swap3A_21 = arith.constant 144 : index
    %swap3A_22 = tpu.vector_load %arg9[%swap3A_21] {strides = array<i32>} : memref<4112xf32, #tpu.memory_space<vmem>>, vector<16xf32>,
    tpu.vector_store %arg9[%swap3A_21], %broadcast_in_dim3A_3 {strides = array<i32>} : memref<4112xf32, #tpu.memory_space<vmem>>, vector<16xf32>,
    %swap3A_23 = arith.constant 160 : index
    %swap3A_24 = tpu.vector_load %arg9[%swap3A_23] {strides = array<i32>} : memref<4112xf32, #tpu.memory_space<vmem>>, vector<16xf32>,
    tpu.vector_store %arg9[%swap3A_23], %broadcast_in_dim3A_3 {strides = array<i32>} : memref<4112xf32, #tpu.memory_space<vmem>>, vector<16xf32>,
    %swap3A_25 = arith.constant 176 : index
    %swap3A_26 = tpu.vector_load %arg9[%swap3A_25] {strides = array<i32>} : memref<4112xf32, #tpu.memory_space<vmem>>, vector<16xf32>,
    tpu.vector_store %arg9[%swap3A_25], %broadcast_in_dim3A_3 {strides = array<i32>} : memref<4112xf32, #tpu.memory_space<vmem>>, vector<16xf32>,
    %swap3A_27 = arith.constant 192 : index
    %swap3A_28 = tpu.vector_load %arg9[%swap3A_27] {strides = array<i32>} : memref<4112xf32, #tpu.memory_space<vmem>>, vector<16xf32>,
    tpu.vector_store %arg9[%swap3A_27], %broadcast_in_dim3A_3 {strides = array<i32>} : memref<4112xf32, #tpu.memory_space<vmem>>, vector<16xf32>,
    %swap3A_29 = arith.constant 208 : index
    %swap3A_30 = tpu.vector_load %arg9[%swap3A_29] {strides = array<i32>} : memref<4112xf32, #tpu.memory_space<vmem>>, vector<16xf32>,
    tpu.vector_store %arg9[%swap3A_29], %broadcast_in_dim3A_3 {strides = array<i32>} : memref<4112xf32, #tpu.memory_space<vmem>>, vector<16xf32>,
    %swap3A_31 = arith.constant 224 : index
    %swap3A_32 = tpu.vector_load %arg9[%swap3A_31] {strides = array<i32>} : memref<4112xf32, #tpu.memory_space<vmem>>, vector<16xf32>,
    tpu.vector_store %arg9[%swap3A_31], %broadcast_in_dim3A_3 {strides = array<i32>} : memref<4112xf32, #tpu.memory_space<vmem>>, vector<16xf32>,
    %swap3A_33 = arith.constant 240 : index
    %swap3A_34 = tpu.vector_load %arg9[%swap3A_33] {strides = array<i32>} : memref<4112xf32, #tpu.memory_space<vmem>>, vector<16xf32>,
    tpu.vector_store %arg9[%swap3A_33], %broadcast_in_dim3A_3 {strides = array<i32>} : memref<4112xf32, #tpu.memory_space<vmem>>, vector<16xf32>,
    %swap3A_35 = arith.constant 256 : index
    %swap3A_36 = tpu.vector_load %arg9[%swap3A_35] {strides = array<i32>} : memref<4112xf32, #tpu.memory_space<vmem>>, vector<16xf32>,
    tpu.vector_store %arg9[%swap3A_35], %broadcast_in_dim3A_3 {strides = array<i32>} : memref<4112xf32, #tpu.memory_space<vmem>>, vector<16xf32>,
    %swap3A_37 = arith.constant 272 : index
    %swap3A_38 = tpu.vector_load %arg9[%swap3A_37] {strides = array<i32>} : memref<4112xf32, #tpu.memory_space<vmem>>, vector<16xf32>,
    tpu.vector_store %arg9[%swap3A_37], %broadcast_in_dim3A_3 {strides = array<i32>} : memref<4112xf32, #tpu.memory_space<vmem>>, vector<16xf32>,
    %swap3A_39 = arith.constant 288 : index
    %swap3A_40 = tpu.vector_load %arg9[%swap3A_39] {strides = array<i32>} : memref<4112xf32, #tpu.memory_space<vmem>>, vector<16xf32>,
    tpu.vector_store %arg9[%swap3A_39], %broadcast_in_dim3A_3 {strides = array<i32>} : memref<4112xf32, #tpu.memory_space<vmem>>, vector<16xf32>,
    %swap3A_41 = arith.constant 304 : index
    %swap3A_42 = tpu.vector_load %arg9[%swap3A_41] {strides = array<i32>} : memref<4112xf32, #tpu.memory_space<vmem>>, vector<16xf32>,
    tpu.vector_store %arg9[%swap3A_41], %broadcast_in_dim3A_3 {strides = array<i32>} : memref<4112xf32, #tpu.memory_space<vmem>>, vector<16xf32>,
    %swap3A_43 = arith.constant 320 : index
    %swap3A_44 = tpu.vector_load %arg9[%swap3A_43] {strides = array<i32>} : memref<4112xf32, #tpu.memory_space<vmem>>, vector<16xf32>,
    tpu.vector_store %arg9[%swap3A_43], %broadcast_in_dim3A_3 {strides = array<i32>} : memref<4112xf32, #tpu.memory_space<vmem>>, vector<16xf32>,
    %swap3A_45 = arith.constant 336 : index
    %swap3A_46 = tpu.vector_load %arg9[%swap3A_45] {strides = array<i32>} : memref<4112xf32, #tpu.memory_space<vmem>>, vector<16xf32>,
    tpu.vector_store %arg9[%swap3A_45], %broadcast_in_dim3A_3 {strides = array<i32>} : memref<4112xf32, #tpu.memory_space<vmem>>, vector<16xf32>,
    %swap3A_47 = arith.constant 352 : index
    %swap3A_48 = tpu.vector_load %arg9[%swap3A_47] {strides = array<i32>} : memref<4112xf32, #tpu.memory_space<vmem>>, vector<16xf32>,
    tpu.vector_store %arg9[%swap3A_47], %broadcast_in_dim3A_3 {strides = array<i32>} : memref<4112xf32, #tpu.memory_space<vmem>>, vector<16xf32>,
    %swap3A_49 = arith.constant 368 : index
    %swap3A_50 = tpu.vector_load %arg9[%swap3A_49] {strides = array<i32>} : memref<4112xf32, #tpu.memory_space<vmem>>, vector<16xf32>,
    tpu.vector_store %arg9[%swap3A_49], %broadcast_in_dim3A_3 {strides = array<i32>} : memref<4112xf32, #tpu.memory_space<vmem>>, vector<16xf32>,
    %swap3A_51 = arith.constant 384 : index
    %swap3A_52 = tpu.vector_load %arg9[%swap3A_51] {strides = array<i32>} : memref<4112xf32, #tpu.memory_space<vmem>>, vector<16xf32>,
    tpu.vector_store %arg9[%swap3A_51], %broadcast_in_dim3A_3 {strides = array<i32>} : memref<4112xf32, #tpu.memory_space<vmem>>, vector<16xf32>,
    %swap3A_53 = arith.constant 400 : index
    %swap3A_54 = tpu.vector_load %arg9[%swap3A_53] {strides = array<i32>} : memref<4112xf32, #tpu.memory_space<vmem>>, vector<16xf32>,
    tpu.vector_store %arg9[%swap3A_53], %broadcast_in_dim3A_3 {strides = array<i32>} : memref<4112xf32, #tpu.memory_space<vmem>>, vector<16xf32>,
    %swap3A_55 = arith.constant 416 : index
    %swap3A_56 = tpu.vector_load %arg9[%swap3A_55] {strides = array<i32>} : memref<4112xf32, #tpu.memory_space<vmem>>, vector<16xf32>,
    tpu.vector_store %arg9[%swap3A_55], %broadcast_in_dim3A_3 {strides = array<i32>} : memref<4112xf32, #tpu.memory_space<vmem>>, vector<16xf32>,
    %swap3A_57 = arith.constant 432 : index
    %swap3A_58 = tpu.vector_load %arg9[%swap3A_57] {strides = array<i32>} : memref<4112xf32, #tpu.memory_space<vmem>>, vector<16xf32>,
    tpu.vector_store %arg9[%swap3A_57], %broadcast_in_dim3A_3 {strides = array<i32>} : memref<4112xf32, #tpu.memory_space<vmem>>, vector<16xf32>,
    %swap3A_59 = arith.constant 448 : index
    %swap3A_60 = tpu.vector_load %arg9[%swap3A_59] {strides = array<i32>} : memref<4112xf32, #tpu.memory_space<vmem>>, vector<16xf32>,
    tpu.vector_store %arg9[%swap3A_59], %broadcast_in_dim3A_3 {strides = array<i32>} : memref<4112xf32, #tpu.memory_space<vmem>>, vector<16xf32>,
    %swap3A_61 = arith.constant 464 : index
    %swap3A_62 = tpu.vector_load %arg9[%swap3A_61] {strides = array<i32>} : memref<4112xf32, #tpu.memory_space<vmem>>, vector<16xf32>,
    tpu.vector_store %arg9[%swap3A_61], %broadcast_in_dim3A_3 {strides = array<i32>} : memref<4112xf32, #tpu.memory_space<vmem>>, vector<16xf32>,
    %swap3A_63 = arith.constant 480 : index
    %swap3A_64 = tpu.vector_load %arg9[%swap3A_63] {strides = array<i32>} : memref<4112xf32, #tpu.memory_space<vmem>>, vector<16xf32>,
    tpu.vector_store %arg9[%swap3A_63], %broadcast_in_dim3A_3 {strides = array<i32>} : memref<4112xf32, #tpu.memory_space<vmem>>, vector<16xf32>,
    %swap3A_65 = arith.constant 496 : index
    %swap3A_66 = tpu.vector_load %arg9[%swap3A_65] {strides = array<i32>} : memref<4112xf32, #tpu.memory_space<vmem>>, vector<16xf32>,
    tpu.vector_store %arg9[%swap3A_65], %broadcast_in_dim3A_3 {strides = array<i32>} : memref<4112xf32, #tpu.memory_space<vmem>>, vector<16xf32>,
    %swap3A_67 = arith.constant 512 : index
    %swap3A_68 = tpu.vector_load %arg9[%swap3A_67] {strides = array<i32>} : memref<4112xf32, #tpu.memory_space<vmem>>, vector<16xf32>,
    tpu.vector_store %arg9[%swap3A_67], %broadcast_in_dim3A_3 {strides = array<i32>} : memref<4112xf32, #tpu.memory_space<vmem>>, vector<16xf32>,
    %swap3A_69 = arith.constant 528 : index
    %swap3A_70 = tpu.vector_load %arg9[%swap3A_69] {strides = array<i32>} : memref<4112xf32, #tpu.memory_space<vmem>>, vector<16xf32>,
    tpu.vector_store %arg9[%swap3A_69], %broadcast_in_dim3A_3 {strides = array<i32>} : memref<4112xf32, #tpu.memory_space<vmem>>, vector<16xf32>,
    %swap3A_71 = arith.constant 544 : index
    %swap3A_72 = tpu.vector_load %arg9[%swap3A_71] {strides = array<i32>} : memref<4112xf32, #tpu.memory_space<vmem>>, vector<16xf32>,
    tpu.vector_store %arg9[%swap3A_71], %broadcast_in_dim3A_3 {strides = array<i32>} : memref<4112xf32, #tpu.memory_space<vmem>>, vector<16xf32>,
    %swap3A_73 = arith.constant 560 : index
    %swap3A_74 = tpu.vector_load %arg9[%swap3A_73] {strides = array<i32>} : memref<4112xf32, #tpu.memory_space<vmem>>, vector<16xf32>,
    tpu.vector_store %arg9[%swap3A_73], %broadcast_in_dim3A_3 {strides = array<i32>} : memref<4112xf32, #tpu.memory_space<vmem>>, vector<16xf32>,
    %swap3A_75 = arith.constant 576 : index
    %swap3A_76 = tpu.vector_load %arg9[%swap3A_75] {strides = array<i32>} : memref<4112xf32, #tpu.memory_space<vmem>>, vector<16xf32>,
    tpu.vector_store %arg9[%swap3A_75], %broadcast_in_dim3A_3 {strides = array<i32>} : memref<4112xf32, #tpu.memory_space<vmem>>, vector<16xf32>,
    %swap3A_77 = arith.constant 592 : index
    %swap3A_78 = tpu.vector_load %arg9[%swap3A_77] {strides = array<i32>} : memref<4112xf32, #tpu.memory_space<vmem>>, vector<16xf32>,
    tpu.vector_store %arg9[%swap3A_77], %broadcast_in_dim3A_3 {strides = array<i32>} : memref<4112xf32, #tpu.memory_space<vmem>>, vector<16xf32>,
    %swap3A_79 = arith.constant 608 : index
    %swap3A_80 = tpu.vector_load %arg9[%swap3A_79] {strides = array<i32>} : memref<4112xf32, #tpu.memory_space<vmem>>, vector<16xf32>,
    tpu.vector_store %arg9[%swap3A_79], %broadcast_in_dim3A_3 {strides = array<i32>} : memref<4112xf32, #tpu.memory_space<vmem>>, vector<16xf32>,
    %swap3A_81 = arith.constant 624 : index
    %swap3A_82 = tpu.vector_load %arg9[%swap3A_81] {strides = array<i32>} : memref<4112xf32, #tpu.memory_space<vmem>>, vector<16xf32>,
    tpu.vector_store %arg9[%swap3A_81], %broadcast_in_dim3A_3 {strides = array<i32>} : memref<4112xf32, #tpu.memory_space<vmem>>, vector<16xf32>,
    %swap3A_83 = arith.constant 640 : index
    %swap3A_84 = tpu.vector_load %arg9[%swap3A_83] {strides = array<i32>} : memref<4112xf32, #tpu.memory_space<vmem>>, vector<16xf32>,
    tpu.vector_store %arg9[%swap3A_83], %broadcast_in_dim3A_3 {strides = array<i32>} : memref<4112xf32, #tpu.memory_space<vmem>>, vector<16xf32>,
    %swap3A_85 = arith.constant 656 : index
    %swap3A_86 = tpu.vector_load %arg9[%swap3A_85] {strides = array<i32>} : memref<4112xf32, #tpu.memory_space<vmem>>, vector<16xf32>,
    tpu.vector_store %arg9[%swap3A_85], %broadcast_in_dim3A_3 {strides = array<i32>} : memref<4112xf32, #tpu.memory_space<vmem>>, vector<16xf32>,
    %swap3A_87 = arith.constant 672 : index
    %swap3A_88 = tpu.vector_load %arg9[%swap3A_87] {strides = array<i32>} : memref<4112xf32, #tpu.memory_space<vmem>>, vector<16xf32>,
    tpu.vector_store %arg9[%swap3A_87], %broadcast_in_dim3A_3 {strides = array<i32>} : memref<4112xf32, #tpu.memory_space<vmem>>, vector<16xf32>,
    %swap3A_89 = arith.constant 688 : index
    %swap3A_90 = tpu.vector_load %arg9[%swap3A_89] {strides = array<i32>} : memref<4112xf32, #tpu.memory_space<vmem>>, vector<16xf32>,
    tpu.vector_store %arg9[%swap3A_89], %broadcast_in_dim3A_3 {strides = array<i32>} : memref<4112xf32, #tpu.memory_space<vmem>>, vector<16xf32>,
    %swap3A_91 = arith.constant 704 : index
    %swap3A_92 = tpu.vector_load %arg9[%swap3A_91] {strides = array<i32>} : memref<4112xf32, #tpu.memory_space<vmem>>, vector<16xf32>,
    tpu.vector_store %arg9[%swap3A_91], %broadcast_in_dim3A_3 {strides = array<i32>} : memref<4112xf32, #tpu.memory_space<vmem>>, vector<16xf32>,
    %swap3A_93 = arith.constant 720 : index
    %swap3A_94 = tpu.vector_load %arg9[%swap3A_93] {strides = array<i32>} : memref<4112xf32, #tpu.memory_space<vmem>>, vector<16xf32>,
    tpu.vector_store %arg9[%swap3A_93], %broadcast_in_dim3A_3 {strides = array<i32>} : memref<4112xf32, #tpu.memory_space<vmem>>, vector<16xf32>,
    %swap3A_95 = arith.constant 736 : index
    %swap3A_96 = tpu.vector_load %arg9[%swap3A_95] {strides = array<i32>} : memref<4112xf32, #tpu.memory_space<vmem>>, vector<16xf32>,
    tpu.vector_store %arg9[%swap3A_95], %broadcast_in_dim3A_3 {strides = array<i32>} : memref<4112xf32, #tpu.memory_space<vmem>>, vector<16xf32>,
    %swap3A_97 = arith.constant 752 : index
    %swap3A_98 = tpu.vector_load %arg9[%swap3A_97] {strides = array<i32>} : memref<4112xf32, #tpu.memory_space<vmem>>, vector<16xf32>,
    tpu.vector_store %arg9[%swap3A_97], %broadcast_in_dim3A_3 {strides = array<i32>} : memref<4112xf32, #tpu.memory_space<vmem>>, vector<16xf32>,
    %swap3A_99 = arith.constant 768 : index
    %swap3A_100 = tpu.vector_load %arg9[%swap3A_99] {strides = array<i32>} : memref<4112xf32, #tpu.memory_space<vmem>>, vector<16xf32>,
    tpu.vector_store %arg9[%swap3A_99], %broadcast_in_dim3A_3 {strides = array<i32>} : memref<4112xf32, #tpu.memory_space<vmem>>, vector<16xf32>,
    %swap3A_101 = arith.constant 784 : index
    %swap3A_102 = tpu.vector_load %arg9[%swap3A_101] {strides = array<i32>} : memref<4112xf32, #tpu.memory_space<vmem>>, vector<16xf32>,
    tpu.vector_store %arg9[%swap3A_101], %broadcast_in_dim3A_3 {strides = array<i32>} : memref<4112xf32, #tpu.memory_space<vmem>>, vector<16xf32>,
    %swap3A_103 = arith.constant 800 : index
    %swap3A_104 = tpu.vector_load %arg9[%swap3A_103] {strides = array<i32>} : memref<4112xf32, #tpu.memory_space<vmem>>, vector<16xf32>,
    tpu.vector_store %arg9[%swap3A_103], %broadcast_in_dim3A_3 {strides = array<i32>} : memref<4112xf32, #tpu.memory_space<vmem>>, vector<16xf32>,
    %swap3A_105 = arith.constant 816 : index
    %swap3A_106 = tpu.vector_load %arg9[%swap3A_105] {strides = array<i32>} : memref<4112xf32, #tpu.memory_space<vmem>>, vector<16xf32>,
    tpu.vector_store %arg9[%swap3A_105], %broadcast_in_dim3A_3 {strides = array<i32>} : memref<4112xf32, #tpu.memory_space<vmem>>, vector<16xf32>,
    %swap3A_107 = arith.constant 832 : index
    %swap3A_108 = tpu.vector_load %arg9[%swap3A_107] {strides = array<i32>} : memref<4112xf32, #tpu.memory_space<vmem>>, vector<16xf32>,
    tpu.vector_store %arg9[%swap3A_107], %broadcast_in_dim3A_3 {strides = array<i32>} : memref<4112xf32, #tpu.memory_space<vmem>>, vector<16xf32>,
    %swap3A_109 = arith.constant 848 : index
    %swap3A_110 = tpu.vector_load %arg9[%swap3A_109] {strides = array<i32>} : memref<4112xf32, #tpu.memory_space<vmem>>, vector<16xf32>,
    tpu.vector_store %arg9[%swap3A_109], %broadcast_in_dim3A_3 {strides = array<i32>} : memref<4112xf32, #tpu.memory_space<vmem>>, vector<16xf32>,
    %swap3A_111 = arith.constant 864 : index
    %swap3A_112 = tpu.vector_load %arg9[%swap3A_111] {strides = array<i32>} : memref<4112xf32, #tpu.memory_space<vmem>>, vector<16xf32>,
    tpu.vector_store %arg9[%swap3A_111], %broadcast_in_dim3A_3 {strides = array<i32>} : memref<4112xf32, #tpu.memory_space<vmem>>, vector<16xf32>,
    %swap3A_113 = arith.constant 880 : index
    %swap3A_114 = tpu.vector_load %arg9[%swap3A_113] {strides = array<i32>} : memref<4112xf32, #tpu.memory_space<vmem>>, vector<16xf32>,
    tpu.vector_store %arg9[%swap3A_113], %broadcast_in_dim3A_3 {strides = array<i32>} : memref<4112xf32, #tpu.memory_space<vmem>>, vector<16xf32>,
    %swap3A_115 = arith.constant 896 : index
    %swap3A_116 = tpu.vector_load %arg9[%swap3A_115] {strides = array<i32>} : memref<4112xf32, #tpu.memory_space<vmem>>, vector<16xf32>,
    tpu.vector_store %arg9[%swap3A_115], %broadcast_in_dim3A_3 {strides = array<i32>} : memref<4112xf32, #tpu.memory_space<vmem>>, vector<16xf32>,
    %swap3A_117 = arith.constant 912 : index
    %swap3A_118 = tpu.vector_load %arg9[%swap3A_117] {strides = array<i32>} : memref<4112xf32, #tpu.memory_space<vmem>>, vector<16xf32>,
    tpu.vector_store %arg9[%swap3A_117], %broadcast_in_dim3A_3 {strides = array<i32>} : memref<4112xf32, #tpu.memory_space<vmem>>, vector<16xf32>,
    %swap3A_119 = arith.constant 928 : index
    %swap3A_120 = tpu.vector_load %arg9[%swap3A_119] {strides = array<i32>} : memref<4112xf32, #tpu.memory_space<vmem>>, vector<16xf32>,
    tpu.vector_store %arg9[%swap3A_119], %broadcast_in_dim3A_3 {strides = array<i32>} : memref<4112xf32, #tpu.memory_space<vmem>>, vector<16xf32>,
    %swap3A_121 = arith.constant 944 : index
    %swap3A_122 = tpu.vector_load %arg9[%swap3A_121] {strides = array<i32>} : memref<4112xf32, #tpu.memory_space<vmem>>, vector<16xf32>,
    tpu.vector_store %arg9[%swap3A_121], %broadcast_in_dim3A_3 {strides = array<i32>} : memref<4112xf32, #tpu.memory_space<vmem>>, vector<16xf32>,
    %swap3A_123 = arith.constant 960 : index
    %swap3A_124 = tpu.vector_load %arg9[%swap3A_123] {strides = array<i32>} : memref<4112xf32, #tpu.memory_space<vmem>>, vector<16xf32>,
    tpu.vector_store %arg9[%swap3A_123], %broadcast_in_dim3A_3 {strides = array<i32>} : memref<4112xf32, #tpu.memory_space<vmem>>, vector<16xf32>,
    %swap3A_125 = arith.constant 976 : index
    %swap3A_126 = tpu.vector_load %arg9[%swap3A_125] {strides = array<i32>} : memref<4112xf32, #tpu.memory_space<vmem>>, vector<16xf32>,
    tpu.vector_store %arg9[%swap3A_125], %broadcast_in_dim3A_3 {strides = array<i32>} : memref<4112xf32, #tpu.memory_space<vmem>>, vector<16xf32>,
    %swap3A_127 = arith.constant 992 : index
    %swap3A_128 = tpu.vector_load %arg9[%swap3A_127] {strides = array<i32>} : memref<4112xf32, #tpu.memory_space<vmem>>, vector<16xf32>,
    tpu.vector_store %arg9[%swap3A_127], %broadcast_in_dim3A_3 {strides = array<i32>} : memref<4112xf32, #tpu.memory_space<vmem>>, vector<16xf32>,
    %swap3A_129 = arith.constant 1008 : index
    %swap3A_130 = tpu.vector_load %arg9[%swap3A_129] {strides = array<i32>} : memref<4112xf32, #tpu.memory_space<vmem>>, vector<16xf32>,
    tpu.vector_store %arg9[%swap3A_129], %broadcast_in_dim3A_3 {strides = array<i32>} : memref<4112xf32, #tpu.memory_space<vmem>>, vector<16xf32>,
    %swap3A_131 = arith.constant 1024 : index
    %swap3A_132 = tpu.vector_load %arg9[%swap3A_131] {strides = array<i32>} : memref<4112xf32, #tpu.memory_space<vmem>>, vector<16xf32>,
    tpu.vector_store %arg9[%swap3A_131], %broadcast_in_dim3A_3 {strides = array<i32>} : memref<4112xf32, #tpu.memory_space<vmem>>, vector<16xf32>,
    %swap3A_133 = arith.constant 1040 : index
    %swap3A_134 = tpu.vector_load %arg9[%swap3A_133] {strides = array<i32>} : memref<4112xf32, #tpu.memory_space<vmem>>, vector<16xf32>,
    tpu.vector_store %arg9[%swap3A_133], %broadcast_in_dim3A_3 {strides = array<i32>} : memref<4112xf32, #tpu.memory_space<vmem>>, vector<16xf32>,
    %swap3A_135 = arith.constant 1056 : index
    %swap3A_136 = tpu.vector_load %arg9[%swap3A_135] {strides = array<i32>} : memref<4112xf32, #tpu.memory_space<vmem>>, vector<16xf32>,
    tpu.vector_store %arg9[%swap3A_135], %broadcast_in_dim3A_3 {strides = array<i32>} : memref<4112xf32, #tpu.memory_space<vmem>>, vector<16xf32>,
    %swap3A_137 = arith.constant 1072 : index
    %swap3A_138 = tpu.vector_load %arg9[%swap3A_137] {strides = array<i32>} : memref<4112xf32, #tpu.memory_space<vmem>>, vector<16xf32>,
    tpu.vector_store %arg9[%swap3A_137], %broadcast_in_dim3A_3 {strides = array<i32>} : memref<4112xf32, #tpu.memory_space<vmem>>, vector<16xf32>,
    %swap3A_139 = arith.constant 1088 : index
    %swap3A_140 = tpu.vector_load %arg9[%swap3A_139] {strides = array<i32>} : memref<4112xf32, #tpu.memory_space<vmem>>, vector<16xf32>,
    tpu.vector_store %arg9[%swap3A_139], %broadcast_in_dim3A_3 {strides = array<i32>} : memref<4112xf32, #tpu.memory_space<vmem>>, vector<16xf32>,
    %swap3A_141 = arith.constant 1104 : index
    %swap3A_142 = tpu.vector_load %arg9[%swap3A_141] {strides = array<i32>} : memref<4112xf32, #tpu.memory_space<vmem>>, vector<16xf32>,
    tpu.vector_store %arg9[%swap3A_141], %broadcast_in_dim3A_3 {strides = array<i32>} : memref<4112xf32, #tpu.memory_space<vmem>>, vector<16xf32>,
    %swap3A_143 = arith.constant 1120 : index
    %swap3A_144 = tpu.vector_load %arg9[%swap3A_143] {strides = array<i32>} : memref<4112xf32, #tpu.memory_space<vmem>>, vector<16xf32>,
    tpu.vector_store %arg9[%swap3A_143], %broadcast_in_dim3A_3 {strides = array<i32>} : memref<4112xf32, #tpu.memory_space<vmem>>, vector<16xf32>,
    %swap3A_145 = arith.constant 1136 : index
    %swap3A_146 = tpu.vector_load %arg9[%swap3A_145] {strides = array<i32>} : memref<4112xf32, #tpu.memory_space<vmem>>, vector<16xf32>,
    tpu.vector_store %arg9[%swap3A_145], %broadcast_in_dim3A_3 {strides = array<i32>} : memref<4112xf32, #tpu.memory_space<vmem>>, vector<16xf32>,
    %swap3A_147 = arith.constant 1152 : index
    %swap3A_148 = tpu.vector_load %arg9[%swap3A_147] {strides = array<i32>} : memref<4112xf32, #tpu.memory_space<vmem>>, vector<16xf32>,
    tpu.vector_store %arg9[%swap3A_147], %broadcast_in_dim3A_3 {strides = array<i32>} : memref<4112xf32, #tpu.memory_space<vmem>>, vector<16xf32>,
    %swap3A_149 = arith.constant 1168 : index
    %swap3A_150 = tpu.vector_load %arg9[%swap3A_149] {strides = array<i32>} : memref<4112xf32, #tpu.memory_space<vmem>>, vector<16xf32>,
    tpu.vector_store %arg9[%swap3A_149], %broadcast_in_dim3A_3 {strides = array<i32>} : memref<4112xf32, #tpu.memory_space<vmem>>, vector<16xf32>,
    %swap3A_151 = arith.constant 1184 : index
    %swap3A_152 = tpu.vector_load %arg9[%swap3A_151] {strides = array<i32>} : memref<4112xf32, #tpu.memory_space<vmem>>, vector<16xf32>,
    tpu.vector_store %arg9[%swap3A_151], %broadcast_in_dim3A_3 {strides = array<i32>} : memref<4112xf32, #tpu.memory_space<vmem>>, vector<16xf32>,
    %swap3A_153 = arith.constant 1200 : index
    %swap3A_154 = tpu.vector_load %arg9[%swap3A_153] {strides = array<i32>} : memref<4112xf32, #tpu.memory_space<vmem>>, vector<16xf32>,
    tpu.vector_store %arg9[%swap3A_153], %broadcast_in_dim3A_3 {strides = array<i32>} : memref<4112xf32, #tpu.memory_space<vmem>>, vector<16xf32>,
    %swap3A_155 = arith.constant 1216 : index
    %swap3A_156 = tpu.vector_load %arg9[%swap3A_155] {strides = array<i32>} : memref<4112xf32, #tpu.memory_space<vmem>>, vector<16xf32>,
    tpu.vector_store %arg9[%swap3A_155], %broadcast_in_dim3A_3 {strides = array<i32>} : memref<4112xf32, #tpu.memory_space<vmem>>, vector<16xf32>,
    %swap3A_157 = arith.constant 1232 : index
    %swap3A_158 = tpu.vector_load %arg9[%swap3A_157] {strides = array<i32>} : memref<4112xf32, #tpu.memory_space<vmem>>, vector<16xf32>,
    tpu.vector_store %arg9[%swap3A_157], %broadcast_in_dim3A_3 {strides = array<i32>} : memref<4112xf32, #tpu.memory_space<vmem>>, vector<16xf32>,
    %swap3A_159 = arith.constant 1248 : index
    %swap3A_160 = tpu.vector_load %arg9[%swap3A_159] {strides = array<i32>} : memref<4112xf32, #tpu.memory_space<vmem>>, vector<16xf32>,
    tpu.vector_store %arg9[%swap3A_159], %broadcast_in_dim3A_3 {strides = array<i32>} : memref<4112xf32, #tpu.memory_space<vmem>>, vector<16xf32>,
    %swap3A_161 = arith.constant 1264 : index
    %swap3A_162 = tpu.vector_load %arg9[%swap3A_161] {strides = array<i32>} : memref<4112xf32, #tpu.memory_space<vmem>>, vector<16xf32>,
    tpu.vector_store %arg9[%swap3A_161], %broadcast_in_dim3A_3 {strides = array<i32>} : memref<4112xf32, #tpu.memory_space<vmem>>, vector<16xf32>,
    %swap3A_163 = arith.constant 1280 : index
    %swap3A_164 = tpu.vector_load %arg9[%swap3A_163] {strides = array<i32>} : memref<4112xf32, #tpu.memory_space<vmem>>, vector<16xf32>,
    tpu.vector_store %arg9[%swap3A_163], %broadcast_in_dim3A_3 {strides = array<i32>} : memref<4112xf32, #tpu.memory_space<vmem>>, vector<16xf32>,
    %swap3A_165 = arith.constant 1296 : index
    %swap3A_166 = tpu.vector_load %arg9[%swap3A_165] {strides = array<i32>} : memref<4112xf32, #tpu.memory_space<vmem>>, vector<16xf32>,
    tpu.vector_store %arg9[%swap3A_165], %broadcast_in_dim3A_3 {strides = array<i32>} : memref<4112xf32, #tpu.memory_space<vmem>>, vector<16xf32>,
    %swap3A_167 = arith.constant 1312 : index
    %swap3A_168 = tpu.vector_load %arg9[%swap3A_167] {strides = array<i32>} : memref<4112xf32, #tpu.memory_space<vmem>>, vector<16xf32>,
    tpu.vector_store %arg9[%swap3A_167], %broadcast_in_dim3A_3 {strides = array<i32>} : memref<4112xf32, #tpu.memory_space<vmem>>, vector<16xf32>,
    %swap3A_169 = arith.constant 1328 : index
    %swap3A_170 = tpu.vector_load %arg9[%swap3A_169] {strides = array<i32>} : memref<4112xf32, #tpu.memory_space<vmem>>, vector<16xf32>,
    tpu.vector_store %arg9[%swap3A_169], %broadcast_in_dim3A_3 {strides = array<i32>} : memref<4112xf32, #tpu.memory_space<vmem>>, vector<16xf32>,
    %swap3A_171 = arith.constant 1344 : index
    %swap3A_172 = tpu.vector_load %arg9[%swap3A_171] {strides = array<i32>} : memref<4112xf32, #tpu.memory_space<vmem>>, vector<16xf32>,
    tpu.vector_store %arg9[%swap3A_171], %broadcast_in_dim3A_3 {strides = array<i32>} : memref<4112xf32, #tpu.memory_space<vmem>>, vector<16xf32>,
    %swap3A_173 = arith.constant 1360 : index
    %swap3A_174 = tpu.vector_load %arg9[%swap3A_173] {strides = array<i32>} : memref<4112xf32, #tpu.memory_space<vmem>>, vector<16xf32>,
    tpu.vector_store %arg9[%swap3A_173], %broadcast_in_dim3A_3 {strides = array<i32>} : memref<4112xf32, #tpu.memory_space<vmem>>, vector<16xf32>,
    %swap3A_175 = arith.constant 1376 : index
    %swap3A_176 = tpu.vector_load %arg9[%swap3A_175] {strides = array<i32>} : memref<4112xf32, #tpu.memory_space<vmem>>, vector<16xf32>,
    tpu.vector_store %arg9[%swap3A_175], %broadcast_in_dim3A_3 {strides = array<i32>} : memref<4112xf32, #tpu.memory_space<vmem>>, vector<16xf32>,
    %swap3A_177 = arith.constant 1392 : index
    %swap3A_178 = tpu.vector_load %arg9[%swap3A_177] {strides = array<i32>} : memref<4112xf32, #tpu.memory_space<vmem>>, vector<16xf32>,
    tpu.vector_store %arg9[%swap3A_177], %broadcast_in_dim3A_3 {strides = array<i32>} : memref<4112xf32, #tpu.memory_space<vmem>>, vector<16xf32>,
    %swap3A_179 = arith.constant 1408 : index
    %swap3A_180 = tpu.vector_load %arg9[%swap3A_179] {strides = array<i32>} : memref<4112xf32, #tpu.memory_space<vmem>>, vector<16xf32>,
    tpu.vector_store %arg9[%swap3A_179], %broadcast_in_dim3A_3 {strides = array<i32>} : memref<4112xf32, #tpu.memory_space<vmem>>, vector<16xf32>,
    %swap3A_181 = arith.constant 1424 : index
    %swap3A_182 = tpu.vector_load %arg9[%swap3A_181] {strides = array<i32>} : memref<4112xf32, #tpu.memory_space<vmem>>, vector<16xf32>,
    tpu.vector_store %arg9[%swap3A_181], %broadcast_in_dim3A_3 {strides = array<i32>} : memref<4112xf32, #tpu.memory_space<vmem>>, vector<16xf32>,
    %swap3A_183 = arith.constant 1440 : index
    %swap3A_184 = tpu.vector_load %arg9[%swap3A_183] {strides = array<i32>} : memref<4112xf32, #tpu.memory_space<vmem>>, vector<16xf32>,
    tpu.vector_store %arg9[%swap3A_183], %broadcast_in_dim3A_3 {strides = array<i32>} : memref<4112xf32, #tpu.memory_space<vmem>>, vector<16xf32>,
    %swap3A_185 = arith.constant 1456 : index
    %swap3A_186 = tpu.vector_load %arg9[%swap3A_185] {strides = array<i32>} : memref<4112xf32, #tpu.memory_space<vmem>>, vector<16xf32>,
    tpu.vector_store %arg9[%swap3A_185], %broadcast_in_dim3A_3 {strides = array<i32>} : memref<4112xf32, #tpu.memory_space<vmem>>, vector<16xf32>,
    %swap3A_187 = arith.constant 1472 : index
    %swap3A_188 = tpu.vector_load %arg9[%swap3A_187] {strides = array<i32>} : memref<4112xf32, #tpu.memory_space<vmem>>, vector<16xf32>,
    tpu.vector_store %arg9[%swap3A_187], %broadcast_in_dim3A_3 {strides = array<i32>} : memref<4112xf32, #tpu.memory_space<vmem>>, vector<16xf32>,
    %swap3A_189 = arith.constant 1488 : index
    %swap3A_190 = tpu.vector_load %arg9[%swap3A_189] {strides = array<i32>} : memref<4112xf32, #tpu.memory_space<vmem>>, vector<16xf32>,
    tpu.vector_store %arg9[%swap3A_189], %broadcast_in_dim3A_3 {strides = array<i32>} : memref<4112xf32, #tpu.memory_space<vmem>>, vector<16xf32>,
    %swap3A_191 = arith.constant 1504 : index
    %swap3A_192 = tpu.vector_load %arg9[%swap3A_191] {strides = array<i32>} : memref<4112xf32, #tpu.memory_space<vmem>>, vector<16xf32>,
    tpu.vector_store %arg9[%swap3A_191], %broadcast_in_dim3A_3 {strides = array<i32>} : memref<4112xf32, #tpu.memory_space<vmem>>, vector<16xf32>,
    %swap3A_193 = arith.constant 1520 : index
    %swap3A_194 = tpu.vector_load %arg9[%swap3A_193] {strides = array<i32>} : memref<4112xf32, #tpu.memory_space<vmem>>, vector<16xf32>,
    tpu.vector_store %arg9[%swap3A_193], %broadcast_in_dim3A_3 {strides = array<i32>} : memref<4112xf32, #tpu.memory_space<vmem>>, vector<16xf32>,
    %swap3A_195 = arith.constant 1536 : index
    %swap3A_196 = tpu.vector_load %arg9[%swap3A_195] {strides = array<i32>} : memref<4112xf32, #tpu.memory_space<vmem>>, vector<16xf32>,
    tpu.vector_store %arg9[%swap3A_195], %broadcast_in_dim3A_3 {strides = array<i32>} : memref<4112xf32, #tpu.memory_space<vmem>>, vector<16xf32>,
    %swap3A_197 = arith.constant 1552 : index
    %swap3A_198 = tpu.vector_load %arg9[%swap3A_197] {strides = array<i32>} : memref<4112xf32, #tpu.memory_space<vmem>>, vector<16xf32>,
    tpu.vector_store %arg9[%swap3A_197], %broadcast_in_dim3A_3 {strides = array<i32>} : memref<4112xf32, #tpu.memory_space<vmem>>, vector<16xf32>,
    %swap3A_199 = arith.constant 1568 : index
    %swap3A_200 = tpu.vector_load %arg9[%swap3A_199] {strides = array<i32>} : memref<4112xf32, #tpu.memory_space<vmem>>, vector<16xf32>,
    tpu.vector_store %arg9[%swap3A_199], %broadcast_in_dim3A_3 {strides = array<i32>} : memref<4112xf32, #tpu.memory_space<vmem>>, vector<16xf32>,
    %swap3A_201 = arith.constant 1584 : index
    %swap3A_202 = tpu.vector_load %arg9[%swap3A_201] {strides = array<i32>} : memref<4112xf32, #tpu.memory_space<vmem>>, vector<16xf32>,
    tpu.vector_store %arg9[%swap3A_201], %broadcast_in_dim3A_3 {strides = array<i32>} : memref<4112xf32, #tpu.memory_space<vmem>>, vector<16xf32>,
    %swap3A_203 = arith.constant 1600 : index
    %swap3A_204 = tpu.vector_load %arg9[%swap3A_203] {strides = array<i32>} : memref<4112xf32, #tpu.memory_space<vmem>>, vector<16xf32>,
    tpu.vector_store %arg9[%swap3A_203], %broadcast_in_dim3A_3 {strides = array<i32>} : memref<4112xf32, #tpu.memory_space<vmem>>, vector<16xf32>,
    %swap3A_205 = arith.constant 1616 : index
    %swap3A_206 = tpu.vector_load %arg9[%swap3A_205] {strides = array<i32>} : memref<4112xf32, #tpu.memory_space<vmem>>, vector<16xf32>,
    tpu.vector_store %arg9[%swap3A_205], %broadcast_in_dim3A_3 {strides = array<i32>} : memref<4112xf32, #tpu.memory_space<vmem>>, vector<16xf32>,
    %swap3A_207 = arith.constant 1632 : index
    %swap3A_208 = tpu.vector_load %arg9[%swap3A_207] {strides = array<i32>} : memref<4112xf32, #tpu.memory_space<vmem>>, vector<16xf32>,
    tpu.vector_store %arg9[%swap3A_207], %broadcast_in_dim3A_3 {strides = array<i32>} : memref<4112xf32, #tpu.memory_space<vmem>>, vector<16xf32>,
    %swap3A_209 = arith.constant 1648 : index
    %swap3A_210 = tpu.vector_load %arg9[%swap3A_209] {strides = array<i32>} : memref<4112xf32, #tpu.memory_space<vmem>>, vector<16xf32>,
    tpu.vector_store %arg9[%swap3A_209], %broadcast_in_dim3A_3 {strides = array<i32>} : memref<4112xf32, #tpu.memory_space<vmem>>, vector<16xf32>,
    %swap3A_211 = arith.constant 1664 : index
    %swap3A_212 = tpu.vector_load %arg9[%swap3A_211] {strides = array<i32>} : memref<4112xf32, #tpu.memory_space<vmem>>, vector<16xf32>,
    tpu.vector_store %arg9[%swap3A_211], %broadcast_in_dim3A_3 {strides = array<i32>} : memref<4112xf32, #tpu.memory_space<vmem>>, vector<16xf32>,
    %swap3A_213 = arith.constant 1680 : index
    %swap3A_214 = tpu.vector_load %arg9[%swap3A_213] {strides = array<i32>} : memref<4112xf32, #tpu.memory_space<vmem>>, vector<16xf32>,
    tpu.vector_store %arg9[%swap3A_213], %broadcast_in_dim3A_3 {strides = array<i32>} : memref<4112xf32, #tpu.memory_space<vmem>>, vector<16xf32>,
    %swap3A_215 = arith.constant 1696 : index
    %swap3A_216 = tpu.vector_load %arg9[%swap3A_215] {strides = array<i32>} : memref<4112xf32, #tpu.memory_space<vmem>>, vector<16xf32>,
    tpu.vector_store %arg9[%swap3A_215], %broadcast_in_dim3A_3 {strides = array<i32>} : memref<4112xf32, #tpu.memory_space<vmem>>, vector<16xf32>,
    %swap3A_217 = arith.constant 1712 : index
    %swap3A_218 = tpu.vector_load %arg9[%swap3A_217] {strides = array<i32>} : memref<4112xf32, #tpu.memory_space<vmem>>, vector<16xf32>,
    tpu.vector_store %arg9[%swap3A_217], %broadcast_in_dim3A_3 {strides = array<i32>} : memref<4112xf32, #tpu.memory_space<vmem>>, vector<16xf32>,
    %swap3A_219 = arith.constant 1728 : index
    %swap3A_220 = tpu.vector_load %arg9[%swap3A_219] {strides = array<i32>} : memref<4112xf32, #tpu.memory_space<vmem>>, vector<16xf32>,
    tpu.vector_store %arg9[%swap3A_219], %broadcast_in_dim3A_3 {strides = array<i32>} : memref<4112xf32, #tpu.memory_space<vmem>>, vector<16xf32>,
    %swap3A_221 = arith.constant 1744 : index
    %swap3A_222 = tpu.vector_load %arg9[%swap3A_221] {strides = array<i32>} : memref<4112xf32, #tpu.memory_space<vmem>>, vector<16xf32>,
    tpu.vector_store %arg9[%swap3A_221], %broadcast_in_dim3A_3 {strides = array<i32>} : memref<4112xf32, #tpu.memory_space<vmem>>, vector<16xf32>,
    %swap3A_223 = arith.constant 1760 : index
    %swap3A_224 = tpu.vector_load %arg9[%swap3A_223] {strides = array<i32>} : memref<4112xf32, #tpu.memory_space<vmem>>, vector<16xf32>,
    tpu.vector_store %arg9[%swap3A_223], %broadcast_in_dim3A_3 {strides = array<i32>} : memref<4112xf32, #tpu.memory_space<vmem>>, vector<16xf32>,
    %swap3A_225 = arith.constant 1776 : index
    %swap3A_226 = tpu.vector_load %arg9[%swap3A_225] {strides = array<i32>} : memref<4112xf32, #tpu.memory_space<vmem>>, vector<16xf32>,
    tpu.vector_store %arg9[%swap3A_225], %broadcast_in_dim3A_3 {strides = array<i32>} : memref<4112xf32, #tpu.memory_space<vmem>>, vector<16xf32>,
    %swap3A_227 = arith.constant 1792 : index
    %swap3A_228 = tpu.vector_load %arg9[%swap3A_227] {strides = array<i32>} : memref<4112xf32, #tpu.memory_space<vmem>>, vector<16xf32>,
    tpu.vector_store %arg9[%swap3A_227], %broadcast_in_dim3A_3 {strides = array<i32>} : memref<4112xf32, #tpu.memory_space<vmem>>, vector<16xf32>,
    %swap3A_229 = arith.constant 1808 : index
    %swap3A_230 = tpu.vector_load %arg9[%swap3A_229] {strides = array<i32>} : memref<4112xf32, #tpu.memory_space<vmem>>, vector<16xf32>,
    tpu.vector_store %arg9[%swap3A_229], %broadcast_in_dim3A_3 {strides = array<i32>} : memref<4112xf32, #tpu.memory_space<vmem>>, vector<16xf32>,
    %swap3A_231 = arith.constant 1824 : index
    %swap3A_232 = tpu.vector_load %arg9[%swap3A_231] {strides = array<i32>} : memref<4112xf32, #tpu.memory_space<vmem>>, vector<16xf32>,
    tpu.vector_store %arg9[%swap3A_231], %broadcast_in_dim3A_3 {strides = array<i32>} : memref<4112xf32, #tpu.memory_space<vmem>>, vector<16xf32>,
    %swap3A_233 = arith.constant 1840 : index
    %swap3A_234 = tpu.vector_load %arg9[%swap3A_233] {strides = array<i32>} : memref<4112xf32, #tpu.memory_space<vmem>>, vector<16xf32>,
    tpu.vector_store %arg9[%swap3A_233], %broadcast_in_dim3A_3 {strides = array<i32>} : memref<4112xf32, #tpu.memory_space<vmem>>, vector<16xf32>,
    %swap3A_235 = arith.constant 1856 : index
    %swap3A_236 = tpu.vector_load %arg9[%swap3A_235] {strides = array<i32>} : memref<4112xf32, #tpu.memory_space<vmem>>, vector<16xf32>,
    tpu.vector_store %arg9[%swap3A_235], %broadcast_in_dim3A_3 {strides = array<i32>} : memref<4112xf32, #tpu.memory_space<vmem>>, vector<16xf32>,
    %swap3A_237 = arith.constant 1872 : index
    %swap3A_238 = tpu.vector_load %arg9[%swap3A_237] {strides = array<i32>} : memref<4112xf32, #tpu.memory_space<vmem>>, vector<16xf32>,
    tpu.vector_store %arg9[%swap3A_237], %broadcast_in_dim3A_3 {strides = array<i32>} : memref<4112xf32, #tpu.memory_space<vmem>>, vector<16xf32>,
    %swap3A_239 = arith.constant 1888 : index
    %swap3A_240 = tpu.vector_load %arg9[%swap3A_239] {strides = array<i32>} : memref<4112xf32, #tpu.memory_space<vmem>>, vector<16xf32>,
    tpu.vector_store %arg9[%swap3A_239], %broadcast_in_dim3A_3 {strides = array<i32>} : memref<4112xf32, #tpu.memory_space<vmem>>, vector<16xf32>,
    %swap3A_241 = arith.constant 1904 : index
    %swap3A_242 = tpu.vector_load %arg9[%swap3A_241] {strides = array<i32>} : memref<4112xf32, #tpu.memory_space<vmem>>, vector<16xf32>,
    tpu.vector_store %arg9[%swap3A_241], %broadcast_in_dim3A_3 {strides = array<i32>} : memref<4112xf32, #tpu.memory_space<vmem>>, vector<16xf32>,
    %swap3A_243 = arith.constant 1920 : index
    %swap3A_244 = tpu.vector_load %arg9[%swap3A_243] {strides = array<i32>} : memref<4112xf32, #tpu.memory_space<vmem>>, vector<16xf32>,
    tpu.vector_store %arg9[%swap3A_243], %broadcast_in_dim3A_3 {strides = array<i32>} : memref<4112xf32, #tpu.memory_space<vmem>>, vector<16xf32>,
    %swap3A_245 = arith.constant 1936 : index
    %swap3A_246 = tpu.vector_load %arg9[%swap3A_245] {strides = array<i32>} : memref<4112xf32, #tpu.memory_space<vmem>>, vector<16xf32>,
    tpu.vector_store %arg9[%swap3A_245], %broadcast_in_dim3A_3 {strides = array<i32>} : memref<4112xf32, #tpu.memory_space<vmem>>, vector<16xf32>,
    %swap3A_247 = arith.constant 1952 : index
    %swap3A_248 = tpu.vector_load %arg9[%swap3A_247] {strides = array<i32>} : memref<4112xf32, #tpu.memory_space<vmem>>, vector<16xf32>,
    tpu.vector_store %arg9[%swap3A_247], %broadcast_in_dim3A_3 {strides = array<i32>} : memref<4112xf32, #tpu.memory_space<vmem>>, vector<16xf32>,
    %swap3A_249 = arith.constant 1968 : index
    %swap3A_250 = tpu.vector_load %arg9[%swap3A_249] {strides = array<i32>} : memref<4112xf32, #tpu.memory_space<vmem>>, vector<16xf32>,
    tpu.vector_store %arg9[%swap3A_249], %broadcast_in_dim3A_3 {strides = array<i32>} : memref<4112xf32, #tpu.memory_space<vmem>>, vector<16xf32>,
    %swap3A_251 = arith.constant 1984 : index
    %swap3A_252 = tpu.vector_load %arg9[%swap3A_251] {strides = array<i32>} : memref<4112xf32, #tpu.memory_space<vmem>>, vector<16xf32>,
    tpu.vector_store %arg9[%swap3A_251], %broadcast_in_dim3A_3 {strides = array<i32>} : memref<4112xf32, #tpu.memory_space<vmem>>, vector<16xf32>,
    %swap3A_253 = arith.constant 2000 : index
    %swap3A_254 = tpu.vector_load %arg9[%swap3A_253] {strides = array<i32>} : memref<4112xf32, #tpu.memory_space<vmem>>, vector<16xf32>,
    tpu.vector_store %arg9[%swap3A_253], %broadcast_in_dim3A_3 {strides = array<i32>} : memref<4112xf32, #tpu.memory_space<vmem>>, vector<16xf32>,
    %swap3A_255 = arith.constant 2016 : index
    %swap3A_256 = tpu.vector_load %arg9[%swap3A_255] {strides = array<i32>} : memref<4112xf32, #tpu.memory_space<vmem>>, vector<16xf32>,
    tpu.vector_store %arg9[%swap3A_255], %broadcast_in_dim3A_3 {strides = array<i32>} : memref<4112xf32, #tpu.memory_space<vmem>>, vector<16xf32>,
    %swap3A_257 = arith.constant 2032 : index
    %swap3A_258 = tpu.vector_load %arg9[%swap3A_257] {strides = array<i32>} : memref<4112xf32, #tpu.memory_space<vmem>>, vector<16xf32>,
    tpu.vector_store %arg9[%swap3A_257], %broadcast_in_dim3A_3 {strides = array<i32>} : memref<4112xf32, #tpu.memory_space<vmem>>, vector<16xf32>,
    %swap3A_259 = arith.constant 2048 : index
    %swap3A_260 = tpu.vector_load %arg9[%swap3A_259] {strides = array<i32>} : memref<4112xf32, #tpu.memory_space<vmem>>, vector<16xf32>,
    tpu.vector_store %arg9[%swap3A_259], %broadcast_in_dim3A_3 {strides = array<i32>} : memref<4112xf32, #tpu.memory_space<vmem>>, vector<16xf32>,
    %swap3A_261 = arith.constant 2064 : index
    %swap3A_262 = tpu.vector_load %arg9[%swap3A_261] {strides = array<i32>} : memref<4112xf32, #tpu.memory_space<vmem>>, vector<16xf32>,
    tpu.vector_store %arg9[%swap3A_261], %broadcast_in_dim3A_3 {strides = array<i32>} : memref<4112xf32, #tpu.memory_space<vmem>>, vector<16xf32>,
    %swap3A_263 = arith.constant 2080 : index
    %swap3A_264 = tpu.vector_load %arg9[%swap3A_263] {strides = array<i32>} : memref<4112xf32, #tpu.memory_space<vmem>>, vector<16xf32>,
    tpu.vector_store %arg9[%swap3A_263], %broadcast_in_dim3A_3 {strides = array<i32>} : memref<4112xf32, #tpu.memory_space<vmem>>, vector<16xf32>,
    %swap3A_265 = arith.constant 2096 : index
    %swap3A_266 = tpu.vector_load %arg9[%swap3A_265] {strides = array<i32>} : memref<4112xf32, #tpu.memory_space<vmem>>, vector<16xf32>,
    tpu.vector_store %arg9[%swap3A_265], %broadcast_in_dim3A_3 {strides = array<i32>} : memref<4112xf32, #tpu.memory_space<vmem>>, vector<16xf32>,
    %swap3A_267 = arith.constant 2112 : index
    %swap3A_268 = tpu.vector_load %arg9[%swap3A_267] {strides = array<i32>} : memref<4112xf32, #tpu.memory_space<vmem>>, vector<16xf32>,
    tpu.vector_store %arg9[%swap3A_267], %broadcast_in_dim3A_3 {strides = array<i32>} : memref<4112xf32, #tpu.memory_space<vmem>>, vector<16xf32>,
    %swap3A_269 = arith.constant 2128 : index
    %swap3A_270 = tpu.vector_load %arg9[%swap3A_269] {strides = array<i32>} : memref<4112xf32, #tpu.memory_space<vmem>>, vector<16xf32>,
    tpu.vector_store %arg9[%swap3A_269], %broadcast_in_dim3A_3 {strides = array<i32>} : memref<4112xf32, #tpu.memory_space<vmem>>, vector<16xf32>,
    %swap3A_271 = arith.constant 2144 : index
    %swap3A_272 = tpu.vector_load %arg9[%swap3A_271] {strides = array<i32>} : memref<4112xf32, #tpu.memory_space<vmem>>, vector<16xf32>,
    tpu.vector_store %arg9[%swap3A_271], %broadcast_in_dim3A_3 {strides = array<i32>} : memref<4112xf32, #tpu.memory_space<vmem>>, vector<16xf32>,
    %swap3A_273 = arith.constant 2160 : index
    %swap3A_274 = tpu.vector_load %arg9[%swap3A_273] {strides = array<i32>} : memref<4112xf32, #tpu.memory_space<vmem>>, vector<16xf32>,
    tpu.vector_store %arg9[%swap3A_273], %broadcast_in_dim3A_3 {strides = array<i32>} : memref<4112xf32, #tpu.memory_space<vmem>>, vector<16xf32>,
    %swap3A_275 = arith.constant 2176 : index
    %swap3A_276 = tpu.vector_load %arg9[%swap3A_275] {strides = array<i32>} : memref<4112xf32, #tpu.memory_space<vmem>>, vector<16xf32>,
    tpu.vector_store %arg9[%swap3A_275], %broadcast_in_dim3A_3 {strides = array<i32>} : memref<4112xf32, #tpu.memory_space<vmem>>, vector<16xf32>,
    %swap3A_277 = arith.constant 2192 : index
    %swap3A_278 = tpu.vector_load %arg9[%swap3A_277] {strides = array<i32>} : memref<4112xf32, #tpu.memory_space<vmem>>, vector<16xf32>,
    tpu.vector_store %arg9[%swap3A_277], %broadcast_in_dim3A_3 {strides = array<i32>} : memref<4112xf32, #tpu.memory_space<vmem>>, vector<16xf32>,
    %swap3A_279 = arith.constant 2208 : index
    %swap3A_280 = tpu.vector_load %arg9[%swap3A_279] {strides = array<i32>} : memref<4112xf32, #tpu.memory_space<vmem>>, vector<16xf32>,
    tpu.vector_store %arg9[%swap3A_279], %broadcast_in_dim3A_3 {strides = array<i32>} : memref<4112xf32, #tpu.memory_space<vmem>>, vector<16xf32>,
    %swap3A_281 = arith.constant 2224 : index
    %swap3A_282 = tpu.vector_load %arg9[%swap3A_281] {strides = array<i32>} : memref<4112xf32, #tpu.memory_space<vmem>>, vector<16xf32>,
    tpu.vector_store %arg9[%swap3A_281], %broadcast_in_dim3A_3 {strides = array<i32>} : memref<4112xf32, #tpu.memory_space<vmem>>, vector<16xf32>,
    %swap3A_283 = arith.constant 2240 : index
    %swap3A_284 = tpu.vector_load %arg9[%swap3A_283] {strides = array<i32>} : memref<4112xf32, #tpu.memory_space<vmem>>, vector<16xf32>,
    tpu.vector_store %arg9[%swap3A_283], %broadcast_in_dim3A_3 {strides = array<i32>} : memref<4112xf32, #tpu.memory_space<vmem>>, vector<16xf32>,
    %swap3A_285 = arith.constant 2256 : index
    %swap3A_286 = tpu.vector_load %arg9[%swap3A_285] {strides = array<i32>} : memref<4112xf32, #tpu.memory_space<vmem>>, vector<16xf32>,
    tpu.vector_store %arg9[%swap3A_285], %broadcast_in_dim3A_3 {strides = array<i32>} : memref<4112xf32, #tpu.memory_space<vmem>>, vector<16xf32>,
    %swap3A_287 = arith.constant 2272 : index
    %swap3A_288 = tpu.vector_load %arg9[%swap3A_287] {strides = array<i32>} : memref<4112xf32, #tpu.memory_space<vmem>>, vector<16xf32>,
    tpu.vector_store %arg9[%swap3A_287], %broadcast_in_dim3A_3 {strides = array<i32>} : memref<4112xf32, #tpu.memory_space<vmem>>, vector<16xf32>,
    %swap3A_289 = arith.constant 2288 : index
    %swap3A_290 = tpu.vector_load %arg9[%swap3A_289] {strides = array<i32>} : memref<4112xf32, #tpu.memory_space<vmem>>, vector<16xf32>,
    tpu.vector_store %arg9[%swap3A_289], %broadcast_in_dim3A_3 {strides = array<i32>} : memref<4112xf32, #tpu.memory_space<vmem>>, vector<16xf32>,
    %swap3A_291 = arith.constant 2304 : index
    %swap3A_292 = tpu.vector_load %arg9[%swap3A_291] {strides = array<i32>} : memref<4112xf32, #tpu.memory_space<vmem>>, vector<16xf32>,
    tpu.vector_store %arg9[%swap3A_291], %broadcast_in_dim3A_3 {strides = array<i32>} : memref<4112xf32, #tpu.memory_space<vmem>>, vector<16xf32>,
    %swap3A_293 = arith.constant 2320 : index
    %swap3A_294 = tpu.vector_load %arg9[%swap3A_293] {strides = array<i32>} : memref<4112xf32, #tpu.memory_space<vmem>>, vector<16xf32>,
    tpu.vector_store %arg9[%swap3A_293], %broadcast_in_dim3A_3 {strides = array<i32>} : memref<4112xf32, #tpu.memory_space<vmem>>, vector<16xf32>,
    %swap3A_295 = arith.constant 2336 : index
    %swap3A_296 = tpu.vector_load %arg9[%swap3A_295] {strides = array<i32>} : memref<4112xf32, #tpu.memory_space<vmem>>, vector<16xf32>,
    tpu.vector_store %arg9[%swap3A_295], %broadcast_in_dim3A_3 {strides = array<i32>} : memref<4112xf32, #tpu.memory_space<vmem>>, vector<16xf32>,
    %swap3A_297 = arith.constant 2352 : index
    %swap3A_298 = tpu.vector_load %arg9[%swap3A_297] {strides = array<i32>} : memref<4112xf32, #tpu.memory_space<vmem>>, vector<16xf32>,
    tpu.vector_store %arg9[%swap3A_297], %broadcast_in_dim3A_3 {strides = array<i32>} : memref<4112xf32, #tpu.memory_space<vmem>>, vector<16xf32>,
    %swap3A_299 = arith.constant 2368 : index
    %swap3A_300 = tpu.vector_load %arg9[%swap3A_299] {strides = array<i32>} : memref<4112xf32, #tpu.memory_space<vmem>>, vector<16xf32>,
    tpu.vector_store %arg9[%swap3A_299], %broadcast_in_dim3A_3 {strides = array<i32>} : memref<4112xf32, #tpu.memory_space<vmem>>, vector<16xf32>,
    %swap3A_301 = arith.constant 2384 : index
    %swap3A_302 = tpu.vector_load %arg9[%swap3A_301] {strides = array<i32>} : memref<4112xf32, #tpu.memory_space<vmem>>, vector<16xf32>,
    tpu.vector_store %arg9[%swap3A_301], %broadcast_in_dim3A_3 {strides = array<i32>} : memref<4112xf32, #tpu.memory_space<vmem>>, vector<16xf32>,
    %swap3A_303 = arith.constant 2400 : index
    %swap3A_304 = tpu.vector_load %arg9[%swap3A_303] {strides = array<i32>} : memref<4112xf32, #tpu.memory_space<vmem>>, vector<16xf32>,
    tpu.vector_store %arg9[%swap3A_303], %broadcast_in_dim3A_3 {strides = array<i32>} : memref<4112xf32, #tpu.memory_space<vmem>>, vector<16xf32>,
    %swap3A_305 = arith.constant 2416 : index
    %swap3A_306 = tpu.vector_load %arg9[%swap3A_305] {strides = array<i32>} : memref<4112xf32, #tpu.memory_space<vmem>>, vector<16xf32>,
    tpu.vector_store %arg9[%swap3A_305], %broadcast_in_dim3A_3 {strides = array<i32>} : memref<4112xf32, #tpu.memory_space<vmem>>, vector<16xf32>,
    %swap3A_307 = arith.constant 2432 : index
    %swap3A_308 = tpu.vector_load %arg9[%swap3A_307] {strides = array<i32>} : memref<4112xf32, #tpu.memory_space<vmem>>, vector<16xf32>,
    tpu.vector_store %arg9[%swap3A_307], %broadcast_in_dim3A_3 {strides = array<i32>} : memref<4112xf32, #tpu.memory_space<vmem>>, vector<16xf32>,
    %swap3A_309 = arith.constant 2448 : index
    %swap3A_310 = tpu.vector_load %arg9[%swap3A_309] {strides = array<i32>} : memref<4112xf32, #tpu.memory_space<vmem>>, vector<16xf32>,
    tpu.vector_store %arg9[%swap3A_309], %broadcast_in_dim3A_3 {strides = array<i32>} : memref<4112xf32, #tpu.memory_space<vmem>>, vector<16xf32>,
    %swap3A_311 = arith.constant 2464 : index
    %swap3A_312 = tpu.vector_load %arg9[%swap3A_311] {strides = array<i32>} : memref<4112xf32, #tpu.memory_space<vmem>>, vector<16xf32>,
    tpu.vector_store %arg9[%swap3A_311], %broadcast_in_dim3A_3 {strides = array<i32>} : memref<4112xf32, #tpu.memory_space<vmem>>, vector<16xf32>,
    %swap3A_313 = arith.constant 2480 : index
    %swap3A_314 = tpu.vector_load %arg9[%swap3A_313] {strides = array<i32>} : memref<4112xf32, #tpu.memory_space<vmem>>, vector<16xf32>,
    tpu.vector_store %arg9[%swap3A_313], %broadcast_in_dim3A_3 {strides = array<i32>} : memref<4112xf32, #tpu.memory_space<vmem>>, vector<16xf32>,
    %swap3A_315 = arith.constant 2496 : index
    %swap3A_316 = tpu.vector_load %arg9[%swap3A_315] {strides = array<i32>} : memref<4112xf32, #tpu.memory_space<vmem>>, vector<16xf32>,
    tpu.vector_store %arg9[%swap3A_315], %broadcast_in_dim3A_3 {strides = array<i32>} : memref<4112xf32, #tpu.memory_space<vmem>>, vector<16xf32>,
    %swap3A_317 = arith.constant 2512 : index
    %swap3A_318 = tpu.vector_load %arg9[%swap3A_317] {strides = array<i32>} : memref<4112xf32, #tpu.memory_space<vmem>>, vector<16xf32>,
    tpu.vector_store %arg9[%swap3A_317], %broadcast_in_dim3A_3 {strides = array<i32>} : memref<4112xf32, #tpu.memory_space<vmem>>, vector<16xf32>,
    %swap3A_319 = arith.constant 2528 : index
    %swap3A_320 = tpu.vector_load %arg9[%swap3A_319] {strides = array<i32>} : memref<4112xf32, #tpu.memory_space<vmem>>, vector<16xf32>,
    tpu.vector_store %arg9[%swap3A_319], %broadcast_in_dim3A_3 {strides = array<i32>} : memref<4112xf32, #tpu.memory_space<vmem>>, vector<16xf32>,
    %swap3A_321 = arith.constant 2544 : index
    %swap3A_322 = tpu.vector_load %arg9[%swap3A_321] {strides = array<i32>} : memref<4112xf32, #tpu.memory_space<vmem>>, vector<16xf32>,
    tpu.vector_store %arg9[%swap3A_321], %broadcast_in_dim3A_3 {strides = array<i32>} : memref<4112xf32, #tpu.memory_space<vmem>>, vector<16xf32>,
    %swap3A_323 = arith.constant 2560 : index
    %swap3A_324 = tpu.vector_load %arg9[%swap3A_323] {strides = array<i32>} : memref<4112xf32, #tpu.memory_space<vmem>>, vector<16xf32>,
    tpu.vector_store %arg9[%swap3A_323], %broadcast_in_dim3A_3 {strides = array<i32>} : memref<4112xf32, #tpu.memory_space<vmem>>, vector<16xf32>,
    %swap3A_325 = arith.constant 2576 : index
    %swap3A_326 = tpu.vector_load %arg9[%swap3A_325] {strides = array<i32>} : memref<4112xf32, #tpu.memory_space<vmem>>, vector<16xf32>,
    tpu.vector_store %arg9[%swap3A_325], %broadcast_in_dim3A_3 {strides = array<i32>} : memref<4112xf32, #tpu.memory_space<vmem>>, vector<16xf32>,
    %swap3A_327 = arith.constant 2592 : index
    %swap3A_328 = tpu.vector_load %arg9[%swap3A_327] {strides = array<i32>} : memref<4112xf32, #tpu.memory_space<vmem>>, vector<16xf32>,
    tpu.vector_store %arg9[%swap3A_327], %broadcast_in_dim3A_3 {strides = array<i32>} : memref<4112xf32, #tpu.memory_space<vmem>>, vector<16xf32>,
    %swap3A_329 = arith.constant 2608 : index
    %swap3A_330 = tpu.vector_load %arg9[%swap3A_329] {strides = array<i32>} : memref<4112xf32, #tpu.memory_space<vmem>>, vector<16xf32>,
    tpu.vector_store %arg9[%swap3A_329], %broadcast_in_dim3A_3 {strides = array<i32>} : memref<4112xf32, #tpu.memory_space<vmem>>, vector<16xf32>,
    %swap3A_331 = arith.constant 2624 : index
    %swap3A_332 = tpu.vector_load %arg9[%swap3A_331] {strides = array<i32>} : memref<4112xf32, #tpu.memory_space<vmem>>, vector<16xf32>,
    tpu.vector_store %arg9[%swap3A_331], %broadcast_in_dim3A_3 {strides = array<i32>} : memref<4112xf32, #tpu.memory_space<vmem>>, vector<16xf32>,
    %swap3A_333 = arith.constant 2640 : index
    %swap3A_334 = tpu.vector_load %arg9[%swap3A_333] {strides = array<i32>} : memref<4112xf32, #tpu.memory_space<vmem>>, vector<16xf32>,
    tpu.vector_store %arg9[%swap3A_333], %broadcast_in_dim3A_3 {strides = array<i32>} : memref<4112xf32, #tpu.memory_space<vmem>>, vector<16xf32>,
    %swap3A_335 = arith.constant 2656 : index
    %swap3A_336 = tpu.vector_load %arg9[%swap3A_335] {strides = array<i32>} : memref<4112xf32, #tpu.memory_space<vmem>>, vector<16xf32>,
    tpu.vector_store %arg9[%swap3A_335], %broadcast_in_dim3A_3 {strides = array<i32>} : memref<4112xf32, #tpu.memory_space<vmem>>, vector<16xf32>,
    %swap3A_337 = arith.constant 2672 : index
    %swap3A_338 = tpu.vector_load %arg9[%swap3A_337] {strides = array<i32>} : memref<4112xf32, #tpu.memory_space<vmem>>, vector<16xf32>,
    tpu.vector_store %arg9[%swap3A_337], %broadcast_in_dim3A_3 {strides = array<i32>} : memref<4112xf32, #tpu.memory_space<vmem>>, vector<16xf32>,
    %swap3A_339 = arith.constant 2688 : index
    %swap3A_340 = tpu.vector_load %arg9[%swap3A_339] {strides = array<i32>} : memref<4112xf32, #tpu.memory_space<vmem>>, vector<16xf32>,
    tpu.vector_store %arg9[%swap3A_339], %broadcast_in_dim3A_3 {strides = array<i32>} : memref<4112xf32, #tpu.memory_space<vmem>>, vector<16xf32>,
    %swap3A_341 = arith.constant 2704 : index
    %swap3A_342 = tpu.vector_load %arg9[%swap3A_341] {strides = array<i32>} : memref<4112xf32, #tpu.memory_space<vmem>>, vector<16xf32>,
    tpu.vector_store %arg9[%swap3A_341], %broadcast_in_dim3A_3 {strides = array<i32>} : memref<4112xf32, #tpu.memory_space<vmem>>, vector<16xf32>,
    %swap3A_343 = arith.constant 2720 : index
    %swap3A_344 = tpu.vector_load %arg9[%swap3A_343] {strides = array<i32>} : memref<4112xf32, #tpu.memory_space<vmem>>, vector<16xf32>,
    tpu.vector_store %arg9[%swap3A_343], %broadcast_in_dim3A_3 {strides = array<i32>} : memref<4112xf32, #tpu.memory_space<vmem>>, vector<16xf32>,
    %swap3A_345 = arith.constant 2736 : index
    %swap3A_346 = tpu.vector_load %arg9[%swap3A_345] {strides = array<i32>} : memref<4112xf32, #tpu.memory_space<vmem>>, vector<16xf32>,
    tpu.vector_store %arg9[%swap3A_345], %broadcast_in_dim3A_3 {strides = array<i32>} : memref<4112xf32, #tpu.memory_space<vmem>>, vector<16xf32>,
    %swap3A_347 = arith.constant 2752 : index
    %swap3A_348 = tpu.vector_load %arg9[%swap3A_347] {strides = array<i32>} : memref<4112xf32, #tpu.memory_space<vmem>>, vector<16xf32>,
    tpu.vector_store %arg9[%swap3A_347], %broadcast_in_dim3A_3 {strides = array<i32>} : memref<4112xf32, #tpu.memory_space<vmem>>, vector<16xf32>,
    %swap3A_349 = arith.constant 2768 : index
    %swap3A_350 = tpu.vector_load %arg9[%swap3A_349] {strides = array<i32>} : memref<4112xf32, #tpu.memory_space<vmem>>, vector<16xf32>,
    tpu.vector_store %arg9[%swap3A_349], %broadcast_in_dim3A_3 {strides = array<i32>} : memref<4112xf32, #tpu.memory_space<vmem>>, vector<16xf32>,
    %swap3A_351 = arith.constant 2784 : index
    %swap3A_352 = tpu.vector_load %arg9[%swap3A_351] {strides = array<i32>} : memref<4112xf32, #tpu.memory_space<vmem>>, vector<16xf32>,
    tpu.vector_store %arg9[%swap3A_351], %broadcast_in_dim3A_3 {strides = array<i32>} : memref<4112xf32, #tpu.memory_space<vmem>>, vector<16xf32>,
    %swap3A_353 = arith.constant 2800 : index
    %swap3A_354 = tpu.vector_load %arg9[%swap3A_353] {strides = array<i32>} : memref<4112xf32, #tpu.memory_space<vmem>>, vector<16xf32>,
    tpu.vector_store %arg9[%swap3A_353], %broadcast_in_dim3A_3 {strides = array<i32>} : memref<4112xf32, #tpu.memory_space<vmem>>, vector<16xf32>,
    %swap3A_355 = arith.constant 2816 : index
    %swap3A_356 = tpu.vector_load %arg9[%swap3A_355] {strides = array<i32>} : memref<4112xf32, #tpu.memory_space<vmem>>, vector<16xf32>,
    tpu.vector_store %arg9[%swap3A_355], %broadcast_in_dim3A_3 {strides = array<i32>} : memref<4112xf32, #tpu.memory_space<vmem>>, vector<16xf32>,
    %swap3A_357 = arith.constant 2832 : index
    %swap3A_358 = tpu.vector_load %arg9[%swap3A_357] {strides = array<i32>} : memref<4112xf32, #tpu.memory_space<vmem>>, vector<16xf32>,
    tpu.vector_store %arg9[%swap3A_357], %broadcast_in_dim3A_3 {strides = array<i32>} : memref<4112xf32, #tpu.memory_space<vmem>>, vector<16xf32>,
    %swap3A_359 = arith.constant 2848 : index
    %swap3A_360 = tpu.vector_load %arg9[%swap3A_359] {strides = array<i32>} : memref<4112xf32, #tpu.memory_space<vmem>>, vector<16xf32>,
    tpu.vector_store %arg9[%swap3A_359], %broadcast_in_dim3A_3 {strides = array<i32>} : memref<4112xf32, #tpu.memory_space<vmem>>, vector<16xf32>,
    %swap3A_361 = arith.constant 2864 : index
    %swap3A_362 = tpu.vector_load %arg9[%swap3A_361] {strides = array<i32>} : memref<4112xf32, #tpu.memory_space<vmem>>, vector<16xf32>,
    tpu.vector_store %arg9[%swap3A_361], %broadcast_in_dim3A_3 {strides = array<i32>} : memref<4112xf32, #tpu.memory_space<vmem>>, vector<16xf32>,
    %swap3A_363 = arith.constant 2880 : index
    %swap3A_364 = tpu.vector_load %arg9[%swap3A_363] {strides = array<i32>} : memref<4112xf32, #tpu.memory_space<vmem>>, vector<16xf32>,
    tpu.vector_store %arg9[%swap3A_363], %broadcast_in_dim3A_3 {strides = array<i32>} : memref<4112xf32, #tpu.memory_space<vmem>>, vector<16xf32>,
    %swap3A_365 = arith.constant 2896 : index
    %swap3A_366 = tpu.vector_load %arg9[%swap3A_365] {strides = array<i32>} : memref<4112xf32, #tpu.memory_space<vmem>>, vector<16xf32>,
    tpu.vector_store %arg9[%swap3A_365], %broadcast_in_dim3A_3 {strides = array<i32>} : memref<4112xf32, #tpu.memory_space<vmem>>, vector<16xf32>,
    %swap3A_367 = arith.constant 2912 : index
    %swap3A_368 = tpu.vector_load %arg9[%swap3A_367] {strides = array<i32>} : memref<4112xf32, #tpu.memory_space<vmem>>, vector<16xf32>,
    tpu.vector_store %arg9[%swap3A_367], %broadcast_in_dim3A_3 {strides = array<i32>} : memref<4112xf32, #tpu.memory_space<vmem>>, vector<16xf32>,
    %swap3A_369 = arith.constant 2928 : index
    %swap3A_370 = tpu.vector_load %arg9[%swap3A_369] {strides = array<i32>} : memref<4112xf32, #tpu.memory_space<vmem>>, vector<16xf32>,
    tpu.vector_store %arg9[%swap3A_369], %broadcast_in_dim3A_3 {strides = array<i32>} : memref<4112xf32, #tpu.memory_space<vmem>>, vector<16xf32>,
    %swap3A_371 = arith.constant 2944 : index
    %swap3A_372 = tpu.vector_load %arg9[%swap3A_371] {strides = array<i32>} : memref<4112xf32, #tpu.memory_space<vmem>>, vector<16xf32>,
    tpu.vector_store %arg9[%swap3A_371], %broadcast_in_dim3A_3 {strides = array<i32>} : memref<4112xf32, #tpu.memory_space<vmem>>, vector<16xf32>,
    %swap3A_373 = arith.constant 2960 : index
    %swap3A_374 = tpu.vector_load %arg9[%swap3A_373] {strides = array<i32>} : memref<4112xf32, #tpu.memory_space<vmem>>, vector<16xf32>,
    tpu.vector_store %arg9[%swap3A_373], %broadcast_in_dim3A_3 {strides = array<i32>} : memref<4112xf32, #tpu.memory_space<vmem>>, vector<16xf32>,
    %swap3A_375 = arith.constant 2976 : index
    %swap3A_376 = tpu.vector_load %arg9[%swap3A_375] {strides = array<i32>} : memref<4112xf32, #tpu.memory_space<vmem>>, vector<16xf32>,
    tpu.vector_store %arg9[%swap3A_375], %broadcast_in_dim3A_3 {strides = array<i32>} : memref<4112xf32, #tpu.memory_space<vmem>>, vector<16xf32>,
    %swap3A_377 = arith.constant 2992 : index
    %swap3A_378 = tpu.vector_load %arg9[%swap3A_377] {strides = array<i32>} : memref<4112xf32, #tpu.memory_space<vmem>>, vector<16xf32>,
    tpu.vector_store %arg9[%swap3A_377], %broadcast_in_dim3A_3 {strides = array<i32>} : memref<4112xf32, #tpu.memory_space<vmem>>, vector<16xf32>,
    %swap3A_379 = arith.constant 3008 : index
    %swap3A_380 = tpu.vector_load %arg9[%swap3A_379] {strides = array<i32>} : memref<4112xf32, #tpu.memory_space<vmem>>, vector<16xf32>,
    tpu.vector_store %arg9[%swap3A_379], %broadcast_in_dim3A_3 {strides = array<i32>} : memref<4112xf32, #tpu.memory_space<vmem>>, vector<16xf32>,
    %swap3A_381 = arith.constant 3024 : index
    %swap3A_382 = tpu.vector_load %arg9[%swap3A_381] {strides = array<i32>} : memref<4112xf32, #tpu.memory_space<vmem>>, vector<16xf32>,
    tpu.vector_store %arg9[%swap3A_381], %broadcast_in_dim3A_3 {strides = array<i32>} : memref<4112xf32, #tpu.memory_space<vmem>>, vector<16xf32>,
    %swap3A_383 = arith.constant 3040 : index
    %swap3A_384 = tpu.vector_load %arg9[%swap3A_383] {strides = array<i32>} : memref<4112xf32, #tpu.memory_space<vmem>>, vector<16xf32>,
    tpu.vector_store %arg9[%swap3A_383], %broadcast_in_dim3A_3 {strides = array<i32>} : memref<4112xf32, #tpu.memory_space<vmem>>, vector<16xf32>,
    %swap3A_385 = arith.constant 3056 : index
    %swap3A_386 = tpu.vector_load %arg9[%swap3A_385] {strides = array<i32>} : memref<4112xf32, #tpu.memory_space<vmem>>, vector<16xf32>,
    tpu.vector_store %arg9[%swap3A_385], %broadcast_in_dim3A_3 {strides = array<i32>} : memref<4112xf32, #tpu.memory_space<vmem>>, vector<16xf32>,
    %swap3A_387 = arith.constant 3072 : index
    %swap3A_388 = tpu.vector_load %arg9[%swap3A_387] {strides = array<i32>} : memref<4112xf32, #tpu.memory_space<vmem>>, vector<16xf32>,
    tpu.vector_store %arg9[%swap3A_387], %broadcast_in_dim3A_3 {strides = array<i32>} : memref<4112xf32, #tpu.memory_space<vmem>>, vector<16xf32>,
    %swap3A_389 = arith.constant 3088 : index
    %swap3A_390 = tpu.vector_load %arg9[%swap3A_389] {strides = array<i32>} : memref<4112xf32, #tpu.memory_space<vmem>>, vector<16xf32>,
    tpu.vector_store %arg9[%swap3A_389], %broadcast_in_dim3A_3 {strides = array<i32>} : memref<4112xf32, #tpu.memory_space<vmem>>, vector<16xf32>,
    %swap3A_391 = arith.constant 3104 : index
    %swap3A_392 = tpu.vector_load %arg9[%swap3A_391] {strides = array<i32>} : memref<4112xf32, #tpu.memory_space<vmem>>, vector<16xf32>,
    tpu.vector_store %arg9[%swap3A_391], %broadcast_in_dim3A_3 {strides = array<i32>} : memref<4112xf32, #tpu.memory_space<vmem>>, vector<16xf32>,
    %swap3A_393 = arith.constant 3120 : index
    %swap3A_394 = tpu.vector_load %arg9[%swap3A_393] {strides = array<i32>} : memref<4112xf32, #tpu.memory_space<vmem>>, vector<16xf32>,
    tpu.vector_store %arg9[%swap3A_393], %broadcast_in_dim3A_3 {strides = array<i32>} : memref<4112xf32, #tpu.memory_space<vmem>>, vector<16xf32>,
    %swap3A_395 = arith.constant 3136 : index
    %swap3A_396 = tpu.vector_load %arg9[%swap3A_395] {strides = array<i32>} : memref<4112xf32, #tpu.memory_space<vmem>>, vector<16xf32>,
    tpu.vector_store %arg9[%swap3A_395], %broadcast_in_dim3A_3 {strides = array<i32>} : memref<4112xf32, #tpu.memory_space<vmem>>, vector<16xf32>,
    %swap3A_397 = arith.constant 3152 : index
    %swap3A_398 = tpu.vector_load %arg9[%swap3A_397] {strides = array<i32>} : memref<4112xf32, #tpu.memory_space<vmem>>, vector<16xf32>,
    tpu.vector_store %arg9[%swap3A_397], %broadcast_in_dim3A_3 {strides = array<i32>} : memref<4112xf32, #tpu.memory_space<vmem>>, vector<16xf32>,
    %swap3A_399 = arith.constant 3168 : index
    %swap3A_400 = tpu.vector_load %arg9[%swap3A_399] {strides = array<i32>} : memref<4112xf32, #tpu.memory_space<vmem>>, vector<16xf32>,
    tpu.vector_store %arg9[%swap3A_399], %broadcast_in_dim3A_3 {strides = array<i32>} : memref<4112xf32, #tpu.memory_space<vmem>>, vector<16xf32>,
    %swap3A_401 = arith.constant 3184 : index
    %swap3A_402 = tpu.vector_load %arg9[%swap3A_401] {strides = array<i32>} : memref<4112xf32, #tpu.memory_space<vmem>>, vector<16xf32>,
    tpu.vector_store %arg9[%swap3A_401], %broadcast_in_dim3A_3 {strides = array<i32>} : memref<4112xf32, #tpu.memory_space<vmem>>, vector<16xf32>,
    %swap3A_403 = arith.constant 3200 : index
    %swap3A_404 = tpu.vector_load %arg9[%swap3A_403] {strides = array<i32>} : memref<4112xf32, #tpu.memory_space<vmem>>, vector<16xf32>,
    tpu.vector_store %arg9[%swap3A_403], %broadcast_in_dim3A_3 {strides = array<i32>} : memref<4112xf32, #tpu.memory_space<vmem>>, vector<16xf32>,
    %swap3A_405 = arith.constant 3216 : index
    %swap3A_406 = tpu.vector_load %arg9[%swap3A_405] {strides = array<i32>} : memref<4112xf32, #tpu.memory_space<vmem>>, vector<16xf32>,
    tpu.vector_store %arg9[%swap3A_405], %broadcast_in_dim3A_3 {strides = array<i32>} : memref<4112xf32, #tpu.memory_space<vmem>>, vector<16xf32>,
    %swap3A_407 = arith.constant 3232 : index
    %swap3A_408 = tpu.vector_load %arg9[%swap3A_407] {strides = array<i32>} : memref<4112xf32, #tpu.memory_space<vmem>>, vector<16xf32>,
    tpu.vector_store %arg9[%swap3A_407], %broadcast_in_dim3A_3 {strides = array<i32>} : memref<4112xf32, #tpu.memory_space<vmem>>, vector<16xf32>,
    %swap3A_409 = arith.constant 3248 : index
    %swap3A_410 = tpu.vector_load %arg9[%swap3A_409] {strides = array<i32>} : memref<4112xf32, #tpu.memory_space<vmem>>, vector<16xf32>,
    tpu.vector_store %arg9[%swap3A_409], %broadcast_in_dim3A_3 {strides = array<i32>} : memref<4112xf32, #tpu.memory_space<vmem>>, vector<16xf32>,
    %swap3A_411 = arith.constant 3264 : index
    %swap3A_412 = tpu.vector_load %arg9[%swap3A_411] {strides = array<i32>} : memref<4112xf32, #tpu.memory_space<vmem>>, vector<16xf32>,
    tpu.vector_store %arg9[%swap3A_411], %broadcast_in_dim3A_3 {strides = array<i32>} : memref<4112xf32, #tpu.memory_space<vmem>>, vector<16xf32>,
    %swap3A_413 = arith.constant 3280 : index
    %swap3A_414 = tpu.vector_load %arg9[%swap3A_413] {strides = array<i32>} : memref<4112xf32, #tpu.memory_space<vmem>>, vector<16xf32>,
    tpu.vector_store %arg9[%swap3A_413], %broadcast_in_dim3A_3 {strides = array<i32>} : memref<4112xf32, #tpu.memory_space<vmem>>, vector<16xf32>,
    %swap3A_415 = arith.constant 3296 : index
    %swap3A_416 = tpu.vector_load %arg9[%swap3A_415] {strides = array<i32>} : memref<4112xf32, #tpu.memory_space<vmem>>, vector<16xf32>,
    tpu.vector_store %arg9[%swap3A_415], %broadcast_in_dim3A_3 {strides = array<i32>} : memref<4112xf32, #tpu.memory_space<vmem>>, vector<16xf32>,
    %swap3A_417 = arith.constant 3312 : index
    %swap3A_418 = tpu.vector_load %arg9[%swap3A_417] {strides = array<i32>} : memref<4112xf32, #tpu.memory_space<vmem>>, vector<16xf32>,
    tpu.vector_store %arg9[%swap3A_417], %broadcast_in_dim3A_3 {strides = array<i32>} : memref<4112xf32, #tpu.memory_space<vmem>>, vector<16xf32>,
    %swap3A_419 = arith.constant 3328 : index
    %swap3A_420 = tpu.vector_load %arg9[%swap3A_419] {strides = array<i32>} : memref<4112xf32, #tpu.memory_space<vmem>>, vector<16xf32>,
    tpu.vector_store %arg9[%swap3A_419], %broadcast_in_dim3A_3 {strides = array<i32>} : memref<4112xf32, #tpu.memory_space<vmem>>, vector<16xf32>,
    %swap3A_421 = arith.constant 3344 : index
    %swap3A_422 = tpu.vector_load %arg9[%swap3A_421] {strides = array<i32>} : memref<4112xf32, #tpu.memory_space<vmem>>, vector<16xf32>,
    tpu.vector_store %arg9[%swap3A_421], %broadcast_in_dim3A_3 {strides = array<i32>} : memref<4112xf32, #tpu.memory_space<vmem>>, vector<16xf32>,
    %swap3A_423 = arith.constant 3360 : index
    %swap3A_424 = tpu.vector_load %arg9[%swap3A_423] {strides = array<i32>} : memref<4112xf32, #tpu.memory_space<vmem>>, vector<16xf32>,
    tpu.vector_store %arg9[%swap3A_423], %broadcast_in_dim3A_3 {strides = array<i32>} : memref<4112xf32, #tpu.memory_space<vmem>>, vector<16xf32>,
    %swap3A_425 = arith.constant 3376 : index
    %swap3A_426 = tpu.vector_load %arg9[%swap3A_425] {strides = array<i32>} : memref<4112xf32, #tpu.memory_space<vmem>>, vector<16xf32>,
    tpu.vector_store %arg9[%swap3A_425], %broadcast_in_dim3A_3 {strides = array<i32>} : memref<4112xf32, #tpu.memory_space<vmem>>, vector<16xf32>,
    %swap3A_427 = arith.constant 3392 : index
    %swap3A_428 = tpu.vector_load %arg9[%swap3A_427] {strides = array<i32>} : memref<4112xf32, #tpu.memory_space<vmem>>, vector<16xf32>,
    tpu.vector_store %arg9[%swap3A_427], %broadcast_in_dim3A_3 {strides = array<i32>} : memref<4112xf32, #tpu.memory_space<vmem>>, vector<16xf32>,
    %swap3A_429 = arith.constant 3408 : index
    %swap3A_430 = tpu.vector_load %arg9[%swap3A_429] {strides = array<i32>} : memref<4112xf32, #tpu.memory_space<vmem>>, vector<16xf32>,
    tpu.vector_store %arg9[%swap3A_429], %broadcast_in_dim3A_3 {strides = array<i32>} : memref<4112xf32, #tpu.memory_space<vmem>>, vector<16xf32>,
    %swap3A_431 = arith.constant 3424 : index
    %swap3A_432 = tpu.vector_load %arg9[%swap3A_431] {strides = array<i32>} : memref<4112xf32, #tpu.memory_space<vmem>>, vector<16xf32>,
    tpu.vector_store %arg9[%swap3A_431], %broadcast_in_dim3A_3 {strides = array<i32>} : memref<4112xf32, #tpu.memory_space<vmem>>, vector<16xf32>,
    %swap3A_433 = arith.constant 3440 : index
    %swap3A_434 = tpu.vector_load %arg9[%swap3A_433] {strides = array<i32>} : memref<4112xf32, #tpu.memory_space<vmem>>, vector<16xf32>,
    tpu.vector_store %arg9[%swap3A_433], %broadcast_in_dim3A_3 {strides = array<i32>} : memref<4112xf32, #tpu.memory_space<vmem>>, vector<16xf32>,
    %swap3A_435 = arith.constant 3456 : index
    %swap3A_436 = tpu.vector_load %arg9[%swap3A_435] {strides = array<i32>} : memref<4112xf32, #tpu.memory_space<vmem>>, vector<16xf32>,
    tpu.vector_store %arg9[%swap3A_435], %broadcast_in_dim3A_3 {strides = array<i32>} : memref<4112xf32, #tpu.memory_space<vmem>>, vector<16xf32>,
    %swap3A_437 = arith.constant 3472 : index
    %swap3A_438 = tpu.vector_load %arg9[%swap3A_437] {strides = array<i32>} : memref<4112xf32, #tpu.memory_space<vmem>>, vector<16xf32>,
    tpu.vector_store %arg9[%swap3A_437], %broadcast_in_dim3A_3 {strides = array<i32>} : memref<4112xf32, #tpu.memory_space<vmem>>, vector<16xf32>,
    %swap3A_439 = arith.constant 3488 : index
    %swap3A_440 = tpu.vector_load %arg9[%swap3A_439] {strides = array<i32>} : memref<4112xf32, #tpu.memory_space<vmem>>, vector<16xf32>,
    tpu.vector_store %arg9[%swap3A_439], %broadcast_in_dim3A_3 {strides = array<i32>} : memref<4112xf32, #tpu.memory_space<vmem>>, vector<16xf32>,
    %swap3A_441 = arith.constant 3504 : index
    %swap3A_442 = tpu.vector_load %arg9[%swap3A_441] {strides = array<i32>} : memref<4112xf32, #tpu.memory_space<vmem>>, vector<16xf32>,
    tpu.vector_store %arg9[%swap3A_441], %broadcast_in_dim3A_3 {strides = array<i32>} : memref<4112xf32, #tpu.memory_space<vmem>>, vector<16xf32>,
    %swap3A_443 = arith.constant 3520 : index
    %swap3A_444 = tpu.vector_load %arg9[%swap3A_443] {strides = array<i32>} : memref<4112xf32, #tpu.memory_space<vmem>>, vector<16xf32>,
    tpu.vector_store %arg9[%swap3A_443], %broadcast_in_dim3A_3 {strides = array<i32>} : memref<4112xf32, #tpu.memory_space<vmem>>, vector<16xf32>,
    %swap3A_445 = arith.constant 3536 : index
    %swap3A_446 = tpu.vector_load %arg9[%swap3A_445] {strides = array<i32>} : memref<4112xf32, #tpu.memory_space<vmem>>, vector<16xf32>,
    tpu.vector_store %arg9[%swap3A_445], %broadcast_in_dim3A_3 {strides = array<i32>} : memref<4112xf32, #tpu.memory_space<vmem>>, vector<16xf32>,
    %swap3A_447 = arith.constant 3552 : index
    %swap3A_448 = tpu.vector_load %arg9[%swap3A_447] {strides = array<i32>} : memref<4112xf32, #tpu.memory_space<vmem>>, vector<16xf32>,
    tpu.vector_store %arg9[%swap3A_447], %broadcast_in_dim3A_3 {strides = array<i32>} : memref<4112xf32, #tpu.memory_space<vmem>>, vector<16xf32>,
    %swap3A_449 = arith.constant 3568 : index
    %swap3A_450 = tpu.vector_load %arg9[%swap3A_449] {strides = array<i32>} : memref<4112xf32, #tpu.memory_space<vmem>>, vector<16xf32>,
    tpu.vector_store %arg9[%swap3A_449], %broadcast_in_dim3A_3 {strides = array<i32>} : memref<4112xf32, #tpu.memory_space<vmem>>, vector<16xf32>,
    %swap3A_451 = arith.constant 3584 : index
    %swap3A_452 = tpu.vector_load %arg9[%swap3A_451] {strides = array<i32>} : memref<4112xf32, #tpu.memory_space<vmem>>, vector<16xf32>,
    tpu.vector_store %arg9[%swap3A_451], %broadcast_in_dim3A_3 {strides = array<i32>} : memref<4112xf32, #tpu.memory_space<vmem>>, vector<16xf32>,
    %swap3A_453 = arith.constant 3600 : index
    %swap3A_454 = tpu.vector_load %arg9[%swap3A_453] {strides = array<i32>} : memref<4112xf32, #tpu.memory_space<vmem>>, vector<16xf32>,
    tpu.vector_store %arg9[%swap3A_453], %broadcast_in_dim3A_3 {strides = array<i32>} : memref<4112xf32, #tpu.memory_space<vmem>>, vector<16xf32>,
    %swap3A_455 = arith.constant 3616 : index
    %swap3A_456 = tpu.vector_load %arg9[%swap3A_455] {strides = array<i32>} : memref<4112xf32, #tpu.memory_space<vmem>>, vector<16xf32>,
    tpu.vector_store %arg9[%swap3A_455], %broadcast_in_dim3A_3 {strides = array<i32>} : memref<4112xf32, #tpu.memory_space<vmem>>, vector<16xf32>,
    %swap3A_457 = arith.constant 3632 : index
    %swap3A_458 = tpu.vector_load %arg9[%swap3A_457] {strides = array<i32>} : memref<4112xf32, #tpu.memory_space<vmem>>, vector<16xf32>,
    tpu.vector_store %arg9[%swap3A_457], %broadcast_in_dim3A_3 {strides = array<i32>} : memref<4112xf32, #tpu.memory_space<vmem>>, vector<16xf32>,
    %swap3A_459 = arith.constant 3648 : index
    %swap3A_460 = tpu.vector_load %arg9[%swap3A_459] {strides = array<i32>} : memref<4112xf32, #tpu.memory_space<vmem>>, vector<16xf32>,
    tpu.vector_store %arg9[%swap3A_459], %broadcast_in_dim3A_3 {strides = array<i32>} : memref<4112xf32, #tpu.memory_space<vmem>>, vector<16xf32>,
    %swap3A_461 = arith.constant 3664 : index
    %swap3A_462 = tpu.vector_load %arg9[%swap3A_461] {strides = array<i32>} : memref<4112xf32, #tpu.memory_space<vmem>>, vector<16xf32>,
    tpu.vector_store %arg9[%swap3A_461], %broadcast_in_dim3A_3 {strides = array<i32>} : memref<4112xf32, #tpu.memory_space<vmem>>, vector<16xf32>,
    %swap3A_463 = arith.constant 3680 : index
    %swap3A_464 = tpu.vector_load %arg9[%swap3A_463] {strides = array<i32>} : memref<4112xf32, #tpu.memory_space<vmem>>, vector<16xf32>,
    tpu.vector_store %arg9[%swap3A_463], %broadcast_in_dim3A_3 {strides = array<i32>} : memref<4112xf32, #tpu.memory_space<vmem>>, vector<16xf32>,
    %swap3A_465 = arith.constant 3696 : index
    %swap3A_466 = tpu.vector_load %arg9[%swap3A_465] {strides = array<i32>} : memref<4112xf32, #tpu.memory_space<vmem>>, vector<16xf32>,
    tpu.vector_store %arg9[%swap3A_465], %broadcast_in_dim3A_3 {strides = array<i32>} : memref<4112xf32, #tpu.memory_space<vmem>>, vector<16xf32>,
    %swap3A_467 = arith.constant 3712 : index
    %swap3A_468 = tpu.vector_load %arg9[%swap3A_467] {strides = array<i32>} : memref<4112xf32, #tpu.memory_space<vmem>>, vector<16xf32>,
    tpu.vector_store %arg9[%swap3A_467], %broadcast_in_dim3A_3 {strides = array<i32>} : memref<4112xf32, #tpu.memory_space<vmem>>, vector<16xf32>,
    %swap3A_469 = arith.constant 3728 : index
    %swap3A_470 = tpu.vector_load %arg9[%swap3A_469] {strides = array<i32>} : memref<4112xf32, #tpu.memory_space<vmem>>, vector<16xf32>,
    tpu.vector_store %arg9[%swap3A_469], %broadcast_in_dim3A_3 {strides = array<i32>} : memref<4112xf32, #tpu.memory_space<vmem>>, vector<16xf32>,
    %swap3A_471 = arith.constant 3744 : index
    %swap3A_472 = tpu.vector_load %arg9[%swap3A_471] {strides = array<i32>} : memref<4112xf32, #tpu.memory_space<vmem>>, vector<16xf32>,
    tpu.vector_store %arg9[%swap3A_471], %broadcast_in_dim3A_3 {strides = array<i32>} : memref<4112xf32, #tpu.memory_space<vmem>>, vector<16xf32>,
    %swap3A_473 = arith.constant 3760 : index
    %swap3A_474 = tpu.vector_load %arg9[%swap3A_473] {strides = array<i32>} : memref<4112xf32, #tpu.memory_space<vmem>>, vector<16xf32>,
    tpu.vector_store %arg9[%swap3A_473], %broadcast_in_dim3A_3 {strides = array<i32>} : memref<4112xf32, #tpu.memory_space<vmem>>, vector<16xf32>,
    %swap3A_475 = arith.constant 3776 : index
    %swap3A_476 = tpu.vector_load %arg9[%swap3A_475] {strides = array<i32>} : memref<4112xf32, #tpu.memory_space<vmem>>, vector<16xf32>,
    tpu.vector_store %arg9[%swap3A_475], %broadcast_in_dim3A_3 {strides = array<i32>} : memref<4112xf32, #tpu.memory_space<vmem>>, vector<16xf32>,
    %swap3A_477 = arith.constant 3792 : index
    %swap3A_478 = tpu.vector_load %arg9[%swap3A_477] {strides = array<i32>} : memref<4112xf32, #tpu.memory_space<vmem>>, vector<16xf32>,
    tpu.vector_store %arg9[%swap3A_477], %broadcast_in_dim3A_3 {strides = array<i32>} : memref<4112xf32, #tpu.memory_space<vmem>>, vector<16xf32>,
    %swap3A_479 = arith.constant 3808 : index
    %swap3A_480 = tpu.vector_load %arg9[%swap3A_479] {strides = array<i32>} : memref<4112xf32, #tpu.memory_space<vmem>>, vector<16xf32>,
    tpu.vector_store %arg9[%swap3A_479], %broadcast_in_dim3A_3 {strides = array<i32>} : memref<4112xf32, #tpu.memory_space<vmem>>, vector<16xf32>,
    %swap3A_481 = arith.constant 3824 : index
    %swap3A_482 = tpu.vector_load %arg9[%swap3A_481] {strides = array<i32>} : memref<4112xf32, #tpu.memory_space<vmem>>, vector<16xf32>,
    tpu.vector_store %arg9[%swap3A_481], %broadcast_in_dim3A_3 {strides = array<i32>} : memref<4112xf32, #tpu.memory_space<vmem>>, vector<16xf32>,
    %swap3A_483 = arith.constant 3840 : index
    %swap3A_484 = tpu.vector_load %arg9[%swap3A_483] {strides = array<i32>} : memref<4112xf32, #tpu.memory_space<vmem>>, vector<16xf32>,
    tpu.vector_store %arg9[%swap3A_483], %broadcast_in_dim3A_3 {strides = array<i32>} : memref<4112xf32, #tpu.memory_space<vmem>>, vector<16xf32>,
    %swap3A_485 = arith.constant 3856 : index
    %swap3A_486 = tpu.vector_load %arg9[%swap3A_485] {strides = array<i32>} : memref<4112xf32, #tpu.memory_space<vmem>>, vector<16xf32>,
    tpu.vector_store %arg9[%swap3A_485], %broadcast_in_dim3A_3 {strides = array<i32>} : memref<4112xf32, #tpu.memory_space<vmem>>, vector<16xf32>,
    %swap3A_487 = arith.constant 3872 : index
    %swap3A_488 = tpu.vector_load %arg9[%swap3A_487] {strides = array<i32>} : memref<4112xf32, #tpu.memory_space<vmem>>, vector<16xf32>,
    tpu.vector_store %arg9[%swap3A_487], %broadcast_in_dim3A_3 {strides = array<i32>} : memref<4112xf32, #tpu.memory_space<vmem>>, vector<16xf32>,
    %swap3A_489 = arith.constant 3888 : index
    %swap3A_490 = tpu.vector_load %arg9[%swap3A_489] {strides = array<i32>} : memref<4112xf32, #tpu.memory_space<vmem>>, vector<16xf32>,
    tpu.vector_store %arg9[%swap3A_489], %broadcast_in_dim3A_3 {strides = array<i32>} : memref<4112xf32, #tpu.memory_space<vmem>>, vector<16xf32>,
    %swap3A_491 = arith.constant 3904 : index
    %swap3A_492 = tpu.vector_load %arg9[%swap3A_491] {strides = array<i32>} : memref<4112xf32, #tpu.memory_space<vmem>>, vector<16xf32>,
    tpu.vector_store %arg9[%swap3A_491], %broadcast_in_dim3A_3 {strides = array<i32>} : memref<4112xf32, #tpu.memory_space<vmem>>, vector<16xf32>,
    %swap3A_493 = arith.constant 3920 : index
    %swap3A_494 = tpu.vector_load %arg9[%swap3A_493] {strides = array<i32>} : memref<4112xf32, #tpu.memory_space<vmem>>, vector<16xf32>,
    tpu.vector_store %arg9[%swap3A_493], %broadcast_in_dim3A_3 {strides = array<i32>} : memref<4112xf32, #tpu.memory_space<vmem>>, vector<16xf32>,
    %swap3A_495 = arith.constant 3936 : index
    %swap3A_496 = tpu.vector_load %arg9[%swap3A_495] {strides = array<i32>} : memref<4112xf32, #tpu.memory_space<vmem>>, vector<16xf32>,
    tpu.vector_store %arg9[%swap3A_495], %broadcast_in_dim3A_3 {strides = array<i32>} : memref<4112xf32, #tpu.memory_space<vmem>>, vector<16xf32>,
    %swap3A_497 = arith.constant 3952 : index
    %swap3A_498 = tpu.vector_load %arg9[%swap3A_497] {strides = array<i32>} : memref<4112xf32, #tpu.memory_space<vmem>>, vector<16xf32>,
    tpu.vector_store %arg9[%swap3A_497], %broadcast_in_dim3A_3 {strides = array<i32>} : memref<4112xf32, #tpu.memory_space<vmem>>, vector<16xf32>,
    %swap3A_499 = arith.constant 3968 : index
    %swap3A_500 = tpu.vector_load %arg9[%swap3A_499] {strides = array<i32>} : memref<4112xf32, #tpu.memory_space<vmem>>, vector<16xf32>,
    tpu.vector_store %arg9[%swap3A_499], %broadcast_in_dim3A_3 {strides = array<i32>} : memref<4112xf32, #tpu.memory_space<vmem>>, vector<16xf32>,
    %swap3A_501 = arith.constant 3984 : index
    %swap3A_502 = tpu.vector_load %arg9[%swap3A_501] {strides = array<i32>} : memref<4112xf32, #tpu.memory_space<vmem>>, vector<16xf32>,
    tpu.vector_store %arg9[%swap3A_501], %broadcast_in_dim3A_3 {strides = array<i32>} : memref<4112xf32, #tpu.memory_space<vmem>>, vector<16xf32>,
    %swap3A_503 = arith.constant 4000 : index
    %swap3A_504 = tpu.vector_load %arg9[%swap3A_503] {strides = array<i32>} : memref<4112xf32, #tpu.memory_space<vmem>>, vector<16xf32>,
    tpu.vector_store %arg9[%swap3A_503], %broadcast_in_dim3A_3 {strides = array<i32>} : memref<4112xf32, #tpu.memory_space<vmem>>, vector<16xf32>,
    %swap3A_505 = arith.constant 4016 : index
    %swap3A_506 = tpu.vector_load %arg9[%swap3A_505] {strides = array<i32>} : memref<4112xf32, #tpu.memory_space<vmem>>, vector<16xf32>,
    tpu.vector_store %arg9[%swap3A_505], %broadcast_in_dim3A_3 {strides = array<i32>} : memref<4112xf32, #tpu.memory_space<vmem>>, vector<16xf32>,
    %swap3A_507 = arith.constant 4032 : index
    %swap3A_508 = tpu.vector_load %arg9[%swap3A_507] {strides = array<i32>} : memref<4112xf32, #tpu.memory_space<vmem>>, vector<16xf32>,
    tpu.vector_store %arg9[%swap3A_507], %broadcast_in_dim3A_3 {strides = array<i32>} : memref<4112xf32, #tpu.memory_space<vmem>>, vector<16xf32>,
    %swap3A_509 = arith.constant 4048 : index
    %swap3A_510 = tpu.vector_load %arg9[%swap3A_509] {strides = array<i32>} : memref<4112xf32, #tpu.memory_space<vmem>>, vector<16xf32>,
    tpu.vector_store %arg9[%swap3A_509], %broadcast_in_dim3A_3 {strides = array<i32>} : memref<4112xf32, #tpu.memory_space<vmem>>, vector<16xf32>,
    %swap3A_511 = arith.constant 4064 : index
    %swap3A_512 = tpu.vector_load %arg9[%swap3A_511] {strides = array<i32>} : memref<4112xf32, #tpu.memory_space<vmem>>, vector<16xf32>,
    tpu.vector_store %arg9[%swap3A_511], %broadcast_in_dim3A_3 {strides = array<i32>} : memref<4112xf32, #tpu.memory_space<vmem>>, vector<16xf32>,
    %swap3A_513 = arith.constant 4080 : index
    %swap3A_514 = tpu.vector_load %arg9[%swap3A_513] {strides = array<i32>} : memref<4112xf32, #tpu.memory_space<vmem>>, vector<16xf32>,
    tpu.vector_store %arg9[%swap3A_513], %broadcast_in_dim3A_3 {strides = array<i32>} : memref<4112xf32, #tpu.memory_space<vmem>>, vector<16xf32>,
    %swap3A_515 = arith.constant 4096 : index
    %swap3A_516 = tpu.vector_load %arg9[%swap3A_515] {strides = array<i32>} : memref<4112xf32, #tpu.memory_space<vmem>>, vector<16xf32>,
    tpu.vector_store %arg9[%swap3A_515], %broadcast_in_dim3A_3 {strides = array<i32>} : memref<4112xf32, #tpu.memory_space<vmem>>, vector<16xf32>,
    %broadcast_in_dim3A_517 = arith.constant 0.000000e+00 : f32
    %broadcast_in_dim3A_518 = vector.broadcast %broadcast_in_dim3A_517 : f32 to vector<16xf32>
    %get3A = arith.constant 0 : index
    %get3A_519 = tpu.vector_load %arg10[%get3A] {strides = array<i32>} : memref<624xi32, #tpu.memory_space<vmem>>, vector<16xi32>,
    tpu.vector_store_idx %arg9[%get3A_519], %broadcast_in_dim3A_518 : memref<4112xf32, #tpu.memory_space<vmem>>[vector<16xi32>], vector<16xf32>,
    %get3A_520 = arith.constant 16 : index
    %get3A_521 = tpu.vector_load %arg10[%get3A_520] {strides = array<i32>} : memref<624xi32, #tpu.memory_space<vmem>>, vector<16xi32>,
    tpu.vector_store_idx %arg9[%get3A_521], %broadcast_in_dim3A_518 : memref<4112xf32, #tpu.memory_space<vmem>>[vector<16xi32>], vector<16xf32>,
    %get3A_522 = arith.constant 32 : index
    %get3A_523 = tpu.vector_load %arg10[%get3A_522] {strides = array<i32>} : memref<624xi32, #tpu.memory_space<vmem>>, vector<16xi32>,
    tpu.vector_store_idx %arg9[%get3A_523], %broadcast_in_dim3A_518 : memref<4112xf32, #tpu.memory_space<vmem>>[vector<16xi32>], vector<16xf32>,
    %get3A_524 = arith.constant 48 : index
    %get3A_525 = tpu.vector_load %arg10[%get3A_524] {strides = array<i32>} : memref<624xi32, #tpu.memory_space<vmem>>, vector<16xi32>,
    tpu.vector_store_idx %arg9[%get3A_525], %broadcast_in_dim3A_518 : memref<4112xf32, #tpu.memory_space<vmem>>[vector<16xi32>], vector<16xf32>,
    %get3A_526 = arith.constant 64 : index
    %get3A_527 = tpu.vector_load %arg10[%get3A_526] {strides = array<i32>} : memref<624xi32, #tpu.memory_space<vmem>>, vector<16xi32>,
    tpu.vector_store_idx %arg9[%get3A_527], %broadcast_in_dim3A_518 : memref<4112xf32, #tpu.memory_space<vmem>>[vector<16xi32>], vector<16xf32>,
    %get3A_528 = arith.constant 80 : index
    %get3A_529 = tpu.vector_load %arg10[%get3A_528] {strides = array<i32>} : memref<624xi32, #tpu.memory_space<vmem>>, vector<16xi32>,
    tpu.vector_store_idx %arg9[%get3A_529], %broadcast_in_dim3A_518 : memref<4112xf32, #tpu.memory_space<vmem>>[vector<16xi32>], vector<16xf32>,
    %get3A_530 = arith.constant 96 : index
    %get3A_531 = tpu.vector_load %arg10[%get3A_530] {strides = array<i32>} : memref<624xi32, #tpu.memory_space<vmem>>, vector<16xi32>,
    tpu.vector_store_idx %arg9[%get3A_531], %broadcast_in_dim3A_518 : memref<4112xf32, #tpu.memory_space<vmem>>[vector<16xi32>], vector<16xf32>,
    %get3A_532 = arith.constant 112 : index
    %get3A_533 = tpu.vector_load %arg10[%get3A_532] {strides = array<i32>} : memref<624xi32, #tpu.memory_space<vmem>>, vector<16xi32>,
    tpu.vector_store_idx %arg9[%get3A_533], %broadcast_in_dim3A_518 : memref<4112xf32, #tpu.memory_space<vmem>>[vector<16xi32>], vector<16xf32>,
    %get3A_534 = arith.constant 128 : index
    %get3A_535 = tpu.vector_load %arg10[%get3A_534] {strides = array<i32>} : memref<624xi32, #tpu.memory_space<vmem>>, vector<16xi32>,
    tpu.vector_store_idx %arg9[%get3A_535], %broadcast_in_dim3A_518 : memref<4112xf32, #tpu.memory_space<vmem>>[vector<16xi32>], vector<16xf32>,
    %get3A_536 = arith.constant 144 : index
    %get3A_537 = tpu.vector_load %arg10[%get3A_536] {strides = array<i32>} : memref<624xi32, #tpu.memory_space<vmem>>, vector<16xi32>,
    tpu.vector_store_idx %arg9[%get3A_537], %broadcast_in_dim3A_518 : memref<4112xf32, #tpu.memory_space<vmem>>[vector<16xi32>], vector<16xf32>,
    %get3A_538 = arith.constant 160 : index
    %get3A_539 = tpu.vector_load %arg10[%get3A_538] {strides = array<i32>} : memref<624xi32, #tpu.memory_space<vmem>>, vector<16xi32>,
    tpu.vector_store_idx %arg9[%get3A_539], %broadcast_in_dim3A_518 : memref<4112xf32, #tpu.memory_space<vmem>>[vector<16xi32>], vector<16xf32>,
    %get3A_540 = arith.constant 176 : index
    %get3A_541 = tpu.vector_load %arg10[%get3A_540] {strides = array<i32>} : memref<624xi32, #tpu.memory_space<vmem>>, vector<16xi32>,
    tpu.vector_store_idx %arg9[%get3A_541], %broadcast_in_dim3A_518 : memref<4112xf32, #tpu.memory_space<vmem>>[vector<16xi32>], vector<16xf32>,
    %get3A_542 = arith.constant 192 : index
    %get3A_543 = tpu.vector_load %arg10[%get3A_542] {strides = array<i32>} : memref<624xi32, #tpu.memory_space<vmem>>, vector<16xi32>,
    tpu.vector_store_idx %arg9[%get3A_543], %broadcast_in_dim3A_518 : memref<4112xf32, #tpu.memory_space<vmem>>[vector<16xi32>], vector<16xf32>,
    %get3A_544 = arith.constant 208 : index
    %get3A_545 = tpu.vector_load %arg10[%get3A_544] {strides = array<i32>} : memref<624xi32, #tpu.memory_space<vmem>>, vector<16xi32>,
    tpu.vector_store_idx %arg9[%get3A_545], %broadcast_in_dim3A_518 : memref<4112xf32, #tpu.memory_space<vmem>>[vector<16xi32>], vector<16xf32>,
    %get3A_546 = arith.constant 224 : index
    %get3A_547 = tpu.vector_load %arg10[%get3A_546] {strides = array<i32>} : memref<624xi32, #tpu.memory_space<vmem>>, vector<16xi32>,
    tpu.vector_store_idx %arg9[%get3A_547], %broadcast_in_dim3A_518 : memref<4112xf32, #tpu.memory_space<vmem>>[vector<16xi32>], vector<16xf32>,
    %get3A_548 = arith.constant 240 : index
    %get3A_549 = tpu.vector_load %arg10[%get3A_548] {strides = array<i32>} : memref<624xi32, #tpu.memory_space<vmem>>, vector<16xi32>,
    tpu.vector_store_idx %arg9[%get3A_549], %broadcast_in_dim3A_518 : memref<4112xf32, #tpu.memory_space<vmem>>[vector<16xi32>], vector<16xf32>,
    %get3A_550 = arith.constant 256 : index
    %get3A_551 = tpu.vector_load %arg10[%get3A_550] {strides = array<i32>} : memref<624xi32, #tpu.memory_space<vmem>>, vector<16xi32>,
    tpu.vector_store_idx %arg9[%get3A_551], %broadcast_in_dim3A_518 : memref<4112xf32, #tpu.memory_space<vmem>>[vector<16xi32>], vector<16xf32>,
    %get3A_552 = arith.constant 272 : index
    %get3A_553 = tpu.vector_load %arg10[%get3A_552] {strides = array<i32>} : memref<624xi32, #tpu.memory_space<vmem>>, vector<16xi32>,
    tpu.vector_store_idx %arg9[%get3A_553], %broadcast_in_dim3A_518 : memref<4112xf32, #tpu.memory_space<vmem>>[vector<16xi32>], vector<16xf32>,
    %get3A_554 = arith.constant 288 : index
    %get3A_555 = tpu.vector_load %arg10[%get3A_554] {strides = array<i32>} : memref<624xi32, #tpu.memory_space<vmem>>, vector<16xi32>,
    tpu.vector_store_idx %arg9[%get3A_555], %broadcast_in_dim3A_518 : memref<4112xf32, #tpu.memory_space<vmem>>[vector<16xi32>], vector<16xf32>,
    %get3A_556 = arith.constant 304 : index
    %get3A_557 = tpu.vector_load %arg10[%get3A_556] {strides = array<i32>} : memref<624xi32, #tpu.memory_space<vmem>>, vector<16xi32>,
    tpu.vector_store_idx %arg9[%get3A_557], %broadcast_in_dim3A_518 : memref<4112xf32, #tpu.memory_space<vmem>>[vector<16xi32>], vector<16xf32>,
    %get3A_558 = arith.constant 320 : index
    %get3A_559 = tpu.vector_load %arg10[%get3A_558] {strides = array<i32>} : memref<624xi32, #tpu.memory_space<vmem>>, vector<16xi32>,
    tpu.vector_store_idx %arg9[%get3A_559], %broadcast_in_dim3A_518 : memref<4112xf32, #tpu.memory_space<vmem>>[vector<16xi32>], vector<16xf32>,
    %get3A_560 = arith.constant 336 : index
    %get3A_561 = tpu.vector_load %arg10[%get3A_560] {strides = array<i32>} : memref<624xi32, #tpu.memory_space<vmem>>, vector<16xi32>,
    tpu.vector_store_idx %arg9[%get3A_561], %broadcast_in_dim3A_518 : memref<4112xf32, #tpu.memory_space<vmem>>[vector<16xi32>], vector<16xf32>,
    %get3A_562 = arith.constant 352 : index
    %get3A_563 = tpu.vector_load %arg10[%get3A_562] {strides = array<i32>} : memref<624xi32, #tpu.memory_space<vmem>>, vector<16xi32>,
    tpu.vector_store_idx %arg9[%get3A_563], %broadcast_in_dim3A_518 : memref<4112xf32, #tpu.memory_space<vmem>>[vector<16xi32>], vector<16xf32>,
    %get3A_564 = arith.constant 368 : index
    %get3A_565 = tpu.vector_load %arg10[%get3A_564] {strides = array<i32>} : memref<624xi32, #tpu.memory_space<vmem>>, vector<16xi32>,
    tpu.vector_store_idx %arg9[%get3A_565], %broadcast_in_dim3A_518 : memref<4112xf32, #tpu.memory_space<vmem>>[vector<16xi32>], vector<16xf32>,
    %get3A_566 = arith.constant 384 : index
    %get3A_567 = tpu.vector_load %arg10[%get3A_566] {strides = array<i32>} : memref<624xi32, #tpu.memory_space<vmem>>, vector<16xi32>,
    tpu.vector_store_idx %arg9[%get3A_567], %broadcast_in_dim3A_518 : memref<4112xf32, #tpu.memory_space<vmem>>[vector<16xi32>], vector<16xf32>,
    %get3A_568 = arith.constant 400 : index
    %get3A_569 = tpu.vector_load %arg10[%get3A_568] {strides = array<i32>} : memref<624xi32, #tpu.memory_space<vmem>>, vector<16xi32>,
    tpu.vector_store_idx %arg9[%get3A_569], %broadcast_in_dim3A_518 : memref<4112xf32, #tpu.memory_space<vmem>>[vector<16xi32>], vector<16xf32>,
    %get3A_570 = arith.constant 416 : index
    %get3A_571 = tpu.vector_load %arg10[%get3A_570] {strides = array<i32>} : memref<624xi32, #tpu.memory_space<vmem>>, vector<16xi32>,
    tpu.vector_store_idx %arg9[%get3A_571], %broadcast_in_dim3A_518 : memref<4112xf32, #tpu.memory_space<vmem>>[vector<16xi32>], vector<16xf32>,
    %get3A_572 = arith.constant 432 : index
    %get3A_573 = tpu.vector_load %arg10[%get3A_572] {strides = array<i32>} : memref<624xi32, #tpu.memory_space<vmem>>, vector<16xi32>,
    tpu.vector_store_idx %arg9[%get3A_573], %broadcast_in_dim3A_518 : memref<4112xf32, #tpu.memory_space<vmem>>[vector<16xi32>], vector<16xf32>,
    %get3A_574 = arith.constant 448 : index
    %get3A_575 = tpu.vector_load %arg10[%get3A_574] {strides = array<i32>} : memref<624xi32, #tpu.memory_space<vmem>>, vector<16xi32>,
    tpu.vector_store_idx %arg9[%get3A_575], %broadcast_in_dim3A_518 : memref<4112xf32, #tpu.memory_space<vmem>>[vector<16xi32>], vector<16xf32>,
    %get3A_576 = arith.constant 464 : index
    %get3A_577 = tpu.vector_load %arg10[%get3A_576] {strides = array<i32>} : memref<624xi32, #tpu.memory_space<vmem>>, vector<16xi32>,
    tpu.vector_store_idx %arg9[%get3A_577], %broadcast_in_dim3A_518 : memref<4112xf32, #tpu.memory_space<vmem>>[vector<16xi32>], vector<16xf32>,
    %get3A_578 = arith.constant 480 : index
    %get3A_579 = tpu.vector_load %arg10[%get3A_578] {strides = array<i32>} : memref<624xi32, #tpu.memory_space<vmem>>, vector<16xi32>,
    tpu.vector_store_idx %arg9[%get3A_579], %broadcast_in_dim3A_518 : memref<4112xf32, #tpu.memory_space<vmem>>[vector<16xi32>], vector<16xf32>,
    %get3A_580 = arith.constant 496 : index
    %get3A_581 = tpu.vector_load %arg10[%get3A_580] {strides = array<i32>} : memref<624xi32, #tpu.memory_space<vmem>>, vector<16xi32>,
    tpu.vector_store_idx %arg9[%get3A_581], %broadcast_in_dim3A_518 : memref<4112xf32, #tpu.memory_space<vmem>>[vector<16xi32>], vector<16xf32>,
    %get3A_582 = arith.constant 512 : index
    %get3A_583 = tpu.vector_load %arg10[%get3A_582] {strides = array<i32>} : memref<624xi32, #tpu.memory_space<vmem>>, vector<16xi32>,
    tpu.vector_store_idx %arg9[%get3A_583], %broadcast_in_dim3A_518 : memref<4112xf32, #tpu.memory_space<vmem>>[vector<16xi32>], vector<16xf32>,
    %get3A_584 = arith.constant 528 : index
    %get3A_585 = tpu.vector_load %arg10[%get3A_584] {strides = array<i32>} : memref<624xi32, #tpu.memory_space<vmem>>, vector<16xi32>,
    tpu.vector_store_idx %arg9[%get3A_585], %broadcast_in_dim3A_518 : memref<4112xf32, #tpu.memory_space<vmem>>[vector<16xi32>], vector<16xf32>,
    %get3A_586 = arith.constant 544 : index
    %get3A_587 = tpu.vector_load %arg10[%get3A_586] {strides = array<i32>} : memref<624xi32, #tpu.memory_space<vmem>>, vector<16xi32>,
    tpu.vector_store_idx %arg9[%get3A_587], %broadcast_in_dim3A_518 : memref<4112xf32, #tpu.memory_space<vmem>>[vector<16xi32>], vector<16xf32>,
    %get3A_588 = arith.constant 560 : index
    %get3A_589 = tpu.vector_load %arg10[%get3A_588] {strides = array<i32>} : memref<624xi32, #tpu.memory_space<vmem>>, vector<16xi32>,
    tpu.vector_store_idx %arg9[%get3A_589], %broadcast_in_dim3A_518 : memref<4112xf32, #tpu.memory_space<vmem>>[vector<16xi32>], vector<16xf32>,
    %get3A_590 = arith.constant 576 : index
    %get3A_591 = tpu.vector_load %arg10[%get3A_590] {strides = array<i32>} : memref<624xi32, #tpu.memory_space<vmem>>, vector<16xi32>,
    tpu.vector_store_idx %arg9[%get3A_591], %broadcast_in_dim3A_518 : memref<4112xf32, #tpu.memory_space<vmem>>[vector<16xi32>], vector<16xf32>,
    %get3A_592 = arith.constant 592 : index
    %get3A_593 = tpu.vector_load %arg10[%get3A_592] {strides = array<i32>} : memref<624xi32, #tpu.memory_space<vmem>>, vector<16xi32>,
    tpu.vector_store_idx %arg9[%get3A_593], %broadcast_in_dim3A_518 : memref<4112xf32, #tpu.memory_space<vmem>>[vector<16xi32>], vector<16xf32>,
    %get3A_594 = arith.constant 608 : index
    %get3A_595 = tpu.vector_load %arg10[%get3A_594] {strides = array<i32>} : memref<624xi32, #tpu.memory_space<vmem>>, vector<16xi32>,
    tpu.vector_store_idx %arg9[%get3A_595], %broadcast_in_dim3A_518 : memref<4112xf32, #tpu.memory_space<vmem>>[vector<16xi32>], vector<16xf32>,
    %add3A_596 = arith.constant 0 : i32
    %add3A_597 = arith.addi %mul3A_2, %add3A_596 : i32
    %dma_start3A = arith.constant 0 : i32
    %dma_start3A_598 = tpu.memref_slice %arg2[%add3A_597, %dma_start3A] : memref<4096x4096xf32, #tpu.memory_space<hbm>> -> memref<4x4096xf32, #tpu.memory_space<hbm>>
    %dma_start3A_599 = arith.constant 0 : i32
    %dma_start3A_600 = tpu.memref_slice %arg2[%add3A_597, %dma_start3A_599] : memref<4096x4096xf32, #tpu.memory_space<hbm>> -> memref<4x4096xf32, #tpu.memory_space<hbm>>
    tpu.enqueue_dma source(%dma_start3A_600 : memref<4x4096xf32, #tpu.memory_space<hbm>>) target(%arg5 : memref<4x4096xf32, #tpu.memory_space<vmem>>) target_semaphore(%arg11 : memref<!tpu.dma_semaphore, #tpu.memory_space<semaphore_mem>>)
    %add3A_601 = arith.constant 4 : i32
    %add3A_602 = arith.addi %mul3A_2, %add3A_601 : i32
    %dma_start3A_603 = arith.constant 0 : i32
    %dma_start3A_604 = tpu.memref_slice %arg2[%add3A_602, %dma_start3A_603] : memref<4096x4096xf32, #tpu.memory_space<hbm>> -> memref<4x4096xf32, #tpu.memory_space<hbm>>
    %dma_start3A_605 = arith.constant 0 : i32
    %dma_start3A_606 = tpu.memref_slice %arg2[%add3A_602, %dma_start3A_605] : memref<4096x4096xf32, #tpu.memory_space<hbm>> -> memref<4x4096xf32, #tpu.memory_space<hbm>>
    tpu.enqueue_dma source(%dma_start3A_606 : memref<4x4096xf32, #tpu.memory_space<hbm>>) target(%arg6 : memref<4x4096xf32, #tpu.memory_space<vmem>>) target_semaphore(%arg12 : memref<!tpu.dma_semaphore, #tpu.memory_space<semaphore_mem>>)
    %dma_wait3A = arith.constant 0 : i32
    %dma_wait3A_607 = tpu.memref_slice %arg2[%add3A_597, %dma_wait3A] : memref<4096x4096xf32, #tpu.memory_space<hbm>> -> memref<4x4096xf32, #tpu.memory_space<hbm>>
    %dma_wait3A_608 = arith.constant 0 : i32
    %dma_wait3A_609 = tpu.memref_slice %arg2[%add3A_597, %dma_wait3A_608] : memref<4096x4096xf32, #tpu.memory_space<hbm>> -> memref<4x4096xf32, #tpu.memory_space<hbm>>
    tpu.wait_dma2 semaphore(%arg11 : memref<!tpu.dma_semaphore, #tpu.memory_space<semaphore_mem>>) src(%dma_wait3A_609 : memref<4x4096xf32, #tpu.memory_space<hbm>>) dst(%arg5 : memref<4x4096xf32, #tpu.memory_space<vmem>>)
    %scan3A = arith.constant 0 : i32
    %scan3A_610 = arith.constant 0 : i32
    %scan3A_611 = arith.constant 256 : i32
    %scan3A_612 = arith.addi %scan3A_610, %scan3A_611 : i32
    %scan3A_613 = arith.constant 1 : i32
    %scan3A_614 = scf.for %scan3A_1457 = %scan3A_610 to %scan3A_612 step %scan3A_613 iter_args(%scan3A_1458 = %scan3A) -> (i32)  : i32 {
      %mul3A_1459 = arith.constant 16 : i32
      %mul3A_1460 = arith.muli %scan3A_1457, %mul3A_1459 : i32
      %get3A_1461 = arith.index_cast %mul3A_1460 : i32 to index
      %get3A_1462 = tpu.vector_load %arg9[%get3A_1461] {strides = array<i32>} : memref<4112xf32, #tpu.memory_space<vmem>>, vector<16xf32>,
      %get3A_1463 = arith.constant 0 : i32
      %get3A_1464 = arith.index_cast %get3A_1463 : i32 to index
      %get3A_1465 = arith.index_cast %mul3A_1460 : i32 to index
      %get3A_1466 = tpu.vector_load %arg5[%get3A_1464, %get3A_1465] {strides = array<i32>} : memref<4x4096xf32, #tpu.memory_space<vmem>>, vector<16xf32>,
      %mul3A_1467 = arith.mulf %get3A_1466, %get3A_1462 : vector<16xf32>
      %swap3A_1468 = arith.constant 0 : i32
      %swap3A_1469 = arith.index_cast %swap3A_1468 : i32 to index
      %swap3A_1470 = arith.index_cast %mul3A_1460 : i32 to index
      %swap3A_1471 = tpu.vector_load %arg7[%swap3A_1469, %swap3A_1470] {strides = array<i32>} : memref<4x4096xf32, #tpu.memory_space<vmem>>, vector<16xf32>,
      tpu.vector_store %arg7[%swap3A_1469, %swap3A_1470], %mul3A_1467 {strides = array<i32>} : memref<4x4096xf32, #tpu.memory_space<vmem>>, vector<16xf32>,
      %get3A_1472 = arith.constant 1 : i32
      %get3A_1473 = arith.index_cast %get3A_1472 : i32 to index
      %get3A_1474 = arith.index_cast %mul3A_1460 : i32 to index
      %get3A_1475 = tpu.vector_load %arg5[%get3A_1473, %get3A_1474] {strides = array<i32>} : memref<4x4096xf32, #tpu.memory_space<vmem>>, vector<16xf32>,
      %mul3A_1476 = arith.mulf %get3A_1475, %get3A_1462 : vector<16xf32>
      %swap3A_1477 = arith.constant 1 : i32
      %swap3A_1478 = arith.index_cast %swap3A_1477 : i32 to index
      %swap3A_1479 = arith.index_cast %mul3A_1460 : i32 to index
      %swap3A_1480 = tpu.vector_load %arg7[%swap3A_1478, %swap3A_1479] {strides = array<i32>} : memref<4x4096xf32, #tpu.memory_space<vmem>>, vector<16xf32>,
      tpu.vector_store %arg7[%swap3A_1478, %swap3A_1479], %mul3A_1476 {strides = array<i32>} : memref<4x4096xf32, #tpu.memory_space<vmem>>, vector<16xf32>,
      %get3A_1481 = arith.constant 2 : i32
      %get3A_1482 = arith.index_cast %get3A_1481 : i32 to index
      %get3A_1483 = arith.index_cast %mul3A_1460 : i32 to index
      %get3A_1484 = tpu.vector_load %arg5[%get3A_1482, %get3A_1483] {strides = array<i32>} : memref<4x4096xf32, #tpu.memory_space<vmem>>, vector<16xf32>,
      %mul3A_1485 = arith.mulf %get3A_1484, %get3A_1462 : vector<16xf32>
      %swap3A_1486 = arith.constant 2 : i32
      %swap3A_1487 = arith.index_cast %swap3A_1486 : i32 to index
      %swap3A_1488 = arith.index_cast %mul3A_1460 : i32 to index
      %swap3A_1489 = tpu.vector_load %arg7[%swap3A_1487, %swap3A_1488] {strides = array<i32>} : memref<4x4096xf32, #tpu.memory_space<vmem>>, vector<16xf32>,
      tpu.vector_store %arg7[%swap3A_1487, %swap3A_1488], %mul3A_1485 {strides = array<i32>} : memref<4x4096xf32, #tpu.memory_space<vmem>>, vector<16xf32>,
      %get3A_1490 = arith.constant 3 : i32
      %get3A_1491 = arith.index_cast %get3A_1490 : i32 to index
      %get3A_1492 = arith.index_cast %mul3A_1460 : i32 to index
      %get3A_1493 = tpu.vector_load %arg5[%get3A_1491, %get3A_1492] {strides = array<i32>} : memref<4x4096xf32, #tpu.memory_space<vmem>>, vector<16xf32>,
      %mul3A_1494 = arith.mulf %get3A_1493, %get3A_1462 : vector<16xf32>
      %swap3A_1495 = arith.constant 3 : i32
      %swap3A_1496 = arith.index_cast %swap3A_1495 : i32 to index
      %swap3A_1497 = arith.index_cast %mul3A_1460 : i32 to index
      %swap3A_1498 = tpu.vector_load %arg7[%swap3A_1496, %swap3A_1497] {strides = array<i32>} : memref<4x4096xf32, #tpu.memory_space<vmem>>, vector<16xf32>,
      tpu.vector_store %arg7[%swap3A_1496, %swap3A_1497], %mul3A_1494 {strides = array<i32>} : memref<4x4096xf32, #tpu.memory_space<vmem>>, vector<16xf32>,
      %scan3A_1499 = arith.constant 0 : i32
      scf.yield %scan3A_1499 : i32
    }
    %scan3A_615 = arith.constant 256 : i32
    %add3A_616 = arith.constant 0 : i32
    %add3A_617 = arith.addi %mul3A_2, %add3A_616 : i32
    %dma_start3A_618 = arith.constant 0 : i32
    %dma_start3A_619 = tpu.memref_slice %arg4[%add3A_617, %dma_start3A_618] : memref<4096x4096xf32, #tpu.memory_space<hbm>> -> memref<4x4096xf32, #tpu.memory_space<hbm>>
    %dma_start3A_620 = arith.constant 0 : i32
    %dma_start3A_621 = tpu.memref_slice %arg4[%add3A_617, %dma_start3A_620] : memref<4096x4096xf32, #tpu.memory_space<hbm>> -> memref<4x4096xf32, #tpu.memory_space<hbm>>
    tpu.enqueue_dma source(%arg7 : memref<4x4096xf32, #tpu.memory_space<vmem>>) target(%dma_start3A_621 : memref<4x4096xf32, #tpu.memory_space<hbm>>) target_semaphore(%arg13 : memref<!tpu.dma_semaphore, #tpu.memory_space<semaphore_mem>>)
    %add3A_622 = arith.constant 8 : i32
    %add3A_623 = arith.addi %mul3A_2, %add3A_622 : i32
    %dma_start3A_624 = arith.constant 0 : i32
    %dma_start3A_625 = tpu.memref_slice %arg2[%add3A_623, %dma_start3A_624] : memref<4096x4096xf32, #tpu.memory_space<hbm>> -> memref<4x4096xf32, #tpu.memory_space<hbm>>
    %dma_start3A_626 = arith.constant 0 : i32
    %dma_start3A_627 = tpu.memref_slice %arg2[%add3A_623, %dma_start3A_626] : memref<4096x4096xf32, #tpu.memory_space<hbm>> -> memref<4x4096xf32, #tpu.memory_space<hbm>>
    tpu.enqueue_dma source(%dma_start3A_627 : memref<4x4096xf32, #tpu.memory_space<hbm>>) target(%arg5 : memref<4x4096xf32, #tpu.memory_space<vmem>>) target_semaphore(%arg11 : memref<!tpu.dma_semaphore, #tpu.memory_space<semaphore_mem>>)
    %dma_wait3A_628 = arith.constant 0 : i32
    %dma_wait3A_629 = tpu.memref_slice %arg2[%add3A_602, %dma_wait3A_628] : memref<4096x4096xf32, #tpu.memory_space<hbm>> -> memref<4x4096xf32, #tpu.memory_space<hbm>>
    %dma_wait3A_630 = arith.constant 0 : i32
    %dma_wait3A_631 = tpu.memref_slice %arg2[%add3A_602, %dma_wait3A_630] : memref<4096x4096xf32, #tpu.memory_space<hbm>> -> memref<4x4096xf32, #tpu.memory_space<hbm>>
    tpu.wait_dma2 semaphore(%arg12 : memref<!tpu.dma_semaphore, #tpu.memory_space<semaphore_mem>>) src(%dma_wait3A_631 : memref<4x4096xf32, #tpu.memory_space<hbm>>) dst(%arg6 : memref<4x4096xf32, #tpu.memory_space<vmem>>)
    %scan3A_632 = arith.constant 0 : i32
    %scan3A_633 = arith.constant 0 : i32
    %scan3A_634 = arith.constant 256 : i32
    %scan3A_635 = arith.addi %scan3A_633, %scan3A_634 : i32
    %scan3A_636 = arith.constant 1 : i32
    %scan3A_637 = scf.for %scan3A_1457 = %scan3A_633 to %scan3A_635 step %scan3A_636 iter_args(%scan3A_1458 = %scan3A_632) -> (i32)  : i32 {
      %mul3A_1459 = arith.constant 16 : i32
      %mul3A_1460 = arith.muli %scan3A_1457, %mul3A_1459 : i32
      %get3A_1461 = arith.index_cast %mul3A_1460 : i32 to index
      %get3A_1462 = tpu.vector_load %arg9[%get3A_1461] {strides = array<i32>} : memref<4112xf32, #tpu.memory_space<vmem>>, vector<16xf32>,
      %get3A_1463 = arith.constant 0 : i32
      %get3A_1464 = arith.index_cast %get3A_1463 : i32 to index
      %get3A_1465 = arith.index_cast %mul3A_1460 : i32 to index
      %get3A_1466 = tpu.vector_load %arg6[%get3A_1464, %get3A_1465] {strides = array<i32>} : memref<4x4096xf32, #tpu.memory_space<vmem>>, vector<16xf32>,
      %mul3A_1467 = arith.mulf %get3A_1466, %get3A_1462 : vector<16xf32>
      %swap3A_1468 = arith.constant 0 : i32
      %swap3A_1469 = arith.index_cast %swap3A_1468 : i32 to index
      %swap3A_1470 = arith.index_cast %mul3A_1460 : i32 to index
      %swap3A_1471 = tpu.vector_load %arg8[%swap3A_1469, %swap3A_1470] {strides = array<i32>} : memref<4x4096xf32, #tpu.memory_space<vmem>>, vector<16xf32>,
      tpu.vector_store %arg8[%swap3A_1469, %swap3A_1470], %mul3A_1467 {strides = array<i32>} : memref<4x4096xf32, #tpu.memory_space<vmem>>, vector<16xf32>,
      %get3A_1472 = arith.constant 1 : i32
      %get3A_1473 = arith.index_cast %get3A_1472 : i32 to index
      %get3A_1474 = arith.index_cast %mul3A_1460 : i32 to index
      %get3A_1475 = tpu.vector_load %arg6[%get3A_1473, %get3A_1474] {strides = array<i32>} : memref<4x4096xf32, #tpu.memory_space<vmem>>, vector<16xf32>,
      %mul3A_1476 = arith.mulf %get3A_1475, %get3A_1462 : vector<16xf32>
      %swap3A_1477 = arith.constant 1 : i32
      %swap3A_1478 = arith.index_cast %swap3A_1477 : i32 to index
      %swap3A_1479 = arith.index_cast %mul3A_1460 : i32 to index
      %swap3A_1480 = tpu.vector_load %arg8[%swap3A_1478, %swap3A_1479] {strides = array<i32>} : memref<4x4096xf32, #tpu.memory_space<vmem>>, vector<16xf32>,
      tpu.vector_store %arg8[%swap3A_1478, %swap3A_1479], %mul3A_1476 {strides = array<i32>} : memref<4x4096xf32, #tpu.memory_space<vmem>>, vector<16xf32>,
      %get3A_1481 = arith.constant 2 : i32
      %get3A_1482 = arith.index_cast %get3A_1481 : i32 to index
      %get3A_1483 = arith.index_cast %mul3A_1460 : i32 to index
      %get3A_1484 = tpu.vector_load %arg6[%get3A_1482, %get3A_1483] {strides = array<i32>} : memref<4x4096xf32, #tpu.memory_space<vmem>>, vector<16xf32>,
      %mul3A_1485 = arith.mulf %get3A_1484, %get3A_1462 : vector<16xf32>
      %swap3A_1486 = arith.constant 2 : i32
      %swap3A_1487 = arith.index_cast %swap3A_1486 : i32 to index
      %swap3A_1488 = arith.index_cast %mul3A_1460 : i32 to index
      %swap3A_1489 = tpu.vector_load %arg8[%swap3A_1487, %swap3A_1488] {strides = array<i32>} : memref<4x4096xf32, #tpu.memory_space<vmem>>, vector<16xf32>,
      tpu.vector_store %arg8[%swap3A_1487, %swap3A_1488], %mul3A_1485 {strides = array<i32>} : memref<4x4096xf32, #tpu.memory_space<vmem>>, vector<16xf32>,
      %get3A_1490 = arith.constant 3 : i32
      %get3A_1491 = arith.index_cast %get3A_1490 : i32 to index
      %get3A_1492 = arith.index_cast %mul3A_1460 : i32 to index
      %get3A_1493 = tpu.vector_load %arg6[%get3A_1491, %get3A_1492] {strides = array<i32>} : memref<4x4096xf32, #tpu.memory_space<vmem>>, vector<16xf32>,
      %mul3A_1494 = arith.mulf %get3A_1493, %get3A_1462 : vector<16xf32>
      %swap3A_1495 = arith.constant 3 : i32
      %swap3A_1496 = arith.index_cast %swap3A_1495 : i32 to index
      %swap3A_1497 = arith.index_cast %mul3A_1460 : i32 to index
      %swap3A_1498 = tpu.vector_load %arg8[%swap3A_1496, %swap3A_1497] {strides = array<i32>} : memref<4x4096xf32, #tpu.memory_space<vmem>>, vector<16xf32>,
      tpu.vector_store %arg8[%swap3A_1496, %swap3A_1497], %mul3A_1494 {strides = array<i32>} : memref<4x4096xf32, #tpu.memory_space<vmem>>, vector<16xf32>,
      %scan3A_1499 = arith.constant 0 : i32
      scf.yield %scan3A_1499 : i32
    }
    %scan3A_638 = arith.constant 256 : i32
    %add3A_639 = arith.constant 4 : i32
    %add3A_640 = arith.addi %mul3A_2, %add3A_639 : i32
    %dma_start3A_641 = arith.constant 0 : i32
    %dma_start3A_642 = tpu.memref_slice %arg4[%add3A_640, %dma_start3A_641] : memref<4096x4096xf32, #tpu.memory_space<hbm>> -> memref<4x4096xf32, #tpu.memory_space<hbm>>
    %dma_start3A_643 = arith.constant 0 : i32
    %dma_start3A_644 = tpu.memref_slice %arg4[%add3A_640, %dma_start3A_643] : memref<4096x4096xf32, #tpu.memory_space<hbm>> -> memref<4x4096xf32, #tpu.memory_space<hbm>>
    tpu.enqueue_dma source(%arg8 : memref<4x4096xf32, #tpu.memory_space<vmem>>) target(%dma_start3A_644 : memref<4x4096xf32, #tpu.memory_space<hbm>>) target_semaphore(%arg14 : memref<!tpu.dma_semaphore, #tpu.memory_space<semaphore_mem>>)
    %add3A_645 = arith.constant 12 : i32
    %add3A_646 = arith.addi %mul3A_2, %add3A_645 : i32
    %dma_start3A_647 = arith.constant 0 : i32
    %dma_start3A_648 = tpu.memref_slice %arg2[%add3A_646, %dma_start3A_647] : memref<4096x4096xf32, #tpu.memory_space<hbm>> -> memref<4x4096xf32, #tpu.memory_space<hbm>>
    %dma_start3A_649 = arith.constant 0 : i32
    %dma_start3A_650 = tpu.memref_slice %arg2[%add3A_646, %dma_start3A_649] : memref<4096x4096xf32, #tpu.memory_space<hbm>> -> memref<4x4096xf32, #tpu.memory_space<hbm>>
    tpu.enqueue_dma source(%dma_start3A_650 : memref<4x4096xf32, #tpu.memory_space<hbm>>) target(%arg6 : memref<4x4096xf32, #tpu.memory_space<vmem>>) target_semaphore(%arg12 : memref<!tpu.dma_semaphore, #tpu.memory_space<semaphore_mem>>)
    %dma_wait3A_651 = arith.constant 0 : i32
    %dma_wait3A_652 = tpu.memref_slice %arg2[%add3A_623, %dma_wait3A_651] : memref<4096x4096xf32, #tpu.memory_space<hbm>> -> memref<4x4096xf32, #tpu.memory_space<hbm>>
    %dma_wait3A_653 = arith.constant 0 : i32
    %dma_wait3A_654 = tpu.memref_slice %arg2[%add3A_623, %dma_wait3A_653] : memref<4096x4096xf32, #tpu.memory_space<hbm>> -> memref<4x4096xf32, #tpu.memory_space<hbm>>
    tpu.wait_dma2 semaphore(%arg11 : memref<!tpu.dma_semaphore, #tpu.memory_space<semaphore_mem>>) src(%dma_wait3A_654 : memref<4x4096xf32, #tpu.memory_space<hbm>>) dst(%arg5 : memref<4x4096xf32, #tpu.memory_space<vmem>>)
    %dma_wait3A_655 = arith.constant 0 : i32
    %dma_wait3A_656 = tpu.memref_slice %arg4[%add3A_617, %dma_wait3A_655] : memref<4096x4096xf32, #tpu.memory_space<hbm>> -> memref<4x4096xf32, #tpu.memory_space<hbm>>
    %dma_wait3A_657 = arith.constant 0 : i32
    %dma_wait3A_658 = tpu.memref_slice %arg4[%add3A_617, %dma_wait3A_657] : memref<4096x4096xf32, #tpu.memory_space<hbm>> -> memref<4x4096xf32, #tpu.memory_space<hbm>>
    tpu.wait_dma2 semaphore(%arg13 : memref<!tpu.dma_semaphore, #tpu.memory_space<semaphore_mem>>) src(%arg7 : memref<4x4096xf32, #tpu.memory_space<vmem>>) dst(%dma_wait3A_658 : memref<4x4096xf32, #tpu.memory_space<hbm>>)
    %scan3A_659 = arith.constant 0 : i32
    %scan3A_660 = arith.constant 0 : i32
    %scan3A_661 = arith.constant 256 : i32
    %scan3A_662 = arith.addi %scan3A_660, %scan3A_661 : i32
    %scan3A_663 = arith.constant 1 : i32
    %scan3A_664 = scf.for %scan3A_1457 = %scan3A_660 to %scan3A_662 step %scan3A_663 iter_args(%scan3A_1458 = %scan3A_659) -> (i32)  : i32 {
      %mul3A_1459 = arith.constant 16 : i32
      %mul3A_1460 = arith.muli %scan3A_1457, %mul3A_1459 : i32
      %get3A_1461 = arith.index_cast %mul3A_1460 : i32 to index
      %get3A_1462 = tpu.vector_load %arg9[%get3A_1461] {strides = array<i32>} : memref<4112xf32, #tpu.memory_space<vmem>>, vector<16xf32>,
      %get3A_1463 = arith.constant 0 : i32
      %get3A_1464 = arith.index_cast %get3A_1463 : i32 to index
      %get3A_1465 = arith.index_cast %mul3A_1460 : i32 to index
      %get3A_1466 = tpu.vector_load %arg5[%get3A_1464, %get3A_1465] {strides = array<i32>} : memref<4x4096xf32, #tpu.memory_space<vmem>>, vector<16xf32>,
      %mul3A_1467 = arith.mulf %get3A_1466, %get3A_1462 : vector<16xf32>
      %swap3A_1468 = arith.constant 0 : i32
      %swap3A_1469 = arith.index_cast %swap3A_1468 : i32 to index
      %swap3A_1470 = arith.index_cast %mul3A_1460 : i32 to index
      %swap3A_1471 = tpu.vector_load %arg7[%swap3A_1469, %swap3A_1470] {strides = array<i32>} : memref<4x4096xf32, #tpu.memory_space<vmem>>, vector<16xf32>,
      tpu.vector_store %arg7[%swap3A_1469, %swap3A_1470], %mul3A_1467 {strides = array<i32>} : memref<4x4096xf32, #tpu.memory_space<vmem>>, vector<16xf32>,
      %get3A_1472 = arith.constant 1 : i32
      %get3A_1473 = arith.index_cast %get3A_1472 : i32 to index
      %get3A_1474 = arith.index_cast %mul3A_1460 : i32 to index
      %get3A_1475 = tpu.vector_load %arg5[%get3A_1473, %get3A_1474] {strides = array<i32>} : memref<4x4096xf32, #tpu.memory_space<vmem>>, vector<16xf32>,
      %mul3A_1476 = arith.mulf %get3A_1475, %get3A_1462 : vector<16xf32>
      %swap3A_1477 = arith.constant 1 : i32
      %swap3A_1478 = arith.index_cast %swap3A_1477 : i32 to index
      %swap3A_1479 = arith.index_cast %mul3A_1460 : i32 to index
      %swap3A_1480 = tpu.vector_load %arg7[%swap3A_1478, %swap3A_1479] {strides = array<i32>} : memref<4x4096xf32, #tpu.memory_space<vmem>>, vector<16xf32>,
      tpu.vector_store %arg7[%swap3A_1478, %swap3A_1479], %mul3A_1476 {strides = array<i32>} : memref<4x4096xf32, #tpu.memory_space<vmem>>, vector<16xf32>,
      %get3A_1481 = arith.constant 2 : i32
      %get3A_1482 = arith.index_cast %get3A_1481 : i32 to index
      %get3A_1483 = arith.index_cast %mul3A_1460 : i32 to index
      %get3A_1484 = tpu.vector_load %arg5[%get3A_1482, %get3A_1483] {strides = array<i32>} : memref<4x4096xf32, #tpu.memory_space<vmem>>, vector<16xf32>,
      %mul3A_1485 = arith.mulf %get3A_1484, %get3A_1462 : vector<16xf32>
      %swap3A_1486 = arith.constant 2 : i32
      %swap3A_1487 = arith.index_cast %swap3A_1486 : i32 to index
      %swap3A_1488 = arith.index_cast %mul3A_1460 : i32 to index
      %swap3A_1489 = tpu.vector_load %arg7[%swap3A_1487, %swap3A_1488] {strides = array<i32>} : memref<4x4096xf32, #tpu.memory_space<vmem>>, vector<16xf32>,
      tpu.vector_store %arg7[%swap3A_1487, %swap3A_1488], %mul3A_1485 {strides = array<i32>} : memref<4x4096xf32, #tpu.memory_space<vmem>>, vector<16xf32>,
      %get3A_1490 = arith.constant 3 : i32
      %get3A_1491 = arith.index_cast %get3A_1490 : i32 to index
      %get3A_1492 = arith.index_cast %mul3A_1460 : i32 to index
      %get3A_1493 = tpu.vector_load %arg5[%get3A_1491, %get3A_1492] {strides = array<i32>} : memref<4x4096xf32, #tpu.memory_space<vmem>>, vector<16xf32>,
      %mul3A_1494 = arith.mulf %get3A_1493, %get3A_1462 : vector<16xf32>
      %swap3A_1495 = arith.constant 3 : i32
      %swap3A_1496 = arith.index_cast %swap3A_1495 : i32 to index
      %swap3A_1497 = arith.index_cast %mul3A_1460 : i32 to index
      %swap3A_1498 = tpu.vector_load %arg7[%swap3A_1496, %swap3A_1497] {strides = array<i32>} : memref<4x4096xf32, #tpu.memory_space<vmem>>, vector<16xf32>,
      tpu.vector_store %arg7[%swap3A_1496, %swap3A_1497], %mul3A_1494 {strides = array<i32>} : memref<4x4096xf32, #tpu.memory_space<vmem>>, vector<16xf32>,
      %scan3A_1499 = arith.constant 0 : i32
      scf.yield %scan3A_1499 : i32
    }
    %scan3A_665 = arith.constant 256 : i32
    %add3A_666 = arith.constant 8 : i32
    %add3A_667 = arith.addi %mul3A_2, %add3A_666 : i32
    %dma_start3A_668 = arith.constant 0 : i32
    %dma_start3A_669 = tpu.memref_slice %arg4[%add3A_667, %dma_start3A_668] : memref<4096x4096xf32, #tpu.memory_space<hbm>> -> memref<4x4096xf32, #tpu.memory_space<hbm>>
    %dma_start3A_670 = arith.constant 0 : i32
    %dma_start3A_671 = tpu.memref_slice %arg4[%add3A_667, %dma_start3A_670] : memref<4096x4096xf32, #tpu.memory_space<hbm>> -> memref<4x4096xf32, #tpu.memory_space<hbm>>
    tpu.enqueue_dma source(%arg7 : memref<4x4096xf32, #tpu.memory_space<vmem>>) target(%dma_start3A_671 : memref<4x4096xf32, #tpu.memory_space<hbm>>) target_semaphore(%arg13 : memref<!tpu.dma_semaphore, #tpu.memory_space<semaphore_mem>>)
    %add3A_672 = arith.constant 16 : i32
    %add3A_673 = arith.addi %mul3A_2, %add3A_672 : i32
    %dma_start3A_674 = arith.constant 0 : i32
    %dma_start3A_675 = tpu.memref_slice %arg2[%add3A_673, %dma_start3A_674] : memref<4096x4096xf32, #tpu.memory_space<hbm>> -> memref<4x4096xf32, #tpu.memory_space<hbm>>
    %dma_start3A_676 = arith.constant 0 : i32
    %dma_start3A_677 = tpu.memref_slice %arg2[%add3A_673, %dma_start3A_676] : memref<4096x4096xf32, #tpu.memory_space<hbm>> -> memref<4x4096xf32, #tpu.memory_space<hbm>>
    tpu.enqueue_dma source(%dma_start3A_677 : memref<4x4096xf32, #tpu.memory_space<hbm>>) target(%arg5 : memref<4x4096xf32, #tpu.memory_space<vmem>>) target_semaphore(%arg11 : memref<!tpu.dma_semaphore, #tpu.memory_space<semaphore_mem>>)
    %dma_wait3A_678 = arith.constant 0 : i32
    %dma_wait3A_679 = tpu.memref_slice %arg2[%add3A_646, %dma_wait3A_678] : memref<4096x4096xf32, #tpu.memory_space<hbm>> -> memref<4x4096xf32, #tpu.memory_space<hbm>>
    %dma_wait3A_680 = arith.constant 0 : i32
    %dma_wait3A_681 = tpu.memref_slice %arg2[%add3A_646, %dma_wait3A_680] : memref<4096x4096xf32, #tpu.memory_space<hbm>> -> memref<4x4096xf32, #tpu.memory_space<hbm>>
    tpu.wait_dma2 semaphore(%arg12 : memref<!tpu.dma_semaphore, #tpu.memory_space<semaphore_mem>>) src(%dma_wait3A_681 : memref<4x4096xf32, #tpu.memory_space<hbm>>) dst(%arg6 : memref<4x4096xf32, #tpu.memory_space<vmem>>)
    %dma_wait3A_682 = arith.constant 0 : i32
    %dma_wait3A_683 = tpu.memref_slice %arg4[%add3A_640, %dma_wait3A_682] : memref<4096x4096xf32, #tpu.memory_space<hbm>> -> memref<4x4096xf32, #tpu.memory_space<hbm>>
    %dma_wait3A_684 = arith.constant 0 : i32
    %dma_wait3A_685 = tpu.memref_slice %arg4[%add3A_640, %dma_wait3A_684] : memref<4096x4096xf32, #tpu.memory_space<hbm>> -> memref<4x4096xf32, #tpu.memory_space<hbm>>
    tpu.wait_dma2 semaphore(%arg14 : memref<!tpu.dma_semaphore, #tpu.memory_space<semaphore_mem>>) src(%arg8 : memref<4x4096xf32, #tpu.memory_space<vmem>>) dst(%dma_wait3A_685 : memref<4x4096xf32, #tpu.memory_space<hbm>>)
    %scan3A_686 = arith.constant 0 : i32
    %scan3A_687 = arith.constant 0 : i32
    %scan3A_688 = arith.constant 256 : i32
    %scan3A_689 = arith.addi %scan3A_687, %scan3A_688 : i32
    %scan3A_690 = arith.constant 1 : i32
    %scan3A_691 = scf.for %scan3A_1457 = %scan3A_687 to %scan3A_689 step %scan3A_690 iter_args(%scan3A_1458 = %scan3A_686) -> (i32)  : i32 {
      %mul3A_1459 = arith.constant 16 : i32
      %mul3A_1460 = arith.muli %scan3A_1457, %mul3A_1459 : i32
      %get3A_1461 = arith.index_cast %mul3A_1460 : i32 to index
      %get3A_1462 = tpu.vector_load %arg9[%get3A_1461] {strides = array<i32>} : memref<4112xf32, #tpu.memory_space<vmem>>, vector<16xf32>,
      %get3A_1463 = arith.constant 0 : i32
      %get3A_1464 = arith.index_cast %get3A_1463 : i32 to index
      %get3A_1465 = arith.index_cast %mul3A_1460 : i32 to index
      %get3A_1466 = tpu.vector_load %arg6[%get3A_1464, %get3A_1465] {strides = array<i32>} : memref<4x4096xf32, #tpu.memory_space<vmem>>, vector<16xf32>,
      %mul3A_1467 = arith.mulf %get3A_1466, %get3A_1462 : vector<16xf32>
      %swap3A_1468 = arith.constant 0 : i32
      %swap3A_1469 = arith.index_cast %swap3A_1468 : i32 to index
      %swap3A_1470 = arith.index_cast %mul3A_1460 : i32 to index
      %swap3A_1471 = tpu.vector_load %arg8[%swap3A_1469, %swap3A_1470] {strides = array<i32>} : memref<4x4096xf32, #tpu.memory_space<vmem>>, vector<16xf32>,
      tpu.vector_store %arg8[%swap3A_1469, %swap3A_1470], %mul3A_1467 {strides = array<i32>} : memref<4x4096xf32, #tpu.memory_space<vmem>>, vector<16xf32>,
      %get3A_1472 = arith.constant 1 : i32
      %get3A_1473 = arith.index_cast %get3A_1472 : i32 to index
      %get3A_1474 = arith.index_cast %mul3A_1460 : i32 to index
      %get3A_1475 = tpu.vector_load %arg6[%get3A_1473, %get3A_1474] {strides = array<i32>} : memref<4x4096xf32, #tpu.memory_space<vmem>>, vector<16xf32>,
      %mul3A_1476 = arith.mulf %get3A_1475, %get3A_1462 : vector<16xf32>
      %swap3A_1477 = arith.constant 1 : i32
      %swap3A_1478 = arith.index_cast %swap3A_1477 : i32 to index
      %swap3A_1479 = arith.index_cast %mul3A_1460 : i32 to index
      %swap3A_1480 = tpu.vector_load %arg8[%swap3A_1478, %swap3A_1479] {strides = array<i32>} : memref<4x4096xf32, #tpu.memory_space<vmem>>, vector<16xf32>,
      tpu.vector_store %arg8[%swap3A_1478, %swap3A_1479], %mul3A_1476 {strides = array<i32>} : memref<4x4096xf32, #tpu.memory_space<vmem>>, vector<16xf32>,
      %get3A_1481 = arith.constant 2 : i32
      %get3A_1482 = arith.index_cast %get3A_1481 : i32 to index
      %get3A_1483 = arith.index_cast %mul3A_1460 : i32 to index
      %get3A_1484 = tpu.vector_load %arg6[%get3A_1482, %get3A_1483] {strides = array<i32>} : memref<4x4096xf32, #tpu.memory_space<vmem>>, vector<16xf32>,
      %mul3A_1485 = arith.mulf %get3A_1484, %get3A_1462 : vector<16xf32>
      %swap3A_1486 = arith.constant 2 : i32
      %swap3A_1487 = arith.index_cast %swap3A_1486 : i32 to index
      %swap3A_1488 = arith.index_cast %mul3A_1460 : i32 to index
      %swap3A_1489 = tpu.vector_load %arg8[%swap3A_1487, %swap3A_1488] {strides = array<i32>} : memref<4x4096xf32, #tpu.memory_space<vmem>>, vector<16xf32>,
      tpu.vector_store %arg8[%swap3A_1487, %swap3A_1488], %mul3A_1485 {strides = array<i32>} : memref<4x4096xf32, #tpu.memory_space<vmem>>, vector<16xf32>,
      %get3A_1490 = arith.constant 3 : i32
      %get3A_1491 = arith.index_cast %get3A_1490 : i32 to index
      %get3A_1492 = arith.index_cast %mul3A_1460 : i32 to index
      %get3A_1493 = tpu.vector_load %arg6[%get3A_1491, %get3A_1492] {strides = array<i32>} : memref<4x4096xf32, #tpu.memory_space<vmem>>, vector<16xf32>,
      %mul3A_1494 = arith.mulf %get3A_1493, %get3A_1462 : vector<16xf32>
      %swap3A_1495 = arith.constant 3 : i32
      %swap3A_1496 = arith.index_cast %swap3A_1495 : i32 to index
      %swap3A_1497 = arith.index_cast %mul3A_1460 : i32 to index
      %swap3A_1498 = tpu.vector_load %arg8[%swap3A_1496, %swap3A_1497] {strides = array<i32>} : memref<4x4096xf32, #tpu.memory_space<vmem>>, vector<16xf32>,
      tpu.vector_store %arg8[%swap3A_1496, %swap3A_1497], %mul3A_1494 {strides = array<i32>} : memref<4x4096xf32, #tpu.memory_space<vmem>>, vector<16xf32>,
      %scan3A_1499 = arith.constant 0 : i32
      scf.yield %scan3A_1499 : i32
    }
    %scan3A_692 = arith.constant 256 : i32
    %add3A_693 = arith.constant 12 : i32
    %add3A_694 = arith.addi %mul3A_2, %add3A_693 : i32
    %dma_start3A_695 = arith.constant 0 : i32
    %dma_start3A_696 = tpu.memref_slice %arg4[%add3A_694, %dma_start3A_695] : memref<4096x4096xf32, #tpu.memory_space<hbm>> -> memref<4x4096xf32, #tpu.memory_space<hbm>>
    %dma_start3A_697 = arith.constant 0 : i32
    %dma_start3A_698 = tpu.memref_slice %arg4[%add3A_694, %dma_start3A_697] : memref<4096x4096xf32, #tpu.memory_space<hbm>> -> memref<4x4096xf32, #tpu.memory_space<hbm>>
    tpu.enqueue_dma source(%arg8 : memref<4x4096xf32, #tpu.memory_space<vmem>>) target(%dma_start3A_698 : memref<4x4096xf32, #tpu.memory_space<hbm>>) target_semaphore(%arg14 : memref<!tpu.dma_semaphore, #tpu.memory_space<semaphore_mem>>)
    %add3A_699 = arith.constant 20 : i32
    %add3A_700 = arith.addi %mul3A_2, %add3A_699 : i32
    %dma_start3A_701 = arith.constant 0 : i32
    %dma_start3A_702 = tpu.memref_slice %arg2[%add3A_700, %dma_start3A_701] : memref<4096x4096xf32, #tpu.memory_space<hbm>> -> memref<4x4096xf32, #tpu.memory_space<hbm>>
    %dma_start3A_703 = arith.constant 0 : i32
    %dma_start3A_704 = tpu.memref_slice %arg2[%add3A_700, %dma_start3A_703] : memref<4096x4096xf32, #tpu.memory_space<hbm>> -> memref<4x4096xf32, #tpu.memory_space<hbm>>
    tpu.enqueue_dma source(%dma_start3A_704 : memref<4x4096xf32, #tpu.memory_space<hbm>>) target(%arg6 : memref<4x4096xf32, #tpu.memory_space<vmem>>) target_semaphore(%arg12 : memref<!tpu.dma_semaphore, #tpu.memory_space<semaphore_mem>>)
    %dma_wait3A_705 = arith.constant 0 : i32
    %dma_wait3A_706 = tpu.memref_slice %arg2[%add3A_673, %dma_wait3A_705] : memref<4096x4096xf32, #tpu.memory_space<hbm>> -> memref<4x4096xf32, #tpu.memory_space<hbm>>
    %dma_wait3A_707 = arith.constant 0 : i32
    %dma_wait3A_708 = tpu.memref_slice %arg2[%add3A_673, %dma_wait3A_707] : memref<4096x4096xf32, #tpu.memory_space<hbm>> -> memref<4x4096xf32, #tpu.memory_space<hbm>>
    tpu.wait_dma2 semaphore(%arg11 : memref<!tpu.dma_semaphore, #tpu.memory_space<semaphore_mem>>) src(%dma_wait3A_708 : memref<4x4096xf32, #tpu.memory_space<hbm>>) dst(%arg5 : memref<4x4096xf32, #tpu.memory_space<vmem>>)
    %dma_wait3A_709 = arith.constant 0 : i32
    %dma_wait3A_710 = tpu.memref_slice %arg4[%add3A_667, %dma_wait3A_709] : memref<4096x4096xf32, #tpu.memory_space<hbm>> -> memref<4x4096xf32, #tpu.memory_space<hbm>>
    %dma_wait3A_711 = arith.constant 0 : i32
    %dma_wait3A_712 = tpu.memref_slice %arg4[%add3A_667, %dma_wait3A_711] : memref<4096x4096xf32, #tpu.memory_space<hbm>> -> memref<4x4096xf32, #tpu.memory_space<hbm>>
    tpu.wait_dma2 semaphore(%arg13 : memref<!tpu.dma_semaphore, #tpu.memory_space<semaphore_mem>>) src(%arg7 : memref<4x4096xf32, #tpu.memory_space<vmem>>) dst(%dma_wait3A_712 : memref<4x4096xf32, #tpu.memory_space<hbm>>)
    %scan3A_713 = arith.constant 0 : i32
    %scan3A_714 = arith.constant 0 : i32
    %scan3A_715 = arith.constant 256 : i32
    %scan3A_716 = arith.addi %scan3A_714, %scan3A_715 : i32
    %scan3A_717 = arith.constant 1 : i32
    %scan3A_718 = scf.for %scan3A_1457 = %scan3A_714 to %scan3A_716 step %scan3A_717 iter_args(%scan3A_1458 = %scan3A_713) -> (i32)  : i32 {
      %mul3A_1459 = arith.constant 16 : i32
      %mul3A_1460 = arith.muli %scan3A_1457, %mul3A_1459 : i32
      %get3A_1461 = arith.index_cast %mul3A_1460 : i32 to index
      %get3A_1462 = tpu.vector_load %arg9[%get3A_1461] {strides = array<i32>} : memref<4112xf32, #tpu.memory_space<vmem>>, vector<16xf32>,
      %get3A_1463 = arith.constant 0 : i32
      %get3A_1464 = arith.index_cast %get3A_1463 : i32 to index
      %get3A_1465 = arith.index_cast %mul3A_1460 : i32 to index
      %get3A_1466 = tpu.vector_load %arg5[%get3A_1464, %get3A_1465] {strides = array<i32>} : memref<4x4096xf32, #tpu.memory_space<vmem>>, vector<16xf32>,
      %mul3A_1467 = arith.mulf %get3A_1466, %get3A_1462 : vector<16xf32>
      %swap3A_1468 = arith.constant 0 : i32
      %swap3A_1469 = arith.index_cast %swap3A_1468 : i32 to index
      %swap3A_1470 = arith.index_cast %mul3A_1460 : i32 to index
      %swap3A_1471 = tpu.vector_load %arg7[%swap3A_1469, %swap3A_1470] {strides = array<i32>} : memref<4x4096xf32, #tpu.memory_space<vmem>>, vector<16xf32>,
      tpu.vector_store %arg7[%swap3A_1469, %swap3A_1470], %mul3A_1467 {strides = array<i32>} : memref<4x4096xf32, #tpu.memory_space<vmem>>, vector<16xf32>,
      %get3A_1472 = arith.constant 1 : i32
      %get3A_1473 = arith.index_cast %get3A_1472 : i32 to index
      %get3A_1474 = arith.index_cast %mul3A_1460 : i32 to index
      %get3A_1475 = tpu.vector_load %arg5[%get3A_1473, %get3A_1474] {strides = array<i32>} : memref<4x4096xf32, #tpu.memory_space<vmem>>, vector<16xf32>,
      %mul3A_1476 = arith.mulf %get3A_1475, %get3A_1462 : vector<16xf32>
      %swap3A_1477 = arith.constant 1 : i32
      %swap3A_1478 = arith.index_cast %swap3A_1477 : i32 to index
      %swap3A_1479 = arith.index_cast %mul3A_1460 : i32 to index
      %swap3A_1480 = tpu.vector_load %arg7[%swap3A_1478, %swap3A_1479] {strides = array<i32>} : memref<4x4096xf32, #tpu.memory_space<vmem>>, vector<16xf32>,
      tpu.vector_store %arg7[%swap3A_1478, %swap3A_1479], %mul3A_1476 {strides = array<i32>} : memref<4x4096xf32, #tpu.memory_space<vmem>>, vector<16xf32>,
      %get3A_1481 = arith.constant 2 : i32
      %get3A_1482 = arith.index_cast %get3A_1481 : i32 to index
      %get3A_1483 = arith.index_cast %mul3A_1460 : i32 to index
      %get3A_1484 = tpu.vector_load %arg5[%get3A_1482, %get3A_1483] {strides = array<i32>} : memref<4x4096xf32, #tpu.memory_space<vmem>>, vector<16xf32>,
      %mul3A_1485 = arith.mulf %get3A_1484, %get3A_1462 : vector<16xf32>
      %swap3A_1486 = arith.constant 2 : i32
      %swap3A_1487 = arith.index_cast %swap3A_1486 : i32 to index
      %swap3A_1488 = arith.index_cast %mul3A_1460 : i32 to index
      %swap3A_1489 = tpu.vector_load %arg7[%swap3A_1487, %swap3A_1488] {strides = array<i32>} : memref<4x4096xf32, #tpu.memory_space<vmem>>, vector<16xf32>,
      tpu.vector_store %arg7[%swap3A_1487, %swap3A_1488], %mul3A_1485 {strides = array<i32>} : memref<4x4096xf32, #tpu.memory_space<vmem>>, vector<16xf32>,
      %get3A_1490 = arith.constant 3 : i32
      %get3A_1491 = arith.index_cast %get3A_1490 : i32 to index
      %get3A_1492 = arith.index_cast %mul3A_1460 : i32 to index
      %get3A_1493 = tpu.vector_load %arg5[%get3A_1491, %get3A_1492] {strides = array<i32>} : memref<4x4096xf32, #tpu.memory_space<vmem>>, vector<16xf32>,
      %mul3A_1494 = arith.mulf %get3A_1493, %get3A_1462 : vector<16xf32>
      %swap3A_1495 = arith.constant 3 : i32
      %swap3A_1496 = arith.index_cast %swap3A_1495 : i32 to index
      %swap3A_1497 = arith.index_cast %mul3A_1460 : i32 to index
      %swap3A_1498 = tpu.vector_load %arg7[%swap3A_1496, %swap3A_1497] {strides = array<i32>} : memref<4x4096xf32, #tpu.memory_space<vmem>>, vector<16xf32>,
      tpu.vector_store %arg7[%swap3A_1496, %swap3A_1497], %mul3A_1494 {strides = array<i32>} : memref<4x4096xf32, #tpu.memory_space<vmem>>, vector<16xf32>,
      %scan3A_1499 = arith.constant 0 : i32
      scf.yield %scan3A_1499 : i32
    }
    %scan3A_719 = arith.constant 256 : i32
    %add3A_720 = arith.constant 16 : i32
    %add3A_721 = arith.addi %mul3A_2, %add3A_720 : i32
    %dma_start3A_722 = arith.constant 0 : i32
    %dma_start3A_723 = tpu.memref_slice %arg4[%add3A_721, %dma_start3A_722] : memref<4096x4096xf32, #tpu.memory_space<hbm>> -> memref<4x4096xf32, #tpu.memory_space<hbm>>
    %dma_start3A_724 = arith.constant 0 : i32
    %dma_start3A_725 = tpu.memref_slice %arg4[%add3A_721, %dma_start3A_724] : memref<4096x4096xf32, #tpu.memory_space<hbm>> -> memref<4x4096xf32, #tpu.memory_space<hbm>>
    tpu.enqueue_dma source(%arg7 : memref<4x4096xf32, #tpu.memory_space<vmem>>) target(%dma_start3A_725 : memref<4x4096xf32, #tpu.memory_space<hbm>>) target_semaphore(%arg13 : memref<!tpu.dma_semaphore, #tpu.memory_space<semaphore_mem>>)
    %add3A_726 = arith.constant 24 : i32
    %add3A_727 = arith.addi %mul3A_2, %add3A_726 : i32
    %dma_start3A_728 = arith.constant 0 : i32
    %dma_start3A_729 = tpu.memref_slice %arg2[%add3A_727, %dma_start3A_728] : memref<4096x4096xf32, #tpu.memory_space<hbm>> -> memref<4x4096xf32, #tpu.memory_space<hbm>>
    %dma_start3A_730 = arith.constant 0 : i32
    %dma_start3A_731 = tpu.memref_slice %arg2[%add3A_727, %dma_start3A_730] : memref<4096x4096xf32, #tpu.memory_space<hbm>> -> memref<4x4096xf32, #tpu.memory_space<hbm>>
    tpu.enqueue_dma source(%dma_start3A_731 : memref<4x4096xf32, #tpu.memory_space<hbm>>) target(%arg5 : memref<4x4096xf32, #tpu.memory_space<vmem>>) target_semaphore(%arg11 : memref<!tpu.dma_semaphore, #tpu.memory_space<semaphore_mem>>)
    %dma_wait3A_732 = arith.constant 0 : i32
    %dma_wait3A_733 = tpu.memref_slice %arg2[%add3A_700, %dma_wait3A_732] : memref<4096x4096xf32, #tpu.memory_space<hbm>> -> memref<4x4096xf32, #tpu.memory_space<hbm>>
    %dma_wait3A_734 = arith.constant 0 : i32
    %dma_wait3A_735 = tpu.memref_slice %arg2[%add3A_700, %dma_wait3A_734] : memref<4096x4096xf32, #tpu.memory_space<hbm>> -> memref<4x4096xf32, #tpu.memory_space<hbm>>
    tpu.wait_dma2 semaphore(%arg12 : memref<!tpu.dma_semaphore, #tpu.memory_space<semaphore_mem>>) src(%dma_wait3A_735 : memref<4x4096xf32, #tpu.memory_space<hbm>>) dst(%arg6 : memref<4x4096xf32, #tpu.memory_space<vmem>>)
    %dma_wait3A_736 = arith.constant 0 : i32
    %dma_wait3A_737 = tpu.memref_slice %arg4[%add3A_694, %dma_wait3A_736] : memref<4096x4096xf32, #tpu.memory_space<hbm>> -> memref<4x4096xf32, #tpu.memory_space<hbm>>
    %dma_wait3A_738 = arith.constant 0 : i32
    %dma_wait3A_739 = tpu.memref_slice %arg4[%add3A_694, %dma_wait3A_738] : memref<4096x4096xf32, #tpu.memory_space<hbm>> -> memref<4x4096xf32, #tpu.memory_space<hbm>>
    tpu.wait_dma2 semaphore(%arg14 : memref<!tpu.dma_semaphore, #tpu.memory_space<semaphore_mem>>) src(%arg8 : memref<4x4096xf32, #tpu.memory_space<vmem>>) dst(%dma_wait3A_739 : memref<4x4096xf32, #tpu.memory_space<hbm>>)
    %scan3A_740 = arith.constant 0 : i32
    %scan3A_741 = arith.constant 0 : i32
    %scan3A_742 = arith.constant 256 : i32
    %scan3A_743 = arith.addi %scan3A_741, %scan3A_742 : i32
    %scan3A_744 = arith.constant 1 : i32
    %scan3A_745 = scf.for %scan3A_1457 = %scan3A_741 to %scan3A_743 step %scan3A_744 iter_args(%scan3A_1458 = %scan3A_740) -> (i32)  : i32 {
      %mul3A_1459 = arith.constant 16 : i32
      %mul3A_1460 = arith.muli %scan3A_1457, %mul3A_1459 : i32
      %get3A_1461 = arith.index_cast %mul3A_1460 : i32 to index
      %get3A_1462 = tpu.vector_load %arg9[%get3A_1461] {strides = array<i32>} : memref<4112xf32, #tpu.memory_space<vmem>>, vector<16xf32>,
      %get3A_1463 = arith.constant 0 : i32
      %get3A_1464 = arith.index_cast %get3A_1463 : i32 to index
      %get3A_1465 = arith.index_cast %mul3A_1460 : i32 to index
      %get3A_1466 = tpu.vector_load %arg6[%get3A_1464, %get3A_1465] {strides = array<i32>} : memref<4x4096xf32, #tpu.memory_space<vmem>>, vector<16xf32>,
      %mul3A_1467 = arith.mulf %get3A_1466, %get3A_1462 : vector<16xf32>
      %swap3A_1468 = arith.constant 0 : i32
      %swap3A_1469 = arith.index_cast %swap3A_1468 : i32 to index
      %swap3A_1470 = arith.index_cast %mul3A_1460 : i32 to index
      %swap3A_1471 = tpu.vector_load %arg8[%swap3A_1469, %swap3A_1470] {strides = array<i32>} : memref<4x4096xf32, #tpu.memory_space<vmem>>, vector<16xf32>,
      tpu.vector_store %arg8[%swap3A_1469, %swap3A_1470], %mul3A_1467 {strides = array<i32>} : memref<4x4096xf32, #tpu.memory_space<vmem>>, vector<16xf32>,
      %get3A_1472 = arith.constant 1 : i32
      %get3A_1473 = arith.index_cast %get3A_1472 : i32 to index
      %get3A_1474 = arith.index_cast %mul3A_1460 : i32 to index
      %get3A_1475 = tpu.vector_load %arg6[%get3A_1473, %get3A_1474] {strides = array<i32>} : memref<4x4096xf32, #tpu.memory_space<vmem>>, vector<16xf32>,
      %mul3A_1476 = arith.mulf %get3A_1475, %get3A_1462 : vector<16xf32>
      %swap3A_1477 = arith.constant 1 : i32
      %swap3A_1478 = arith.index_cast %swap3A_1477 : i32 to index
      %swap3A_1479 = arith.index_cast %mul3A_1460 : i32 to index
      %swap3A_1480 = tpu.vector_load %arg8[%swap3A_1478, %swap3A_1479] {strides = array<i32>} : memref<4x4096xf32, #tpu.memory_space<vmem>>, vector<16xf32>,
      tpu.vector_store %arg8[%swap3A_1478, %swap3A_1479], %mul3A_1476 {strides = array<i32>} : memref<4x4096xf32, #tpu.memory_space<vmem>>, vector<16xf32>,
      %get3A_1481 = arith.constant 2 : i32
      %get3A_1482 = arith.index_cast %get3A_1481 : i32 to index
      %get3A_1483 = arith.index_cast %mul3A_1460 : i32 to index
      %get3A_1484 = tpu.vector_load %arg6[%get3A_1482, %get3A_1483] {strides = array<i32>} : memref<4x4096xf32, #tpu.memory_space<vmem>>, vector<16xf32>,
      %mul3A_1485 = arith.mulf %get3A_1484, %get3A_1462 : vector<16xf32>
      %swap3A_1486 = arith.constant 2 : i32
      %swap3A_1487 = arith.index_cast %swap3A_1486 : i32 to index
      %swap3A_1488 = arith.index_cast %mul3A_1460 : i32 to index
      %swap3A_1489 = tpu.vector_load %arg8[%swap3A_1487, %swap3A_1488] {strides = array<i32>} : memref<4x4096xf32, #tpu.memory_space<vmem>>, vector<16xf32>,
      tpu.vector_store %arg8[%swap3A_1487, %swap3A_1488], %mul3A_1485 {strides = array<i32>} : memref<4x4096xf32, #tpu.memory_space<vmem>>, vector<16xf32>,
      %get3A_1490 = arith.constant 3 : i32
      %get3A_1491 = arith.index_cast %get3A_1490 : i32 to index
      %get3A_1492 = arith.index_cast %mul3A_1460 : i32 to index
      %get3A_1493 = tpu.vector_load %arg6[%get3A_1491, %get3A_1492] {strides = array<i32>} : memref<4x4096xf32, #tpu.memory_space<vmem>>, vector<16xf32>,
      %mul3A_1494 = arith.mulf %get3A_1493, %get3A_1462 : vector<16xf32>
      %swap3A_1495 = arith.constant 3 : i32
      %swap3A_1496 = arith.index_cast %swap3A_1495 : i32 to index
      %swap3A_1497 = arith.index_cast %mul3A_1460 : i32 to index
      %swap3A_1498 = tpu.vector_load %arg8[%swap3A_1496, %swap3A_1497] {strides = array<i32>} : memref<4x4096xf32, #tpu.memory_space<vmem>>, vector<16xf32>,
      tpu.vector_store %arg8[%swap3A_1496, %swap3A_1497], %mul3A_1494 {strides = array<i32>} : memref<4x4096xf32, #tpu.memory_space<vmem>>, vector<16xf32>,
      %scan3A_1499 = arith.constant 0 : i32
      scf.yield %scan3A_1499 : i32
    }
    %scan3A_746 = arith.constant 256 : i32
    %add3A_747 = arith.constant 20 : i32
    %add3A_748 = arith.addi %mul3A_2, %add3A_747 : i32
    %dma_start3A_749 = arith.constant 0 : i32
    %dma_start3A_750 = tpu.memref_slice %arg4[%add3A_748, %dma_start3A_749] : memref<4096x4096xf32, #tpu.memory_space<hbm>> -> memref<4x4096xf32, #tpu.memory_space<hbm>>
    %dma_start3A_751 = arith.constant 0 : i32
    %dma_start3A_752 = tpu.memref_slice %arg4[%add3A_748, %dma_start3A_751] : memref<4096x4096xf32, #tpu.memory_space<hbm>> -> memref<4x4096xf32, #tpu.memory_space<hbm>>
    tpu.enqueue_dma source(%arg8 : memref<4x4096xf32, #tpu.memory_space<vmem>>) target(%dma_start3A_752 : memref<4x4096xf32, #tpu.memory_space<hbm>>) target_semaphore(%arg14 : memref<!tpu.dma_semaphore, #tpu.memory_space<semaphore_mem>>)
    %add3A_753 = arith.constant 28 : i32
    %add3A_754 = arith.addi %mul3A_2, %add3A_753 : i32
    %dma_start3A_755 = arith.constant 0 : i32
    %dma_start3A_756 = tpu.memref_slice %arg2[%add3A_754, %dma_start3A_755] : memref<4096x4096xf32, #tpu.memory_space<hbm>> -> memref<4x4096xf32, #tpu.memory_space<hbm>>
    %dma_start3A_757 = arith.constant 0 : i32
    %dma_start3A_758 = tpu.memref_slice %arg2[%add3A_754, %dma_start3A_757] : memref<4096x4096xf32, #tpu.memory_space<hbm>> -> memref<4x4096xf32, #tpu.memory_space<hbm>>
    tpu.enqueue_dma source(%dma_start3A_758 : memref<4x4096xf32, #tpu.memory_space<hbm>>) target(%arg6 : memref<4x4096xf32, #tpu.memory_space<vmem>>) target_semaphore(%arg12 : memref<!tpu.dma_semaphore, #tpu.memory_space<semaphore_mem>>)
    %dma_wait3A_759 = arith.constant 0 : i32
    %dma_wait3A_760 = tpu.memref_slice %arg2[%add3A_727, %dma_wait3A_759] : memref<4096x4096xf32, #tpu.memory_space<hbm>> -> memref<4x4096xf32, #tpu.memory_space<hbm>>
    %dma_wait3A_761 = arith.constant 0 : i32
    %dma_wait3A_762 = tpu.memref_slice %arg2[%add3A_727, %dma_wait3A_761] : memref<4096x4096xf32, #tpu.memory_space<hbm>> -> memref<4x4096xf32, #tpu.memory_space<hbm>>
    tpu.wait_dma2 semaphore(%arg11 : memref<!tpu.dma_semaphore, #tpu.memory_space<semaphore_mem>>) src(%dma_wait3A_762 : memref<4x4096xf32, #tpu.memory_space<hbm>>) dst(%arg5 : memref<4x4096xf32, #tpu.memory_space<vmem>>)
    %dma_wait3A_763 = arith.constant 0 : i32
    %dma_wait3A_764 = tpu.memref_slice %arg4[%add3A_721, %dma_wait3A_763] : memref<4096x4096xf32, #tpu.memory_space<hbm>> -> memref<4x4096xf32, #tpu.memory_space<hbm>>
    %dma_wait3A_765 = arith.constant 0 : i32
    %dma_wait3A_766 = tpu.memref_slice %arg4[%add3A_721, %dma_wait3A_765] : memref<4096x4096xf32, #tpu.memory_space<hbm>> -> memref<4x4096xf32, #tpu.memory_space<hbm>>
    tpu.wait_dma2 semaphore(%arg13 : memref<!tpu.dma_semaphore, #tpu.memory_space<semaphore_mem>>) src(%arg7 : memref<4x4096xf32, #tpu.memory_space<vmem>>) dst(%dma_wait3A_766 : memref<4x4096xf32, #tpu.memory_space<hbm>>)
    %scan3A_767 = arith.constant 0 : i32
    %scan3A_768 = arith.constant 0 : i32
    %scan3A_769 = arith.constant 256 : i32
    %scan3A_770 = arith.addi %scan3A_768, %scan3A_769 : i32
    %scan3A_771 = arith.constant 1 : i32
    %scan3A_772 = scf.for %scan3A_1457 = %scan3A_768 to %scan3A_770 step %scan3A_771 iter_args(%scan3A_1458 = %scan3A_767) -> (i32)  : i32 {
      %mul3A_1459 = arith.constant 16 : i32
      %mul3A_1460 = arith.muli %scan3A_1457, %mul3A_1459 : i32
      %get3A_1461 = arith.index_cast %mul3A_1460 : i32 to index
      %get3A_1462 = tpu.vector_load %arg9[%get3A_1461] {strides = array<i32>} : memref<4112xf32, #tpu.memory_space<vmem>>, vector<16xf32>,
      %get3A_1463 = arith.constant 0 : i32
      %get3A_1464 = arith.index_cast %get3A_1463 : i32 to index
      %get3A_1465 = arith.index_cast %mul3A_1460 : i32 to index
      %get3A_1466 = tpu.vector_load %arg5[%get3A_1464, %get3A_1465] {strides = array<i32>} : memref<4x4096xf32, #tpu.memory_space<vmem>>, vector<16xf32>,
      %mul3A_1467 = arith.mulf %get3A_1466, %get3A_1462 : vector<16xf32>
      %swap3A_1468 = arith.constant 0 : i32
      %swap3A_1469 = arith.index_cast %swap3A_1468 : i32 to index
      %swap3A_1470 = arith.index_cast %mul3A_1460 : i32 to index
      %swap3A_1471 = tpu.vector_load %arg7[%swap3A_1469, %swap3A_1470] {strides = array<i32>} : memref<4x4096xf32, #tpu.memory_space<vmem>>, vector<16xf32>,
      tpu.vector_store %arg7[%swap3A_1469, %swap3A_1470], %mul3A_1467 {strides = array<i32>} : memref<4x4096xf32, #tpu.memory_space<vmem>>, vector<16xf32>,
      %get3A_1472 = arith.constant 1 : i32
      %get3A_1473 = arith.index_cast %get3A_1472 : i32 to index
      %get3A_1474 = arith.index_cast %mul3A_1460 : i32 to index
      %get3A_1475 = tpu.vector_load %arg5[%get3A_1473, %get3A_1474] {strides = array<i32>} : memref<4x4096xf32, #tpu.memory_space<vmem>>, vector<16xf32>,
      %mul3A_1476 = arith.mulf %get3A_1475, %get3A_1462 : vector<16xf32>
      %swap3A_1477 = arith.constant 1 : i32
      %swap3A_1478 = arith.index_cast %swap3A_1477 : i32 to index
      %swap3A_1479 = arith.index_cast %mul3A_1460 : i32 to index
      %swap3A_1480 = tpu.vector_load %arg7[%swap3A_1478, %swap3A_1479] {strides = array<i32>} : memref<4x4096xf32, #tpu.memory_space<vmem>>, vector<16xf32>,
      tpu.vector_store %arg7[%swap3A_1478, %swap3A_1479], %mul3A_1476 {strides = array<i32>} : memref<4x4096xf32, #tpu.memory_space<vmem>>, vector<16xf32>,
      %get3A_1481 = arith.constant 2 : i32
      %get3A_1482 = arith.index_cast %get3A_1481 : i32 to index
      %get3A_1483 = arith.index_cast %mul3A_1460 : i32 to index
      %get3A_1484 = tpu.vector_load %arg5[%get3A_1482, %get3A_1483] {strides = array<i32>} : memref<4x4096xf32, #tpu.memory_space<vmem>>, vector<16xf32>,
      %mul3A_1485 = arith.mulf %get3A_1484, %get3A_1462 : vector<16xf32>
      %swap3A_1486 = arith.constant 2 : i32
      %swap3A_1487 = arith.index_cast %swap3A_1486 : i32 to index
      %swap3A_1488 = arith.index_cast %mul3A_1460 : i32 to index
      %swap3A_1489 = tpu.vector_load %arg7[%swap3A_1487, %swap3A_1488] {strides = array<i32>} : memref<4x4096xf32, #tpu.memory_space<vmem>>, vector<16xf32>,
      tpu.vector_store %arg7[%swap3A_1487, %swap3A_1488], %mul3A_1485 {strides = array<i32>} : memref<4x4096xf32, #tpu.memory_space<vmem>>, vector<16xf32>,
      %get3A_1490 = arith.constant 3 : i32
      %get3A_1491 = arith.index_cast %get3A_1490 : i32 to index
      %get3A_1492 = arith.index_cast %mul3A_1460 : i32 to index
      %get3A_1493 = tpu.vector_load %arg5[%get3A_1491, %get3A_1492] {strides = array<i32>} : memref<4x4096xf32, #tpu.memory_space<vmem>>, vector<16xf32>,
      %mul3A_1494 = arith.mulf %get3A_1493, %get3A_1462 : vector<16xf32>
      %swap3A_1495 = arith.constant 3 : i32
      %swap3A_1496 = arith.index_cast %swap3A_1495 : i32 to index
      %swap3A_1497 = arith.index_cast %mul3A_1460 : i32 to index
      %swap3A_1498 = tpu.vector_load %arg7[%swap3A_1496, %swap3A_1497] {strides = array<i32>} : memref<4x4096xf32, #tpu.memory_space<vmem>>, vector<16xf32>,
      tpu.vector_store %arg7[%swap3A_1496, %swap3A_1497], %mul3A_1494 {strides = array<i32>} : memref<4x4096xf32, #tpu.memory_space<vmem>>, vector<16xf32>,
      %scan3A_1499 = arith.constant 0 : i32
      scf.yield %scan3A_1499 : i32
    }
    %scan3A_773 = arith.constant 256 : i32
    %add3A_774 = arith.constant 24 : i32
    %add3A_775 = arith.addi %mul3A_2, %add3A_774 : i32
    %dma_start3A_776 = arith.constant 0 : i32
    %dma_start3A_777 = tpu.memref_slice %arg4[%add3A_775, %dma_start3A_776] : memref<4096x4096xf32, #tpu.memory_space<hbm>> -> memref<4x4096xf32, #tpu.memory_space<hbm>>
    %dma_start3A_778 = arith.constant 0 : i32
    %dma_start3A_779 = tpu.memref_slice %arg4[%add3A_775, %dma_start3A_778] : memref<4096x4096xf32, #tpu.memory_space<hbm>> -> memref<4x4096xf32, #tpu.memory_space<hbm>>
    tpu.enqueue_dma source(%arg7 : memref<4x4096xf32, #tpu.memory_space<vmem>>) target(%dma_start3A_779 : memref<4x4096xf32, #tpu.memory_space<hbm>>) target_semaphore(%arg13 : memref<!tpu.dma_semaphore, #tpu.memory_space<semaphore_mem>>)
    %add3A_780 = arith.constant 32 : i32
    %add3A_781 = arith.addi %mul3A_2, %add3A_780 : i32
    %dma_start3A_782 = arith.constant 0 : i32
    %dma_start3A_783 = tpu.memref_slice %arg2[%add3A_781, %dma_start3A_782] : memref<4096x4096xf32, #tpu.memory_space<hbm>> -> memref<4x4096xf32, #tpu.memory_space<hbm>>
    %dma_start3A_784 = arith.constant 0 : i32
    %dma_start3A_785 = tpu.memref_slice %arg2[%add3A_781, %dma_start3A_784] : memref<4096x4096xf32, #tpu.memory_space<hbm>> -> memref<4x4096xf32, #tpu.memory_space<hbm>>
    tpu.enqueue_dma source(%dma_start3A_785 : memref<4x4096xf32, #tpu.memory_space<hbm>>) target(%arg5 : memref<4x4096xf32, #tpu.memory_space<vmem>>) target_semaphore(%arg11 : memref<!tpu.dma_semaphore, #tpu.memory_space<semaphore_mem>>)
    %dma_wait3A_786 = arith.constant 0 : i32
    %dma_wait3A_787 = tpu.memref_slice %arg2[%add3A_754, %dma_wait3A_786] : memref<4096x4096xf32, #tpu.memory_space<hbm>> -> memref<4x4096xf32, #tpu.memory_space<hbm>>
    %dma_wait3A_788 = arith.constant 0 : i32
    %dma_wait3A_789 = tpu.memref_slice %arg2[%add3A_754, %dma_wait3A_788] : memref<4096x4096xf32, #tpu.memory_space<hbm>> -> memref<4x4096xf32, #tpu.memory_space<hbm>>
    tpu.wait_dma2 semaphore(%arg12 : memref<!tpu.dma_semaphore, #tpu.memory_space<semaphore_mem>>) src(%dma_wait3A_789 : memref<4x4096xf32, #tpu.memory_space<hbm>>) dst(%arg6 : memref<4x4096xf32, #tpu.memory_space<vmem>>)
    %dma_wait3A_790 = arith.constant 0 : i32
    %dma_wait3A_791 = tpu.memref_slice %arg4[%add3A_748, %dma_wait3A_790] : memref<4096x4096xf32, #tpu.memory_space<hbm>> -> memref<4x4096xf32, #tpu.memory_space<hbm>>
    %dma_wait3A_792 = arith.constant 0 : i32
    %dma_wait3A_793 = tpu.memref_slice %arg4[%add3A_748, %dma_wait3A_792] : memref<4096x4096xf32, #tpu.memory_space<hbm>> -> memref<4x4096xf32, #tpu.memory_space<hbm>>
    tpu.wait_dma2 semaphore(%arg14 : memref<!tpu.dma_semaphore, #tpu.memory_space<semaphore_mem>>) src(%arg8 : memref<4x4096xf32, #tpu.memory_space<vmem>>) dst(%dma_wait3A_793 : memref<4x4096xf32, #tpu.memory_space<hbm>>)
    %scan3A_794 = arith.constant 0 : i32
    %scan3A_795 = arith.constant 0 : i32
    %scan3A_796 = arith.constant 256 : i32
    %scan3A_797 = arith.addi %scan3A_795, %scan3A_796 : i32
    %scan3A_798 = arith.constant 1 : i32
    %scan3A_799 = scf.for %scan3A_1457 = %scan3A_795 to %scan3A_797 step %scan3A_798 iter_args(%scan3A_1458 = %scan3A_794) -> (i32)  : i32 {
      %mul3A_1459 = arith.constant 16 : i32
      %mul3A_1460 = arith.muli %scan3A_1457, %mul3A_1459 : i32
      %get3A_1461 = arith.index_cast %mul3A_1460 : i32 to index
      %get3A_1462 = tpu.vector_load %arg9[%get3A_1461] {strides = array<i32>} : memref<4112xf32, #tpu.memory_space<vmem>>, vector<16xf32>,
      %get3A_1463 = arith.constant 0 : i32
      %get3A_1464 = arith.index_cast %get3A_1463 : i32 to index
      %get3A_1465 = arith.index_cast %mul3A_1460 : i32 to index
      %get3A_1466 = tpu.vector_load %arg6[%get3A_1464, %get3A_1465] {strides = array<i32>} : memref<4x4096xf32, #tpu.memory_space<vmem>>, vector<16xf32>,
      %mul3A_1467 = arith.mulf %get3A_1466, %get3A_1462 : vector<16xf32>
      %swap3A_1468 = arith.constant 0 : i32
      %swap3A_1469 = arith.index_cast %swap3A_1468 : i32 to index
      %swap3A_1470 = arith.index_cast %mul3A_1460 : i32 to index
      %swap3A_1471 = tpu.vector_load %arg8[%swap3A_1469, %swap3A_1470] {strides = array<i32>} : memref<4x4096xf32, #tpu.memory_space<vmem>>, vector<16xf32>,
      tpu.vector_store %arg8[%swap3A_1469, %swap3A_1470], %mul3A_1467 {strides = array<i32>} : memref<4x4096xf32, #tpu.memory_space<vmem>>, vector<16xf32>,
      %get3A_1472 = arith.constant 1 : i32
      %get3A_1473 = arith.index_cast %get3A_1472 : i32 to index
      %get3A_1474 = arith.index_cast %mul3A_1460 : i32 to index
      %get3A_1475 = tpu.vector_load %arg6[%get3A_1473, %get3A_1474] {strides = array<i32>} : memref<4x4096xf32, #tpu.memory_space<vmem>>, vector<16xf32>,
      %mul3A_1476 = arith.mulf %get3A_1475, %get3A_1462 : vector<16xf32>
      %swap3A_1477 = arith.constant 1 : i32
      %swap3A_1478 = arith.index_cast %swap3A_1477 : i32 to index
      %swap3A_1479 = arith.index_cast %mul3A_1460 : i32 to index
      %swap3A_1480 = tpu.vector_load %arg8[%swap3A_1478, %swap3A_1479] {strides = array<i32>} : memref<4x4096xf32, #tpu.memory_space<vmem>>, vector<16xf32>,
      tpu.vector_store %arg8[%swap3A_1478, %swap3A_1479], %mul3A_1476 {strides = array<i32>} : memref<4x4096xf32, #tpu.memory_space<vmem>>, vector<16xf32>,
      %get3A_1481 = arith.constant 2 : i32
      %get3A_1482 = arith.index_cast %get3A_1481 : i32 to index
      %get3A_1483 = arith.index_cast %mul3A_1460 : i32 to index
      %get3A_1484 = tpu.vector_load %arg6[%get3A_1482, %get3A_1483] {strides = array<i32>} : memref<4x4096xf32, #tpu.memory_space<vmem>>, vector<16xf32>,
      %mul3A_1485 = arith.mulf %get3A_1484, %get3A_1462 : vector<16xf32>
      %swap3A_1486 = arith.constant 2 : i32
      %swap3A_1487 = arith.index_cast %swap3A_1486 : i32 to index
      %swap3A_1488 = arith.index_cast %mul3A_1460 : i32 to index
      %swap3A_1489 = tpu.vector_load %arg8[%swap3A_1487, %swap3A_1488] {strides = array<i32>} : memref<4x4096xf32, #tpu.memory_space<vmem>>, vector<16xf32>,
      tpu.vector_store %arg8[%swap3A_1487, %swap3A_1488], %mul3A_1485 {strides = array<i32>} : memref<4x4096xf32, #tpu.memory_space<vmem>>, vector<16xf32>,
      %get3A_1490 = arith.constant 3 : i32
      %get3A_1491 = arith.index_cast %get3A_1490 : i32 to index
      %get3A_1492 = arith.index_cast %mul3A_1460 : i32 to index
      %get3A_1493 = tpu.vector_load %arg6[%get3A_1491, %get3A_1492] {strides = array<i32>} : memref<4x4096xf32, #tpu.memory_space<vmem>>, vector<16xf32>,
      %mul3A_1494 = arith.mulf %get3A_1493, %get3A_1462 : vector<16xf32>
      %swap3A_1495 = arith.constant 3 : i32
      %swap3A_1496 = arith.index_cast %swap3A_1495 : i32 to index
      %swap3A_1497 = arith.index_cast %mul3A_1460 : i32 to index
      %swap3A_1498 = tpu.vector_load %arg8[%swap3A_1496, %swap3A_1497] {strides = array<i32>} : memref<4x4096xf32, #tpu.memory_space<vmem>>, vector<16xf32>,
      tpu.vector_store %arg8[%swap3A_1496, %swap3A_1497], %mul3A_1494 {strides = array<i32>} : memref<4x4096xf32, #tpu.memory_space<vmem>>, vector<16xf32>,
      %scan3A_1499 = arith.constant 0 : i32
      scf.yield %scan3A_1499 : i32
    }
    %scan3A_800 = arith.constant 256 : i32
    %add3A_801 = arith.constant 28 : i32
    %add3A_802 = arith.addi %mul3A_2, %add3A_801 : i32
    %dma_start3A_803 = arith.constant 0 : i32
    %dma_start3A_804 = tpu.memref_slice %arg4[%add3A_802, %dma_start3A_803] : memref<4096x4096xf32, #tpu.memory_space<hbm>> -> memref<4x4096xf32, #tpu.memory_space<hbm>>
    %dma_start3A_805 = arith.constant 0 : i32
    %dma_start3A_806 = tpu.memref_slice %arg4[%add3A_802, %dma_start3A_805] : memref<4096x4096xf32, #tpu.memory_space<hbm>> -> memref<4x4096xf32, #tpu.memory_space<hbm>>
    tpu.enqueue_dma source(%arg8 : memref<4x4096xf32, #tpu.memory_space<vmem>>) target(%dma_start3A_806 : memref<4x4096xf32, #tpu.memory_space<hbm>>) target_semaphore(%arg14 : memref<!tpu.dma_semaphore, #tpu.memory_space<semaphore_mem>>)
    %add3A_807 = arith.constant 36 : i32
    %add3A_808 = arith.addi %mul3A_2, %add3A_807 : i32
    %dma_start3A_809 = arith.constant 0 : i32
    %dma_start3A_810 = tpu.memref_slice %arg2[%add3A_808, %dma_start3A_809] : memref<4096x4096xf32, #tpu.memory_space<hbm>> -> memref<4x4096xf32, #tpu.memory_space<hbm>>
    %dma_start3A_811 = arith.constant 0 : i32
    %dma_start3A_812 = tpu.memref_slice %arg2[%add3A_808, %dma_start3A_811] : memref<4096x4096xf32, #tpu.memory_space<hbm>> -> memref<4x4096xf32, #tpu.memory_space<hbm>>
    tpu.enqueue_dma source(%dma_start3A_812 : memref<4x4096xf32, #tpu.memory_space<hbm>>) target(%arg6 : memref<4x4096xf32, #tpu.memory_space<vmem>>) target_semaphore(%arg12 : memref<!tpu.dma_semaphore, #tpu.memory_space<semaphore_mem>>)
    %dma_wait3A_813 = arith.constant 0 : i32
    %dma_wait3A_814 = tpu.memref_slice %arg2[%add3A_781, %dma_wait3A_813] : memref<4096x4096xf32, #tpu.memory_space<hbm>> -> memref<4x4096xf32, #tpu.memory_space<hbm>>
    %dma_wait3A_815 = arith.constant 0 : i32
    %dma_wait3A_816 = tpu.memref_slice %arg2[%add3A_781, %dma_wait3A_815] : memref<4096x4096xf32, #tpu.memory_space<hbm>> -> memref<4x4096xf32, #tpu.memory_space<hbm>>
    tpu.wait_dma2 semaphore(%arg11 : memref<!tpu.dma_semaphore, #tpu.memory_space<semaphore_mem>>) src(%dma_wait3A_816 : memref<4x4096xf32, #tpu.memory_space<hbm>>) dst(%arg5 : memref<4x4096xf32, #tpu.memory_space<vmem>>)
    %dma_wait3A_817 = arith.constant 0 : i32
    %dma_wait3A_818 = tpu.memref_slice %arg4[%add3A_775, %dma_wait3A_817] : memref<4096x4096xf32, #tpu.memory_space<hbm>> -> memref<4x4096xf32, #tpu.memory_space<hbm>>
    %dma_wait3A_819 = arith.constant 0 : i32
    %dma_wait3A_820 = tpu.memref_slice %arg4[%add3A_775, %dma_wait3A_819] : memref<4096x4096xf32, #tpu.memory_space<hbm>> -> memref<4x4096xf32, #tpu.memory_space<hbm>>
    tpu.wait_dma2 semaphore(%arg13 : memref<!tpu.dma_semaphore, #tpu.memory_space<semaphore_mem>>) src(%arg7 : memref<4x4096xf32, #tpu.memory_space<vmem>>) dst(%dma_wait3A_820 : memref<4x4096xf32, #tpu.memory_space<hbm>>)
    %scan3A_821 = arith.constant 0 : i32
    %scan3A_822 = arith.constant 0 : i32
    %scan3A_823 = arith.constant 256 : i32
    %scan3A_824 = arith.addi %scan3A_822, %scan3A_823 : i32
    %scan3A_825 = arith.constant 1 : i32
    %scan3A_826 = scf.for %scan3A_1457 = %scan3A_822 to %scan3A_824 step %scan3A_825 iter_args(%scan3A_1458 = %scan3A_821) -> (i32)  : i32 {
      %mul3A_1459 = arith.constant 16 : i32
      %mul3A_1460 = arith.muli %scan3A_1457, %mul3A_1459 : i32
      %get3A_1461 = arith.index_cast %mul3A_1460 : i32 to index
      %get3A_1462 = tpu.vector_load %arg9[%get3A_1461] {strides = array<i32>} : memref<4112xf32, #tpu.memory_space<vmem>>, vector<16xf32>,
      %get3A_1463 = arith.constant 0 : i32
      %get3A_1464 = arith.index_cast %get3A_1463 : i32 to index
      %get3A_1465 = arith.index_cast %mul3A_1460 : i32 to index
      %get3A_1466 = tpu.vector_load %arg5[%get3A_1464, %get3A_1465] {strides = array<i32>} : memref<4x4096xf32, #tpu.memory_space<vmem>>, vector<16xf32>,
      %mul3A_1467 = arith.mulf %get3A_1466, %get3A_1462 : vector<16xf32>
      %swap3A_1468 = arith.constant 0 : i32
      %swap3A_1469 = arith.index_cast %swap3A_1468 : i32 to index
      %swap3A_1470 = arith.index_cast %mul3A_1460 : i32 to index
      %swap3A_1471 = tpu.vector_load %arg7[%swap3A_1469, %swap3A_1470] {strides = array<i32>} : memref<4x4096xf32, #tpu.memory_space<vmem>>, vector<16xf32>,
      tpu.vector_store %arg7[%swap3A_1469, %swap3A_1470], %mul3A_1467 {strides = array<i32>} : memref<4x4096xf32, #tpu.memory_space<vmem>>, vector<16xf32>,
      %get3A_1472 = arith.constant 1 : i32
      %get3A_1473 = arith.index_cast %get3A_1472 : i32 to index
      %get3A_1474 = arith.index_cast %mul3A_1460 : i32 to index
      %get3A_1475 = tpu.vector_load %arg5[%get3A_1473, %get3A_1474] {strides = array<i32>} : memref<4x4096xf32, #tpu.memory_space<vmem>>, vector<16xf32>,
      %mul3A_1476 = arith.mulf %get3A_1475, %get3A_1462 : vector<16xf32>
      %swap3A_1477 = arith.constant 1 : i32
      %swap3A_1478 = arith.index_cast %swap3A_1477 : i32 to index
      %swap3A_1479 = arith.index_cast %mul3A_1460 : i32 to index
      %swap3A_1480 = tpu.vector_load %arg7[%swap3A_1478, %swap3A_1479] {strides = array<i32>} : memref<4x4096xf32, #tpu.memory_space<vmem>>, vector<16xf32>,
      tpu.vector_store %arg7[%swap3A_1478, %swap3A_1479], %mul3A_1476 {strides = array<i32>} : memref<4x4096xf32, #tpu.memory_space<vmem>>, vector<16xf32>,
      %get3A_1481 = arith.constant 2 : i32
      %get3A_1482 = arith.index_cast %get3A_1481 : i32 to index
      %get3A_1483 = arith.index_cast %mul3A_1460 : i32 to index
      %get3A_1484 = tpu.vector_load %arg5[%get3A_1482, %get3A_1483] {strides = array<i32>} : memref<4x4096xf32, #tpu.memory_space<vmem>>, vector<16xf32>,
      %mul3A_1485 = arith.mulf %get3A_1484, %get3A_1462 : vector<16xf32>
      %swap3A_1486 = arith.constant 2 : i32
      %swap3A_1487 = arith.index_cast %swap3A_1486 : i32 to index
      %swap3A_1488 = arith.index_cast %mul3A_1460 : i32 to index
      %swap3A_1489 = tpu.vector_load %arg7[%swap3A_1487, %swap3A_1488] {strides = array<i32>} : memref<4x4096xf32, #tpu.memory_space<vmem>>, vector<16xf32>,
      tpu.vector_store %arg7[%swap3A_1487, %swap3A_1488], %mul3A_1485 {strides = array<i32>} : memref<4x4096xf32, #tpu.memory_space<vmem>>, vector<16xf32>,
      %get3A_1490 = arith.constant 3 : i32
      %get3A_1491 = arith.index_cast %get3A_1490 : i32 to index
      %get3A_1492 = arith.index_cast %mul3A_1460 : i32 to index
      %get3A_1493 = tpu.vector_load %arg5[%get3A_1491, %get3A_1492] {strides = array<i32>} : memref<4x4096xf32, #tpu.memory_space<vmem>>, vector<16xf32>,
      %mul3A_1494 = arith.mulf %get3A_1493, %get3A_1462 : vector<16xf32>
      %swap3A_1495 = arith.constant 3 : i32
      %swap3A_1496 = arith.index_cast %swap3A_1495 : i32 to index
      %swap3A_1497 = arith.index_cast %mul3A_1460 : i32 to index
      %swap3A_1498 = tpu.vector_load %arg7[%swap3A_1496, %swap3A_1497] {strides = array<i32>} : memref<4x4096xf32, #tpu.memory_space<vmem>>, vector<16xf32>,
      tpu.vector_store %arg7[%swap3A_1496, %swap3A_1497], %mul3A_1494 {strides = array<i32>} : memref<4x4096xf32, #tpu.memory_space<vmem>>, vector<16xf32>,
      %scan3A_1499 = arith.constant 0 : i32
      scf.yield %scan3A_1499 : i32
    }
    %scan3A_827 = arith.constant 256 : i32
    %add3A_828 = arith.constant 32 : i32
    %add3A_829 = arith.addi %mul3A_2, %add3A_828 : i32
    %dma_start3A_830 = arith.constant 0 : i32
    %dma_start3A_831 = tpu.memref_slice %arg4[%add3A_829, %dma_start3A_830] : memref<4096x4096xf32, #tpu.memory_space<hbm>> -> memref<4x4096xf32, #tpu.memory_space<hbm>>
    %dma_start3A_832 = arith.constant 0 : i32
    %dma_start3A_833 = tpu.memref_slice %arg4[%add3A_829, %dma_start3A_832] : memref<4096x4096xf32, #tpu.memory_space<hbm>> -> memref<4x4096xf32, #tpu.memory_space<hbm>>
    tpu.enqueue_dma source(%arg7 : memref<4x4096xf32, #tpu.memory_space<vmem>>) target(%dma_start3A_833 : memref<4x4096xf32, #tpu.memory_space<hbm>>) target_semaphore(%arg13 : memref<!tpu.dma_semaphore, #tpu.memory_space<semaphore_mem>>)
    %add3A_834 = arith.constant 40 : i32
    %add3A_835 = arith.addi %mul3A_2, %add3A_834 : i32
    %dma_start3A_836 = arith.constant 0 : i32
    %dma_start3A_837 = tpu.memref_slice %arg2[%add3A_835, %dma_start3A_836] : memref<4096x4096xf32, #tpu.memory_space<hbm>> -> memref<4x4096xf32, #tpu.memory_space<hbm>>
    %dma_start3A_838 = arith.constant 0 : i32
    %dma_start3A_839 = tpu.memref_slice %arg2[%add3A_835, %dma_start3A_838] : memref<4096x4096xf32, #tpu.memory_space<hbm>> -> memref<4x4096xf32, #tpu.memory_space<hbm>>
    tpu.enqueue_dma source(%dma_start3A_839 : memref<4x4096xf32, #tpu.memory_space<hbm>>) target(%arg5 : memref<4x4096xf32, #tpu.memory_space<vmem>>) target_semaphore(%arg11 : memref<!tpu.dma_semaphore, #tpu.memory_space<semaphore_mem>>)
    %dma_wait3A_840 = arith.constant 0 : i32
    %dma_wait3A_841 = tpu.memref_slice %arg2[%add3A_808, %dma_wait3A_840] : memref<4096x4096xf32, #tpu.memory_space<hbm>> -> memref<4x4096xf32, #tpu.memory_space<hbm>>
    %dma_wait3A_842 = arith.constant 0 : i32
    %dma_wait3A_843 = tpu.memref_slice %arg2[%add3A_808, %dma_wait3A_842] : memref<4096x4096xf32, #tpu.memory_space<hbm>> -> memref<4x4096xf32, #tpu.memory_space<hbm>>
    tpu.wait_dma2 semaphore(%arg12 : memref<!tpu.dma_semaphore, #tpu.memory_space<semaphore_mem>>) src(%dma_wait3A_843 : memref<4x4096xf32, #tpu.memory_space<hbm>>) dst(%arg6 : memref<4x4096xf32, #tpu.memory_space<vmem>>)
    %dma_wait3A_844 = arith.constant 0 : i32
    %dma_wait3A_845 = tpu.memref_slice %arg4[%add3A_802, %dma_wait3A_844] : memref<4096x4096xf32, #tpu.memory_space<hbm>> -> memref<4x4096xf32, #tpu.memory_space<hbm>>
    %dma_wait3A_846 = arith.constant 0 : i32
    %dma_wait3A_847 = tpu.memref_slice %arg4[%add3A_802, %dma_wait3A_846] : memref<4096x4096xf32, #tpu.memory_space<hbm>> -> memref<4x4096xf32, #tpu.memory_space<hbm>>
    tpu.wait_dma2 semaphore(%arg14 : memref<!tpu.dma_semaphore, #tpu.memory_space<semaphore_mem>>) src(%arg8 : memref<4x4096xf32, #tpu.memory_space<vmem>>) dst(%dma_wait3A_847 : memref<4x4096xf32, #tpu.memory_space<hbm>>)
    %scan3A_848 = arith.constant 0 : i32
    %scan3A_849 = arith.constant 0 : i32
    %scan3A_850 = arith.constant 256 : i32
    %scan3A_851 = arith.addi %scan3A_849, %scan3A_850 : i32
    %scan3A_852 = arith.constant 1 : i32
    %scan3A_853 = scf.for %scan3A_1457 = %scan3A_849 to %scan3A_851 step %scan3A_852 iter_args(%scan3A_1458 = %scan3A_848) -> (i32)  : i32 {
      %mul3A_1459 = arith.constant 16 : i32
      %mul3A_1460 = arith.muli %scan3A_1457, %mul3A_1459 : i32
      %get3A_1461 = arith.index_cast %mul3A_1460 : i32 to index
      %get3A_1462 = tpu.vector_load %arg9[%get3A_1461] {strides = array<i32>} : memref<4112xf32, #tpu.memory_space<vmem>>, vector<16xf32>,
      %get3A_1463 = arith.constant 0 : i32
      %get3A_1464 = arith.index_cast %get3A_1463 : i32 to index
      %get3A_1465 = arith.index_cast %mul3A_1460 : i32 to index
      %get3A_1466 = tpu.vector_load %arg6[%get3A_1464, %get3A_1465] {strides = array<i32>} : memref<4x4096xf32, #tpu.memory_space<vmem>>, vector<16xf32>,
      %mul3A_1467 = arith.mulf %get3A_1466, %get3A_1462 : vector<16xf32>
      %swap3A_1468 = arith.constant 0 : i32
      %swap3A_1469 = arith.index_cast %swap3A_1468 : i32 to index
      %swap3A_1470 = arith.index_cast %mul3A_1460 : i32 to index
      %swap3A_1471 = tpu.vector_load %arg8[%swap3A_1469, %swap3A_1470] {strides = array<i32>} : memref<4x4096xf32, #tpu.memory_space<vmem>>, vector<16xf32>,
      tpu.vector_store %arg8[%swap3A_1469, %swap3A_1470], %mul3A_1467 {strides = array<i32>} : memref<4x4096xf32, #tpu.memory_space<vmem>>, vector<16xf32>,
      %get3A_1472 = arith.constant 1 : i32
      %get3A_1473 = arith.index_cast %get3A_1472 : i32 to index
      %get3A_1474 = arith.index_cast %mul3A_1460 : i32 to index
      %get3A_1475 = tpu.vector_load %arg6[%get3A_1473, %get3A_1474] {strides = array<i32>} : memref<4x4096xf32, #tpu.memory_space<vmem>>, vector<16xf32>,
      %mul3A_1476 = arith.mulf %get3A_1475, %get3A_1462 : vector<16xf32>
      %swap3A_1477 = arith.constant 1 : i32
      %swap3A_1478 = arith.index_cast %swap3A_1477 : i32 to index
      %swap3A_1479 = arith.index_cast %mul3A_1460 : i32 to index
      %swap3A_1480 = tpu.vector_load %arg8[%swap3A_1478, %swap3A_1479] {strides = array<i32>} : memref<4x4096xf32, #tpu.memory_space<vmem>>, vector<16xf32>,
      tpu.vector_store %arg8[%swap3A_1478, %swap3A_1479], %mul3A_1476 {strides = array<i32>} : memref<4x4096xf32, #tpu.memory_space<vmem>>, vector<16xf32>,
      %get3A_1481 = arith.constant 2 : i32
      %get3A_1482 = arith.index_cast %get3A_1481 : i32 to index
      %get3A_1483 = arith.index_cast %mul3A_1460 : i32 to index
      %get3A_1484 = tpu.vector_load %arg6[%get3A_1482, %get3A_1483] {strides = array<i32>} : memref<4x4096xf32, #tpu.memory_space<vmem>>, vector<16xf32>,
      %mul3A_1485 = arith.mulf %get3A_1484, %get3A_1462 : vector<16xf32>
      %swap3A_1486 = arith.constant 2 : i32
      %swap3A_1487 = arith.index_cast %swap3A_1486 : i32 to index
      %swap3A_1488 = arith.index_cast %mul3A_1460 : i32 to index
      %swap3A_1489 = tpu.vector_load %arg8[%swap3A_1487, %swap3A_1488] {strides = array<i32>} : memref<4x4096xf32, #tpu.memory_space<vmem>>, vector<16xf32>,
      tpu.vector_store %arg8[%swap3A_1487, %swap3A_1488], %mul3A_1485 {strides = array<i32>} : memref<4x4096xf32, #tpu.memory_space<vmem>>, vector<16xf32>,
      %get3A_1490 = arith.constant 3 : i32
      %get3A_1491 = arith.index_cast %get3A_1490 : i32 to index
      %get3A_1492 = arith.index_cast %mul3A_1460 : i32 to index
      %get3A_1493 = tpu.vector_load %arg6[%get3A_1491, %get3A_1492] {strides = array<i32>} : memref<4x4096xf32, #tpu.memory_space<vmem>>, vector<16xf32>,
      %mul3A_1494 = arith.mulf %get3A_1493, %get3A_1462 : vector<16xf32>
      %swap3A_1495 = arith.constant 3 : i32
      %swap3A_1496 = arith.index_cast %swap3A_1495 : i32 to index
      %swap3A_1497 = arith.index_cast %mul3A_1460 : i32 to index
      %swap3A_1498 = tpu.vector_load %arg8[%swap3A_1496, %swap3A_1497] {strides = array<i32>} : memref<4x4096xf32, #tpu.memory_space<vmem>>, vector<16xf32>,
      tpu.vector_store %arg8[%swap3A_1496, %swap3A_1497], %mul3A_1494 {strides = array<i32>} : memref<4x4096xf32, #tpu.memory_space<vmem>>, vector<16xf32>,
      %scan3A_1499 = arith.constant 0 : i32
      scf.yield %scan3A_1499 : i32
    }
    %scan3A_854 = arith.constant 256 : i32
    %add3A_855 = arith.constant 36 : i32
    %add3A_856 = arith.addi %mul3A_2, %add3A_855 : i32
    %dma_start3A_857 = arith.constant 0 : i32
    %dma_start3A_858 = tpu.memref_slice %arg4[%add3A_856, %dma_start3A_857] : memref<4096x4096xf32, #tpu.memory_space<hbm>> -> memref<4x4096xf32, #tpu.memory_space<hbm>>
    %dma_start3A_859 = arith.constant 0 : i32
    %dma_start3A_860 = tpu.memref_slice %arg4[%add3A_856, %dma_start3A_859] : memref<4096x4096xf32, #tpu.memory_space<hbm>> -> memref<4x4096xf32, #tpu.memory_space<hbm>>
    tpu.enqueue_dma source(%arg8 : memref<4x4096xf32, #tpu.memory_space<vmem>>) target(%dma_start3A_860 : memref<4x4096xf32, #tpu.memory_space<hbm>>) target_semaphore(%arg14 : memref<!tpu.dma_semaphore, #tpu.memory_space<semaphore_mem>>)
    %add3A_861 = arith.constant 44 : i32
    %add3A_862 = arith.addi %mul3A_2, %add3A_861 : i32
    %dma_start3A_863 = arith.constant 0 : i32
    %dma_start3A_864 = tpu.memref_slice %arg2[%add3A_862, %dma_start3A_863] : memref<4096x4096xf32, #tpu.memory_space<hbm>> -> memref<4x4096xf32, #tpu.memory_space<hbm>>
    %dma_start3A_865 = arith.constant 0 : i32
    %dma_start3A_866 = tpu.memref_slice %arg2[%add3A_862, %dma_start3A_865] : memref<4096x4096xf32, #tpu.memory_space<hbm>> -> memref<4x4096xf32, #tpu.memory_space<hbm>>
    tpu.enqueue_dma source(%dma_start3A_866 : memref<4x4096xf32, #tpu.memory_space<hbm>>) target(%arg6 : memref<4x4096xf32, #tpu.memory_space<vmem>>) target_semaphore(%arg12 : memref<!tpu.dma_semaphore, #tpu.memory_space<semaphore_mem>>)
    %dma_wait3A_867 = arith.constant 0 : i32
    %dma_wait3A_868 = tpu.memref_slice %arg2[%add3A_835, %dma_wait3A_867] : memref<4096x4096xf32, #tpu.memory_space<hbm>> -> memref<4x4096xf32, #tpu.memory_space<hbm>>
    %dma_wait3A_869 = arith.constant 0 : i32
    %dma_wait3A_870 = tpu.memref_slice %arg2[%add3A_835, %dma_wait3A_869] : memref<4096x4096xf32, #tpu.memory_space<hbm>> -> memref<4x4096xf32, #tpu.memory_space<hbm>>
    tpu.wait_dma2 semaphore(%arg11 : memref<!tpu.dma_semaphore, #tpu.memory_space<semaphore_mem>>) src(%dma_wait3A_870 : memref<4x4096xf32, #tpu.memory_space<hbm>>) dst(%arg5 : memref<4x4096xf32, #tpu.memory_space<vmem>>)
    %dma_wait3A_871 = arith.constant 0 : i32
    %dma_wait3A_872 = tpu.memref_slice %arg4[%add3A_829, %dma_wait3A_871] : memref<4096x4096xf32, #tpu.memory_space<hbm>> -> memref<4x4096xf32, #tpu.memory_space<hbm>>
    %dma_wait3A_873 = arith.constant 0 : i32
    %dma_wait3A_874 = tpu.memref_slice %arg4[%add3A_829, %dma_wait3A_873] : memref<4096x4096xf32, #tpu.memory_space<hbm>> -> memref<4x4096xf32, #tpu.memory_space<hbm>>
    tpu.wait_dma2 semaphore(%arg13 : memref<!tpu.dma_semaphore, #tpu.memory_space<semaphore_mem>>) src(%arg7 : memref<4x4096xf32, #tpu.memory_space<vmem>>) dst(%dma_wait3A_874 : memref<4x4096xf32, #tpu.memory_space<hbm>>)
    %scan3A_875 = arith.constant 0 : i32
    %scan3A_876 = arith.constant 0 : i32
    %scan3A_877 = arith.constant 256 : i32
    %scan3A_878 = arith.addi %scan3A_876, %scan3A_877 : i32
    %scan3A_879 = arith.constant 1 : i32
    %scan3A_880 = scf.for %scan3A_1457 = %scan3A_876 to %scan3A_878 step %scan3A_879 iter_args(%scan3A_1458 = %scan3A_875) -> (i32)  : i32 {
      %mul3A_1459 = arith.constant 16 : i32
      %mul3A_1460 = arith.muli %scan3A_1457, %mul3A_1459 : i32
      %get3A_1461 = arith.index_cast %mul3A_1460 : i32 to index
      %get3A_1462 = tpu.vector_load %arg9[%get3A_1461] {strides = array<i32>} : memref<4112xf32, #tpu.memory_space<vmem>>, vector<16xf32>,
      %get3A_1463 = arith.constant 0 : i32
      %get3A_1464 = arith.index_cast %get3A_1463 : i32 to index
      %get3A_1465 = arith.index_cast %mul3A_1460 : i32 to index
      %get3A_1466 = tpu.vector_load %arg5[%get3A_1464, %get3A_1465] {strides = array<i32>} : memref<4x4096xf32, #tpu.memory_space<vmem>>, vector<16xf32>,
      %mul3A_1467 = arith.mulf %get3A_1466, %get3A_1462 : vector<16xf32>
      %swap3A_1468 = arith.constant 0 : i32
      %swap3A_1469 = arith.index_cast %swap3A_1468 : i32 to index
      %swap3A_1470 = arith.index_cast %mul3A_1460 : i32 to index
      %swap3A_1471 = tpu.vector_load %arg7[%swap3A_1469, %swap3A_1470] {strides = array<i32>} : memref<4x4096xf32, #tpu.memory_space<vmem>>, vector<16xf32>,
      tpu.vector_store %arg7[%swap3A_1469, %swap3A_1470], %mul3A_1467 {strides = array<i32>} : memref<4x4096xf32, #tpu.memory_space<vmem>>, vector<16xf32>,
      %get3A_1472 = arith.constant 1 : i32
      %get3A_1473 = arith.index_cast %get3A_1472 : i32 to index
      %get3A_1474 = arith.index_cast %mul3A_1460 : i32 to index
      %get3A_1475 = tpu.vector_load %arg5[%get3A_1473, %get3A_1474] {strides = array<i32>} : memref<4x4096xf32, #tpu.memory_space<vmem>>, vector<16xf32>,
      %mul3A_1476 = arith.mulf %get3A_1475, %get3A_1462 : vector<16xf32>
      %swap3A_1477 = arith.constant 1 : i32
      %swap3A_1478 = arith.index_cast %swap3A_1477 : i32 to index
      %swap3A_1479 = arith.index_cast %mul3A_1460 : i32 to index
      %swap3A_1480 = tpu.vector_load %arg7[%swap3A_1478, %swap3A_1479] {strides = array<i32>} : memref<4x4096xf32, #tpu.memory_space<vmem>>, vector<16xf32>,
      tpu.vector_store %arg7[%swap3A_1478, %swap3A_1479], %mul3A_1476 {strides = array<i32>} : memref<4x4096xf32, #tpu.memory_space<vmem>>, vector<16xf32>,
      %get3A_1481 = arith.constant 2 : i32
      %get3A_1482 = arith.index_cast %get3A_1481 : i32 to index
      %get3A_1483 = arith.index_cast %mul3A_1460 : i32 to index
      %get3A_1484 = tpu.vector_load %arg5[%get3A_1482, %get3A_1483] {strides = array<i32>} : memref<4x4096xf32, #tpu.memory_space<vmem>>, vector<16xf32>,
      %mul3A_1485 = arith.mulf %get3A_1484, %get3A_1462 : vector<16xf32>
      %swap3A_1486 = arith.constant 2 : i32
      %swap3A_1487 = arith.index_cast %swap3A_1486 : i32 to index
      %swap3A_1488 = arith.index_cast %mul3A_1460 : i32 to index
      %swap3A_1489 = tpu.vector_load %arg7[%swap3A_1487, %swap3A_1488] {strides = array<i32>} : memref<4x4096xf32, #tpu.memory_space<vmem>>, vector<16xf32>,
      tpu.vector_store %arg7[%swap3A_1487, %swap3A_1488], %mul3A_1485 {strides = array<i32>} : memref<4x4096xf32, #tpu.memory_space<vmem>>, vector<16xf32>,
      %get3A_1490 = arith.constant 3 : i32
      %get3A_1491 = arith.index_cast %get3A_1490 : i32 to index
      %get3A_1492 = arith.index_cast %mul3A_1460 : i32 to index
      %get3A_1493 = tpu.vector_load %arg5[%get3A_1491, %get3A_1492] {strides = array<i32>} : memref<4x4096xf32, #tpu.memory_space<vmem>>, vector<16xf32>,
      %mul3A_1494 = arith.mulf %get3A_1493, %get3A_1462 : vector<16xf32>
      %swap3A_1495 = arith.constant 3 : i32
      %swap3A_1496 = arith.index_cast %swap3A_1495 : i32 to index
      %swap3A_1497 = arith.index_cast %mul3A_1460 : i32 to index
      %swap3A_1498 = tpu.vector_load %arg7[%swap3A_1496, %swap3A_1497] {strides = array<i32>} : memref<4x4096xf32, #tpu.memory_space<vmem>>, vector<16xf32>,
      tpu.vector_store %arg7[%swap3A_1496, %swap3A_1497], %mul3A_1494 {strides = array<i32>} : memref<4x4096xf32, #tpu.memory_space<vmem>>, vector<16xf32>,
      %scan3A_1499 = arith.constant 0 : i32
      scf.yield %scan3A_1499 : i32
    }
    %scan3A_881 = arith.constant 256 : i32
    %add3A_882 = arith.constant 40 : i32
    %add3A_883 = arith.addi %mul3A_2, %add3A_882 : i32
    %dma_start3A_884 = arith.constant 0 : i32
    %dma_start3A_885 = tpu.memref_slice %arg4[%add3A_883, %dma_start3A_884] : memref<4096x4096xf32, #tpu.memory_space<hbm>> -> memref<4x4096xf32, #tpu.memory_space<hbm>>
    %dma_start3A_886 = arith.constant 0 : i32
    %dma_start3A_887 = tpu.memref_slice %arg4[%add3A_883, %dma_start3A_886] : memref<4096x4096xf32, #tpu.memory_space<hbm>> -> memref<4x4096xf32, #tpu.memory_space<hbm>>
    tpu.enqueue_dma source(%arg7 : memref<4x4096xf32, #tpu.memory_space<vmem>>) target(%dma_start3A_887 : memref<4x4096xf32, #tpu.memory_space<hbm>>) target_semaphore(%arg13 : memref<!tpu.dma_semaphore, #tpu.memory_space<semaphore_mem>>)
    %add3A_888 = arith.constant 48 : i32
    %add3A_889 = arith.addi %mul3A_2, %add3A_888 : i32
    %dma_start3A_890 = arith.constant 0 : i32
    %dma_start3A_891 = tpu.memref_slice %arg2[%add3A_889, %dma_start3A_890] : memref<4096x4096xf32, #tpu.memory_space<hbm>> -> memref<4x4096xf32, #tpu.memory_space<hbm>>
    %dma_start3A_892 = arith.constant 0 : i32
    %dma_start3A_893 = tpu.memref_slice %arg2[%add3A_889, %dma_start3A_892] : memref<4096x4096xf32, #tpu.memory_space<hbm>> -> memref<4x4096xf32, #tpu.memory_space<hbm>>
    tpu.enqueue_dma source(%dma_start3A_893 : memref<4x4096xf32, #tpu.memory_space<hbm>>) target(%arg5 : memref<4x4096xf32, #tpu.memory_space<vmem>>) target_semaphore(%arg11 : memref<!tpu.dma_semaphore, #tpu.memory_space<semaphore_mem>>)
    %dma_wait3A_894 = arith.constant 0 : i32
    %dma_wait3A_895 = tpu.memref_slice %arg2[%add3A_862, %dma_wait3A_894] : memref<4096x4096xf32, #tpu.memory_space<hbm>> -> memref<4x4096xf32, #tpu.memory_space<hbm>>
    %dma_wait3A_896 = arith.constant 0 : i32
    %dma_wait3A_897 = tpu.memref_slice %arg2[%add3A_862, %dma_wait3A_896] : memref<4096x4096xf32, #tpu.memory_space<hbm>> -> memref<4x4096xf32, #tpu.memory_space<hbm>>
    tpu.wait_dma2 semaphore(%arg12 : memref<!tpu.dma_semaphore, #tpu.memory_space<semaphore_mem>>) src(%dma_wait3A_897 : memref<4x4096xf32, #tpu.memory_space<hbm>>) dst(%arg6 : memref<4x4096xf32, #tpu.memory_space<vmem>>)
    %dma_wait3A_898 = arith.constant 0 : i32
    %dma_wait3A_899 = tpu.memref_slice %arg4[%add3A_856, %dma_wait3A_898] : memref<4096x4096xf32, #tpu.memory_space<hbm>> -> memref<4x4096xf32, #tpu.memory_space<hbm>>
    %dma_wait3A_900 = arith.constant 0 : i32
    %dma_wait3A_901 = tpu.memref_slice %arg4[%add3A_856, %dma_wait3A_900] : memref<4096x4096xf32, #tpu.memory_space<hbm>> -> memref<4x4096xf32, #tpu.memory_space<hbm>>
    tpu.wait_dma2 semaphore(%arg14 : memref<!tpu.dma_semaphore, #tpu.memory_space<semaphore_mem>>) src(%arg8 : memref<4x4096xf32, #tpu.memory_space<vmem>>) dst(%dma_wait3A_901 : memref<4x4096xf32, #tpu.memory_space<hbm>>)
    %scan3A_902 = arith.constant 0 : i32
    %scan3A_903 = arith.constant 0 : i32
    %scan3A_904 = arith.constant 256 : i32
    %scan3A_905 = arith.addi %scan3A_903, %scan3A_904 : i32
    %scan3A_906 = arith.constant 1 : i32
    %scan3A_907 = scf.for %scan3A_1457 = %scan3A_903 to %scan3A_905 step %scan3A_906 iter_args(%scan3A_1458 = %scan3A_902) -> (i32)  : i32 {
      %mul3A_1459 = arith.constant 16 : i32
      %mul3A_1460 = arith.muli %scan3A_1457, %mul3A_1459 : i32
      %get3A_1461 = arith.index_cast %mul3A_1460 : i32 to index
      %get3A_1462 = tpu.vector_load %arg9[%get3A_1461] {strides = array<i32>} : memref<4112xf32, #tpu.memory_space<vmem>>, vector<16xf32>,
      %get3A_1463 = arith.constant 0 : i32
      %get3A_1464 = arith.index_cast %get3A_1463 : i32 to index
      %get3A_1465 = arith.index_cast %mul3A_1460 : i32 to index
      %get3A_1466 = tpu.vector_load %arg6[%get3A_1464, %get3A_1465] {strides = array<i32>} : memref<4x4096xf32, #tpu.memory_space<vmem>>, vector<16xf32>,
      %mul3A_1467 = arith.mulf %get3A_1466, %get3A_1462 : vector<16xf32>
      %swap3A_1468 = arith.constant 0 : i32
      %swap3A_1469 = arith.index_cast %swap3A_1468 : i32 to index
      %swap3A_1470 = arith.index_cast %mul3A_1460 : i32 to index
      %swap3A_1471 = tpu.vector_load %arg8[%swap3A_1469, %swap3A_1470] {strides = array<i32>} : memref<4x4096xf32, #tpu.memory_space<vmem>>, vector<16xf32>,
      tpu.vector_store %arg8[%swap3A_1469, %swap3A_1470], %mul3A_1467 {strides = array<i32>} : memref<4x4096xf32, #tpu.memory_space<vmem>>, vector<16xf32>,
      %get3A_1472 = arith.constant 1 : i32
      %get3A_1473 = arith.index_cast %get3A_1472 : i32 to index
      %get3A_1474 = arith.index_cast %mul3A_1460 : i32 to index
      %get3A_1475 = tpu.vector_load %arg6[%get3A_1473, %get3A_1474] {strides = array<i32>} : memref<4x4096xf32, #tpu.memory_space<vmem>>, vector<16xf32>,
      %mul3A_1476 = arith.mulf %get3A_1475, %get3A_1462 : vector<16xf32>
      %swap3A_1477 = arith.constant 1 : i32
      %swap3A_1478 = arith.index_cast %swap3A_1477 : i32 to index
      %swap3A_1479 = arith.index_cast %mul3A_1460 : i32 to index
      %swap3A_1480 = tpu.vector_load %arg8[%swap3A_1478, %swap3A_1479] {strides = array<i32>} : memref<4x4096xf32, #tpu.memory_space<vmem>>, vector<16xf32>,
      tpu.vector_store %arg8[%swap3A_1478, %swap3A_1479], %mul3A_1476 {strides = array<i32>} : memref<4x4096xf32, #tpu.memory_space<vmem>>, vector<16xf32>,
      %get3A_1481 = arith.constant 2 : i32
      %get3A_1482 = arith.index_cast %get3A_1481 : i32 to index
      %get3A_1483 = arith.index_cast %mul3A_1460 : i32 to index
      %get3A_1484 = tpu.vector_load %arg6[%get3A_1482, %get3A_1483] {strides = array<i32>} : memref<4x4096xf32, #tpu.memory_space<vmem>>, vector<16xf32>,
      %mul3A_1485 = arith.mulf %get3A_1484, %get3A_1462 : vector<16xf32>
      %swap3A_1486 = arith.constant 2 : i32
      %swap3A_1487 = arith.index_cast %swap3A_1486 : i32 to index
      %swap3A_1488 = arith.index_cast %mul3A_1460 : i32 to index
      %swap3A_1489 = tpu.vector_load %arg8[%swap3A_1487, %swap3A_1488] {strides = array<i32>} : memref<4x4096xf32, #tpu.memory_space<vmem>>, vector<16xf32>,
      tpu.vector_store %arg8[%swap3A_1487, %swap3A_1488], %mul3A_1485 {strides = array<i32>} : memref<4x4096xf32, #tpu.memory_space<vmem>>, vector<16xf32>,
      %get3A_1490 = arith.constant 3 : i32
      %get3A_1491 = arith.index_cast %get3A_1490 : i32 to index
      %get3A_1492 = arith.index_cast %mul3A_1460 : i32 to index
      %get3A_1493 = tpu.vector_load %arg6[%get3A_1491, %get3A_1492] {strides = array<i32>} : memref<4x4096xf32, #tpu.memory_space<vmem>>, vector<16xf32>,
      %mul3A_1494 = arith.mulf %get3A_1493, %get3A_1462 : vector<16xf32>
      %swap3A_1495 = arith.constant 3 : i32
      %swap3A_1496 = arith.index_cast %swap3A_1495 : i32 to index
      %swap3A_1497 = arith.index_cast %mul3A_1460 : i32 to index
      %swap3A_1498 = tpu.vector_load %arg8[%swap3A_1496, %swap3A_1497] {strides = array<i32>} : memref<4x4096xf32, #tpu.memory_space<vmem>>, vector<16xf32>,
      tpu.vector_store %arg8[%swap3A_1496, %swap3A_1497], %mul3A_1494 {strides = array<i32>} : memref<4x4096xf32, #tpu.memory_space<vmem>>, vector<16xf32>,
      %scan3A_1499 = arith.constant 0 : i32
      scf.yield %scan3A_1499 : i32
    }
    %scan3A_908 = arith.constant 256 : i32
    %add3A_909 = arith.constant 44 : i32
    %add3A_910 = arith.addi %mul3A_2, %add3A_909 : i32
    %dma_start3A_911 = arith.constant 0 : i32
    %dma_start3A_912 = tpu.memref_slice %arg4[%add3A_910, %dma_start3A_911] : memref<4096x4096xf32, #tpu.memory_space<hbm>> -> memref<4x4096xf32, #tpu.memory_space<hbm>>
    %dma_start3A_913 = arith.constant 0 : i32
    %dma_start3A_914 = tpu.memref_slice %arg4[%add3A_910, %dma_start3A_913] : memref<4096x4096xf32, #tpu.memory_space<hbm>> -> memref<4x4096xf32, #tpu.memory_space<hbm>>
    tpu.enqueue_dma source(%arg8 : memref<4x4096xf32, #tpu.memory_space<vmem>>) target(%dma_start3A_914 : memref<4x4096xf32, #tpu.memory_space<hbm>>) target_semaphore(%arg14 : memref<!tpu.dma_semaphore, #tpu.memory_space<semaphore_mem>>)
    %add3A_915 = arith.constant 52 : i32
    %add3A_916 = arith.addi %mul3A_2, %add3A_915 : i32
    %dma_start3A_917 = arith.constant 0 : i32
    %dma_start3A_918 = tpu.memref_slice %arg2[%add3A_916, %dma_start3A_917] : memref<4096x4096xf32, #tpu.memory_space<hbm>> -> memref<4x4096xf32, #tpu.memory_space<hbm>>
    %dma_start3A_919 = arith.constant 0 : i32
    %dma_start3A_920 = tpu.memref_slice %arg2[%add3A_916, %dma_start3A_919] : memref<4096x4096xf32, #tpu.memory_space<hbm>> -> memref<4x4096xf32, #tpu.memory_space<hbm>>
    tpu.enqueue_dma source(%dma_start3A_920 : memref<4x4096xf32, #tpu.memory_space<hbm>>) target(%arg6 : memref<4x4096xf32, #tpu.memory_space<vmem>>) target_semaphore(%arg12 : memref<!tpu.dma_semaphore, #tpu.memory_space<semaphore_mem>>)
    %dma_wait3A_921 = arith.constant 0 : i32
    %dma_wait3A_922 = tpu.memref_slice %arg2[%add3A_889, %dma_wait3A_921] : memref<4096x4096xf32, #tpu.memory_space<hbm>> -> memref<4x4096xf32, #tpu.memory_space<hbm>>
    %dma_wait3A_923 = arith.constant 0 : i32
    %dma_wait3A_924 = tpu.memref_slice %arg2[%add3A_889, %dma_wait3A_923] : memref<4096x4096xf32, #tpu.memory_space<hbm>> -> memref<4x4096xf32, #tpu.memory_space<hbm>>
    tpu.wait_dma2 semaphore(%arg11 : memref<!tpu.dma_semaphore, #tpu.memory_space<semaphore_mem>>) src(%dma_wait3A_924 : memref<4x4096xf32, #tpu.memory_space<hbm>>) dst(%arg5 : memref<4x4096xf32, #tpu.memory_space<vmem>>)
    %dma_wait3A_925 = arith.constant 0 : i32
    %dma_wait3A_926 = tpu.memref_slice %arg4[%add3A_883, %dma_wait3A_925] : memref<4096x4096xf32, #tpu.memory_space<hbm>> -> memref<4x4096xf32, #tpu.memory_space<hbm>>
    %dma_wait3A_927 = arith.constant 0 : i32
    %dma_wait3A_928 = tpu.memref_slice %arg4[%add3A_883, %dma_wait3A_927] : memref<4096x4096xf32, #tpu.memory_space<hbm>> -> memref<4x4096xf32, #tpu.memory_space<hbm>>
    tpu.wait_dma2 semaphore(%arg13 : memref<!tpu.dma_semaphore, #tpu.memory_space<semaphore_mem>>) src(%arg7 : memref<4x4096xf32, #tpu.memory_space<vmem>>) dst(%dma_wait3A_928 : memref<4x4096xf32, #tpu.memory_space<hbm>>)
    %scan3A_929 = arith.constant 0 : i32
    %scan3A_930 = arith.constant 0 : i32
    %scan3A_931 = arith.constant 256 : i32
    %scan3A_932 = arith.addi %scan3A_930, %scan3A_931 : i32
    %scan3A_933 = arith.constant 1 : i32
    %scan3A_934 = scf.for %scan3A_1457 = %scan3A_930 to %scan3A_932 step %scan3A_933 iter_args(%scan3A_1458 = %scan3A_929) -> (i32)  : i32 {
      %mul3A_1459 = arith.constant 16 : i32
      %mul3A_1460 = arith.muli %scan3A_1457, %mul3A_1459 : i32
      %get3A_1461 = arith.index_cast %mul3A_1460 : i32 to index
      %get3A_1462 = tpu.vector_load %arg9[%get3A_1461] {strides = array<i32>} : memref<4112xf32, #tpu.memory_space<vmem>>, vector<16xf32>,
      %get3A_1463 = arith.constant 0 : i32
      %get3A_1464 = arith.index_cast %get3A_1463 : i32 to index
      %get3A_1465 = arith.index_cast %mul3A_1460 : i32 to index
      %get3A_1466 = tpu.vector_load %arg5[%get3A_1464, %get3A_1465] {strides = array<i32>} : memref<4x4096xf32, #tpu.memory_space<vmem>>, vector<16xf32>,
      %mul3A_1467 = arith.mulf %get3A_1466, %get3A_1462 : vector<16xf32>
      %swap3A_1468 = arith.constant 0 : i32
      %swap3A_1469 = arith.index_cast %swap3A_1468 : i32 to index
      %swap3A_1470 = arith.index_cast %mul3A_1460 : i32 to index
      %swap3A_1471 = tpu.vector_load %arg7[%swap3A_1469, %swap3A_1470] {strides = array<i32>} : memref<4x4096xf32, #tpu.memory_space<vmem>>, vector<16xf32>,
      tpu.vector_store %arg7[%swap3A_1469, %swap3A_1470], %mul3A_1467 {strides = array<i32>} : memref<4x4096xf32, #tpu.memory_space<vmem>>, vector<16xf32>,
      %get3A_1472 = arith.constant 1 : i32
      %get3A_1473 = arith.index_cast %get3A_1472 : i32 to index
      %get3A_1474 = arith.index_cast %mul3A_1460 : i32 to index
      %get3A_1475 = tpu.vector_load %arg5[%get3A_1473, %get3A_1474] {strides = array<i32>} : memref<4x4096xf32, #tpu.memory_space<vmem>>, vector<16xf32>,
      %mul3A_1476 = arith.mulf %get3A_1475, %get3A_1462 : vector<16xf32>
      %swap3A_1477 = arith.constant 1 : i32
      %swap3A_1478 = arith.index_cast %swap3A_1477 : i32 to index
      %swap3A_1479 = arith.index_cast %mul3A_1460 : i32 to index
      %swap3A_1480 = tpu.vector_load %arg7[%swap3A_1478, %swap3A_1479] {strides = array<i32>} : memref<4x4096xf32, #tpu.memory_space<vmem>>, vector<16xf32>,
      tpu.vector_store %arg7[%swap3A_1478, %swap3A_1479], %mul3A_1476 {strides = array<i32>} : memref<4x4096xf32, #tpu.memory_space<vmem>>, vector<16xf32>,
      %get3A_1481 = arith.constant 2 : i32
      %get3A_1482 = arith.index_cast %get3A_1481 : i32 to index
      %get3A_1483 = arith.index_cast %mul3A_1460 : i32 to index
      %get3A_1484 = tpu.vector_load %arg5[%get3A_1482, %get3A_1483] {strides = array<i32>} : memref<4x4096xf32, #tpu.memory_space<vmem>>, vector<16xf32>,
      %mul3A_1485 = arith.mulf %get3A_1484, %get3A_1462 : vector<16xf32>
      %swap3A_1486 = arith.constant 2 : i32
      %swap3A_1487 = arith.index_cast %swap3A_1486 : i32 to index
      %swap3A_1488 = arith.index_cast %mul3A_1460 : i32 to index
      %swap3A_1489 = tpu.vector_load %arg7[%swap3A_1487, %swap3A_1488] {strides = array<i32>} : memref<4x4096xf32, #tpu.memory_space<vmem>>, vector<16xf32>,
      tpu.vector_store %arg7[%swap3A_1487, %swap3A_1488], %mul3A_1485 {strides = array<i32>} : memref<4x4096xf32, #tpu.memory_space<vmem>>, vector<16xf32>,
      %get3A_1490 = arith.constant 3 : i32
      %get3A_1491 = arith.index_cast %get3A_1490 : i32 to index
      %get3A_1492 = arith.index_cast %mul3A_1460 : i32 to index
      %get3A_1493 = tpu.vector_load %arg5[%get3A_1491, %get3A_1492] {strides = array<i32>} : memref<4x4096xf32, #tpu.memory_space<vmem>>, vector<16xf32>,
      %mul3A_1494 = arith.mulf %get3A_1493, %get3A_1462 : vector<16xf32>
      %swap3A_1495 = arith.constant 3 : i32
      %swap3A_1496 = arith.index_cast %swap3A_1495 : i32 to index
      %swap3A_1497 = arith.index_cast %mul3A_1460 : i32 to index
      %swap3A_1498 = tpu.vector_load %arg7[%swap3A_1496, %swap3A_1497] {strides = array<i32>} : memref<4x4096xf32, #tpu.memory_space<vmem>>, vector<16xf32>,
      tpu.vector_store %arg7[%swap3A_1496, %swap3A_1497], %mul3A_1494 {strides = array<i32>} : memref<4x4096xf32, #tpu.memory_space<vmem>>, vector<16xf32>,
      %scan3A_1499 = arith.constant 0 : i32
      scf.yield %scan3A_1499 : i32
    }
    %scan3A_935 = arith.constant 256 : i32
    %add3A_936 = arith.constant 48 : i32
    %add3A_937 = arith.addi %mul3A_2, %add3A_936 : i32
    %dma_start3A_938 = arith.constant 0 : i32
    %dma_start3A_939 = tpu.memref_slice %arg4[%add3A_937, %dma_start3A_938] : memref<4096x4096xf32, #tpu.memory_space<hbm>> -> memref<4x4096xf32, #tpu.memory_space<hbm>>
    %dma_start3A_940 = arith.constant 0 : i32
    %dma_start3A_941 = tpu.memref_slice %arg4[%add3A_937, %dma_start3A_940] : memref<4096x4096xf32, #tpu.memory_space<hbm>> -> memref<4x4096xf32, #tpu.memory_space<hbm>>
    tpu.enqueue_dma source(%arg7 : memref<4x4096xf32, #tpu.memory_space<vmem>>) target(%dma_start3A_941 : memref<4x4096xf32, #tpu.memory_space<hbm>>) target_semaphore(%arg13 : memref<!tpu.dma_semaphore, #tpu.memory_space<semaphore_mem>>)
    %add3A_942 = arith.constant 56 : i32
    %add3A_943 = arith.addi %mul3A_2, %add3A_942 : i32
    %dma_start3A_944 = arith.constant 0 : i32
    %dma_start3A_945 = tpu.memref_slice %arg2[%add3A_943, %dma_start3A_944] : memref<4096x4096xf32, #tpu.memory_space<hbm>> -> memref<4x4096xf32, #tpu.memory_space<hbm>>
    %dma_start3A_946 = arith.constant 0 : i32
    %dma_start3A_947 = tpu.memref_slice %arg2[%add3A_943, %dma_start3A_946] : memref<4096x4096xf32, #tpu.memory_space<hbm>> -> memref<4x4096xf32, #tpu.memory_space<hbm>>
    tpu.enqueue_dma source(%dma_start3A_947 : memref<4x4096xf32, #tpu.memory_space<hbm>>) target(%arg5 : memref<4x4096xf32, #tpu.memory_space<vmem>>) target_semaphore(%arg11 : memref<!tpu.dma_semaphore, #tpu.memory_space<semaphore_mem>>)
    %dma_wait3A_948 = arith.constant 0 : i32
    %dma_wait3A_949 = tpu.memref_slice %arg2[%add3A_916, %dma_wait3A_948] : memref<4096x4096xf32, #tpu.memory_space<hbm>> -> memref<4x4096xf32, #tpu.memory_space<hbm>>
    %dma_wait3A_950 = arith.constant 0 : i32
    %dma_wait3A_951 = tpu.memref_slice %arg2[%add3A_916, %dma_wait3A_950] : memref<4096x4096xf32, #tpu.memory_space<hbm>> -> memref<4x4096xf32, #tpu.memory_space<hbm>>
    tpu.wait_dma2 semaphore(%arg12 : memref<!tpu.dma_semaphore, #tpu.memory_space<semaphore_mem>>) src(%dma_wait3A_951 : memref<4x4096xf32, #tpu.memory_space<hbm>>) dst(%arg6 : memref<4x4096xf32, #tpu.memory_space<vmem>>)
    %dma_wait3A_952 = arith.constant 0 : i32
    %dma_wait3A_953 = tpu.memref_slice %arg4[%add3A_910, %dma_wait3A_952] : memref<4096x4096xf32, #tpu.memory_space<hbm>> -> memref<4x4096xf32, #tpu.memory_space<hbm>>
    %dma_wait3A_954 = arith.constant 0 : i32
    %dma_wait3A_955 = tpu.memref_slice %arg4[%add3A_910, %dma_wait3A_954] : memref<4096x4096xf32, #tpu.memory_space<hbm>> -> memref<4x4096xf32, #tpu.memory_space<hbm>>
    tpu.wait_dma2 semaphore(%arg14 : memref<!tpu.dma_semaphore, #tpu.memory_space<semaphore_mem>>) src(%arg8 : memref<4x4096xf32, #tpu.memory_space<vmem>>) dst(%dma_wait3A_955 : memref<4x4096xf32, #tpu.memory_space<hbm>>)
    %scan3A_956 = arith.constant 0 : i32
    %scan3A_957 = arith.constant 0 : i32
    %scan3A_958 = arith.constant 256 : i32
    %scan3A_959 = arith.addi %scan3A_957, %scan3A_958 : i32
    %scan3A_960 = arith.constant 1 : i32
    %scan3A_961 = scf.for %scan3A_1457 = %scan3A_957 to %scan3A_959 step %scan3A_960 iter_args(%scan3A_1458 = %scan3A_956) -> (i32)  : i32 {
      %mul3A_1459 = arith.constant 16 : i32
      %mul3A_1460 = arith.muli %scan3A_1457, %mul3A_1459 : i32
      %get3A_1461 = arith.index_cast %mul3A_1460 : i32 to index
      %get3A_1462 = tpu.vector_load %arg9[%get3A_1461] {strides = array<i32>} : memref<4112xf32, #tpu.memory_space<vmem>>, vector<16xf32>,
      %get3A_1463 = arith.constant 0 : i32
      %get3A_1464 = arith.index_cast %get3A_1463 : i32 to index
      %get3A_1465 = arith.index_cast %mul3A_1460 : i32 to index
      %get3A_1466 = tpu.vector_load %arg6[%get3A_1464, %get3A_1465] {strides = array<i32>} : memref<4x4096xf32, #tpu.memory_space<vmem>>, vector<16xf32>,
      %mul3A_1467 = arith.mulf %get3A_1466, %get3A_1462 : vector<16xf32>
      %swap3A_1468 = arith.constant 0 : i32
      %swap3A_1469 = arith.index_cast %swap3A_1468 : i32 to index
      %swap3A_1470 = arith.index_cast %mul3A_1460 : i32 to index
      %swap3A_1471 = tpu.vector_load %arg8[%swap3A_1469, %swap3A_1470] {strides = array<i32>} : memref<4x4096xf32, #tpu.memory_space<vmem>>, vector<16xf32>,
      tpu.vector_store %arg8[%swap3A_1469, %swap3A_1470], %mul3A_1467 {strides = array<i32>} : memref<4x4096xf32, #tpu.memory_space<vmem>>, vector<16xf32>,
      %get3A_1472 = arith.constant 1 : i32
      %get3A_1473 = arith.index_cast %get3A_1472 : i32 to index
      %get3A_1474 = arith.index_cast %mul3A_1460 : i32 to index
      %get3A_1475 = tpu.vector_load %arg6[%get3A_1473, %get3A_1474] {strides = array<i32>} : memref<4x4096xf32, #tpu.memory_space<vmem>>, vector<16xf32>,
      %mul3A_1476 = arith.mulf %get3A_1475, %get3A_1462 : vector<16xf32>
      %swap3A_1477 = arith.constant 1 : i32
      %swap3A_1478 = arith.index_cast %swap3A_1477 : i32 to index
      %swap3A_1479 = arith.index_cast %mul3A_1460 : i32 to index
      %swap3A_1480 = tpu.vector_load %arg8[%swap3A_1478, %swap3A_1479] {strides = array<i32>} : memref<4x4096xf32, #tpu.memory_space<vmem>>, vector<16xf32>,
      tpu.vector_store %arg8[%swap3A_1478, %swap3A_1479], %mul3A_1476 {strides = array<i32>} : memref<4x4096xf32, #tpu.memory_space<vmem>>, vector<16xf32>,
      %get3A_1481 = arith.constant 2 : i32
      %get3A_1482 = arith.index_cast %get3A_1481 : i32 to index
      %get3A_1483 = arith.index_cast %mul3A_1460 : i32 to index
      %get3A_1484 = tpu.vector_load %arg6[%get3A_1482, %get3A_1483] {strides = array<i32>} : memref<4x4096xf32, #tpu.memory_space<vmem>>, vector<16xf32>,
      %mul3A_1485 = arith.mulf %get3A_1484, %get3A_1462 : vector<16xf32>
      %swap3A_1486 = arith.constant 2 : i32
      %swap3A_1487 = arith.index_cast %swap3A_1486 : i32 to index
      %swap3A_1488 = arith.index_cast %mul3A_1460 : i32 to index
      %swap3A_1489 = tpu.vector_load %arg8[%swap3A_1487, %swap3A_1488] {strides = array<i32>} : memref<4x4096xf32, #tpu.memory_space<vmem>>, vector<16xf32>,
      tpu.vector_store %arg8[%swap3A_1487, %swap3A_1488], %mul3A_1485 {strides = array<i32>} : memref<4x4096xf32, #tpu.memory_space<vmem>>, vector<16xf32>,
      %get3A_1490 = arith.constant 3 : i32
      %get3A_1491 = arith.index_cast %get3A_1490 : i32 to index
      %get3A_1492 = arith.index_cast %mul3A_1460 : i32 to index
      %get3A_1493 = tpu.vector_load %arg6[%get3A_1491, %get3A_1492] {strides = array<i32>} : memref<4x4096xf32, #tpu.memory_space<vmem>>, vector<16xf32>,
      %mul3A_1494 = arith.mulf %get3A_1493, %get3A_1462 : vector<16xf32>
      %swap3A_1495 = arith.constant 3 : i32
      %swap3A_1496 = arith.index_cast %swap3A_1495 : i32 to index
      %swap3A_1497 = arith.index_cast %mul3A_1460 : i32 to index
      %swap3A_1498 = tpu.vector_load %arg8[%swap3A_1496, %swap3A_1497] {strides = array<i32>} : memref<4x4096xf32, #tpu.memory_space<vmem>>, vector<16xf32>,
      tpu.vector_store %arg8[%swap3A_1496, %swap3A_1497], %mul3A_1494 {strides = array<i32>} : memref<4x4096xf32, #tpu.memory_space<vmem>>, vector<16xf32>,
      %scan3A_1499 = arith.constant 0 : i32
      scf.yield %scan3A_1499 : i32
    }
    %scan3A_962 = arith.constant 256 : i32
    %add3A_963 = arith.constant 52 : i32
    %add3A_964 = arith.addi %mul3A_2, %add3A_963 : i32
    %dma_start3A_965 = arith.constant 0 : i32
    %dma_start3A_966 = tpu.memref_slice %arg4[%add3A_964, %dma_start3A_965] : memref<4096x4096xf32, #tpu.memory_space<hbm>> -> memref<4x4096xf32, #tpu.memory_space<hbm>>
    %dma_start3A_967 = arith.constant 0 : i32
    %dma_start3A_968 = tpu.memref_slice %arg4[%add3A_964, %dma_start3A_967] : memref<4096x4096xf32, #tpu.memory_space<hbm>> -> memref<4x4096xf32, #tpu.memory_space<hbm>>
    tpu.enqueue_dma source(%arg8 : memref<4x4096xf32, #tpu.memory_space<vmem>>) target(%dma_start3A_968 : memref<4x4096xf32, #tpu.memory_space<hbm>>) target_semaphore(%arg14 : memref<!tpu.dma_semaphore, #tpu.memory_space<semaphore_mem>>)
    %add3A_969 = arith.constant 60 : i32
    %add3A_970 = arith.addi %mul3A_2, %add3A_969 : i32
    %dma_start3A_971 = arith.constant 0 : i32
    %dma_start3A_972 = tpu.memref_slice %arg2[%add3A_970, %dma_start3A_971] : memref<4096x4096xf32, #tpu.memory_space<hbm>> -> memref<4x4096xf32, #tpu.memory_space<hbm>>
    %dma_start3A_973 = arith.constant 0 : i32
    %dma_start3A_974 = tpu.memref_slice %arg2[%add3A_970, %dma_start3A_973] : memref<4096x4096xf32, #tpu.memory_space<hbm>> -> memref<4x4096xf32, #tpu.memory_space<hbm>>
    tpu.enqueue_dma source(%dma_start3A_974 : memref<4x4096xf32, #tpu.memory_space<hbm>>) target(%arg6 : memref<4x4096xf32, #tpu.memory_space<vmem>>) target_semaphore(%arg12 : memref<!tpu.dma_semaphore, #tpu.memory_space<semaphore_mem>>)
    %dma_wait3A_975 = arith.constant 0 : i32
    %dma_wait3A_976 = tpu.memref_slice %arg2[%add3A_943, %dma_wait3A_975] : memref<4096x4096xf32, #tpu.memory_space<hbm>> -> memref<4x4096xf32, #tpu.memory_space<hbm>>
    %dma_wait3A_977 = arith.constant 0 : i32
    %dma_wait3A_978 = tpu.memref_slice %arg2[%add3A_943, %dma_wait3A_977] : memref<4096x4096xf32, #tpu.memory_space<hbm>> -> memref<4x4096xf32, #tpu.memory_space<hbm>>
    tpu.wait_dma2 semaphore(%arg11 : memref<!tpu.dma_semaphore, #tpu.memory_space<semaphore_mem>>) src(%dma_wait3A_978 : memref<4x4096xf32, #tpu.memory_space<hbm>>) dst(%arg5 : memref<4x4096xf32, #tpu.memory_space<vmem>>)
    %dma_wait3A_979 = arith.constant 0 : i32
    %dma_wait3A_980 = tpu.memref_slice %arg4[%add3A_937, %dma_wait3A_979] : memref<4096x4096xf32, #tpu.memory_space<hbm>> -> memref<4x4096xf32, #tpu.memory_space<hbm>>
    %dma_wait3A_981 = arith.constant 0 : i32
    %dma_wait3A_982 = tpu.memref_slice %arg4[%add3A_937, %dma_wait3A_981] : memref<4096x4096xf32, #tpu.memory_space<hbm>> -> memref<4x4096xf32, #tpu.memory_space<hbm>>
    tpu.wait_dma2 semaphore(%arg13 : memref<!tpu.dma_semaphore, #tpu.memory_space<semaphore_mem>>) src(%arg7 : memref<4x4096xf32, #tpu.memory_space<vmem>>) dst(%dma_wait3A_982 : memref<4x4096xf32, #tpu.memory_space<hbm>>)
    %scan3A_983 = arith.constant 0 : i32
    %scan3A_984 = arith.constant 0 : i32
    %scan3A_985 = arith.constant 256 : i32
    %scan3A_986 = arith.addi %scan3A_984, %scan3A_985 : i32
    %scan3A_987 = arith.constant 1 : i32
    %scan3A_988 = scf.for %scan3A_1457 = %scan3A_984 to %scan3A_986 step %scan3A_987 iter_args(%scan3A_1458 = %scan3A_983) -> (i32)  : i32 {
      %mul3A_1459 = arith.constant 16 : i32
      %mul3A_1460 = arith.muli %scan3A_1457, %mul3A_1459 : i32
      %get3A_1461 = arith.index_cast %mul3A_1460 : i32 to index
      %get3A_1462 = tpu.vector_load %arg9[%get3A_1461] {strides = array<i32>} : memref<4112xf32, #tpu.memory_space<vmem>>, vector<16xf32>,
      %get3A_1463 = arith.constant 0 : i32
      %get3A_1464 = arith.index_cast %get3A_1463 : i32 to index
      %get3A_1465 = arith.index_cast %mul3A_1460 : i32 to index
      %get3A_1466 = tpu.vector_load %arg5[%get3A_1464, %get3A_1465] {strides = array<i32>} : memref<4x4096xf32, #tpu.memory_space<vmem>>, vector<16xf32>,
      %mul3A_1467 = arith.mulf %get3A_1466, %get3A_1462 : vector<16xf32>
      %swap3A_1468 = arith.constant 0 : i32
      %swap3A_1469 = arith.index_cast %swap3A_1468 : i32 to index
      %swap3A_1470 = arith.index_cast %mul3A_1460 : i32 to index
      %swap3A_1471 = tpu.vector_load %arg7[%swap3A_1469, %swap3A_1470] {strides = array<i32>} : memref<4x4096xf32, #tpu.memory_space<vmem>>, vector<16xf32>,
      tpu.vector_store %arg7[%swap3A_1469, %swap3A_1470], %mul3A_1467 {strides = array<i32>} : memref<4x4096xf32, #tpu.memory_space<vmem>>, vector<16xf32>,
      %get3A_1472 = arith.constant 1 : i32
      %get3A_1473 = arith.index_cast %get3A_1472 : i32 to index
      %get3A_1474 = arith.index_cast %mul3A_1460 : i32 to index
      %get3A_1475 = tpu.vector_load %arg5[%get3A_1473, %get3A_1474] {strides = array<i32>} : memref<4x4096xf32, #tpu.memory_space<vmem>>, vector<16xf32>,
      %mul3A_1476 = arith.mulf %get3A_1475, %get3A_1462 : vector<16xf32>
      %swap3A_1477 = arith.constant 1 : i32
      %swap3A_1478 = arith.index_cast %swap3A_1477 : i32 to index
      %swap3A_1479 = arith.index_cast %mul3A_1460 : i32 to index
      %swap3A_1480 = tpu.vector_load %arg7[%swap3A_1478, %swap3A_1479] {strides = array<i32>} : memref<4x4096xf32, #tpu.memory_space<vmem>>, vector<16xf32>,
      tpu.vector_store %arg7[%swap3A_1478, %swap3A_1479], %mul3A_1476 {strides = array<i32>} : memref<4x4096xf32, #tpu.memory_space<vmem>>, vector<16xf32>,
      %get3A_1481 = arith.constant 2 : i32
      %get3A_1482 = arith.index_cast %get3A_1481 : i32 to index
      %get3A_1483 = arith.index_cast %mul3A_1460 : i32 to index
      %get3A_1484 = tpu.vector_load %arg5[%get3A_1482, %get3A_1483] {strides = array<i32>} : memref<4x4096xf32, #tpu.memory_space<vmem>>, vector<16xf32>,
      %mul3A_1485 = arith.mulf %get3A_1484, %get3A_1462 : vector<16xf32>
      %swap3A_1486 = arith.constant 2 : i32
      %swap3A_1487 = arith.index_cast %swap3A_1486 : i32 to index
      %swap3A_1488 = arith.index_cast %mul3A_1460 : i32 to index
      %swap3A_1489 = tpu.vector_load %arg7[%swap3A_1487, %swap3A_1488] {strides = array<i32>} : memref<4x4096xf32, #tpu.memory_space<vmem>>, vector<16xf32>,
      tpu.vector_store %arg7[%swap3A_1487, %swap3A_1488], %mul3A_1485 {strides = array<i32>} : memref<4x4096xf32, #tpu.memory_space<vmem>>, vector<16xf32>,
      %get3A_1490 = arith.constant 3 : i32
      %get3A_1491 = arith.index_cast %get3A_1490 : i32 to index
      %get3A_1492 = arith.index_cast %mul3A_1460 : i32 to index
      %get3A_1493 = tpu.vector_load %arg5[%get3A_1491, %get3A_1492] {strides = array<i32>} : memref<4x4096xf32, #tpu.memory_space<vmem>>, vector<16xf32>,
      %mul3A_1494 = arith.mulf %get3A_1493, %get3A_1462 : vector<16xf32>
      %swap3A_1495 = arith.constant 3 : i32
      %swap3A_1496 = arith.index_cast %swap3A_1495 : i32 to index
      %swap3A_1497 = arith.index_cast %mul3A_1460 : i32 to index
      %swap3A_1498 = tpu.vector_load %arg7[%swap3A_1496, %swap3A_1497] {strides = array<i32>} : memref<4x4096xf32, #tpu.memory_space<vmem>>, vector<16xf32>,
      tpu.vector_store %arg7[%swap3A_1496, %swap3A_1497], %mul3A_1494 {strides = array<i32>} : memref<4x4096xf32, #tpu.memory_space<vmem>>, vector<16xf32>,
      %scan3A_1499 = arith.constant 0 : i32
      scf.yield %scan3A_1499 : i32
    }
    %scan3A_989 = arith.constant 256 : i32
    %add3A_990 = arith.constant 56 : i32
    %add3A_991 = arith.addi %mul3A_2, %add3A_990 : i32
    %dma_start3A_992 = arith.constant 0 : i32
    %dma_start3A_993 = tpu.memref_slice %arg4[%add3A_991, %dma_start3A_992] : memref<4096x4096xf32, #tpu.memory_space<hbm>> -> memref<4x4096xf32, #tpu.memory_space<hbm>>
    %dma_start3A_994 = arith.constant 0 : i32
    %dma_start3A_995 = tpu.memref_slice %arg4[%add3A_991, %dma_start3A_994] : memref<4096x4096xf32, #tpu.memory_space<hbm>> -> memref<4x4096xf32, #tpu.memory_space<hbm>>
    tpu.enqueue_dma source(%arg7 : memref<4x4096xf32, #tpu.memory_space<vmem>>) target(%dma_start3A_995 : memref<4x4096xf32, #tpu.memory_space<hbm>>) target_semaphore(%arg13 : memref<!tpu.dma_semaphore, #tpu.memory_space<semaphore_mem>>)
    %add3A_996 = arith.constant 64 : i32
    %add3A_997 = arith.addi %mul3A_2, %add3A_996 : i32
    %dma_start3A_998 = arith.constant 0 : i32
    %dma_start3A_999 = tpu.memref_slice %arg2[%add3A_997, %dma_start3A_998] : memref<4096x4096xf32, #tpu.memory_space<hbm>> -> memref<4x4096xf32, #tpu.memory_space<hbm>>
    %dma_start3A_1000 = arith.constant 0 : i32
    %dma_start3A_1001 = tpu.memref_slice %arg2[%add3A_997, %dma_start3A_1000] : memref<4096x4096xf32, #tpu.memory_space<hbm>> -> memref<4x4096xf32, #tpu.memory_space<hbm>>
    tpu.enqueue_dma source(%dma_start3A_1001 : memref<4x4096xf32, #tpu.memory_space<hbm>>) target(%arg5 : memref<4x4096xf32, #tpu.memory_space<vmem>>) target_semaphore(%arg11 : memref<!tpu.dma_semaphore, #tpu.memory_space<semaphore_mem>>)
    %dma_wait3A_1002 = arith.constant 0 : i32
    %dma_wait3A_1003 = tpu.memref_slice %arg2[%add3A_970, %dma_wait3A_1002] : memref<4096x4096xf32, #tpu.memory_space<hbm>> -> memref<4x4096xf32, #tpu.memory_space<hbm>>
    %dma_wait3A_1004 = arith.constant 0 : i32
    %dma_wait3A_1005 = tpu.memref_slice %arg2[%add3A_970, %dma_wait3A_1004] : memref<4096x4096xf32, #tpu.memory_space<hbm>> -> memref<4x4096xf32, #tpu.memory_space<hbm>>
    tpu.wait_dma2 semaphore(%arg12 : memref<!tpu.dma_semaphore, #tpu.memory_space<semaphore_mem>>) src(%dma_wait3A_1005 : memref<4x4096xf32, #tpu.memory_space<hbm>>) dst(%arg6 : memref<4x4096xf32, #tpu.memory_space<vmem>>)
    %dma_wait3A_1006 = arith.constant 0 : i32
    %dma_wait3A_1007 = tpu.memref_slice %arg4[%add3A_964, %dma_wait3A_1006] : memref<4096x4096xf32, #tpu.memory_space<hbm>> -> memref<4x4096xf32, #tpu.memory_space<hbm>>
    %dma_wait3A_1008 = arith.constant 0 : i32
    %dma_wait3A_1009 = tpu.memref_slice %arg4[%add3A_964, %dma_wait3A_1008] : memref<4096x4096xf32, #tpu.memory_space<hbm>> -> memref<4x4096xf32, #tpu.memory_space<hbm>>
    tpu.wait_dma2 semaphore(%arg14 : memref<!tpu.dma_semaphore, #tpu.memory_space<semaphore_mem>>) src(%arg8 : memref<4x4096xf32, #tpu.memory_space<vmem>>) dst(%dma_wait3A_1009 : memref<4x4096xf32, #tpu.memory_space<hbm>>)
    %scan3A_1010 = arith.constant 0 : i32
    %scan3A_1011 = arith.constant 0 : i32
    %scan3A_1012 = arith.constant 256 : i32
    %scan3A_1013 = arith.addi %scan3A_1011, %scan3A_1012 : i32
    %scan3A_1014 = arith.constant 1 : i32
    %scan3A_1015 = scf.for %scan3A_1457 = %scan3A_1011 to %scan3A_1013 step %scan3A_1014 iter_args(%scan3A_1458 = %scan3A_1010) -> (i32)  : i32 {
      %mul3A_1459 = arith.constant 16 : i32
      %mul3A_1460 = arith.muli %scan3A_1457, %mul3A_1459 : i32
      %get3A_1461 = arith.index_cast %mul3A_1460 : i32 to index
      %get3A_1462 = tpu.vector_load %arg9[%get3A_1461] {strides = array<i32>} : memref<4112xf32, #tpu.memory_space<vmem>>, vector<16xf32>,
      %get3A_1463 = arith.constant 0 : i32
      %get3A_1464 = arith.index_cast %get3A_1463 : i32 to index
      %get3A_1465 = arith.index_cast %mul3A_1460 : i32 to index
      %get3A_1466 = tpu.vector_load %arg6[%get3A_1464, %get3A_1465] {strides = array<i32>} : memref<4x4096xf32, #tpu.memory_space<vmem>>, vector<16xf32>,
      %mul3A_1467 = arith.mulf %get3A_1466, %get3A_1462 : vector<16xf32>
      %swap3A_1468 = arith.constant 0 : i32
      %swap3A_1469 = arith.index_cast %swap3A_1468 : i32 to index
      %swap3A_1470 = arith.index_cast %mul3A_1460 : i32 to index
      %swap3A_1471 = tpu.vector_load %arg8[%swap3A_1469, %swap3A_1470] {strides = array<i32>} : memref<4x4096xf32, #tpu.memory_space<vmem>>, vector<16xf32>,
      tpu.vector_store %arg8[%swap3A_1469, %swap3A_1470], %mul3A_1467 {strides = array<i32>} : memref<4x4096xf32, #tpu.memory_space<vmem>>, vector<16xf32>,
      %get3A_1472 = arith.constant 1 : i32
      %get3A_1473 = arith.index_cast %get3A_1472 : i32 to index
      %get3A_1474 = arith.index_cast %mul3A_1460 : i32 to index
      %get3A_1475 = tpu.vector_load %arg6[%get3A_1473, %get3A_1474] {strides = array<i32>} : memref<4x4096xf32, #tpu.memory_space<vmem>>, vector<16xf32>,
      %mul3A_1476 = arith.mulf %get3A_1475, %get3A_1462 : vector<16xf32>
      %swap3A_1477 = arith.constant 1 : i32
      %swap3A_1478 = arith.index_cast %swap3A_1477 : i32 to index
      %swap3A_1479 = arith.index_cast %mul3A_1460 : i32 to index
      %swap3A_1480 = tpu.vector_load %arg8[%swap3A_1478, %swap3A_1479] {strides = array<i32>} : memref<4x4096xf32, #tpu.memory_space<vmem>>, vector<16xf32>,
      tpu.vector_store %arg8[%swap3A_1478, %swap3A_1479], %mul3A_1476 {strides = array<i32>} : memref<4x4096xf32, #tpu.memory_space<vmem>>, vector<16xf32>,
      %get3A_1481 = arith.constant 2 : i32
      %get3A_1482 = arith.index_cast %get3A_1481 : i32 to index
      %get3A_1483 = arith.index_cast %mul3A_1460 : i32 to index
      %get3A_1484 = tpu.vector_load %arg6[%get3A_1482, %get3A_1483] {strides = array<i32>} : memref<4x4096xf32, #tpu.memory_space<vmem>>, vector<16xf32>,
      %mul3A_1485 = arith.mulf %get3A_1484, %get3A_1462 : vector<16xf32>
      %swap3A_1486 = arith.constant 2 : i32
      %swap3A_1487 = arith.index_cast %swap3A_1486 : i32 to index
      %swap3A_1488 = arith.index_cast %mul3A_1460 : i32 to index
      %swap3A_1489 = tpu.vector_load %arg8[%swap3A_1487, %swap3A_1488] {strides = array<i32>} : memref<4x4096xf32, #tpu.memory_space<vmem>>, vector<16xf32>,
      tpu.vector_store %arg8[%swap3A_1487, %swap3A_1488], %mul3A_1485 {strides = array<i32>} : memref<4x4096xf32, #tpu.memory_space<vmem>>, vector<16xf32>,
      %get3A_1490 = arith.constant 3 : i32
      %get3A_1491 = arith.index_cast %get3A_1490 : i32 to index
      %get3A_1492 = arith.index_cast %mul3A_1460 : i32 to index
      %get3A_1493 = tpu.vector_load %arg6[%get3A_1491, %get3A_1492] {strides = array<i32>} : memref<4x4096xf32, #tpu.memory_space<vmem>>, vector<16xf32>,
      %mul3A_1494 = arith.mulf %get3A_1493, %get3A_1462 : vector<16xf32>
      %swap3A_1495 = arith.constant 3 : i32
      %swap3A_1496 = arith.index_cast %swap3A_1495 : i32 to index
      %swap3A_1497 = arith.index_cast %mul3A_1460 : i32 to index
      %swap3A_1498 = tpu.vector_load %arg8[%swap3A_1496, %swap3A_1497] {strides = array<i32>} : memref<4x4096xf32, #tpu.memory_space<vmem>>, vector<16xf32>,
      tpu.vector_store %arg8[%swap3A_1496, %swap3A_1497], %mul3A_1494 {strides = array<i32>} : memref<4x4096xf32, #tpu.memory_space<vmem>>, vector<16xf32>,
      %scan3A_1499 = arith.constant 0 : i32
      scf.yield %scan3A_1499 : i32
    }
    %scan3A_1016 = arith.constant 256 : i32
    %add3A_1017 = arith.constant 60 : i32
    %add3A_1018 = arith.addi %mul3A_2, %add3A_1017 : i32
    %dma_start3A_1019 = arith.constant 0 : i32
    %dma_start3A_1020 = tpu.memref_slice %arg4[%add3A_1018, %dma_start3A_1019] : memref<4096x4096xf32, #tpu.memory_space<hbm>> -> memref<4x4096xf32, #tpu.memory_space<hbm>>
    %dma_start3A_1021 = arith.constant 0 : i32
    %dma_start3A_1022 = tpu.memref_slice %arg4[%add3A_1018, %dma_start3A_1021] : memref<4096x4096xf32, #tpu.memory_space<hbm>> -> memref<4x4096xf32, #tpu.memory_space<hbm>>
    tpu.enqueue_dma source(%arg8 : memref<4x4096xf32, #tpu.memory_space<vmem>>) target(%dma_start3A_1022 : memref<4x4096xf32, #tpu.memory_space<hbm>>) target_semaphore(%arg14 : memref<!tpu.dma_semaphore, #tpu.memory_space<semaphore_mem>>)
    %add3A_1023 = arith.constant 68 : i32
    %add3A_1024 = arith.addi %mul3A_2, %add3A_1023 : i32
    %dma_start3A_1025 = arith.constant 0 : i32
    %dma_start3A_1026 = tpu.memref_slice %arg2[%add3A_1024, %dma_start3A_1025] : memref<4096x4096xf32, #tpu.memory_space<hbm>> -> memref<4x4096xf32, #tpu.memory_space<hbm>>
    %dma_start3A_1027 = arith.constant 0 : i32
    %dma_start3A_1028 = tpu.memref_slice %arg2[%add3A_1024, %dma_start3A_1027] : memref<4096x4096xf32, #tpu.memory_space<hbm>> -> memref<4x4096xf32, #tpu.memory_space<hbm>>
    tpu.enqueue_dma source(%dma_start3A_1028 : memref<4x4096xf32, #tpu.memory_space<hbm>>) target(%arg6 : memref<4x4096xf32, #tpu.memory_space<vmem>>) target_semaphore(%arg12 : memref<!tpu.dma_semaphore, #tpu.memory_space<semaphore_mem>>)
    %dma_wait3A_1029 = arith.constant 0 : i32
    %dma_wait3A_1030 = tpu.memref_slice %arg2[%add3A_997, %dma_wait3A_1029] : memref<4096x4096xf32, #tpu.memory_space<hbm>> -> memref<4x4096xf32, #tpu.memory_space<hbm>>
    %dma_wait3A_1031 = arith.constant 0 : i32
    %dma_wait3A_1032 = tpu.memref_slice %arg2[%add3A_997, %dma_wait3A_1031] : memref<4096x4096xf32, #tpu.memory_space<hbm>> -> memref<4x4096xf32, #tpu.memory_space<hbm>>
    tpu.wait_dma2 semaphore(%arg11 : memref<!tpu.dma_semaphore, #tpu.memory_space<semaphore_mem>>) src(%dma_wait3A_1032 : memref<4x4096xf32, #tpu.memory_space<hbm>>) dst(%arg5 : memref<4x4096xf32, #tpu.memory_space<vmem>>)
    %dma_wait3A_1033 = arith.constant 0 : i32
    %dma_wait3A_1034 = tpu.memref_slice %arg4[%add3A_991, %dma_wait3A_1033] : memref<4096x4096xf32, #tpu.memory_space<hbm>> -> memref<4x4096xf32, #tpu.memory_space<hbm>>
    %dma_wait3A_1035 = arith.constant 0 : i32
    %dma_wait3A_1036 = tpu.memref_slice %arg4[%add3A_991, %dma_wait3A_1035] : memref<4096x4096xf32, #tpu.memory_space<hbm>> -> memref<4x4096xf32, #tpu.memory_space<hbm>>
    tpu.wait_dma2 semaphore(%arg13 : memref<!tpu.dma_semaphore, #tpu.memory_space<semaphore_mem>>) src(%arg7 : memref<4x4096xf32, #tpu.memory_space<vmem>>) dst(%dma_wait3A_1036 : memref<4x4096xf32, #tpu.memory_space<hbm>>)
    %scan3A_1037 = arith.constant 0 : i32
    %scan3A_1038 = arith.constant 0 : i32
    %scan3A_1039 = arith.constant 256 : i32
    %scan3A_1040 = arith.addi %scan3A_1038, %scan3A_1039 : i32
    %scan3A_1041 = arith.constant 1 : i32
    %scan3A_1042 = scf.for %scan3A_1457 = %scan3A_1038 to %scan3A_1040 step %scan3A_1041 iter_args(%scan3A_1458 = %scan3A_1037) -> (i32)  : i32 {
      %mul3A_1459 = arith.constant 16 : i32
      %mul3A_1460 = arith.muli %scan3A_1457, %mul3A_1459 : i32
      %get3A_1461 = arith.index_cast %mul3A_1460 : i32 to index
      %get3A_1462 = tpu.vector_load %arg9[%get3A_1461] {strides = array<i32>} : memref<4112xf32, #tpu.memory_space<vmem>>, vector<16xf32>,
      %get3A_1463 = arith.constant 0 : i32
      %get3A_1464 = arith.index_cast %get3A_1463 : i32 to index
      %get3A_1465 = arith.index_cast %mul3A_1460 : i32 to index
      %get3A_1466 = tpu.vector_load %arg5[%get3A_1464, %get3A_1465] {strides = array<i32>} : memref<4x4096xf32, #tpu.memory_space<vmem>>, vector<16xf32>,
      %mul3A_1467 = arith.mulf %get3A_1466, %get3A_1462 : vector<16xf32>
      %swap3A_1468 = arith.constant 0 : i32
      %swap3A_1469 = arith.index_cast %swap3A_1468 : i32 to index
      %swap3A_1470 = arith.index_cast %mul3A_1460 : i32 to index
      %swap3A_1471 = tpu.vector_load %arg7[%swap3A_1469, %swap3A_1470] {strides = array<i32>} : memref<4x4096xf32, #tpu.memory_space<vmem>>, vector<16xf32>,
      tpu.vector_store %arg7[%swap3A_1469, %swap3A_1470], %mul3A_1467 {strides = array<i32>} : memref<4x4096xf32, #tpu.memory_space<vmem>>, vector<16xf32>,
      %get3A_1472 = arith.constant 1 : i32
      %get3A_1473 = arith.index_cast %get3A_1472 : i32 to index
      %get3A_1474 = arith.index_cast %mul3A_1460 : i32 to index
      %get3A_1475 = tpu.vector_load %arg5[%get3A_1473, %get3A_1474] {strides = array<i32>} : memref<4x4096xf32, #tpu.memory_space<vmem>>, vector<16xf32>,
      %mul3A_1476 = arith.mulf %get3A_1475, %get3A_1462 : vector<16xf32>
      %swap3A_1477 = arith.constant 1 : i32
      %swap3A_1478 = arith.index_cast %swap3A_1477 : i32 to index
      %swap3A_1479 = arith.index_cast %mul3A_1460 : i32 to index
      %swap3A_1480 = tpu.vector_load %arg7[%swap3A_1478, %swap3A_1479] {strides = array<i32>} : memref<4x4096xf32, #tpu.memory_space<vmem>>, vector<16xf32>,
      tpu.vector_store %arg7[%swap3A_1478, %swap3A_1479], %mul3A_1476 {strides = array<i32>} : memref<4x4096xf32, #tpu.memory_space<vmem>>, vector<16xf32>,
      %get3A_1481 = arith.constant 2 : i32
      %get3A_1482 = arith.index_cast %get3A_1481 : i32 to index
      %get3A_1483 = arith.index_cast %mul3A_1460 : i32 to index
      %get3A_1484 = tpu.vector_load %arg5[%get3A_1482, %get3A_1483] {strides = array<i32>} : memref<4x4096xf32, #tpu.memory_space<vmem>>, vector<16xf32>,
      %mul3A_1485 = arith.mulf %get3A_1484, %get3A_1462 : vector<16xf32>
      %swap3A_1486 = arith.constant 2 : i32
      %swap3A_1487 = arith.index_cast %swap3A_1486 : i32 to index
      %swap3A_1488 = arith.index_cast %mul3A_1460 : i32 to index
      %swap3A_1489 = tpu.vector_load %arg7[%swap3A_1487, %swap3A_1488] {strides = array<i32>} : memref<4x4096xf32, #tpu.memory_space<vmem>>, vector<16xf32>,
      tpu.vector_store %arg7[%swap3A_1487, %swap3A_1488], %mul3A_1485 {strides = array<i32>} : memref<4x4096xf32, #tpu.memory_space<vmem>>, vector<16xf32>,
      %get3A_1490 = arith.constant 3 : i32
      %get3A_1491 = arith.index_cast %get3A_1490 : i32 to index
      %get3A_1492 = arith.index_cast %mul3A_1460 : i32 to index
      %get3A_1493 = tpu.vector_load %arg5[%get3A_1491, %get3A_1492] {strides = array<i32>} : memref<4x4096xf32, #tpu.memory_space<vmem>>, vector<16xf32>,
      %mul3A_1494 = arith.mulf %get3A_1493, %get3A_1462 : vector<16xf32>
      %swap3A_1495 = arith.constant 3 : i32
      %swap3A_1496 = arith.index_cast %swap3A_1495 : i32 to index
      %swap3A_1497 = arith.index_cast %mul3A_1460 : i32 to index
      %swap3A_1498 = tpu.vector_load %arg7[%swap3A_1496, %swap3A_1497] {strides = array<i32>} : memref<4x4096xf32, #tpu.memory_space<vmem>>, vector<16xf32>,
      tpu.vector_store %arg7[%swap3A_1496, %swap3A_1497], %mul3A_1494 {strides = array<i32>} : memref<4x4096xf32, #tpu.memory_space<vmem>>, vector<16xf32>,
      %scan3A_1499 = arith.constant 0 : i32
      scf.yield %scan3A_1499 : i32
    }
    %scan3A_1043 = arith.constant 256 : i32
    %add3A_1044 = arith.constant 64 : i32
    %add3A_1045 = arith.addi %mul3A_2, %add3A_1044 : i32
    %dma_start3A_1046 = arith.constant 0 : i32
    %dma_start3A_1047 = tpu.memref_slice %arg4[%add3A_1045, %dma_start3A_1046] : memref<4096x4096xf32, #tpu.memory_space<hbm>> -> memref<4x4096xf32, #tpu.memory_space<hbm>>
    %dma_start3A_1048 = arith.constant 0 : i32
    %dma_start3A_1049 = tpu.memref_slice %arg4[%add3A_1045, %dma_start3A_1048] : memref<4096x4096xf32, #tpu.memory_space<hbm>> -> memref<4x4096xf32, #tpu.memory_space<hbm>>
    tpu.enqueue_dma source(%arg7 : memref<4x4096xf32, #tpu.memory_space<vmem>>) target(%dma_start3A_1049 : memref<4x4096xf32, #tpu.memory_space<hbm>>) target_semaphore(%arg13 : memref<!tpu.dma_semaphore, #tpu.memory_space<semaphore_mem>>)
    %add3A_1050 = arith.constant 72 : i32
    %add3A_1051 = arith.addi %mul3A_2, %add3A_1050 : i32
    %dma_start3A_1052 = arith.constant 0 : i32
    %dma_start3A_1053 = tpu.memref_slice %arg2[%add3A_1051, %dma_start3A_1052] : memref<4096x4096xf32, #tpu.memory_space<hbm>> -> memref<4x4096xf32, #tpu.memory_space<hbm>>
    %dma_start3A_1054 = arith.constant 0 : i32
    %dma_start3A_1055 = tpu.memref_slice %arg2[%add3A_1051, %dma_start3A_1054] : memref<4096x4096xf32, #tpu.memory_space<hbm>> -> memref<4x4096xf32, #tpu.memory_space<hbm>>
    tpu.enqueue_dma source(%dma_start3A_1055 : memref<4x4096xf32, #tpu.memory_space<hbm>>) target(%arg5 : memref<4x4096xf32, #tpu.memory_space<vmem>>) target_semaphore(%arg11 : memref<!tpu.dma_semaphore, #tpu.memory_space<semaphore_mem>>)
    %dma_wait3A_1056 = arith.constant 0 : i32
    %dma_wait3A_1057 = tpu.memref_slice %arg2[%add3A_1024, %dma_wait3A_1056] : memref<4096x4096xf32, #tpu.memory_space<hbm>> -> memref<4x4096xf32, #tpu.memory_space<hbm>>
    %dma_wait3A_1058 = arith.constant 0 : i32
    %dma_wait3A_1059 = tpu.memref_slice %arg2[%add3A_1024, %dma_wait3A_1058] : memref<4096x4096xf32, #tpu.memory_space<hbm>> -> memref<4x4096xf32, #tpu.memory_space<hbm>>
    tpu.wait_dma2 semaphore(%arg12 : memref<!tpu.dma_semaphore, #tpu.memory_space<semaphore_mem>>) src(%dma_wait3A_1059 : memref<4x4096xf32, #tpu.memory_space<hbm>>) dst(%arg6 : memref<4x4096xf32, #tpu.memory_space<vmem>>)
    %dma_wait3A_1060 = arith.constant 0 : i32
    %dma_wait3A_1061 = tpu.memref_slice %arg4[%add3A_1018, %dma_wait3A_1060] : memref<4096x4096xf32, #tpu.memory_space<hbm>> -> memref<4x4096xf32, #tpu.memory_space<hbm>>
    %dma_wait3A_1062 = arith.constant 0 : i32
    %dma_wait3A_1063 = tpu.memref_slice %arg4[%add3A_1018, %dma_wait3A_1062] : memref<4096x4096xf32, #tpu.memory_space<hbm>> -> memref<4x4096xf32, #tpu.memory_space<hbm>>
    tpu.wait_dma2 semaphore(%arg14 : memref<!tpu.dma_semaphore, #tpu.memory_space<semaphore_mem>>) src(%arg8 : memref<4x4096xf32, #tpu.memory_space<vmem>>) dst(%dma_wait3A_1063 : memref<4x4096xf32, #tpu.memory_space<hbm>>)
    %scan3A_1064 = arith.constant 0 : i32
    %scan3A_1065 = arith.constant 0 : i32
    %scan3A_1066 = arith.constant 256 : i32
    %scan3A_1067 = arith.addi %scan3A_1065, %scan3A_1066 : i32
    %scan3A_1068 = arith.constant 1 : i32
    %scan3A_1069 = scf.for %scan3A_1457 = %scan3A_1065 to %scan3A_1067 step %scan3A_1068 iter_args(%scan3A_1458 = %scan3A_1064) -> (i32)  : i32 {
      %mul3A_1459 = arith.constant 16 : i32
      %mul3A_1460 = arith.muli %scan3A_1457, %mul3A_1459 : i32
      %get3A_1461 = arith.index_cast %mul3A_1460 : i32 to index
      %get3A_1462 = tpu.vector_load %arg9[%get3A_1461] {strides = array<i32>} : memref<4112xf32, #tpu.memory_space<vmem>>, vector<16xf32>,
      %get3A_1463 = arith.constant 0 : i32
      %get3A_1464 = arith.index_cast %get3A_1463 : i32 to index
      %get3A_1465 = arith.index_cast %mul3A_1460 : i32 to index
      %get3A_1466 = tpu.vector_load %arg6[%get3A_1464, %get3A_1465] {strides = array<i32>} : memref<4x4096xf32, #tpu.memory_space<vmem>>, vector<16xf32>,
      %mul3A_1467 = arith.mulf %get3A_1466, %get3A_1462 : vector<16xf32>
      %swap3A_1468 = arith.constant 0 : i32
      %swap3A_1469 = arith.index_cast %swap3A_1468 : i32 to index
      %swap3A_1470 = arith.index_cast %mul3A_1460 : i32 to index
      %swap3A_1471 = tpu.vector_load %arg8[%swap3A_1469, %swap3A_1470] {strides = array<i32>} : memref<4x4096xf32, #tpu.memory_space<vmem>>, vector<16xf32>,
      tpu.vector_store %arg8[%swap3A_1469, %swap3A_1470], %mul3A_1467 {strides = array<i32>} : memref<4x4096xf32, #tpu.memory_space<vmem>>, vector<16xf32>,
      %get3A_1472 = arith.constant 1 : i32
      %get3A_1473 = arith.index_cast %get3A_1472 : i32 to index
      %get3A_1474 = arith.index_cast %mul3A_1460 : i32 to index
      %get3A_1475 = tpu.vector_load %arg6[%get3A_1473, %get3A_1474] {strides = array<i32>} : memref<4x4096xf32, #tpu.memory_space<vmem>>, vector<16xf32>,
      %mul3A_1476 = arith.mulf %get3A_1475, %get3A_1462 : vector<16xf32>
      %swap3A_1477 = arith.constant 1 : i32
      %swap3A_1478 = arith.index_cast %swap3A_1477 : i32 to index
      %swap3A_1479 = arith.index_cast %mul3A_1460 : i32 to index
      %swap3A_1480 = tpu.vector_load %arg8[%swap3A_1478, %swap3A_1479] {strides = array<i32>} : memref<4x4096xf32, #tpu.memory_space<vmem>>, vector<16xf32>,
      tpu.vector_store %arg8[%swap3A_1478, %swap3A_1479], %mul3A_1476 {strides = array<i32>} : memref<4x4096xf32, #tpu.memory_space<vmem>>, vector<16xf32>,
      %get3A_1481 = arith.constant 2 : i32
      %get3A_1482 = arith.index_cast %get3A_1481 : i32 to index
      %get3A_1483 = arith.index_cast %mul3A_1460 : i32 to index
      %get3A_1484 = tpu.vector_load %arg6[%get3A_1482, %get3A_1483] {strides = array<i32>} : memref<4x4096xf32, #tpu.memory_space<vmem>>, vector<16xf32>,
      %mul3A_1485 = arith.mulf %get3A_1484, %get3A_1462 : vector<16xf32>
      %swap3A_1486 = arith.constant 2 : i32
      %swap3A_1487 = arith.index_cast %swap3A_1486 : i32 to index
      %swap3A_1488 = arith.index_cast %mul3A_1460 : i32 to index
      %swap3A_1489 = tpu.vector_load %arg8[%swap3A_1487, %swap3A_1488] {strides = array<i32>} : memref<4x4096xf32, #tpu.memory_space<vmem>>, vector<16xf32>,
      tpu.vector_store %arg8[%swap3A_1487, %swap3A_1488], %mul3A_1485 {strides = array<i32>} : memref<4x4096xf32, #tpu.memory_space<vmem>>, vector<16xf32>,
      %get3A_1490 = arith.constant 3 : i32
      %get3A_1491 = arith.index_cast %get3A_1490 : i32 to index
      %get3A_1492 = arith.index_cast %mul3A_1460 : i32 to index
      %get3A_1493 = tpu.vector_load %arg6[%get3A_1491, %get3A_1492] {strides = array<i32>} : memref<4x4096xf32, #tpu.memory_space<vmem>>, vector<16xf32>,
      %mul3A_1494 = arith.mulf %get3A_1493, %get3A_1462 : vector<16xf32>
      %swap3A_1495 = arith.constant 3 : i32
      %swap3A_1496 = arith.index_cast %swap3A_1495 : i32 to index
      %swap3A_1497 = arith.index_cast %mul3A_1460 : i32 to index
      %swap3A_1498 = tpu.vector_load %arg8[%swap3A_1496, %swap3A_1497] {strides = array<i32>} : memref<4x4096xf32, #tpu.memory_space<vmem>>, vector<16xf32>,
      tpu.vector_store %arg8[%swap3A_1496, %swap3A_1497], %mul3A_1494 {strides = array<i32>} : memref<4x4096xf32, #tpu.memory_space<vmem>>, vector<16xf32>,
      %scan3A_1499 = arith.constant 0 : i32
      scf.yield %scan3A_1499 : i32
    }
    %scan3A_1070 = arith.constant 256 : i32
    %add3A_1071 = arith.constant 68 : i32
    %add3A_1072 = arith.addi %mul3A_2, %add3A_1071 : i32
    %dma_start3A_1073 = arith.constant 0 : i32
    %dma_start3A_1074 = tpu.memref_slice %arg4[%add3A_1072, %dma_start3A_1073] : memref<4096x4096xf32, #tpu.memory_space<hbm>> -> memref<4x4096xf32, #tpu.memory_space<hbm>>
    %dma_start3A_1075 = arith.constant 0 : i32
    %dma_start3A_1076 = tpu.memref_slice %arg4[%add3A_1072, %dma_start3A_1075] : memref<4096x4096xf32, #tpu.memory_space<hbm>> -> memref<4x4096xf32, #tpu.memory_space<hbm>>
    tpu.enqueue_dma source(%arg8 : memref<4x4096xf32, #tpu.memory_space<vmem>>) target(%dma_start3A_1076 : memref<4x4096xf32, #tpu.memory_space<hbm>>) target_semaphore(%arg14 : memref<!tpu.dma_semaphore, #tpu.memory_space<semaphore_mem>>)
    %add3A_1077 = arith.constant 76 : i32
    %add3A_1078 = arith.addi %mul3A_2, %add3A_1077 : i32
    %dma_start3A_1079 = arith.constant 0 : i32
    %dma_start3A_1080 = tpu.memref_slice %arg2[%add3A_1078, %dma_start3A_1079] : memref<4096x4096xf32, #tpu.memory_space<hbm>> -> memref<4x4096xf32, #tpu.memory_space<hbm>>
    %dma_start3A_1081 = arith.constant 0 : i32
    %dma_start3A_1082 = tpu.memref_slice %arg2[%add3A_1078, %dma_start3A_1081] : memref<4096x4096xf32, #tpu.memory_space<hbm>> -> memref<4x4096xf32, #tpu.memory_space<hbm>>
    tpu.enqueue_dma source(%dma_start3A_1082 : memref<4x4096xf32, #tpu.memory_space<hbm>>) target(%arg6 : memref<4x4096xf32, #tpu.memory_space<vmem>>) target_semaphore(%arg12 : memref<!tpu.dma_semaphore, #tpu.memory_space<semaphore_mem>>)
    %dma_wait3A_1083 = arith.constant 0 : i32
    %dma_wait3A_1084 = tpu.memref_slice %arg2[%add3A_1051, %dma_wait3A_1083] : memref<4096x4096xf32, #tpu.memory_space<hbm>> -> memref<4x4096xf32, #tpu.memory_space<hbm>>
    %dma_wait3A_1085 = arith.constant 0 : i32
    %dma_wait3A_1086 = tpu.memref_slice %arg2[%add3A_1051, %dma_wait3A_1085] : memref<4096x4096xf32, #tpu.memory_space<hbm>> -> memref<4x4096xf32, #tpu.memory_space<hbm>>
    tpu.wait_dma2 semaphore(%arg11 : memref<!tpu.dma_semaphore, #tpu.memory_space<semaphore_mem>>) src(%dma_wait3A_1086 : memref<4x4096xf32, #tpu.memory_space<hbm>>) dst(%arg5 : memref<4x4096xf32, #tpu.memory_space<vmem>>)
    %dma_wait3A_1087 = arith.constant 0 : i32
    %dma_wait3A_1088 = tpu.memref_slice %arg4[%add3A_1045, %dma_wait3A_1087] : memref<4096x4096xf32, #tpu.memory_space<hbm>> -> memref<4x4096xf32, #tpu.memory_space<hbm>>
    %dma_wait3A_1089 = arith.constant 0 : i32
    %dma_wait3A_1090 = tpu.memref_slice %arg4[%add3A_1045, %dma_wait3A_1089] : memref<4096x4096xf32, #tpu.memory_space<hbm>> -> memref<4x4096xf32, #tpu.memory_space<hbm>>
    tpu.wait_dma2 semaphore(%arg13 : memref<!tpu.dma_semaphore, #tpu.memory_space<semaphore_mem>>) src(%arg7 : memref<4x4096xf32, #tpu.memory_space<vmem>>) dst(%dma_wait3A_1090 : memref<4x4096xf32, #tpu.memory_space<hbm>>)
    %scan3A_1091 = arith.constant 0 : i32
    %scan3A_1092 = arith.constant 0 : i32
    %scan3A_1093 = arith.constant 256 : i32
    %scan3A_1094 = arith.addi %scan3A_1092, %scan3A_1093 : i32
    %scan3A_1095 = arith.constant 1 : i32
    %scan3A_1096 = scf.for %scan3A_1457 = %scan3A_1092 to %scan3A_1094 step %scan3A_1095 iter_args(%scan3A_1458 = %scan3A_1091) -> (i32)  : i32 {
      %mul3A_1459 = arith.constant 16 : i32
      %mul3A_1460 = arith.muli %scan3A_1457, %mul3A_1459 : i32
      %get3A_1461 = arith.index_cast %mul3A_1460 : i32 to index
      %get3A_1462 = tpu.vector_load %arg9[%get3A_1461] {strides = array<i32>} : memref<4112xf32, #tpu.memory_space<vmem>>, vector<16xf32>,
      %get3A_1463 = arith.constant 0 : i32
      %get3A_1464 = arith.index_cast %get3A_1463 : i32 to index
      %get3A_1465 = arith.index_cast %mul3A_1460 : i32 to index
      %get3A_1466 = tpu.vector_load %arg5[%get3A_1464, %get3A_1465] {strides = array<i32>} : memref<4x4096xf32, #tpu.memory_space<vmem>>, vector<16xf32>,
      %mul3A_1467 = arith.mulf %get3A_1466, %get3A_1462 : vector<16xf32>
      %swap3A_1468 = arith.constant 0 : i32
      %swap3A_1469 = arith.index_cast %swap3A_1468 : i32 to index
      %swap3A_1470 = arith.index_cast %mul3A_1460 : i32 to index
      %swap3A_1471 = tpu.vector_load %arg7[%swap3A_1469, %swap3A_1470] {strides = array<i32>} : memref<4x4096xf32, #tpu.memory_space<vmem>>, vector<16xf32>,
      tpu.vector_store %arg7[%swap3A_1469, %swap3A_1470], %mul3A_1467 {strides = array<i32>} : memref<4x4096xf32, #tpu.memory_space<vmem>>, vector<16xf32>,
      %get3A_1472 = arith.constant 1 : i32
      %get3A_1473 = arith.index_cast %get3A_1472 : i32 to index
      %get3A_1474 = arith.index_cast %mul3A_1460 : i32 to index
      %get3A_1475 = tpu.vector_load %arg5[%get3A_1473, %get3A_1474] {strides = array<i32>} : memref<4x4096xf32, #tpu.memory_space<vmem>>, vector<16xf32>,
      %mul3A_1476 = arith.mulf %get3A_1475, %get3A_1462 : vector<16xf32>
      %swap3A_1477 = arith.constant 1 : i32
      %swap3A_1478 = arith.index_cast %swap3A_1477 : i32 to index
      %swap3A_1479 = arith.index_cast %mul3A_1460 : i32 to index
      %swap3A_1480 = tpu.vector_load %arg7[%swap3A_1478, %swap3A_1479] {strides = array<i32>} : memref<4x4096xf32, #tpu.memory_space<vmem>>, vector<16xf32>,
      tpu.vector_store %arg7[%swap3A_1478, %swap3A_1479], %mul3A_1476 {strides = array<i32>} : memref<4x4096xf32, #tpu.memory_space<vmem>>, vector<16xf32>,
      %get3A_1481 = arith.constant 2 : i32
      %get3A_1482 = arith.index_cast %get3A_1481 : i32 to index
      %get3A_1483 = arith.index_cast %mul3A_1460 : i32 to index
      %get3A_1484 = tpu.vector_load %arg5[%get3A_1482, %get3A_1483] {strides = array<i32>} : memref<4x4096xf32, #tpu.memory_space<vmem>>, vector<16xf32>,
      %mul3A_1485 = arith.mulf %get3A_1484, %get3A_1462 : vector<16xf32>
      %swap3A_1486 = arith.constant 2 : i32
      %swap3A_1487 = arith.index_cast %swap3A_1486 : i32 to index
      %swap3A_1488 = arith.index_cast %mul3A_1460 : i32 to index
      %swap3A_1489 = tpu.vector_load %arg7[%swap3A_1487, %swap3A_1488] {strides = array<i32>} : memref<4x4096xf32, #tpu.memory_space<vmem>>, vector<16xf32>,
      tpu.vector_store %arg7[%swap3A_1487, %swap3A_1488], %mul3A_1485 {strides = array<i32>} : memref<4x4096xf32, #tpu.memory_space<vmem>>, vector<16xf32>,
      %get3A_1490 = arith.constant 3 : i32
      %get3A_1491 = arith.index_cast %get3A_1490 : i32 to index
      %get3A_1492 = arith.index_cast %mul3A_1460 : i32 to index
      %get3A_1493 = tpu.vector_load %arg5[%get3A_1491, %get3A_1492] {strides = array<i32>} : memref<4x4096xf32, #tpu.memory_space<vmem>>, vector<16xf32>,
      %mul3A_1494 = arith.mulf %get3A_1493, %get3A_1462 : vector<16xf32>
      %swap3A_1495 = arith.constant 3 : i32
      %swap3A_1496 = arith.index_cast %swap3A_1495 : i32 to index
      %swap3A_1497 = arith.index_cast %mul3A_1460 : i32 to index
      %swap3A_1498 = tpu.vector_load %arg7[%swap3A_1496, %swap3A_1497] {strides = array<i32>} : memref<4x4096xf32, #tpu.memory_space<vmem>>, vector<16xf32>,
      tpu.vector_store %arg7[%swap3A_1496, %swap3A_1497], %mul3A_1494 {strides = array<i32>} : memref<4x4096xf32, #tpu.memory_space<vmem>>, vector<16xf32>,
      %scan3A_1499 = arith.constant 0 : i32
      scf.yield %scan3A_1499 : i32
    }
    %scan3A_1097 = arith.constant 256 : i32
    %add3A_1098 = arith.constant 72 : i32
    %add3A_1099 = arith.addi %mul3A_2, %add3A_1098 : i32
    %dma_start3A_1100 = arith.constant 0 : i32
    %dma_start3A_1101 = tpu.memref_slice %arg4[%add3A_1099, %dma_start3A_1100] : memref<4096x4096xf32, #tpu.memory_space<hbm>> -> memref<4x4096xf32, #tpu.memory_space<hbm>>
    %dma_start3A_1102 = arith.constant 0 : i32
    %dma_start3A_1103 = tpu.memref_slice %arg4[%add3A_1099, %dma_start3A_1102] : memref<4096x4096xf32, #tpu.memory_space<hbm>> -> memref<4x4096xf32, #tpu.memory_space<hbm>>
    tpu.enqueue_dma source(%arg7 : memref<4x4096xf32, #tpu.memory_space<vmem>>) target(%dma_start3A_1103 : memref<4x4096xf32, #tpu.memory_space<hbm>>) target_semaphore(%arg13 : memref<!tpu.dma_semaphore, #tpu.memory_space<semaphore_mem>>)
    %add3A_1104 = arith.constant 80 : i32
    %add3A_1105 = arith.addi %mul3A_2, %add3A_1104 : i32
    %dma_start3A_1106 = arith.constant 0 : i32
    %dma_start3A_1107 = tpu.memref_slice %arg2[%add3A_1105, %dma_start3A_1106] : memref<4096x4096xf32, #tpu.memory_space<hbm>> -> memref<4x4096xf32, #tpu.memory_space<hbm>>
    %dma_start3A_1108 = arith.constant 0 : i32
    %dma_start3A_1109 = tpu.memref_slice %arg2[%add3A_1105, %dma_start3A_1108] : memref<4096x4096xf32, #tpu.memory_space<hbm>> -> memref<4x4096xf32, #tpu.memory_space<hbm>>
    tpu.enqueue_dma source(%dma_start3A_1109 : memref<4x4096xf32, #tpu.memory_space<hbm>>) target(%arg5 : memref<4x4096xf32, #tpu.memory_space<vmem>>) target_semaphore(%arg11 : memref<!tpu.dma_semaphore, #tpu.memory_space<semaphore_mem>>)
    %dma_wait3A_1110 = arith.constant 0 : i32
    %dma_wait3A_1111 = tpu.memref_slice %arg2[%add3A_1078, %dma_wait3A_1110] : memref<4096x4096xf32, #tpu.memory_space<hbm>> -> memref<4x4096xf32, #tpu.memory_space<hbm>>
    %dma_wait3A_1112 = arith.constant 0 : i32
    %dma_wait3A_1113 = tpu.memref_slice %arg2[%add3A_1078, %dma_wait3A_1112] : memref<4096x4096xf32, #tpu.memory_space<hbm>> -> memref<4x4096xf32, #tpu.memory_space<hbm>>
    tpu.wait_dma2 semaphore(%arg12 : memref<!tpu.dma_semaphore, #tpu.memory_space<semaphore_mem>>) src(%dma_wait3A_1113 : memref<4x4096xf32, #tpu.memory_space<hbm>>) dst(%arg6 : memref<4x4096xf32, #tpu.memory_space<vmem>>)
    %dma_wait3A_1114 = arith.constant 0 : i32
    %dma_wait3A_1115 = tpu.memref_slice %arg4[%add3A_1072, %dma_wait3A_1114] : memref<4096x4096xf32, #tpu.memory_space<hbm>> -> memref<4x4096xf32, #tpu.memory_space<hbm>>
    %dma_wait3A_1116 = arith.constant 0 : i32
    %dma_wait3A_1117 = tpu.memref_slice %arg4[%add3A_1072, %dma_wait3A_1116] : memref<4096x4096xf32, #tpu.memory_space<hbm>> -> memref<4x4096xf32, #tpu.memory_space<hbm>>
    tpu.wait_dma2 semaphore(%arg14 : memref<!tpu.dma_semaphore, #tpu.memory_space<semaphore_mem>>) src(%arg8 : memref<4x4096xf32, #tpu.memory_space<vmem>>) dst(%dma_wait3A_1117 : memref<4x4096xf32, #tpu.memory_space<hbm>>)
    %scan3A_1118 = arith.constant 0 : i32
    %scan3A_1119 = arith.constant 0 : i32
    %scan3A_1120 = arith.constant 256 : i32
    %scan3A_1121 = arith.addi %scan3A_1119, %scan3A_1120 : i32
    %scan3A_1122 = arith.constant 1 : i32
    %scan3A_1123 = scf.for %scan3A_1457 = %scan3A_1119 to %scan3A_1121 step %scan3A_1122 iter_args(%scan3A_1458 = %scan3A_1118) -> (i32)  : i32 {
      %mul3A_1459 = arith.constant 16 : i32
      %mul3A_1460 = arith.muli %scan3A_1457, %mul3A_1459 : i32
      %get3A_1461 = arith.index_cast %mul3A_1460 : i32 to index
      %get3A_1462 = tpu.vector_load %arg9[%get3A_1461] {strides = array<i32>} : memref<4112xf32, #tpu.memory_space<vmem>>, vector<16xf32>,
      %get3A_1463 = arith.constant 0 : i32
      %get3A_1464 = arith.index_cast %get3A_1463 : i32 to index
      %get3A_1465 = arith.index_cast %mul3A_1460 : i32 to index
      %get3A_1466 = tpu.vector_load %arg6[%get3A_1464, %get3A_1465] {strides = array<i32>} : memref<4x4096xf32, #tpu.memory_space<vmem>>, vector<16xf32>,
      %mul3A_1467 = arith.mulf %get3A_1466, %get3A_1462 : vector<16xf32>
      %swap3A_1468 = arith.constant 0 : i32
      %swap3A_1469 = arith.index_cast %swap3A_1468 : i32 to index
      %swap3A_1470 = arith.index_cast %mul3A_1460 : i32 to index
      %swap3A_1471 = tpu.vector_load %arg8[%swap3A_1469, %swap3A_1470] {strides = array<i32>} : memref<4x4096xf32, #tpu.memory_space<vmem>>, vector<16xf32>,
      tpu.vector_store %arg8[%swap3A_1469, %swap3A_1470], %mul3A_1467 {strides = array<i32>} : memref<4x4096xf32, #tpu.memory_space<vmem>>, vector<16xf32>,
      %get3A_1472 = arith.constant 1 : i32
      %get3A_1473 = arith.index_cast %get3A_1472 : i32 to index
      %get3A_1474 = arith.index_cast %mul3A_1460 : i32 to index
      %get3A_1475 = tpu.vector_load %arg6[%get3A_1473, %get3A_1474] {strides = array<i32>} : memref<4x4096xf32, #tpu.memory_space<vmem>>, vector<16xf32>,
      %mul3A_1476 = arith.mulf %get3A_1475, %get3A_1462 : vector<16xf32>
      %swap3A_1477 = arith.constant 1 : i32
      %swap3A_1478 = arith.index_cast %swap3A_1477 : i32 to index
      %swap3A_1479 = arith.index_cast %mul3A_1460 : i32 to index
      %swap3A_1480 = tpu.vector_load %arg8[%swap3A_1478, %swap3A_1479] {strides = array<i32>} : memref<4x4096xf32, #tpu.memory_space<vmem>>, vector<16xf32>,
      tpu.vector_store %arg8[%swap3A_1478, %swap3A_1479], %mul3A_1476 {strides = array<i32>} : memref<4x4096xf32, #tpu.memory_space<vmem>>, vector<16xf32>,
      %get3A_1481 = arith.constant 2 : i32
      %get3A_1482 = arith.index_cast %get3A_1481 : i32 to index
      %get3A_1483 = arith.index_cast %mul3A_1460 : i32 to index
      %get3A_1484 = tpu.vector_load %arg6[%get3A_1482, %get3A_1483] {strides = array<i32>} : memref<4x4096xf32, #tpu.memory_space<vmem>>, vector<16xf32>,
      %mul3A_1485 = arith.mulf %get3A_1484, %get3A_1462 : vector<16xf32>
      %swap3A_1486 = arith.constant 2 : i32
      %swap3A_1487 = arith.index_cast %swap3A_1486 : i32 to index
      %swap3A_1488 = arith.index_cast %mul3A_1460 : i32 to index
      %swap3A_1489 = tpu.vector_load %arg8[%swap3A_1487, %swap3A_1488] {strides = array<i32>} : memref<4x4096xf32, #tpu.memory_space<vmem>>, vector<16xf32>,
      tpu.vector_store %arg8[%swap3A_1487, %swap3A_1488], %mul3A_1485 {strides = array<i32>} : memref<4x4096xf32, #tpu.memory_space<vmem>>, vector<16xf32>,
      %get3A_1490 = arith.constant 3 : i32
      %get3A_1491 = arith.index_cast %get3A_1490 : i32 to index
      %get3A_1492 = arith.index_cast %mul3A_1460 : i32 to index
      %get3A_1493 = tpu.vector_load %arg6[%get3A_1491, %get3A_1492] {strides = array<i32>} : memref<4x4096xf32, #tpu.memory_space<vmem>>, vector<16xf32>,
      %mul3A_1494 = arith.mulf %get3A_1493, %get3A_1462 : vector<16xf32>
      %swap3A_1495 = arith.constant 3 : i32
      %swap3A_1496 = arith.index_cast %swap3A_1495 : i32 to index
      %swap3A_1497 = arith.index_cast %mul3A_1460 : i32 to index
      %swap3A_1498 = tpu.vector_load %arg8[%swap3A_1496, %swap3A_1497] {strides = array<i32>} : memref<4x4096xf32, #tpu.memory_space<vmem>>, vector<16xf32>,
      tpu.vector_store %arg8[%swap3A_1496, %swap3A_1497], %mul3A_1494 {strides = array<i32>} : memref<4x4096xf32, #tpu.memory_space<vmem>>, vector<16xf32>,
      %scan3A_1499 = arith.constant 0 : i32
      scf.yield %scan3A_1499 : i32
    }
    %scan3A_1124 = arith.constant 256 : i32
    %add3A_1125 = arith.constant 76 : i32
    %add3A_1126 = arith.addi %mul3A_2, %add3A_1125 : i32
    %dma_start3A_1127 = arith.constant 0 : i32
    %dma_start3A_1128 = tpu.memref_slice %arg4[%add3A_1126, %dma_start3A_1127] : memref<4096x4096xf32, #tpu.memory_space<hbm>> -> memref<4x4096xf32, #tpu.memory_space<hbm>>
    %dma_start3A_1129 = arith.constant 0 : i32
    %dma_start3A_1130 = tpu.memref_slice %arg4[%add3A_1126, %dma_start3A_1129] : memref<4096x4096xf32, #tpu.memory_space<hbm>> -> memref<4x4096xf32, #tpu.memory_space<hbm>>
    tpu.enqueue_dma source(%arg8 : memref<4x4096xf32, #tpu.memory_space<vmem>>) target(%dma_start3A_1130 : memref<4x4096xf32, #tpu.memory_space<hbm>>) target_semaphore(%arg14 : memref<!tpu.dma_semaphore, #tpu.memory_space<semaphore_mem>>)
    %add3A_1131 = arith.constant 84 : i32
    %add3A_1132 = arith.addi %mul3A_2, %add3A_1131 : i32
    %dma_start3A_1133 = arith.constant 0 : i32
    %dma_start3A_1134 = tpu.memref_slice %arg2[%add3A_1132, %dma_start3A_1133] : memref<4096x4096xf32, #tpu.memory_space<hbm>> -> memref<4x4096xf32, #tpu.memory_space<hbm>>
    %dma_start3A_1135 = arith.constant 0 : i32
    %dma_start3A_1136 = tpu.memref_slice %arg2[%add3A_1132, %dma_start3A_1135] : memref<4096x4096xf32, #tpu.memory_space<hbm>> -> memref<4x4096xf32, #tpu.memory_space<hbm>>
    tpu.enqueue_dma source(%dma_start3A_1136 : memref<4x4096xf32, #tpu.memory_space<hbm>>) target(%arg6 : memref<4x4096xf32, #tpu.memory_space<vmem>>) target_semaphore(%arg12 : memref<!tpu.dma_semaphore, #tpu.memory_space<semaphore_mem>>)
    %dma_wait3A_1137 = arith.constant 0 : i32
    %dma_wait3A_1138 = tpu.memref_slice %arg2[%add3A_1105, %dma_wait3A_1137] : memref<4096x4096xf32, #tpu.memory_space<hbm>> -> memref<4x4096xf32, #tpu.memory_space<hbm>>
    %dma_wait3A_1139 = arith.constant 0 : i32
    %dma_wait3A_1140 = tpu.memref_slice %arg2[%add3A_1105, %dma_wait3A_1139] : memref<4096x4096xf32, #tpu.memory_space<hbm>> -> memref<4x4096xf32, #tpu.memory_space<hbm>>
    tpu.wait_dma2 semaphore(%arg11 : memref<!tpu.dma_semaphore, #tpu.memory_space<semaphore_mem>>) src(%dma_wait3A_1140 : memref<4x4096xf32, #tpu.memory_space<hbm>>) dst(%arg5 : memref<4x4096xf32, #tpu.memory_space<vmem>>)
    %dma_wait3A_1141 = arith.constant 0 : i32
    %dma_wait3A_1142 = tpu.memref_slice %arg4[%add3A_1099, %dma_wait3A_1141] : memref<4096x4096xf32, #tpu.memory_space<hbm>> -> memref<4x4096xf32, #tpu.memory_space<hbm>>
    %dma_wait3A_1143 = arith.constant 0 : i32
    %dma_wait3A_1144 = tpu.memref_slice %arg4[%add3A_1099, %dma_wait3A_1143] : memref<4096x4096xf32, #tpu.memory_space<hbm>> -> memref<4x4096xf32, #tpu.memory_space<hbm>>
    tpu.wait_dma2 semaphore(%arg13 : memref<!tpu.dma_semaphore, #tpu.memory_space<semaphore_mem>>) src(%arg7 : memref<4x4096xf32, #tpu.memory_space<vmem>>) dst(%dma_wait3A_1144 : memref<4x4096xf32, #tpu.memory_space<hbm>>)
    %scan3A_1145 = arith.constant 0 : i32
    %scan3A_1146 = arith.constant 0 : i32
    %scan3A_1147 = arith.constant 256 : i32
    %scan3A_1148 = arith.addi %scan3A_1146, %scan3A_1147 : i32
    %scan3A_1149 = arith.constant 1 : i32
    %scan3A_1150 = scf.for %scan3A_1457 = %scan3A_1146 to %scan3A_1148 step %scan3A_1149 iter_args(%scan3A_1458 = %scan3A_1145) -> (i32)  : i32 {
      %mul3A_1459 = arith.constant 16 : i32
      %mul3A_1460 = arith.muli %scan3A_1457, %mul3A_1459 : i32
      %get3A_1461 = arith.index_cast %mul3A_1460 : i32 to index
      %get3A_1462 = tpu.vector_load %arg9[%get3A_1461] {strides = array<i32>} : memref<4112xf32, #tpu.memory_space<vmem>>, vector<16xf32>,
      %get3A_1463 = arith.constant 0 : i32
      %get3A_1464 = arith.index_cast %get3A_1463 : i32 to index
      %get3A_1465 = arith.index_cast %mul3A_1460 : i32 to index
      %get3A_1466 = tpu.vector_load %arg5[%get3A_1464, %get3A_1465] {strides = array<i32>} : memref<4x4096xf32, #tpu.memory_space<vmem>>, vector<16xf32>,
      %mul3A_1467 = arith.mulf %get3A_1466, %get3A_1462 : vector<16xf32>
      %swap3A_1468 = arith.constant 0 : i32
      %swap3A_1469 = arith.index_cast %swap3A_1468 : i32 to index
      %swap3A_1470 = arith.index_cast %mul3A_1460 : i32 to index
      %swap3A_1471 = tpu.vector_load %arg7[%swap3A_1469, %swap3A_1470] {strides = array<i32>} : memref<4x4096xf32, #tpu.memory_space<vmem>>, vector<16xf32>,
      tpu.vector_store %arg7[%swap3A_1469, %swap3A_1470], %mul3A_1467 {strides = array<i32>} : memref<4x4096xf32, #tpu.memory_space<vmem>>, vector<16xf32>,
      %get3A_1472 = arith.constant 1 : i32
      %get3A_1473 = arith.index_cast %get3A_1472 : i32 to index
      %get3A_1474 = arith.index_cast %mul3A_1460 : i32 to index
      %get3A_1475 = tpu.vector_load %arg5[%get3A_1473, %get3A_1474] {strides = array<i32>} : memref<4x4096xf32, #tpu.memory_space<vmem>>, vector<16xf32>,
      %mul3A_1476 = arith.mulf %get3A_1475, %get3A_1462 : vector<16xf32>
      %swap3A_1477 = arith.constant 1 : i32
      %swap3A_1478 = arith.index_cast %swap3A_1477 : i32 to index
      %swap3A_1479 = arith.index_cast %mul3A_1460 : i32 to index
      %swap3A_1480 = tpu.vector_load %arg7[%swap3A_1478, %swap3A_1479] {strides = array<i32>} : memref<4x4096xf32, #tpu.memory_space<vmem>>, vector<16xf32>,
      tpu.vector_store %arg7[%swap3A_1478, %swap3A_1479], %mul3A_1476 {strides = array<i32>} : memref<4x4096xf32, #tpu.memory_space<vmem>>, vector<16xf32>,
      %get3A_1481 = arith.constant 2 : i32
      %get3A_1482 = arith.index_cast %get3A_1481 : i32 to index
      %get3A_1483 = arith.index_cast %mul3A_1460 : i32 to index
      %get3A_1484 = tpu.vector_load %arg5[%get3A_1482, %get3A_1483] {strides = array<i32>} : memref<4x4096xf32, #tpu.memory_space<vmem>>, vector<16xf32>,
      %mul3A_1485 = arith.mulf %get3A_1484, %get3A_1462 : vector<16xf32>
      %swap3A_1486 = arith.constant 2 : i32
      %swap3A_1487 = arith.index_cast %swap3A_1486 : i32 to index
      %swap3A_1488 = arith.index_cast %mul3A_1460 : i32 to index
      %swap3A_1489 = tpu.vector_load %arg7[%swap3A_1487, %swap3A_1488] {strides = array<i32>} : memref<4x4096xf32, #tpu.memory_space<vmem>>, vector<16xf32>,
      tpu.vector_store %arg7[%swap3A_1487, %swap3A_1488], %mul3A_1485 {strides = array<i32>} : memref<4x4096xf32, #tpu.memory_space<vmem>>, vector<16xf32>,
      %get3A_1490 = arith.constant 3 : i32
      %get3A_1491 = arith.index_cast %get3A_1490 : i32 to index
      %get3A_1492 = arith.index_cast %mul3A_1460 : i32 to index
      %get3A_1493 = tpu.vector_load %arg5[%get3A_1491, %get3A_1492] {strides = array<i32>} : memref<4x4096xf32, #tpu.memory_space<vmem>>, vector<16xf32>,
      %mul3A_1494 = arith.mulf %get3A_1493, %get3A_1462 : vector<16xf32>
      %swap3A_1495 = arith.constant 3 : i32
      %swap3A_1496 = arith.index_cast %swap3A_1495 : i32 to index
      %swap3A_1497 = arith.index_cast %mul3A_1460 : i32 to index
      %swap3A_1498 = tpu.vector_load %arg7[%swap3A_1496, %swap3A_1497] {strides = array<i32>} : memref<4x4096xf32, #tpu.memory_space<vmem>>, vector<16xf32>,
      tpu.vector_store %arg7[%swap3A_1496, %swap3A_1497], %mul3A_1494 {strides = array<i32>} : memref<4x4096xf32, #tpu.memory_space<vmem>>, vector<16xf32>,
      %scan3A_1499 = arith.constant 0 : i32
      scf.yield %scan3A_1499 : i32
    }
    %scan3A_1151 = arith.constant 256 : i32
    %add3A_1152 = arith.constant 80 : i32
    %add3A_1153 = arith.addi %mul3A_2, %add3A_1152 : i32
    %dma_start3A_1154 = arith.constant 0 : i32
    %dma_start3A_1155 = tpu.memref_slice %arg4[%add3A_1153, %dma_start3A_1154] : memref<4096x4096xf32, #tpu.memory_space<hbm>> -> memref<4x4096xf32, #tpu.memory_space<hbm>>
    %dma_start3A_1156 = arith.constant 0 : i32
    %dma_start3A_1157 = tpu.memref_slice %arg4[%add3A_1153, %dma_start3A_1156] : memref<4096x4096xf32, #tpu.memory_space<hbm>> -> memref<4x4096xf32, #tpu.memory_space<hbm>>
    tpu.enqueue_dma source(%arg7 : memref<4x4096xf32, #tpu.memory_space<vmem>>) target(%dma_start3A_1157 : memref<4x4096xf32, #tpu.memory_space<hbm>>) target_semaphore(%arg13 : memref<!tpu.dma_semaphore, #tpu.memory_space<semaphore_mem>>)
    %add3A_1158 = arith.constant 88 : i32
    %add3A_1159 = arith.addi %mul3A_2, %add3A_1158 : i32
    %dma_start3A_1160 = arith.constant 0 : i32
    %dma_start3A_1161 = tpu.memref_slice %arg2[%add3A_1159, %dma_start3A_1160] : memref<4096x4096xf32, #tpu.memory_space<hbm>> -> memref<4x4096xf32, #tpu.memory_space<hbm>>
    %dma_start3A_1162 = arith.constant 0 : i32
    %dma_start3A_1163 = tpu.memref_slice %arg2[%add3A_1159, %dma_start3A_1162] : memref<4096x4096xf32, #tpu.memory_space<hbm>> -> memref<4x4096xf32, #tpu.memory_space<hbm>>
    tpu.enqueue_dma source(%dma_start3A_1163 : memref<4x4096xf32, #tpu.memory_space<hbm>>) target(%arg5 : memref<4x4096xf32, #tpu.memory_space<vmem>>) target_semaphore(%arg11 : memref<!tpu.dma_semaphore, #tpu.memory_space<semaphore_mem>>)
    %dma_wait3A_1164 = arith.constant 0 : i32
    %dma_wait3A_1165 = tpu.memref_slice %arg2[%add3A_1132, %dma_wait3A_1164] : memref<4096x4096xf32, #tpu.memory_space<hbm>> -> memref<4x4096xf32, #tpu.memory_space<hbm>>
    %dma_wait3A_1166 = arith.constant 0 : i32
    %dma_wait3A_1167 = tpu.memref_slice %arg2[%add3A_1132, %dma_wait3A_1166] : memref<4096x4096xf32, #tpu.memory_space<hbm>> -> memref<4x4096xf32, #tpu.memory_space<hbm>>
    tpu.wait_dma2 semaphore(%arg12 : memref<!tpu.dma_semaphore, #tpu.memory_space<semaphore_mem>>) src(%dma_wait3A_1167 : memref<4x4096xf32, #tpu.memory_space<hbm>>) dst(%arg6 : memref<4x4096xf32, #tpu.memory_space<vmem>>)
    %dma_wait3A_1168 = arith.constant 0 : i32
    %dma_wait3A_1169 = tpu.memref_slice %arg4[%add3A_1126, %dma_wait3A_1168] : memref<4096x4096xf32, #tpu.memory_space<hbm>> -> memref<4x4096xf32, #tpu.memory_space<hbm>>
    %dma_wait3A_1170 = arith.constant 0 : i32
    %dma_wait3A_1171 = tpu.memref_slice %arg4[%add3A_1126, %dma_wait3A_1170] : memref<4096x4096xf32, #tpu.memory_space<hbm>> -> memref<4x4096xf32, #tpu.memory_space<hbm>>
    tpu.wait_dma2 semaphore(%arg14 : memref<!tpu.dma_semaphore, #tpu.memory_space<semaphore_mem>>) src(%arg8 : memref<4x4096xf32, #tpu.memory_space<vmem>>) dst(%dma_wait3A_1171 : memref<4x4096xf32, #tpu.memory_space<hbm>>)
    %scan3A_1172 = arith.constant 0 : i32
    %scan3A_1173 = arith.constant 0 : i32
    %scan3A_1174 = arith.constant 256 : i32
    %scan3A_1175 = arith.addi %scan3A_1173, %scan3A_1174 : i32
    %scan3A_1176 = arith.constant 1 : i32
    %scan3A_1177 = scf.for %scan3A_1457 = %scan3A_1173 to %scan3A_1175 step %scan3A_1176 iter_args(%scan3A_1458 = %scan3A_1172) -> (i32)  : i32 {
      %mul3A_1459 = arith.constant 16 : i32
      %mul3A_1460 = arith.muli %scan3A_1457, %mul3A_1459 : i32
      %get3A_1461 = arith.index_cast %mul3A_1460 : i32 to index
      %get3A_1462 = tpu.vector_load %arg9[%get3A_1461] {strides = array<i32>} : memref<4112xf32, #tpu.memory_space<vmem>>, vector<16xf32>,
      %get3A_1463 = arith.constant 0 : i32
      %get3A_1464 = arith.index_cast %get3A_1463 : i32 to index
      %get3A_1465 = arith.index_cast %mul3A_1460 : i32 to index
      %get3A_1466 = tpu.vector_load %arg6[%get3A_1464, %get3A_1465] {strides = array<i32>} : memref<4x4096xf32, #tpu.memory_space<vmem>>, vector<16xf32>,
      %mul3A_1467 = arith.mulf %get3A_1466, %get3A_1462 : vector<16xf32>
      %swap3A_1468 = arith.constant 0 : i32
      %swap3A_1469 = arith.index_cast %swap3A_1468 : i32 to index
      %swap3A_1470 = arith.index_cast %mul3A_1460 : i32 to index
      %swap3A_1471 = tpu.vector_load %arg8[%swap3A_1469, %swap3A_1470] {strides = array<i32>} : memref<4x4096xf32, #tpu.memory_space<vmem>>, vector<16xf32>,
      tpu.vector_store %arg8[%swap3A_1469, %swap3A_1470], %mul3A_1467 {strides = array<i32>} : memref<4x4096xf32, #tpu.memory_space<vmem>>, vector<16xf32>,
      %get3A_1472 = arith.constant 1 : i32
      %get3A_1473 = arith.index_cast %get3A_1472 : i32 to index
      %get3A_1474 = arith.index_cast %mul3A_1460 : i32 to index
      %get3A_1475 = tpu.vector_load %arg6[%get3A_1473, %get3A_1474] {strides = array<i32>} : memref<4x4096xf32, #tpu.memory_space<vmem>>, vector<16xf32>,
      %mul3A_1476 = arith.mulf %get3A_1475, %get3A_1462 : vector<16xf32>
      %swap3A_1477 = arith.constant 1 : i32
      %swap3A_1478 = arith.index_cast %swap3A_1477 : i32 to index
      %swap3A_1479 = arith.index_cast %mul3A_1460 : i32 to index
      %swap3A_1480 = tpu.vector_load %arg8[%swap3A_1478, %swap3A_1479] {strides = array<i32>} : memref<4x4096xf32, #tpu.memory_space<vmem>>, vector<16xf32>,
      tpu.vector_store %arg8[%swap3A_1478, %swap3A_1479], %mul3A_1476 {strides = array<i32>} : memref<4x4096xf32, #tpu.memory_space<vmem>>, vector<16xf32>,
      %get3A_1481 = arith.constant 2 : i32
      %get3A_1482 = arith.index_cast %get3A_1481 : i32 to index
      %get3A_1483 = arith.index_cast %mul3A_1460 : i32 to index
      %get3A_1484 = tpu.vector_load %arg6[%get3A_1482, %get3A_1483] {strides = array<i32>} : memref<4x4096xf32, #tpu.memory_space<vmem>>, vector<16xf32>,
      %mul3A_1485 = arith.mulf %get3A_1484, %get3A_1462 : vector<16xf32>
      %swap3A_1486 = arith.constant 2 : i32
      %swap3A_1487 = arith.index_cast %swap3A_1486 : i32 to index
      %swap3A_1488 = arith.index_cast %mul3A_1460 : i32 to index
      %swap3A_1489 = tpu.vector_load %arg8[%swap3A_1487, %swap3A_1488] {strides = array<i32>} : memref<4x4096xf32, #tpu.memory_space<vmem>>, vector<16xf32>,
      tpu.vector_store %arg8[%swap3A_1487, %swap3A_1488], %mul3A_1485 {strides = array<i32>} : memref<4x4096xf32, #tpu.memory_space<vmem>>, vector<16xf32>,
      %get3A_1490 = arith.constant 3 : i32
      %get3A_1491 = arith.index_cast %get3A_1490 : i32 to index
      %get3A_1492 = arith.index_cast %mul3A_1460 : i32 to index
      %get3A_1493 = tpu.vector_load %arg6[%get3A_1491, %get3A_1492] {strides = array<i32>} : memref<4x4096xf32, #tpu.memory_space<vmem>>, vector<16xf32>,
      %mul3A_1494 = arith.mulf %get3A_1493, %get3A_1462 : vector<16xf32>
      %swap3A_1495 = arith.constant 3 : i32
      %swap3A_1496 = arith.index_cast %swap3A_1495 : i32 to index
      %swap3A_1497 = arith.index_cast %mul3A_1460 : i32 to index
      %swap3A_1498 = tpu.vector_load %arg8[%swap3A_1496, %swap3A_1497] {strides = array<i32>} : memref<4x4096xf32, #tpu.memory_space<vmem>>, vector<16xf32>,
      tpu.vector_store %arg8[%swap3A_1496, %swap3A_1497], %mul3A_1494 {strides = array<i32>} : memref<4x4096xf32, #tpu.memory_space<vmem>>, vector<16xf32>,
      %scan3A_1499 = arith.constant 0 : i32
      scf.yield %scan3A_1499 : i32
    }
    %scan3A_1178 = arith.constant 256 : i32
    %add3A_1179 = arith.constant 84 : i32
    %add3A_1180 = arith.addi %mul3A_2, %add3A_1179 : i32
    %dma_start3A_1181 = arith.constant 0 : i32
    %dma_start3A_1182 = tpu.memref_slice %arg4[%add3A_1180, %dma_start3A_1181] : memref<4096x4096xf32, #tpu.memory_space<hbm>> -> memref<4x4096xf32, #tpu.memory_space<hbm>>
    %dma_start3A_1183 = arith.constant 0 : i32
    %dma_start3A_1184 = tpu.memref_slice %arg4[%add3A_1180, %dma_start3A_1183] : memref<4096x4096xf32, #tpu.memory_space<hbm>> -> memref<4x4096xf32, #tpu.memory_space<hbm>>
    tpu.enqueue_dma source(%arg8 : memref<4x4096xf32, #tpu.memory_space<vmem>>) target(%dma_start3A_1184 : memref<4x4096xf32, #tpu.memory_space<hbm>>) target_semaphore(%arg14 : memref<!tpu.dma_semaphore, #tpu.memory_space<semaphore_mem>>)
    %add3A_1185 = arith.constant 92 : i32
    %add3A_1186 = arith.addi %mul3A_2, %add3A_1185 : i32
    %dma_start3A_1187 = arith.constant 0 : i32
    %dma_start3A_1188 = tpu.memref_slice %arg2[%add3A_1186, %dma_start3A_1187] : memref<4096x4096xf32, #tpu.memory_space<hbm>> -> memref<4x4096xf32, #tpu.memory_space<hbm>>
    %dma_start3A_1189 = arith.constant 0 : i32
    %dma_start3A_1190 = tpu.memref_slice %arg2[%add3A_1186, %dma_start3A_1189] : memref<4096x4096xf32, #tpu.memory_space<hbm>> -> memref<4x4096xf32, #tpu.memory_space<hbm>>
    tpu.enqueue_dma source(%dma_start3A_1190 : memref<4x4096xf32, #tpu.memory_space<hbm>>) target(%arg6 : memref<4x4096xf32, #tpu.memory_space<vmem>>) target_semaphore(%arg12 : memref<!tpu.dma_semaphore, #tpu.memory_space<semaphore_mem>>)
    %dma_wait3A_1191 = arith.constant 0 : i32
    %dma_wait3A_1192 = tpu.memref_slice %arg2[%add3A_1159, %dma_wait3A_1191] : memref<4096x4096xf32, #tpu.memory_space<hbm>> -> memref<4x4096xf32, #tpu.memory_space<hbm>>
    %dma_wait3A_1193 = arith.constant 0 : i32
    %dma_wait3A_1194 = tpu.memref_slice %arg2[%add3A_1159, %dma_wait3A_1193] : memref<4096x4096xf32, #tpu.memory_space<hbm>> -> memref<4x4096xf32, #tpu.memory_space<hbm>>
    tpu.wait_dma2 semaphore(%arg11 : memref<!tpu.dma_semaphore, #tpu.memory_space<semaphore_mem>>) src(%dma_wait3A_1194 : memref<4x4096xf32, #tpu.memory_space<hbm>>) dst(%arg5 : memref<4x4096xf32, #tpu.memory_space<vmem>>)
    %dma_wait3A_1195 = arith.constant 0 : i32
    %dma_wait3A_1196 = tpu.memref_slice %arg4[%add3A_1153, %dma_wait3A_1195] : memref<4096x4096xf32, #tpu.memory_space<hbm>> -> memref<4x4096xf32, #tpu.memory_space<hbm>>
    %dma_wait3A_1197 = arith.constant 0 : i32
    %dma_wait3A_1198 = tpu.memref_slice %arg4[%add3A_1153, %dma_wait3A_1197] : memref<4096x4096xf32, #tpu.memory_space<hbm>> -> memref<4x4096xf32, #tpu.memory_space<hbm>>
    tpu.wait_dma2 semaphore(%arg13 : memref<!tpu.dma_semaphore, #tpu.memory_space<semaphore_mem>>) src(%arg7 : memref<4x4096xf32, #tpu.memory_space<vmem>>) dst(%dma_wait3A_1198 : memref<4x4096xf32, #tpu.memory_space<hbm>>)
    %scan3A_1199 = arith.constant 0 : i32
    %scan3A_1200 = arith.constant 0 : i32
    %scan3A_1201 = arith.constant 256 : i32
    %scan3A_1202 = arith.addi %scan3A_1200, %scan3A_1201 : i32
    %scan3A_1203 = arith.constant 1 : i32
    %scan3A_1204 = scf.for %scan3A_1457 = %scan3A_1200 to %scan3A_1202 step %scan3A_1203 iter_args(%scan3A_1458 = %scan3A_1199) -> (i32)  : i32 {
      %mul3A_1459 = arith.constant 16 : i32
      %mul3A_1460 = arith.muli %scan3A_1457, %mul3A_1459 : i32
      %get3A_1461 = arith.index_cast %mul3A_1460 : i32 to index
      %get3A_1462 = tpu.vector_load %arg9[%get3A_1461] {strides = array<i32>} : memref<4112xf32, #tpu.memory_space<vmem>>, vector<16xf32>,
      %get3A_1463 = arith.constant 0 : i32
      %get3A_1464 = arith.index_cast %get3A_1463 : i32 to index
      %get3A_1465 = arith.index_cast %mul3A_1460 : i32 to index
      %get3A_1466 = tpu.vector_load %arg5[%get3A_1464, %get3A_1465] {strides = array<i32>} : memref<4x4096xf32, #tpu.memory_space<vmem>>, vector<16xf32>,
      %mul3A_1467 = arith.mulf %get3A_1466, %get3A_1462 : vector<16xf32>
      %swap3A_1468 = arith.constant 0 : i32
      %swap3A_1469 = arith.index_cast %swap3A_1468 : i32 to index
      %swap3A_1470 = arith.index_cast %mul3A_1460 : i32 to index
      %swap3A_1471 = tpu.vector_load %arg7[%swap3A_1469, %swap3A_1470] {strides = array<i32>} : memref<4x4096xf32, #tpu.memory_space<vmem>>, vector<16xf32>,
      tpu.vector_store %arg7[%swap3A_1469, %swap3A_1470], %mul3A_1467 {strides = array<i32>} : memref<4x4096xf32, #tpu.memory_space<vmem>>, vector<16xf32>,
      %get3A_1472 = arith.constant 1 : i32
      %get3A_1473 = arith.index_cast %get3A_1472 : i32 to index
      %get3A_1474 = arith.index_cast %mul3A_1460 : i32 to index
      %get3A_1475 = tpu.vector_load %arg5[%get3A_1473, %get3A_1474] {strides = array<i32>} : memref<4x4096xf32, #tpu.memory_space<vmem>>, vector<16xf32>,
      %mul3A_1476 = arith.mulf %get3A_1475, %get3A_1462 : vector<16xf32>
      %swap3A_1477 = arith.constant 1 : i32
      %swap3A_1478 = arith.index_cast %swap3A_1477 : i32 to index
      %swap3A_1479 = arith.index_cast %mul3A_1460 : i32 to index
      %swap3A_1480 = tpu.vector_load %arg7[%swap3A_1478, %swap3A_1479] {strides = array<i32>} : memref<4x4096xf32, #tpu.memory_space<vmem>>, vector<16xf32>,
      tpu.vector_store %arg7[%swap3A_1478, %swap3A_1479], %mul3A_1476 {strides = array<i32>} : memref<4x4096xf32, #tpu.memory_space<vmem>>, vector<16xf32>,
      %get3A_1481 = arith.constant 2 : i32
      %get3A_1482 = arith.index_cast %get3A_1481 : i32 to index
      %get3A_1483 = arith.index_cast %mul3A_1460 : i32 to index
      %get3A_1484 = tpu.vector_load %arg5[%get3A_1482, %get3A_1483] {strides = array<i32>} : memref<4x4096xf32, #tpu.memory_space<vmem>>, vector<16xf32>,
      %mul3A_1485 = arith.mulf %get3A_1484, %get3A_1462 : vector<16xf32>
      %swap3A_1486 = arith.constant 2 : i32
      %swap3A_1487 = arith.index_cast %swap3A_1486 : i32 to index
      %swap3A_1488 = arith.index_cast %mul3A_1460 : i32 to index
      %swap3A_1489 = tpu.vector_load %arg7[%swap3A_1487, %swap3A_1488] {strides = array<i32>} : memref<4x4096xf32, #tpu.memory_space<vmem>>, vector<16xf32>,
      tpu.vector_store %arg7[%swap3A_1487, %swap3A_1488], %mul3A_1485 {strides = array<i32>} : memref<4x4096xf32, #tpu.memory_space<vmem>>, vector<16xf32>,
      %get3A_1490 = arith.constant 3 : i32
      %get3A_1491 = arith.index_cast %get3A_1490 : i32 to index
      %get3A_1492 = arith.index_cast %mul3A_1460 : i32 to index
      %get3A_1493 = tpu.vector_load %arg5[%get3A_1491, %get3A_1492] {strides = array<i32>} : memref<4x4096xf32, #tpu.memory_space<vmem>>, vector<16xf32>,
      %mul3A_1494 = arith.mulf %get3A_1493, %get3A_1462 : vector<16xf32>
      %swap3A_1495 = arith.constant 3 : i32
      %swap3A_1496 = arith.index_cast %swap3A_1495 : i32 to index
      %swap3A_1497 = arith.index_cast %mul3A_1460 : i32 to index
      %swap3A_1498 = tpu.vector_load %arg7[%swap3A_1496, %swap3A_1497] {strides = array<i32>} : memref<4x4096xf32, #tpu.memory_space<vmem>>, vector<16xf32>,
      tpu.vector_store %arg7[%swap3A_1496, %swap3A_1497], %mul3A_1494 {strides = array<i32>} : memref<4x4096xf32, #tpu.memory_space<vmem>>, vector<16xf32>,
      %scan3A_1499 = arith.constant 0 : i32
      scf.yield %scan3A_1499 : i32
    }
    %scan3A_1205 = arith.constant 256 : i32
    %add3A_1206 = arith.constant 88 : i32
    %add3A_1207 = arith.addi %mul3A_2, %add3A_1206 : i32
    %dma_start3A_1208 = arith.constant 0 : i32
    %dma_start3A_1209 = tpu.memref_slice %arg4[%add3A_1207, %dma_start3A_1208] : memref<4096x4096xf32, #tpu.memory_space<hbm>> -> memref<4x4096xf32, #tpu.memory_space<hbm>>
    %dma_start3A_1210 = arith.constant 0 : i32
    %dma_start3A_1211 = tpu.memref_slice %arg4[%add3A_1207, %dma_start3A_1210] : memref<4096x4096xf32, #tpu.memory_space<hbm>> -> memref<4x4096xf32, #tpu.memory_space<hbm>>
    tpu.enqueue_dma source(%arg7 : memref<4x4096xf32, #tpu.memory_space<vmem>>) target(%dma_start3A_1211 : memref<4x4096xf32, #tpu.memory_space<hbm>>) target_semaphore(%arg13 : memref<!tpu.dma_semaphore, #tpu.memory_space<semaphore_mem>>)
    %add3A_1212 = arith.constant 96 : i32
    %add3A_1213 = arith.addi %mul3A_2, %add3A_1212 : i32
    %dma_start3A_1214 = arith.constant 0 : i32
    %dma_start3A_1215 = tpu.memref_slice %arg2[%add3A_1213, %dma_start3A_1214] : memref<4096x4096xf32, #tpu.memory_space<hbm>> -> memref<4x4096xf32, #tpu.memory_space<hbm>>
    %dma_start3A_1216 = arith.constant 0 : i32
    %dma_start3A_1217 = tpu.memref_slice %arg2[%add3A_1213, %dma_start3A_1216] : memref<4096x4096xf32, #tpu.memory_space<hbm>> -> memref<4x4096xf32, #tpu.memory_space<hbm>>
    tpu.enqueue_dma source(%dma_start3A_1217 : memref<4x4096xf32, #tpu.memory_space<hbm>>) target(%arg5 : memref<4x4096xf32, #tpu.memory_space<vmem>>) target_semaphore(%arg11 : memref<!tpu.dma_semaphore, #tpu.memory_space<semaphore_mem>>)
    %dma_wait3A_1218 = arith.constant 0 : i32
    %dma_wait3A_1219 = tpu.memref_slice %arg2[%add3A_1186, %dma_wait3A_1218] : memref<4096x4096xf32, #tpu.memory_space<hbm>> -> memref<4x4096xf32, #tpu.memory_space<hbm>>
    %dma_wait3A_1220 = arith.constant 0 : i32
    %dma_wait3A_1221 = tpu.memref_slice %arg2[%add3A_1186, %dma_wait3A_1220] : memref<4096x4096xf32, #tpu.memory_space<hbm>> -> memref<4x4096xf32, #tpu.memory_space<hbm>>
    tpu.wait_dma2 semaphore(%arg12 : memref<!tpu.dma_semaphore, #tpu.memory_space<semaphore_mem>>) src(%dma_wait3A_1221 : memref<4x4096xf32, #tpu.memory_space<hbm>>) dst(%arg6 : memref<4x4096xf32, #tpu.memory_space<vmem>>)
    %dma_wait3A_1222 = arith.constant 0 : i32
    %dma_wait3A_1223 = tpu.memref_slice %arg4[%add3A_1180, %dma_wait3A_1222] : memref<4096x4096xf32, #tpu.memory_space<hbm>> -> memref<4x4096xf32, #tpu.memory_space<hbm>>
    %dma_wait3A_1224 = arith.constant 0 : i32
    %dma_wait3A_1225 = tpu.memref_slice %arg4[%add3A_1180, %dma_wait3A_1224] : memref<4096x4096xf32, #tpu.memory_space<hbm>> -> memref<4x4096xf32, #tpu.memory_space<hbm>>
    tpu.wait_dma2 semaphore(%arg14 : memref<!tpu.dma_semaphore, #tpu.memory_space<semaphore_mem>>) src(%arg8 : memref<4x4096xf32, #tpu.memory_space<vmem>>) dst(%dma_wait3A_1225 : memref<4x4096xf32, #tpu.memory_space<hbm>>)
    %scan3A_1226 = arith.constant 0 : i32
    %scan3A_1227 = arith.constant 0 : i32
    %scan3A_1228 = arith.constant 256 : i32
    %scan3A_1229 = arith.addi %scan3A_1227, %scan3A_1228 : i32
    %scan3A_1230 = arith.constant 1 : i32
    %scan3A_1231 = scf.for %scan3A_1457 = %scan3A_1227 to %scan3A_1229 step %scan3A_1230 iter_args(%scan3A_1458 = %scan3A_1226) -> (i32)  : i32 {
      %mul3A_1459 = arith.constant 16 : i32
      %mul3A_1460 = arith.muli %scan3A_1457, %mul3A_1459 : i32
      %get3A_1461 = arith.index_cast %mul3A_1460 : i32 to index
      %get3A_1462 = tpu.vector_load %arg9[%get3A_1461] {strides = array<i32>} : memref<4112xf32, #tpu.memory_space<vmem>>, vector<16xf32>,
      %get3A_1463 = arith.constant 0 : i32
      %get3A_1464 = arith.index_cast %get3A_1463 : i32 to index
      %get3A_1465 = arith.index_cast %mul3A_1460 : i32 to index
      %get3A_1466 = tpu.vector_load %arg6[%get3A_1464, %get3A_1465] {strides = array<i32>} : memref<4x4096xf32, #tpu.memory_space<vmem>>, vector<16xf32>,
      %mul3A_1467 = arith.mulf %get3A_1466, %get3A_1462 : vector<16xf32>
      %swap3A_1468 = arith.constant 0 : i32
      %swap3A_1469 = arith.index_cast %swap3A_1468 : i32 to index
      %swap3A_1470 = arith.index_cast %mul3A_1460 : i32 to index
      %swap3A_1471 = tpu.vector_load %arg8[%swap3A_1469, %swap3A_1470] {strides = array<i32>} : memref<4x4096xf32, #tpu.memory_space<vmem>>, vector<16xf32>,
      tpu.vector_store %arg8[%swap3A_1469, %swap3A_1470], %mul3A_1467 {strides = array<i32>} : memref<4x4096xf32, #tpu.memory_space<vmem>>, vector<16xf32>,
      %get3A_1472 = arith.constant 1 : i32
      %get3A_1473 = arith.index_cast %get3A_1472 : i32 to index
      %get3A_1474 = arith.index_cast %mul3A_1460 : i32 to index
      %get3A_1475 = tpu.vector_load %arg6[%get3A_1473, %get3A_1474] {strides = array<i32>} : memref<4x4096xf32, #tpu.memory_space<vmem>>, vector<16xf32>,
      %mul3A_1476 = arith.mulf %get3A_1475, %get3A_1462 : vector<16xf32>
      %swap3A_1477 = arith.constant 1 : i32
      %swap3A_1478 = arith.index_cast %swap3A_1477 : i32 to index
      %swap3A_1479 = arith.index_cast %mul3A_1460 : i32 to index
      %swap3A_1480 = tpu.vector_load %arg8[%swap3A_1478, %swap3A_1479] {strides = array<i32>} : memref<4x4096xf32, #tpu.memory_space<vmem>>, vector<16xf32>,
      tpu.vector_store %arg8[%swap3A_1478, %swap3A_1479], %mul3A_1476 {strides = array<i32>} : memref<4x4096xf32, #tpu.memory_space<vmem>>, vector<16xf32>,
      %get3A_1481 = arith.constant 2 : i32
      %get3A_1482 = arith.index_cast %get3A_1481 : i32 to index
      %get3A_1483 = arith.index_cast %mul3A_1460 : i32 to index
      %get3A_1484 = tpu.vector_load %arg6[%get3A_1482, %get3A_1483] {strides = array<i32>} : memref<4x4096xf32, #tpu.memory_space<vmem>>, vector<16xf32>,
      %mul3A_1485 = arith.mulf %get3A_1484, %get3A_1462 : vector<16xf32>
      %swap3A_1486 = arith.constant 2 : i32
      %swap3A_1487 = arith.index_cast %swap3A_1486 : i32 to index
      %swap3A_1488 = arith.index_cast %mul3A_1460 : i32 to index
      %swap3A_1489 = tpu.vector_load %arg8[%swap3A_1487, %swap3A_1488] {strides = array<i32>} : memref<4x4096xf32, #tpu.memory_space<vmem>>, vector<16xf32>,
      tpu.vector_store %arg8[%swap3A_1487, %swap3A_1488], %mul3A_1485 {strides = array<i32>} : memref<4x4096xf32, #tpu.memory_space<vmem>>, vector<16xf32>,
      %get3A_1490 = arith.constant 3 : i32
      %get3A_1491 = arith.index_cast %get3A_1490 : i32 to index
      %get3A_1492 = arith.index_cast %mul3A_1460 : i32 to index
      %get3A_1493 = tpu.vector_load %arg6[%get3A_1491, %get3A_1492] {strides = array<i32>} : memref<4x4096xf32, #tpu.memory_space<vmem>>, vector<16xf32>,
      %mul3A_1494 = arith.mulf %get3A_1493, %get3A_1462 : vector<16xf32>
      %swap3A_1495 = arith.constant 3 : i32
      %swap3A_1496 = arith.index_cast %swap3A_1495 : i32 to index
      %swap3A_1497 = arith.index_cast %mul3A_1460 : i32 to index
      %swap3A_1498 = tpu.vector_load %arg8[%swap3A_1496, %swap3A_1497] {strides = array<i32>} : memref<4x4096xf32, #tpu.memory_space<vmem>>, vector<16xf32>,
      tpu.vector_store %arg8[%swap3A_1496, %swap3A_1497], %mul3A_1494 {strides = array<i32>} : memref<4x4096xf32, #tpu.memory_space<vmem>>, vector<16xf32>,
      %scan3A_1499 = arith.constant 0 : i32
      scf.yield %scan3A_1499 : i32
    }
    %scan3A_1232 = arith.constant 256 : i32
    %add3A_1233 = arith.constant 92 : i32
    %add3A_1234 = arith.addi %mul3A_2, %add3A_1233 : i32
    %dma_start3A_1235 = arith.constant 0 : i32
    %dma_start3A_1236 = tpu.memref_slice %arg4[%add3A_1234, %dma_start3A_1235] : memref<4096x4096xf32, #tpu.memory_space<hbm>> -> memref<4x4096xf32, #tpu.memory_space<hbm>>
    %dma_start3A_1237 = arith.constant 0 : i32
    %dma_start3A_1238 = tpu.memref_slice %arg4[%add3A_1234, %dma_start3A_1237] : memref<4096x4096xf32, #tpu.memory_space<hbm>> -> memref<4x4096xf32, #tpu.memory_space<hbm>>
    tpu.enqueue_dma source(%arg8 : memref<4x4096xf32, #tpu.memory_space<vmem>>) target(%dma_start3A_1238 : memref<4x4096xf32, #tpu.memory_space<hbm>>) target_semaphore(%arg14 : memref<!tpu.dma_semaphore, #tpu.memory_space<semaphore_mem>>)
    %add3A_1239 = arith.constant 100 : i32
    %add3A_1240 = arith.addi %mul3A_2, %add3A_1239 : i32
    %dma_start3A_1241 = arith.constant 0 : i32
    %dma_start3A_1242 = tpu.memref_slice %arg2[%add3A_1240, %dma_start3A_1241] : memref<4096x4096xf32, #tpu.memory_space<hbm>> -> memref<4x4096xf32, #tpu.memory_space<hbm>>
    %dma_start3A_1243 = arith.constant 0 : i32
    %dma_start3A_1244 = tpu.memref_slice %arg2[%add3A_1240, %dma_start3A_1243] : memref<4096x4096xf32, #tpu.memory_space<hbm>> -> memref<4x4096xf32, #tpu.memory_space<hbm>>
    tpu.enqueue_dma source(%dma_start3A_1244 : memref<4x4096xf32, #tpu.memory_space<hbm>>) target(%arg6 : memref<4x4096xf32, #tpu.memory_space<vmem>>) target_semaphore(%arg12 : memref<!tpu.dma_semaphore, #tpu.memory_space<semaphore_mem>>)
    %dma_wait3A_1245 = arith.constant 0 : i32
    %dma_wait3A_1246 = tpu.memref_slice %arg2[%add3A_1213, %dma_wait3A_1245] : memref<4096x4096xf32, #tpu.memory_space<hbm>> -> memref<4x4096xf32, #tpu.memory_space<hbm>>
    %dma_wait3A_1247 = arith.constant 0 : i32
    %dma_wait3A_1248 = tpu.memref_slice %arg2[%add3A_1213, %dma_wait3A_1247] : memref<4096x4096xf32, #tpu.memory_space<hbm>> -> memref<4x4096xf32, #tpu.memory_space<hbm>>
    tpu.wait_dma2 semaphore(%arg11 : memref<!tpu.dma_semaphore, #tpu.memory_space<semaphore_mem>>) src(%dma_wait3A_1248 : memref<4x4096xf32, #tpu.memory_space<hbm>>) dst(%arg5 : memref<4x4096xf32, #tpu.memory_space<vmem>>)
    %dma_wait3A_1249 = arith.constant 0 : i32
    %dma_wait3A_1250 = tpu.memref_slice %arg4[%add3A_1207, %dma_wait3A_1249] : memref<4096x4096xf32, #tpu.memory_space<hbm>> -> memref<4x4096xf32, #tpu.memory_space<hbm>>
    %dma_wait3A_1251 = arith.constant 0 : i32
    %dma_wait3A_1252 = tpu.memref_slice %arg4[%add3A_1207, %dma_wait3A_1251] : memref<4096x4096xf32, #tpu.memory_space<hbm>> -> memref<4x4096xf32, #tpu.memory_space<hbm>>
    tpu.wait_dma2 semaphore(%arg13 : memref<!tpu.dma_semaphore, #tpu.memory_space<semaphore_mem>>) src(%arg7 : memref<4x4096xf32, #tpu.memory_space<vmem>>) dst(%dma_wait3A_1252 : memref<4x4096xf32, #tpu.memory_space<hbm>>)
    %scan3A_1253 = arith.constant 0 : i32
    %scan3A_1254 = arith.constant 0 : i32
    %scan3A_1255 = arith.constant 256 : i32
    %scan3A_1256 = arith.addi %scan3A_1254, %scan3A_1255 : i32
    %scan3A_1257 = arith.constant 1 : i32
    %scan3A_1258 = scf.for %scan3A_1457 = %scan3A_1254 to %scan3A_1256 step %scan3A_1257 iter_args(%scan3A_1458 = %scan3A_1253) -> (i32)  : i32 {
      %mul3A_1459 = arith.constant 16 : i32
      %mul3A_1460 = arith.muli %scan3A_1457, %mul3A_1459 : i32
      %get3A_1461 = arith.index_cast %mul3A_1460 : i32 to index
      %get3A_1462 = tpu.vector_load %arg9[%get3A_1461] {strides = array<i32>} : memref<4112xf32, #tpu.memory_space<vmem>>, vector<16xf32>,
      %get3A_1463 = arith.constant 0 : i32
      %get3A_1464 = arith.index_cast %get3A_1463 : i32 to index
      %get3A_1465 = arith.index_cast %mul3A_1460 : i32 to index
      %get3A_1466 = tpu.vector_load %arg5[%get3A_1464, %get3A_1465] {strides = array<i32>} : memref<4x4096xf32, #tpu.memory_space<vmem>>, vector<16xf32>,
      %mul3A_1467 = arith.mulf %get3A_1466, %get3A_1462 : vector<16xf32>
      %swap3A_1468 = arith.constant 0 : i32
      %swap3A_1469 = arith.index_cast %swap3A_1468 : i32 to index
      %swap3A_1470 = arith.index_cast %mul3A_1460 : i32 to index
      %swap3A_1471 = tpu.vector_load %arg7[%swap3A_1469, %swap3A_1470] {strides = array<i32>} : memref<4x4096xf32, #tpu.memory_space<vmem>>, vector<16xf32>,
      tpu.vector_store %arg7[%swap3A_1469, %swap3A_1470], %mul3A_1467 {strides = array<i32>} : memref<4x4096xf32, #tpu.memory_space<vmem>>, vector<16xf32>,
      %get3A_1472 = arith.constant 1 : i32
      %get3A_1473 = arith.index_cast %get3A_1472 : i32 to index
      %get3A_1474 = arith.index_cast %mul3A_1460 : i32 to index
      %get3A_1475 = tpu.vector_load %arg5[%get3A_1473, %get3A_1474] {strides = array<i32>} : memref<4x4096xf32, #tpu.memory_space<vmem>>, vector<16xf32>,
      %mul3A_1476 = arith.mulf %get3A_1475, %get3A_1462 : vector<16xf32>
      %swap3A_1477 = arith.constant 1 : i32
      %swap3A_1478 = arith.index_cast %swap3A_1477 : i32 to index
      %swap3A_1479 = arith.index_cast %mul3A_1460 : i32 to index
      %swap3A_1480 = tpu.vector_load %arg7[%swap3A_1478, %swap3A_1479] {strides = array<i32>} : memref<4x4096xf32, #tpu.memory_space<vmem>>, vector<16xf32>,
      tpu.vector_store %arg7[%swap3A_1478, %swap3A_1479], %mul3A_1476 {strides = array<i32>} : memref<4x4096xf32, #tpu.memory_space<vmem>>, vector<16xf32>,
      %get3A_1481 = arith.constant 2 : i32
      %get3A_1482 = arith.index_cast %get3A_1481 : i32 to index
      %get3A_1483 = arith.index_cast %mul3A_1460 : i32 to index
      %get3A_1484 = tpu.vector_load %arg5[%get3A_1482, %get3A_1483] {strides = array<i32>} : memref<4x4096xf32, #tpu.memory_space<vmem>>, vector<16xf32>,
      %mul3A_1485 = arith.mulf %get3A_1484, %get3A_1462 : vector<16xf32>
      %swap3A_1486 = arith.constant 2 : i32
      %swap3A_1487 = arith.index_cast %swap3A_1486 : i32 to index
      %swap3A_1488 = arith.index_cast %mul3A_1460 : i32 to index
      %swap3A_1489 = tpu.vector_load %arg7[%swap3A_1487, %swap3A_1488] {strides = array<i32>} : memref<4x4096xf32, #tpu.memory_space<vmem>>, vector<16xf32>,
      tpu.vector_store %arg7[%swap3A_1487, %swap3A_1488], %mul3A_1485 {strides = array<i32>} : memref<4x4096xf32, #tpu.memory_space<vmem>>, vector<16xf32>,
      %get3A_1490 = arith.constant 3 : i32
      %get3A_1491 = arith.index_cast %get3A_1490 : i32 to index
      %get3A_1492 = arith.index_cast %mul3A_1460 : i32 to index
      %get3A_1493 = tpu.vector_load %arg5[%get3A_1491, %get3A_1492] {strides = array<i32>} : memref<4x4096xf32, #tpu.memory_space<vmem>>, vector<16xf32>,
      %mul3A_1494 = arith.mulf %get3A_1493, %get3A_1462 : vector<16xf32>
      %swap3A_1495 = arith.constant 3 : i32
      %swap3A_1496 = arith.index_cast %swap3A_1495 : i32 to index
      %swap3A_1497 = arith.index_cast %mul3A_1460 : i32 to index
      %swap3A_1498 = tpu.vector_load %arg7[%swap3A_1496, %swap3A_1497] {strides = array<i32>} : memref<4x4096xf32, #tpu.memory_space<vmem>>, vector<16xf32>,
      tpu.vector_store %arg7[%swap3A_1496, %swap3A_1497], %mul3A_1494 {strides = array<i32>} : memref<4x4096xf32, #tpu.memory_space<vmem>>, vector<16xf32>,
      %scan3A_1499 = arith.constant 0 : i32
      scf.yield %scan3A_1499 : i32
    }
    %scan3A_1259 = arith.constant 256 : i32
    %add3A_1260 = arith.constant 96 : i32
    %add3A_1261 = arith.addi %mul3A_2, %add3A_1260 : i32
    %dma_start3A_1262 = arith.constant 0 : i32
    %dma_start3A_1263 = tpu.memref_slice %arg4[%add3A_1261, %dma_start3A_1262] : memref<4096x4096xf32, #tpu.memory_space<hbm>> -> memref<4x4096xf32, #tpu.memory_space<hbm>>
    %dma_start3A_1264 = arith.constant 0 : i32
    %dma_start3A_1265 = tpu.memref_slice %arg4[%add3A_1261, %dma_start3A_1264] : memref<4096x4096xf32, #tpu.memory_space<hbm>> -> memref<4x4096xf32, #tpu.memory_space<hbm>>
    tpu.enqueue_dma source(%arg7 : memref<4x4096xf32, #tpu.memory_space<vmem>>) target(%dma_start3A_1265 : memref<4x4096xf32, #tpu.memory_space<hbm>>) target_semaphore(%arg13 : memref<!tpu.dma_semaphore, #tpu.memory_space<semaphore_mem>>)
    %add3A_1266 = arith.constant 104 : i32
    %add3A_1267 = arith.addi %mul3A_2, %add3A_1266 : i32
    %dma_start3A_1268 = arith.constant 0 : i32
    %dma_start3A_1269 = tpu.memref_slice %arg2[%add3A_1267, %dma_start3A_1268] : memref<4096x4096xf32, #tpu.memory_space<hbm>> -> memref<4x4096xf32, #tpu.memory_space<hbm>>
    %dma_start3A_1270 = arith.constant 0 : i32
    %dma_start3A_1271 = tpu.memref_slice %arg2[%add3A_1267, %dma_start3A_1270] : memref<4096x4096xf32, #tpu.memory_space<hbm>> -> memref<4x4096xf32, #tpu.memory_space<hbm>>
    tpu.enqueue_dma source(%dma_start3A_1271 : memref<4x4096xf32, #tpu.memory_space<hbm>>) target(%arg5 : memref<4x4096xf32, #tpu.memory_space<vmem>>) target_semaphore(%arg11 : memref<!tpu.dma_semaphore, #tpu.memory_space<semaphore_mem>>)
    %dma_wait3A_1272 = arith.constant 0 : i32
    %dma_wait3A_1273 = tpu.memref_slice %arg2[%add3A_1240, %dma_wait3A_1272] : memref<4096x4096xf32, #tpu.memory_space<hbm>> -> memref<4x4096xf32, #tpu.memory_space<hbm>>
    %dma_wait3A_1274 = arith.constant 0 : i32
    %dma_wait3A_1275 = tpu.memref_slice %arg2[%add3A_1240, %dma_wait3A_1274] : memref<4096x4096xf32, #tpu.memory_space<hbm>> -> memref<4x4096xf32, #tpu.memory_space<hbm>>
    tpu.wait_dma2 semaphore(%arg12 : memref<!tpu.dma_semaphore, #tpu.memory_space<semaphore_mem>>) src(%dma_wait3A_1275 : memref<4x4096xf32, #tpu.memory_space<hbm>>) dst(%arg6 : memref<4x4096xf32, #tpu.memory_space<vmem>>)
    %dma_wait3A_1276 = arith.constant 0 : i32
    %dma_wait3A_1277 = tpu.memref_slice %arg4[%add3A_1234, %dma_wait3A_1276] : memref<4096x4096xf32, #tpu.memory_space<hbm>> -> memref<4x4096xf32, #tpu.memory_space<hbm>>
    %dma_wait3A_1278 = arith.constant 0 : i32
    %dma_wait3A_1279 = tpu.memref_slice %arg4[%add3A_1234, %dma_wait3A_1278] : memref<4096x4096xf32, #tpu.memory_space<hbm>> -> memref<4x4096xf32, #tpu.memory_space<hbm>>
    tpu.wait_dma2 semaphore(%arg14 : memref<!tpu.dma_semaphore, #tpu.memory_space<semaphore_mem>>) src(%arg8 : memref<4x4096xf32, #tpu.memory_space<vmem>>) dst(%dma_wait3A_1279 : memref<4x4096xf32, #tpu.memory_space<hbm>>)
    %scan3A_1280 = arith.constant 0 : i32
    %scan3A_1281 = arith.constant 0 : i32
    %scan3A_1282 = arith.constant 256 : i32
    %scan3A_1283 = arith.addi %scan3A_1281, %scan3A_1282 : i32
    %scan3A_1284 = arith.constant 1 : i32
    %scan3A_1285 = scf.for %scan3A_1457 = %scan3A_1281 to %scan3A_1283 step %scan3A_1284 iter_args(%scan3A_1458 = %scan3A_1280) -> (i32)  : i32 {
      %mul3A_1459 = arith.constant 16 : i32
      %mul3A_1460 = arith.muli %scan3A_1457, %mul3A_1459 : i32
      %get3A_1461 = arith.index_cast %mul3A_1460 : i32 to index
      %get3A_1462 = tpu.vector_load %arg9[%get3A_1461] {strides = array<i32>} : memref<4112xf32, #tpu.memory_space<vmem>>, vector<16xf32>,
      %get3A_1463 = arith.constant 0 : i32
      %get3A_1464 = arith.index_cast %get3A_1463 : i32 to index
      %get3A_1465 = arith.index_cast %mul3A_1460 : i32 to index
      %get3A_1466 = tpu.vector_load %arg6[%get3A_1464, %get3A_1465] {strides = array<i32>} : memref<4x4096xf32, #tpu.memory_space<vmem>>, vector<16xf32>,
      %mul3A_1467 = arith.mulf %get3A_1466, %get3A_1462 : vector<16xf32>
      %swap3A_1468 = arith.constant 0 : i32
      %swap3A_1469 = arith.index_cast %swap3A_1468 : i32 to index
      %swap3A_1470 = arith.index_cast %mul3A_1460 : i32 to index
      %swap3A_1471 = tpu.vector_load %arg8[%swap3A_1469, %swap3A_1470] {strides = array<i32>} : memref<4x4096xf32, #tpu.memory_space<vmem>>, vector<16xf32>,
      tpu.vector_store %arg8[%swap3A_1469, %swap3A_1470], %mul3A_1467 {strides = array<i32>} : memref<4x4096xf32, #tpu.memory_space<vmem>>, vector<16xf32>,
      %get3A_1472 = arith.constant 1 : i32
      %get3A_1473 = arith.index_cast %get3A_1472 : i32 to index
      %get3A_1474 = arith.index_cast %mul3A_1460 : i32 to index
      %get3A_1475 = tpu.vector_load %arg6[%get3A_1473, %get3A_1474] {strides = array<i32>} : memref<4x4096xf32, #tpu.memory_space<vmem>>, vector<16xf32>,
      %mul3A_1476 = arith.mulf %get3A_1475, %get3A_1462 : vector<16xf32>
      %swap3A_1477 = arith.constant 1 : i32
      %swap3A_1478 = arith.index_cast %swap3A_1477 : i32 to index
      %swap3A_1479 = arith.index_cast %mul3A_1460 : i32 to index
      %swap3A_1480 = tpu.vector_load %arg8[%swap3A_1478, %swap3A_1479] {strides = array<i32>} : memref<4x4096xf32, #tpu.memory_space<vmem>>, vector<16xf32>,
      tpu.vector_store %arg8[%swap3A_1478, %swap3A_1479], %mul3A_1476 {strides = array<i32>} : memref<4x4096xf32, #tpu.memory_space<vmem>>, vector<16xf32>,
      %get3A_1481 = arith.constant 2 : i32
      %get3A_1482 = arith.index_cast %get3A_1481 : i32 to index
      %get3A_1483 = arith.index_cast %mul3A_1460 : i32 to index
      %get3A_1484 = tpu.vector_load %arg6[%get3A_1482, %get3A_1483] {strides = array<i32>} : memref<4x4096xf32, #tpu.memory_space<vmem>>, vector<16xf32>,
      %mul3A_1485 = arith.mulf %get3A_1484, %get3A_1462 : vector<16xf32>
      %swap3A_1486 = arith.constant 2 : i32
      %swap3A_1487 = arith.index_cast %swap3A_1486 : i32 to index
      %swap3A_1488 = arith.index_cast %mul3A_1460 : i32 to index
      %swap3A_1489 = tpu.vector_load %arg8[%swap3A_1487, %swap3A_1488] {strides = array<i32>} : memref<4x4096xf32, #tpu.memory_space<vmem>>, vector<16xf32>,
      tpu.vector_store %arg8[%swap3A_1487, %swap3A_1488], %mul3A_1485 {strides = array<i32>} : memref<4x4096xf32, #tpu.memory_space<vmem>>, vector<16xf32>,
      %get3A_1490 = arith.constant 3 : i32
      %get3A_1491 = arith.index_cast %get3A_1490 : i32 to index
      %get3A_1492 = arith.index_cast %mul3A_1460 : i32 to index
      %get3A_1493 = tpu.vector_load %arg6[%get3A_1491, %get3A_1492] {strides = array<i32>} : memref<4x4096xf32, #tpu.memory_space<vmem>>, vector<16xf32>,
      %mul3A_1494 = arith.mulf %get3A_1493, %get3A_1462 : vector<16xf32>
      %swap3A_1495 = arith.constant 3 : i32
      %swap3A_1496 = arith.index_cast %swap3A_1495 : i32 to index
      %swap3A_1497 = arith.index_cast %mul3A_1460 : i32 to index
      %swap3A_1498 = tpu.vector_load %arg8[%swap3A_1496, %swap3A_1497] {strides = array<i32>} : memref<4x4096xf32, #tpu.memory_space<vmem>>, vector<16xf32>,
      tpu.vector_store %arg8[%swap3A_1496, %swap3A_1497], %mul3A_1494 {strides = array<i32>} : memref<4x4096xf32, #tpu.memory_space<vmem>>, vector<16xf32>,
      %scan3A_1499 = arith.constant 0 : i32
      scf.yield %scan3A_1499 : i32
    }
    %scan3A_1286 = arith.constant 256 : i32
    %add3A_1287 = arith.constant 100 : i32
    %add3A_1288 = arith.addi %mul3A_2, %add3A_1287 : i32
    %dma_start3A_1289 = arith.constant 0 : i32
    %dma_start3A_1290 = tpu.memref_slice %arg4[%add3A_1288, %dma_start3A_1289] : memref<4096x4096xf32, #tpu.memory_space<hbm>> -> memref<4x4096xf32, #tpu.memory_space<hbm>>
    %dma_start3A_1291 = arith.constant 0 : i32
    %dma_start3A_1292 = tpu.memref_slice %arg4[%add3A_1288, %dma_start3A_1291] : memref<4096x4096xf32, #tpu.memory_space<hbm>> -> memref<4x4096xf32, #tpu.memory_space<hbm>>
    tpu.enqueue_dma source(%arg8 : memref<4x4096xf32, #tpu.memory_space<vmem>>) target(%dma_start3A_1292 : memref<4x4096xf32, #tpu.memory_space<hbm>>) target_semaphore(%arg14 : memref<!tpu.dma_semaphore, #tpu.memory_space<semaphore_mem>>)
    %add3A_1293 = arith.constant 108 : i32
    %add3A_1294 = arith.addi %mul3A_2, %add3A_1293 : i32
    %dma_start3A_1295 = arith.constant 0 : i32
    %dma_start3A_1296 = tpu.memref_slice %arg2[%add3A_1294, %dma_start3A_1295] : memref<4096x4096xf32, #tpu.memory_space<hbm>> -> memref<4x4096xf32, #tpu.memory_space<hbm>>
    %dma_start3A_1297 = arith.constant 0 : i32
    %dma_start3A_1298 = tpu.memref_slice %arg2[%add3A_1294, %dma_start3A_1297] : memref<4096x4096xf32, #tpu.memory_space<hbm>> -> memref<4x4096xf32, #tpu.memory_space<hbm>>
    tpu.enqueue_dma source(%dma_start3A_1298 : memref<4x4096xf32, #tpu.memory_space<hbm>>) target(%arg6 : memref<4x4096xf32, #tpu.memory_space<vmem>>) target_semaphore(%arg12 : memref<!tpu.dma_semaphore, #tpu.memory_space<semaphore_mem>>)
    %dma_wait3A_1299 = arith.constant 0 : i32
    %dma_wait3A_1300 = tpu.memref_slice %arg2[%add3A_1267, %dma_wait3A_1299] : memref<4096x4096xf32, #tpu.memory_space<hbm>> -> memref<4x4096xf32, #tpu.memory_space<hbm>>
    %dma_wait3A_1301 = arith.constant 0 : i32
    %dma_wait3A_1302 = tpu.memref_slice %arg2[%add3A_1267, %dma_wait3A_1301] : memref<4096x4096xf32, #tpu.memory_space<hbm>> -> memref<4x4096xf32, #tpu.memory_space<hbm>>
    tpu.wait_dma2 semaphore(%arg11 : memref<!tpu.dma_semaphore, #tpu.memory_space<semaphore_mem>>) src(%dma_wait3A_1302 : memref<4x4096xf32, #tpu.memory_space<hbm>>) dst(%arg5 : memref<4x4096xf32, #tpu.memory_space<vmem>>)
    %dma_wait3A_1303 = arith.constant 0 : i32
    %dma_wait3A_1304 = tpu.memref_slice %arg4[%add3A_1261, %dma_wait3A_1303] : memref<4096x4096xf32, #tpu.memory_space<hbm>> -> memref<4x4096xf32, #tpu.memory_space<hbm>>
    %dma_wait3A_1305 = arith.constant 0 : i32
    %dma_wait3A_1306 = tpu.memref_slice %arg4[%add3A_1261, %dma_wait3A_1305] : memref<4096x4096xf32, #tpu.memory_space<hbm>> -> memref<4x4096xf32, #tpu.memory_space<hbm>>
    tpu.wait_dma2 semaphore(%arg13 : memref<!tpu.dma_semaphore, #tpu.memory_space<semaphore_mem>>) src(%arg7 : memref<4x4096xf32, #tpu.memory_space<vmem>>) dst(%dma_wait3A_1306 : memref<4x4096xf32, #tpu.memory_space<hbm>>)
    %scan3A_1307 = arith.constant 0 : i32
    %scan3A_1308 = arith.constant 0 : i32
    %scan3A_1309 = arith.constant 256 : i32
    %scan3A_1310 = arith.addi %scan3A_1308, %scan3A_1309 : i32
    %scan3A_1311 = arith.constant 1 : i32
    %scan3A_1312 = scf.for %scan3A_1457 = %scan3A_1308 to %scan3A_1310 step %scan3A_1311 iter_args(%scan3A_1458 = %scan3A_1307) -> (i32)  : i32 {
      %mul3A_1459 = arith.constant 16 : i32
      %mul3A_1460 = arith.muli %scan3A_1457, %mul3A_1459 : i32
      %get3A_1461 = arith.index_cast %mul3A_1460 : i32 to index
      %get3A_1462 = tpu.vector_load %arg9[%get3A_1461] {strides = array<i32>} : memref<4112xf32, #tpu.memory_space<vmem>>, vector<16xf32>,
      %get3A_1463 = arith.constant 0 : i32
      %get3A_1464 = arith.index_cast %get3A_1463 : i32 to index
      %get3A_1465 = arith.index_cast %mul3A_1460 : i32 to index
      %get3A_1466 = tpu.vector_load %arg5[%get3A_1464, %get3A_1465] {strides = array<i32>} : memref<4x4096xf32, #tpu.memory_space<vmem>>, vector<16xf32>,
      %mul3A_1467 = arith.mulf %get3A_1466, %get3A_1462 : vector<16xf32>
      %swap3A_1468 = arith.constant 0 : i32
      %swap3A_1469 = arith.index_cast %swap3A_1468 : i32 to index
      %swap3A_1470 = arith.index_cast %mul3A_1460 : i32 to index
      %swap3A_1471 = tpu.vector_load %arg7[%swap3A_1469, %swap3A_1470] {strides = array<i32>} : memref<4x4096xf32, #tpu.memory_space<vmem>>, vector<16xf32>,
      tpu.vector_store %arg7[%swap3A_1469, %swap3A_1470], %mul3A_1467 {strides = array<i32>} : memref<4x4096xf32, #tpu.memory_space<vmem>>, vector<16xf32>,
      %get3A_1472 = arith.constant 1 : i32
      %get3A_1473 = arith.index_cast %get3A_1472 : i32 to index
      %get3A_1474 = arith.index_cast %mul3A_1460 : i32 to index
      %get3A_1475 = tpu.vector_load %arg5[%get3A_1473, %get3A_1474] {strides = array<i32>} : memref<4x4096xf32, #tpu.memory_space<vmem>>, vector<16xf32>,
      %mul3A_1476 = arith.mulf %get3A_1475, %get3A_1462 : vector<16xf32>
      %swap3A_1477 = arith.constant 1 : i32
      %swap3A_1478 = arith.index_cast %swap3A_1477 : i32 to index
      %swap3A_1479 = arith.index_cast %mul3A_1460 : i32 to index
      %swap3A_1480 = tpu.vector_load %arg7[%swap3A_1478, %swap3A_1479] {strides = array<i32>} : memref<4x4096xf32, #tpu.memory_space<vmem>>, vector<16xf32>,
      tpu.vector_store %arg7[%swap3A_1478, %swap3A_1479], %mul3A_1476 {strides = array<i32>} : memref<4x4096xf32, #tpu.memory_space<vmem>>, vector<16xf32>,
      %get3A_1481 = arith.constant 2 : i32
      %get3A_1482 = arith.index_cast %get3A_1481 : i32 to index
      %get3A_1483 = arith.index_cast %mul3A_1460 : i32 to index
      %get3A_1484 = tpu.vector_load %arg5[%get3A_1482, %get3A_1483] {strides = array<i32>} : memref<4x4096xf32, #tpu.memory_space<vmem>>, vector<16xf32>,
      %mul3A_1485 = arith.mulf %get3A_1484, %get3A_1462 : vector<16xf32>
      %swap3A_1486 = arith.constant 2 : i32
      %swap3A_1487 = arith.index_cast %swap3A_1486 : i32 to index
      %swap3A_1488 = arith.index_cast %mul3A_1460 : i32 to index
      %swap3A_1489 = tpu.vector_load %arg7[%swap3A_1487, %swap3A_1488] {strides = array<i32>} : memref<4x4096xf32, #tpu.memory_space<vmem>>, vector<16xf32>,
      tpu.vector_store %arg7[%swap3A_1487, %swap3A_1488], %mul3A_1485 {strides = array<i32>} : memref<4x4096xf32, #tpu.memory_space<vmem>>, vector<16xf32>,
      %get3A_1490 = arith.constant 3 : i32
      %get3A_1491 = arith.index_cast %get3A_1490 : i32 to index
      %get3A_1492 = arith.index_cast %mul3A_1460 : i32 to index
      %get3A_1493 = tpu.vector_load %arg5[%get3A_1491, %get3A_1492] {strides = array<i32>} : memref<4x4096xf32, #tpu.memory_space<vmem>>, vector<16xf32>,
      %mul3A_1494 = arith.mulf %get3A_1493, %get3A_1462 : vector<16xf32>
      %swap3A_1495 = arith.constant 3 : i32
      %swap3A_1496 = arith.index_cast %swap3A_1495 : i32 to index
      %swap3A_1497 = arith.index_cast %mul3A_1460 : i32 to index
      %swap3A_1498 = tpu.vector_load %arg7[%swap3A_1496, %swap3A_1497] {strides = array<i32>} : memref<4x4096xf32, #tpu.memory_space<vmem>>, vector<16xf32>,
      tpu.vector_store %arg7[%swap3A_1496, %swap3A_1497], %mul3A_1494 {strides = array<i32>} : memref<4x4096xf32, #tpu.memory_space<vmem>>, vector<16xf32>,
      %scan3A_1499 = arith.constant 0 : i32
      scf.yield %scan3A_1499 : i32
    }
    %scan3A_1313 = arith.constant 256 : i32
    %add3A_1314 = arith.constant 104 : i32
    %add3A_1315 = arith.addi %mul3A_2, %add3A_1314 : i32
    %dma_start3A_1316 = arith.constant 0 : i32
    %dma_start3A_1317 = tpu.memref_slice %arg4[%add3A_1315, %dma_start3A_1316] : memref<4096x4096xf32, #tpu.memory_space<hbm>> -> memref<4x4096xf32, #tpu.memory_space<hbm>>
    %dma_start3A_1318 = arith.constant 0 : i32
    %dma_start3A_1319 = tpu.memref_slice %arg4[%add3A_1315, %dma_start3A_1318] : memref<4096x4096xf32, #tpu.memory_space<hbm>> -> memref<4x4096xf32, #tpu.memory_space<hbm>>
    tpu.enqueue_dma source(%arg7 : memref<4x4096xf32, #tpu.memory_space<vmem>>) target(%dma_start3A_1319 : memref<4x4096xf32, #tpu.memory_space<hbm>>) target_semaphore(%arg13 : memref<!tpu.dma_semaphore, #tpu.memory_space<semaphore_mem>>)
    %add3A_1320 = arith.constant 112 : i32
    %add3A_1321 = arith.addi %mul3A_2, %add3A_1320 : i32
    %dma_start3A_1322 = arith.constant 0 : i32
    %dma_start3A_1323 = tpu.memref_slice %arg2[%add3A_1321, %dma_start3A_1322] : memref<4096x4096xf32, #tpu.memory_space<hbm>> -> memref<4x4096xf32, #tpu.memory_space<hbm>>
    %dma_start3A_1324 = arith.constant 0 : i32
    %dma_start3A_1325 = tpu.memref_slice %arg2[%add3A_1321, %dma_start3A_1324] : memref<4096x4096xf32, #tpu.memory_space<hbm>> -> memref<4x4096xf32, #tpu.memory_space<hbm>>
    tpu.enqueue_dma source(%dma_start3A_1325 : memref<4x4096xf32, #tpu.memory_space<hbm>>) target(%arg5 : memref<4x4096xf32, #tpu.memory_space<vmem>>) target_semaphore(%arg11 : memref<!tpu.dma_semaphore, #tpu.memory_space<semaphore_mem>>)
    %dma_wait3A_1326 = arith.constant 0 : i32
    %dma_wait3A_1327 = tpu.memref_slice %arg2[%add3A_1294, %dma_wait3A_1326] : memref<4096x4096xf32, #tpu.memory_space<hbm>> -> memref<4x4096xf32, #tpu.memory_space<hbm>>
    %dma_wait3A_1328 = arith.constant 0 : i32
    %dma_wait3A_1329 = tpu.memref_slice %arg2[%add3A_1294, %dma_wait3A_1328] : memref<4096x4096xf32, #tpu.memory_space<hbm>> -> memref<4x4096xf32, #tpu.memory_space<hbm>>
    tpu.wait_dma2 semaphore(%arg12 : memref<!tpu.dma_semaphore, #tpu.memory_space<semaphore_mem>>) src(%dma_wait3A_1329 : memref<4x4096xf32, #tpu.memory_space<hbm>>) dst(%arg6 : memref<4x4096xf32, #tpu.memory_space<vmem>>)
    %dma_wait3A_1330 = arith.constant 0 : i32
    %dma_wait3A_1331 = tpu.memref_slice %arg4[%add3A_1288, %dma_wait3A_1330] : memref<4096x4096xf32, #tpu.memory_space<hbm>> -> memref<4x4096xf32, #tpu.memory_space<hbm>>
    %dma_wait3A_1332 = arith.constant 0 : i32
    %dma_wait3A_1333 = tpu.memref_slice %arg4[%add3A_1288, %dma_wait3A_1332] : memref<4096x4096xf32, #tpu.memory_space<hbm>> -> memref<4x4096xf32, #tpu.memory_space<hbm>>
    tpu.wait_dma2 semaphore(%arg14 : memref<!tpu.dma_semaphore, #tpu.memory_space<semaphore_mem>>) src(%arg8 : memref<4x4096xf32, #tpu.memory_space<vmem>>) dst(%dma_wait3A_1333 : memref<4x4096xf32, #tpu.memory_space<hbm>>)
    %scan3A_1334 = arith.constant 0 : i32
    %scan3A_1335 = arith.constant 0 : i32
    %scan3A_1336 = arith.constant 256 : i32
    %scan3A_1337 = arith.addi %scan3A_1335, %scan3A_1336 : i32
    %scan3A_1338 = arith.constant 1 : i32
    %scan3A_1339 = scf.for %scan3A_1457 = %scan3A_1335 to %scan3A_1337 step %scan3A_1338 iter_args(%scan3A_1458 = %scan3A_1334) -> (i32)  : i32 {
      %mul3A_1459 = arith.constant 16 : i32
      %mul3A_1460 = arith.muli %scan3A_1457, %mul3A_1459 : i32
      %get3A_1461 = arith.index_cast %mul3A_1460 : i32 to index
      %get3A_1462 = tpu.vector_load %arg9[%get3A_1461] {strides = array<i32>} : memref<4112xf32, #tpu.memory_space<vmem>>, vector<16xf32>,
      %get3A_1463 = arith.constant 0 : i32
      %get3A_1464 = arith.index_cast %get3A_1463 : i32 to index
      %get3A_1465 = arith.index_cast %mul3A_1460 : i32 to index
      %get3A_1466 = tpu.vector_load %arg6[%get3A_1464, %get3A_1465] {strides = array<i32>} : memref<4x4096xf32, #tpu.memory_space<vmem>>, vector<16xf32>,
      %mul3A_1467 = arith.mulf %get3A_1466, %get3A_1462 : vector<16xf32>
      %swap3A_1468 = arith.constant 0 : i32
      %swap3A_1469 = arith.index_cast %swap3A_1468 : i32 to index
      %swap3A_1470 = arith.index_cast %mul3A_1460 : i32 to index
      %swap3A_1471 = tpu.vector_load %arg8[%swap3A_1469, %swap3A_1470] {strides = array<i32>} : memref<4x4096xf32, #tpu.memory_space<vmem>>, vector<16xf32>,
      tpu.vector_store %arg8[%swap3A_1469, %swap3A_1470], %mul3A_1467 {strides = array<i32>} : memref<4x4096xf32, #tpu.memory_space<vmem>>, vector<16xf32>,
      %get3A_1472 = arith.constant 1 : i32
      %get3A_1473 = arith.index_cast %get3A_1472 : i32 to index
      %get3A_1474 = arith.index_cast %mul3A_1460 : i32 to index
      %get3A_1475 = tpu.vector_load %arg6[%get3A_1473, %get3A_1474] {strides = array<i32>} : memref<4x4096xf32, #tpu.memory_space<vmem>>, vector<16xf32>,
      %mul3A_1476 = arith.mulf %get3A_1475, %get3A_1462 : vector<16xf32>
      %swap3A_1477 = arith.constant 1 : i32
      %swap3A_1478 = arith.index_cast %swap3A_1477 : i32 to index
      %swap3A_1479 = arith.index_cast %mul3A_1460 : i32 to index
      %swap3A_1480 = tpu.vector_load %arg8[%swap3A_1478, %swap3A_1479] {strides = array<i32>} : memref<4x4096xf32, #tpu.memory_space<vmem>>, vector<16xf32>,
      tpu.vector_store %arg8[%swap3A_1478, %swap3A_1479], %mul3A_1476 {strides = array<i32>} : memref<4x4096xf32, #tpu.memory_space<vmem>>, vector<16xf32>,
      %get3A_1481 = arith.constant 2 : i32
      %get3A_1482 = arith.index_cast %get3A_1481 : i32 to index
      %get3A_1483 = arith.index_cast %mul3A_1460 : i32 to index
      %get3A_1484 = tpu.vector_load %arg6[%get3A_1482, %get3A_1483] {strides = array<i32>} : memref<4x4096xf32, #tpu.memory_space<vmem>>, vector<16xf32>,
      %mul3A_1485 = arith.mulf %get3A_1484, %get3A_1462 : vector<16xf32>
      %swap3A_1486 = arith.constant 2 : i32
      %swap3A_1487 = arith.index_cast %swap3A_1486 : i32 to index
      %swap3A_1488 = arith.index_cast %mul3A_1460 : i32 to index
      %swap3A_1489 = tpu.vector_load %arg8[%swap3A_1487, %swap3A_1488] {strides = array<i32>} : memref<4x4096xf32, #tpu.memory_space<vmem>>, vector<16xf32>,
      tpu.vector_store %arg8[%swap3A_1487, %swap3A_1488], %mul3A_1485 {strides = array<i32>} : memref<4x4096xf32, #tpu.memory_space<vmem>>, vector<16xf32>,
      %get3A_1490 = arith.constant 3 : i32
      %get3A_1491 = arith.index_cast %get3A_1490 : i32 to index
      %get3A_1492 = arith.index_cast %mul3A_1460 : i32 to index
      %get3A_1493 = tpu.vector_load %arg6[%get3A_1491, %get3A_1492] {strides = array<i32>} : memref<4x4096xf32, #tpu.memory_space<vmem>>, vector<16xf32>,
      %mul3A_1494 = arith.mulf %get3A_1493, %get3A_1462 : vector<16xf32>
      %swap3A_1495 = arith.constant 3 : i32
      %swap3A_1496 = arith.index_cast %swap3A_1495 : i32 to index
      %swap3A_1497 = arith.index_cast %mul3A_1460 : i32 to index
      %swap3A_1498 = tpu.vector_load %arg8[%swap3A_1496, %swap3A_1497] {strides = array<i32>} : memref<4x4096xf32, #tpu.memory_space<vmem>>, vector<16xf32>,
      tpu.vector_store %arg8[%swap3A_1496, %swap3A_1497], %mul3A_1494 {strides = array<i32>} : memref<4x4096xf32, #tpu.memory_space<vmem>>, vector<16xf32>,
      %scan3A_1499 = arith.constant 0 : i32
      scf.yield %scan3A_1499 : i32
    }
    %scan3A_1340 = arith.constant 256 : i32
    %add3A_1341 = arith.constant 108 : i32
    %add3A_1342 = arith.addi %mul3A_2, %add3A_1341 : i32
    %dma_start3A_1343 = arith.constant 0 : i32
    %dma_start3A_1344 = tpu.memref_slice %arg4[%add3A_1342, %dma_start3A_1343] : memref<4096x4096xf32, #tpu.memory_space<hbm>> -> memref<4x4096xf32, #tpu.memory_space<hbm>>
    %dma_start3A_1345 = arith.constant 0 : i32
    %dma_start3A_1346 = tpu.memref_slice %arg4[%add3A_1342, %dma_start3A_1345] : memref<4096x4096xf32, #tpu.memory_space<hbm>> -> memref<4x4096xf32, #tpu.memory_space<hbm>>
    tpu.enqueue_dma source(%arg8 : memref<4x4096xf32, #tpu.memory_space<vmem>>) target(%dma_start3A_1346 : memref<4x4096xf32, #tpu.memory_space<hbm>>) target_semaphore(%arg14 : memref<!tpu.dma_semaphore, #tpu.memory_space<semaphore_mem>>)
    %add3A_1347 = arith.constant 116 : i32
    %add3A_1348 = arith.addi %mul3A_2, %add3A_1347 : i32
    %dma_start3A_1349 = arith.constant 0 : i32
    %dma_start3A_1350 = tpu.memref_slice %arg2[%add3A_1348, %dma_start3A_1349] : memref<4096x4096xf32, #tpu.memory_space<hbm>> -> memref<4x4096xf32, #tpu.memory_space<hbm>>
    %dma_start3A_1351 = arith.constant 0 : i32
    %dma_start3A_1352 = tpu.memref_slice %arg2[%add3A_1348, %dma_start3A_1351] : memref<4096x4096xf32, #tpu.memory_space<hbm>> -> memref<4x4096xf32, #tpu.memory_space<hbm>>
    tpu.enqueue_dma source(%dma_start3A_1352 : memref<4x4096xf32, #tpu.memory_space<hbm>>) target(%arg6 : memref<4x4096xf32, #tpu.memory_space<vmem>>) target_semaphore(%arg12 : memref<!tpu.dma_semaphore, #tpu.memory_space<semaphore_mem>>)
    %dma_wait3A_1353 = arith.constant 0 : i32
    %dma_wait3A_1354 = tpu.memref_slice %arg2[%add3A_1321, %dma_wait3A_1353] : memref<4096x4096xf32, #tpu.memory_space<hbm>> -> memref<4x4096xf32, #tpu.memory_space<hbm>>
    %dma_wait3A_1355 = arith.constant 0 : i32
    %dma_wait3A_1356 = tpu.memref_slice %arg2[%add3A_1321, %dma_wait3A_1355] : memref<4096x4096xf32, #tpu.memory_space<hbm>> -> memref<4x4096xf32, #tpu.memory_space<hbm>>
    tpu.wait_dma2 semaphore(%arg11 : memref<!tpu.dma_semaphore, #tpu.memory_space<semaphore_mem>>) src(%dma_wait3A_1356 : memref<4x4096xf32, #tpu.memory_space<hbm>>) dst(%arg5 : memref<4x4096xf32, #tpu.memory_space<vmem>>)
    %dma_wait3A_1357 = arith.constant 0 : i32
    %dma_wait3A_1358 = tpu.memref_slice %arg4[%add3A_1315, %dma_wait3A_1357] : memref<4096x4096xf32, #tpu.memory_space<hbm>> -> memref<4x4096xf32, #tpu.memory_space<hbm>>
    %dma_wait3A_1359 = arith.constant 0 : i32
    %dma_wait3A_1360 = tpu.memref_slice %arg4[%add3A_1315, %dma_wait3A_1359] : memref<4096x4096xf32, #tpu.memory_space<hbm>> -> memref<4x4096xf32, #tpu.memory_space<hbm>>
    tpu.wait_dma2 semaphore(%arg13 : memref<!tpu.dma_semaphore, #tpu.memory_space<semaphore_mem>>) src(%arg7 : memref<4x4096xf32, #tpu.memory_space<vmem>>) dst(%dma_wait3A_1360 : memref<4x4096xf32, #tpu.memory_space<hbm>>)
    %scan3A_1361 = arith.constant 0 : i32
    %scan3A_1362 = arith.constant 0 : i32
    %scan3A_1363 = arith.constant 256 : i32
    %scan3A_1364 = arith.addi %scan3A_1362, %scan3A_1363 : i32
    %scan3A_1365 = arith.constant 1 : i32
    %scan3A_1366 = scf.for %scan3A_1457 = %scan3A_1362 to %scan3A_1364 step %scan3A_1365 iter_args(%scan3A_1458 = %scan3A_1361) -> (i32)  : i32 {
      %mul3A_1459 = arith.constant 16 : i32
      %mul3A_1460 = arith.muli %scan3A_1457, %mul3A_1459 : i32
      %get3A_1461 = arith.index_cast %mul3A_1460 : i32 to index
      %get3A_1462 = tpu.vector_load %arg9[%get3A_1461] {strides = array<i32>} : memref<4112xf32, #tpu.memory_space<vmem>>, vector<16xf32>,
      %get3A_1463 = arith.constant 0 : i32
      %get3A_1464 = arith.index_cast %get3A_1463 : i32 to index
      %get3A_1465 = arith.index_cast %mul3A_1460 : i32 to index
      %get3A_1466 = tpu.vector_load %arg5[%get3A_1464, %get3A_1465] {strides = array<i32>} : memref<4x4096xf32, #tpu.memory_space<vmem>>, vector<16xf32>,
      %mul3A_1467 = arith.mulf %get3A_1466, %get3A_1462 : vector<16xf32>
      %swap3A_1468 = arith.constant 0 : i32
      %swap3A_1469 = arith.index_cast %swap3A_1468 : i32 to index
      %swap3A_1470 = arith.index_cast %mul3A_1460 : i32 to index
      %swap3A_1471 = tpu.vector_load %arg7[%swap3A_1469, %swap3A_1470] {strides = array<i32>} : memref<4x4096xf32, #tpu.memory_space<vmem>>, vector<16xf32>,
      tpu.vector_store %arg7[%swap3A_1469, %swap3A_1470], %mul3A_1467 {strides = array<i32>} : memref<4x4096xf32, #tpu.memory_space<vmem>>, vector<16xf32>,
      %get3A_1472 = arith.constant 1 : i32
      %get3A_1473 = arith.index_cast %get3A_1472 : i32 to index
      %get3A_1474 = arith.index_cast %mul3A_1460 : i32 to index
      %get3A_1475 = tpu.vector_load %arg5[%get3A_1473, %get3A_1474] {strides = array<i32>} : memref<4x4096xf32, #tpu.memory_space<vmem>>, vector<16xf32>,
      %mul3A_1476 = arith.mulf %get3A_1475, %get3A_1462 : vector<16xf32>
      %swap3A_1477 = arith.constant 1 : i32
      %swap3A_1478 = arith.index_cast %swap3A_1477 : i32 to index
      %swap3A_1479 = arith.index_cast %mul3A_1460 : i32 to index
      %swap3A_1480 = tpu.vector_load %arg7[%swap3A_1478, %swap3A_1479] {strides = array<i32>} : memref<4x4096xf32, #tpu.memory_space<vmem>>, vector<16xf32>,
      tpu.vector_store %arg7[%swap3A_1478, %swap3A_1479], %mul3A_1476 {strides = array<i32>} : memref<4x4096xf32, #tpu.memory_space<vmem>>, vector<16xf32>,
      %get3A_1481 = arith.constant 2 : i32
      %get3A_1482 = arith.index_cast %get3A_1481 : i32 to index
      %get3A_1483 = arith.index_cast %mul3A_1460 : i32 to index
      %get3A_1484 = tpu.vector_load %arg5[%get3A_1482, %get3A_1483] {strides = array<i32>} : memref<4x4096xf32, #tpu.memory_space<vmem>>, vector<16xf32>,
      %mul3A_1485 = arith.mulf %get3A_1484, %get3A_1462 : vector<16xf32>
      %swap3A_1486 = arith.constant 2 : i32
      %swap3A_1487 = arith.index_cast %swap3A_1486 : i32 to index
      %swap3A_1488 = arith.index_cast %mul3A_1460 : i32 to index
      %swap3A_1489 = tpu.vector_load %arg7[%swap3A_1487, %swap3A_1488] {strides = array<i32>} : memref<4x4096xf32, #tpu.memory_space<vmem>>, vector<16xf32>,
      tpu.vector_store %arg7[%swap3A_1487, %swap3A_1488], %mul3A_1485 {strides = array<i32>} : memref<4x4096xf32, #tpu.memory_space<vmem>>, vector<16xf32>,
      %get3A_1490 = arith.constant 3 : i32
      %get3A_1491 = arith.index_cast %get3A_1490 : i32 to index
      %get3A_1492 = arith.index_cast %mul3A_1460 : i32 to index
      %get3A_1493 = tpu.vector_load %arg5[%get3A_1491, %get3A_1492] {strides = array<i32>} : memref<4x4096xf32, #tpu.memory_space<vmem>>, vector<16xf32>,
      %mul3A_1494 = arith.mulf %get3A_1493, %get3A_1462 : vector<16xf32>
      %swap3A_1495 = arith.constant 3 : i32
      %swap3A_1496 = arith.index_cast %swap3A_1495 : i32 to index
      %swap3A_1497 = arith.index_cast %mul3A_1460 : i32 to index
      %swap3A_1498 = tpu.vector_load %arg7[%swap3A_1496, %swap3A_1497] {strides = array<i32>} : memref<4x4096xf32, #tpu.memory_space<vmem>>, vector<16xf32>,
      tpu.vector_store %arg7[%swap3A_1496, %swap3A_1497], %mul3A_1494 {strides = array<i32>} : memref<4x4096xf32, #tpu.memory_space<vmem>>, vector<16xf32>,
      %scan3A_1499 = arith.constant 0 : i32
      scf.yield %scan3A_1499 : i32
    }
    %scan3A_1367 = arith.constant 256 : i32
    %add3A_1368 = arith.constant 112 : i32
    %add3A_1369 = arith.addi %mul3A_2, %add3A_1368 : i32
    %dma_start3A_1370 = arith.constant 0 : i32
    %dma_start3A_1371 = tpu.memref_slice %arg4[%add3A_1369, %dma_start3A_1370] : memref<4096x4096xf32, #tpu.memory_space<hbm>> -> memref<4x4096xf32, #tpu.memory_space<hbm>>
    %dma_start3A_1372 = arith.constant 0 : i32
    %dma_start3A_1373 = tpu.memref_slice %arg4[%add3A_1369, %dma_start3A_1372] : memref<4096x4096xf32, #tpu.memory_space<hbm>> -> memref<4x4096xf32, #tpu.memory_space<hbm>>
    tpu.enqueue_dma source(%arg7 : memref<4x4096xf32, #tpu.memory_space<vmem>>) target(%dma_start3A_1373 : memref<4x4096xf32, #tpu.memory_space<hbm>>) target_semaphore(%arg13 : memref<!tpu.dma_semaphore, #tpu.memory_space<semaphore_mem>>)
    %add3A_1374 = arith.constant 120 : i32
    %add3A_1375 = arith.addi %mul3A_2, %add3A_1374 : i32
    %dma_start3A_1376 = arith.constant 0 : i32
    %dma_start3A_1377 = tpu.memref_slice %arg2[%add3A_1375, %dma_start3A_1376] : memref<4096x4096xf32, #tpu.memory_space<hbm>> -> memref<4x4096xf32, #tpu.memory_space<hbm>>
    %dma_start3A_1378 = arith.constant 0 : i32
    %dma_start3A_1379 = tpu.memref_slice %arg2[%add3A_1375, %dma_start3A_1378] : memref<4096x4096xf32, #tpu.memory_space<hbm>> -> memref<4x4096xf32, #tpu.memory_space<hbm>>
    tpu.enqueue_dma source(%dma_start3A_1379 : memref<4x4096xf32, #tpu.memory_space<hbm>>) target(%arg5 : memref<4x4096xf32, #tpu.memory_space<vmem>>) target_semaphore(%arg11 : memref<!tpu.dma_semaphore, #tpu.memory_space<semaphore_mem>>)
    %dma_wait3A_1380 = arith.constant 0 : i32
    %dma_wait3A_1381 = tpu.memref_slice %arg2[%add3A_1348, %dma_wait3A_1380] : memref<4096x4096xf32, #tpu.memory_space<hbm>> -> memref<4x4096xf32, #tpu.memory_space<hbm>>
    %dma_wait3A_1382 = arith.constant 0 : i32
    %dma_wait3A_1383 = tpu.memref_slice %arg2[%add3A_1348, %dma_wait3A_1382] : memref<4096x4096xf32, #tpu.memory_space<hbm>> -> memref<4x4096xf32, #tpu.memory_space<hbm>>
    tpu.wait_dma2 semaphore(%arg12 : memref<!tpu.dma_semaphore, #tpu.memory_space<semaphore_mem>>) src(%dma_wait3A_1383 : memref<4x4096xf32, #tpu.memory_space<hbm>>) dst(%arg6 : memref<4x4096xf32, #tpu.memory_space<vmem>>)
    %dma_wait3A_1384 = arith.constant 0 : i32
    %dma_wait3A_1385 = tpu.memref_slice %arg4[%add3A_1342, %dma_wait3A_1384] : memref<4096x4096xf32, #tpu.memory_space<hbm>> -> memref<4x4096xf32, #tpu.memory_space<hbm>>
    %dma_wait3A_1386 = arith.constant 0 : i32
    %dma_wait3A_1387 = tpu.memref_slice %arg4[%add3A_1342, %dma_wait3A_1386] : memref<4096x4096xf32, #tpu.memory_space<hbm>> -> memref<4x4096xf32, #tpu.memory_space<hbm>>
    tpu.wait_dma2 semaphore(%arg14 : memref<!tpu.dma_semaphore, #tpu.memory_space<semaphore_mem>>) src(%arg8 : memref<4x4096xf32, #tpu.memory_space<vmem>>) dst(%dma_wait3A_1387 : memref<4x4096xf32, #tpu.memory_space<hbm>>)
    %scan3A_1388 = arith.constant 0 : i32
    %scan3A_1389 = arith.constant 0 : i32
    %scan3A_1390 = arith.constant 256 : i32
    %scan3A_1391 = arith.addi %scan3A_1389, %scan3A_1390 : i32
    %scan3A_1392 = arith.constant 1 : i32
    %scan3A_1393 = scf.for %scan3A_1457 = %scan3A_1389 to %scan3A_1391 step %scan3A_1392 iter_args(%scan3A_1458 = %scan3A_1388) -> (i32)  : i32 {
      %mul3A_1459 = arith.constant 16 : i32
      %mul3A_1460 = arith.muli %scan3A_1457, %mul3A_1459 : i32
      %get3A_1461 = arith.index_cast %mul3A_1460 : i32 to index
      %get3A_1462 = tpu.vector_load %arg9[%get3A_1461] {strides = array<i32>} : memref<4112xf32, #tpu.memory_space<vmem>>, vector<16xf32>,
      %get3A_1463 = arith.constant 0 : i32
      %get3A_1464 = arith.index_cast %get3A_1463 : i32 to index
      %get3A_1465 = arith.index_cast %mul3A_1460 : i32 to index
      %get3A_1466 = tpu.vector_load %arg6[%get3A_1464, %get3A_1465] {strides = array<i32>} : memref<4x4096xf32, #tpu.memory_space<vmem>>, vector<16xf32>,
      %mul3A_1467 = arith.mulf %get3A_1466, %get3A_1462 : vector<16xf32>
      %swap3A_1468 = arith.constant 0 : i32
      %swap3A_1469 = arith.index_cast %swap3A_1468 : i32 to index
      %swap3A_1470 = arith.index_cast %mul3A_1460 : i32 to index
      %swap3A_1471 = tpu.vector_load %arg8[%swap3A_1469, %swap3A_1470] {strides = array<i32>} : memref<4x4096xf32, #tpu.memory_space<vmem>>, vector<16xf32>,
      tpu.vector_store %arg8[%swap3A_1469, %swap3A_1470], %mul3A_1467 {strides = array<i32>} : memref<4x4096xf32, #tpu.memory_space<vmem>>, vector<16xf32>,
      %get3A_1472 = arith.constant 1 : i32
      %get3A_1473 = arith.index_cast %get3A_1472 : i32 to index
      %get3A_1474 = arith.index_cast %mul3A_1460 : i32 to index
      %get3A_1475 = tpu.vector_load %arg6[%get3A_1473, %get3A_1474] {strides = array<i32>} : memref<4x4096xf32, #tpu.memory_space<vmem>>, vector<16xf32>,
      %mul3A_1476 = arith.mulf %get3A_1475, %get3A_1462 : vector<16xf32>
      %swap3A_1477 = arith.constant 1 : i32
      %swap3A_1478 = arith.index_cast %swap3A_1477 : i32 to index
      %swap3A_1479 = arith.index_cast %mul3A_1460 : i32 to index
      %swap3A_1480 = tpu.vector_load %arg8[%swap3A_1478, %swap3A_1479] {strides = array<i32>} : memref<4x4096xf32, #tpu.memory_space<vmem>>, vector<16xf32>,
      tpu.vector_store %arg8[%swap3A_1478, %swap3A_1479], %mul3A_1476 {strides = array<i32>} : memref<4x4096xf32, #tpu.memory_space<vmem>>, vector<16xf32>,
      %get3A_1481 = arith.constant 2 : i32
      %get3A_1482 = arith.index_cast %get3A_1481 : i32 to index
      %get3A_1483 = arith.index_cast %mul3A_1460 : i32 to index
      %get3A_1484 = tpu.vector_load %arg6[%get3A_1482, %get3A_1483] {strides = array<i32>} : memref<4x4096xf32, #tpu.memory_space<vmem>>, vector<16xf32>,
      %mul3A_1485 = arith.mulf %get3A_1484, %get3A_1462 : vector<16xf32>
      %swap3A_1486 = arith.constant 2 : i32
      %swap3A_1487 = arith.index_cast %swap3A_1486 : i32 to index
      %swap3A_1488 = arith.index_cast %mul3A_1460 : i32 to index
      %swap3A_1489 = tpu.vector_load %arg8[%swap3A_1487, %swap3A_1488] {strides = array<i32>} : memref<4x4096xf32, #tpu.memory_space<vmem>>, vector<16xf32>,
      tpu.vector_store %arg8[%swap3A_1487, %swap3A_1488], %mul3A_1485 {strides = array<i32>} : memref<4x4096xf32, #tpu.memory_space<vmem>>, vector<16xf32>,
      %get3A_1490 = arith.constant 3 : i32
      %get3A_1491 = arith.index_cast %get3A_1490 : i32 to index
      %get3A_1492 = arith.index_cast %mul3A_1460 : i32 to index
      %get3A_1493 = tpu.vector_load %arg6[%get3A_1491, %get3A_1492] {strides = array<i32>} : memref<4x4096xf32, #tpu.memory_space<vmem>>, vector<16xf32>,
      %mul3A_1494 = arith.mulf %get3A_1493, %get3A_1462 : vector<16xf32>
      %swap3A_1495 = arith.constant 3 : i32
      %swap3A_1496 = arith.index_cast %swap3A_1495 : i32 to index
      %swap3A_1497 = arith.index_cast %mul3A_1460 : i32 to index
      %swap3A_1498 = tpu.vector_load %arg8[%swap3A_1496, %swap3A_1497] {strides = array<i32>} : memref<4x4096xf32, #tpu.memory_space<vmem>>, vector<16xf32>,
      tpu.vector_store %arg8[%swap3A_1496, %swap3A_1497], %mul3A_1494 {strides = array<i32>} : memref<4x4096xf32, #tpu.memory_space<vmem>>, vector<16xf32>,
      %scan3A_1499 = arith.constant 0 : i32
      scf.yield %scan3A_1499 : i32
    }
    %scan3A_1394 = arith.constant 256 : i32
    %add3A_1395 = arith.constant 116 : i32
    %add3A_1396 = arith.addi %mul3A_2, %add3A_1395 : i32
    %dma_start3A_1397 = arith.constant 0 : i32
    %dma_start3A_1398 = tpu.memref_slice %arg4[%add3A_1396, %dma_start3A_1397] : memref<4096x4096xf32, #tpu.memory_space<hbm>> -> memref<4x4096xf32, #tpu.memory_space<hbm>>
    %dma_start3A_1399 = arith.constant 0 : i32
    %dma_start3A_1400 = tpu.memref_slice %arg4[%add3A_1396, %dma_start3A_1399] : memref<4096x4096xf32, #tpu.memory_space<hbm>> -> memref<4x4096xf32, #tpu.memory_space<hbm>>
    tpu.enqueue_dma source(%arg8 : memref<4x4096xf32, #tpu.memory_space<vmem>>) target(%dma_start3A_1400 : memref<4x4096xf32, #tpu.memory_space<hbm>>) target_semaphore(%arg14 : memref<!tpu.dma_semaphore, #tpu.memory_space<semaphore_mem>>)
    %add3A_1401 = arith.constant 124 : i32
    %add3A_1402 = arith.addi %mul3A_2, %add3A_1401 : i32
    %dma_start3A_1403 = arith.constant 0 : i32
    %dma_start3A_1404 = tpu.memref_slice %arg2[%add3A_1402, %dma_start3A_1403] : memref<4096x4096xf32, #tpu.memory_space<hbm>> -> memref<4x4096xf32, #tpu.memory_space<hbm>>
    %dma_start3A_1405 = arith.constant 0 : i32
    %dma_start3A_1406 = tpu.memref_slice %arg2[%add3A_1402, %dma_start3A_1405] : memref<4096x4096xf32, #tpu.memory_space<hbm>> -> memref<4x4096xf32, #tpu.memory_space<hbm>>
    tpu.enqueue_dma source(%dma_start3A_1406 : memref<4x4096xf32, #tpu.memory_space<hbm>>) target(%arg6 : memref<4x4096xf32, #tpu.memory_space<vmem>>) target_semaphore(%arg12 : memref<!tpu.dma_semaphore, #tpu.memory_space<semaphore_mem>>)
    %dma_wait3A_1407 = arith.constant 0 : i32
    %dma_wait3A_1408 = tpu.memref_slice %arg2[%add3A_1375, %dma_wait3A_1407] : memref<4096x4096xf32, #tpu.memory_space<hbm>> -> memref<4x4096xf32, #tpu.memory_space<hbm>>
    %dma_wait3A_1409 = arith.constant 0 : i32
    %dma_wait3A_1410 = tpu.memref_slice %arg2[%add3A_1375, %dma_wait3A_1409] : memref<4096x4096xf32, #tpu.memory_space<hbm>> -> memref<4x4096xf32, #tpu.memory_space<hbm>>
    tpu.wait_dma2 semaphore(%arg11 : memref<!tpu.dma_semaphore, #tpu.memory_space<semaphore_mem>>) src(%dma_wait3A_1410 : memref<4x4096xf32, #tpu.memory_space<hbm>>) dst(%arg5 : memref<4x4096xf32, #tpu.memory_space<vmem>>)
    %dma_wait3A_1411 = arith.constant 0 : i32
    %dma_wait3A_1412 = tpu.memref_slice %arg4[%add3A_1369, %dma_wait3A_1411] : memref<4096x4096xf32, #tpu.memory_space<hbm>> -> memref<4x4096xf32, #tpu.memory_space<hbm>>
    %dma_wait3A_1413 = arith.constant 0 : i32
    %dma_wait3A_1414 = tpu.memref_slice %arg4[%add3A_1369, %dma_wait3A_1413] : memref<4096x4096xf32, #tpu.memory_space<hbm>> -> memref<4x4096xf32, #tpu.memory_space<hbm>>
    tpu.wait_dma2 semaphore(%arg13 : memref<!tpu.dma_semaphore, #tpu.memory_space<semaphore_mem>>) src(%arg7 : memref<4x4096xf32, #tpu.memory_space<vmem>>) dst(%dma_wait3A_1414 : memref<4x4096xf32, #tpu.memory_space<hbm>>)
    %scan3A_1415 = arith.constant 0 : i32
    %scan3A_1416 = arith.constant 0 : i32
    %scan3A_1417 = arith.constant 256 : i32
    %scan3A_1418 = arith.addi %scan3A_1416, %scan3A_1417 : i32
    %scan3A_1419 = arith.constant 1 : i32
    %scan3A_1420 = scf.for %scan3A_1457 = %scan3A_1416 to %scan3A_1418 step %scan3A_1419 iter_args(%scan3A_1458 = %scan3A_1415) -> (i32)  : i32 {
      %mul3A_1459 = arith.constant 16 : i32
      %mul3A_1460 = arith.muli %scan3A_1457, %mul3A_1459 : i32
      %get3A_1461 = arith.index_cast %mul3A_1460 : i32 to index
      %get3A_1462 = tpu.vector_load %arg9[%get3A_1461] {strides = array<i32>} : memref<4112xf32, #tpu.memory_space<vmem>>, vector<16xf32>,
      %get3A_1463 = arith.constant 0 : i32
      %get3A_1464 = arith.index_cast %get3A_1463 : i32 to index
      %get3A_1465 = arith.index_cast %mul3A_1460 : i32 to index
      %get3A_1466 = tpu.vector_load %arg5[%get3A_1464, %get3A_1465] {strides = array<i32>} : memref<4x4096xf32, #tpu.memory_space<vmem>>, vector<16xf32>,
      %mul3A_1467 = arith.mulf %get3A_1466, %get3A_1462 : vector<16xf32>
      %swap3A_1468 = arith.constant 0 : i32
      %swap3A_1469 = arith.index_cast %swap3A_1468 : i32 to index
      %swap3A_1470 = arith.index_cast %mul3A_1460 : i32 to index
      %swap3A_1471 = tpu.vector_load %arg7[%swap3A_1469, %swap3A_1470] {strides = array<i32>} : memref<4x4096xf32, #tpu.memory_space<vmem>>, vector<16xf32>,
      tpu.vector_store %arg7[%swap3A_1469, %swap3A_1470], %mul3A_1467 {strides = array<i32>} : memref<4x4096xf32, #tpu.memory_space<vmem>>, vector<16xf32>,
      %get3A_1472 = arith.constant 1 : i32
      %get3A_1473 = arith.index_cast %get3A_1472 : i32 to index
      %get3A_1474 = arith.index_cast %mul3A_1460 : i32 to index
      %get3A_1475 = tpu.vector_load %arg5[%get3A_1473, %get3A_1474] {strides = array<i32>} : memref<4x4096xf32, #tpu.memory_space<vmem>>, vector<16xf32>,
      %mul3A_1476 = arith.mulf %get3A_1475, %get3A_1462 : vector<16xf32>
      %swap3A_1477 = arith.constant 1 : i32
      %swap3A_1478 = arith.index_cast %swap3A_1477 : i32 to index
      %swap3A_1479 = arith.index_cast %mul3A_1460 : i32 to index
      %swap3A_1480 = tpu.vector_load %arg7[%swap3A_1478, %swap3A_1479] {strides = array<i32>} : memref<4x4096xf32, #tpu.memory_space<vmem>>, vector<16xf32>,
      tpu.vector_store %arg7[%swap3A_1478, %swap3A_1479], %mul3A_1476 {strides = array<i32>} : memref<4x4096xf32, #tpu.memory_space<vmem>>, vector<16xf32>,
      %get3A_1481 = arith.constant 2 : i32
      %get3A_1482 = arith.index_cast %get3A_1481 : i32 to index
      %get3A_1483 = arith.index_cast %mul3A_1460 : i32 to index
      %get3A_1484 = tpu.vector_load %arg5[%get3A_1482, %get3A_1483] {strides = array<i32>} : memref<4x4096xf32, #tpu.memory_space<vmem>>, vector<16xf32>,
      %mul3A_1485 = arith.mulf %get3A_1484, %get3A_1462 : vector<16xf32>
      %swap3A_1486 = arith.constant 2 : i32
      %swap3A_1487 = arith.index_cast %swap3A_1486 : i32 to index
      %swap3A_1488 = arith.index_cast %mul3A_1460 : i32 to index
      %swap3A_1489 = tpu.vector_load %arg7[%swap3A_1487, %swap3A_1488] {strides = array<i32>} : memref<4x4096xf32, #tpu.memory_space<vmem>>, vector<16xf32>,
      tpu.vector_store %arg7[%swap3A_1487, %swap3A_1488], %mul3A_1485 {strides = array<i32>} : memref<4x4096xf32, #tpu.memory_space<vmem>>, vector<16xf32>,
      %get3A_1490 = arith.constant 3 : i32
      %get3A_1491 = arith.index_cast %get3A_1490 : i32 to index
      %get3A_1492 = arith.index_cast %mul3A_1460 : i32 to index
      %get3A_1493 = tpu.vector_load %arg5[%get3A_1491, %get3A_1492] {strides = array<i32>} : memref<4x4096xf32, #tpu.memory_space<vmem>>, vector<16xf32>,
      %mul3A_1494 = arith.mulf %get3A_1493, %get3A_1462 : vector<16xf32>
      %swap3A_1495 = arith.constant 3 : i32
      %swap3A_1496 = arith.index_cast %swap3A_1495 : i32 to index
      %swap3A_1497 = arith.index_cast %mul3A_1460 : i32 to index
      %swap3A_1498 = tpu.vector_load %arg7[%swap3A_1496, %swap3A_1497] {strides = array<i32>} : memref<4x4096xf32, #tpu.memory_space<vmem>>, vector<16xf32>,
      tpu.vector_store %arg7[%swap3A_1496, %swap3A_1497], %mul3A_1494 {strides = array<i32>} : memref<4x4096xf32, #tpu.memory_space<vmem>>, vector<16xf32>,
      %scan3A_1499 = arith.constant 0 : i32
      scf.yield %scan3A_1499 : i32
    }
    %scan3A_1421 = arith.constant 256 : i32
    %add3A_1422 = arith.constant 120 : i32
    %add3A_1423 = arith.addi %mul3A_2, %add3A_1422 : i32
    %dma_start3A_1424 = arith.constant 0 : i32
    %dma_start3A_1425 = tpu.memref_slice %arg4[%add3A_1423, %dma_start3A_1424] : memref<4096x4096xf32, #tpu.memory_space<hbm>> -> memref<4x4096xf32, #tpu.memory_space<hbm>>
    %dma_start3A_1426 = arith.constant 0 : i32
    %dma_start3A_1427 = tpu.memref_slice %arg4[%add3A_1423, %dma_start3A_1426] : memref<4096x4096xf32, #tpu.memory_space<hbm>> -> memref<4x4096xf32, #tpu.memory_space<hbm>>
    tpu.enqueue_dma source(%arg7 : memref<4x4096xf32, #tpu.memory_space<vmem>>) target(%dma_start3A_1427 : memref<4x4096xf32, #tpu.memory_space<hbm>>) target_semaphore(%arg13 : memref<!tpu.dma_semaphore, #tpu.memory_space<semaphore_mem>>)
    %dma_wait3A_1428 = arith.constant 0 : i32
    %dma_wait3A_1429 = tpu.memref_slice %arg2[%add3A_1402, %dma_wait3A_1428] : memref<4096x4096xf32, #tpu.memory_space<hbm>> -> memref<4x4096xf32, #tpu.memory_space<hbm>>
    %dma_wait3A_1430 = arith.constant 0 : i32
    %dma_wait3A_1431 = tpu.memref_slice %arg2[%add3A_1402, %dma_wait3A_1430] : memref<4096x4096xf32, #tpu.memory_space<hbm>> -> memref<4x4096xf32, #tpu.memory_space<hbm>>
    tpu.wait_dma2 semaphore(%arg12 : memref<!tpu.dma_semaphore, #tpu.memory_space<semaphore_mem>>) src(%dma_wait3A_1431 : memref<4x4096xf32, #tpu.memory_space<hbm>>) dst(%arg6 : memref<4x4096xf32, #tpu.memory_space<vmem>>)
    %dma_wait3A_1432 = arith.constant 0 : i32
    %dma_wait3A_1433 = tpu.memref_slice %arg4[%add3A_1396, %dma_wait3A_1432] : memref<4096x4096xf32, #tpu.memory_space<hbm>> -> memref<4x4096xf32, #tpu.memory_space<hbm>>
    %dma_wait3A_1434 = arith.constant 0 : i32
    %dma_wait3A_1435 = tpu.memref_slice %arg4[%add3A_1396, %dma_wait3A_1434] : memref<4096x4096xf32, #tpu.memory_space<hbm>> -> memref<4x4096xf32, #tpu.memory_space<hbm>>
    tpu.wait_dma2 semaphore(%arg14 : memref<!tpu.dma_semaphore, #tpu.memory_space<semaphore_mem>>) src(%arg8 : memref<4x4096xf32, #tpu.memory_space<vmem>>) dst(%dma_wait3A_1435 : memref<4x4096xf32, #tpu.memory_space<hbm>>)
    %scan3A_1436 = arith.constant 0 : i32
    %scan3A_1437 = arith.constant 0 : i32
    %scan3A_1438 = arith.constant 256 : i32
    %scan3A_1439 = arith.addi %scan3A_1437, %scan3A_1438 : i32
    %scan3A_1440 = arith.constant 1 : i32
    %scan3A_1441 = scf.for %scan3A_1457 = %scan3A_1437 to %scan3A_1439 step %scan3A_1440 iter_args(%scan3A_1458 = %scan3A_1436) -> (i32)  : i32 {
      %mul3A_1459 = arith.constant 16 : i32
      %mul3A_1460 = arith.muli %scan3A_1457, %mul3A_1459 : i32
      %get3A_1461 = arith.index_cast %mul3A_1460 : i32 to index
      %get3A_1462 = tpu.vector_load %arg9[%get3A_1461] {strides = array<i32>} : memref<4112xf32, #tpu.memory_space<vmem>>, vector<16xf32>,
      %get3A_1463 = arith.constant 0 : i32
      %get3A_1464 = arith.index_cast %get3A_1463 : i32 to index
      %get3A_1465 = arith.index_cast %mul3A_1460 : i32 to index
      %get3A_1466 = tpu.vector_load %arg6[%get3A_1464, %get3A_1465] {strides = array<i32>} : memref<4x4096xf32, #tpu.memory_space<vmem>>, vector<16xf32>,
      %mul3A_1467 = arith.mulf %get3A_1466, %get3A_1462 : vector<16xf32>
      %swap3A_1468 = arith.constant 0 : i32
      %swap3A_1469 = arith.index_cast %swap3A_1468 : i32 to index
      %swap3A_1470 = arith.index_cast %mul3A_1460 : i32 to index
      %swap3A_1471 = tpu.vector_load %arg8[%swap3A_1469, %swap3A_1470] {strides = array<i32>} : memref<4x4096xf32, #tpu.memory_space<vmem>>, vector<16xf32>,
      tpu.vector_store %arg8[%swap3A_1469, %swap3A_1470], %mul3A_1467 {strides = array<i32>} : memref<4x4096xf32, #tpu.memory_space<vmem>>, vector<16xf32>,
      %get3A_1472 = arith.constant 1 : i32
      %get3A_1473 = arith.index_cast %get3A_1472 : i32 to index
      %get3A_1474 = arith.index_cast %mul3A_1460 : i32 to index
      %get3A_1475 = tpu.vector_load %arg6[%get3A_1473, %get3A_1474] {strides = array<i32>} : memref<4x4096xf32, #tpu.memory_space<vmem>>, vector<16xf32>,
      %mul3A_1476 = arith.mulf %get3A_1475, %get3A_1462 : vector<16xf32>
      %swap3A_1477 = arith.constant 1 : i32
      %swap3A_1478 = arith.index_cast %swap3A_1477 : i32 to index
      %swap3A_1479 = arith.index_cast %mul3A_1460 : i32 to index
      %swap3A_1480 = tpu.vector_load %arg8[%swap3A_1478, %swap3A_1479] {strides = array<i32>} : memref<4x4096xf32, #tpu.memory_space<vmem>>, vector<16xf32>,
      tpu.vector_store %arg8[%swap3A_1478, %swap3A_1479], %mul3A_1476 {strides = array<i32>} : memref<4x4096xf32, #tpu.memory_space<vmem>>, vector<16xf32>,
      %get3A_1481 = arith.constant 2 : i32
      %get3A_1482 = arith.index_cast %get3A_1481 : i32 to index
      %get3A_1483 = arith.index_cast %mul3A_1460 : i32 to index
      %get3A_1484 = tpu.vector_load %arg6[%get3A_1482, %get3A_1483] {strides = array<i32>} : memref<4x4096xf32, #tpu.memory_space<vmem>>, vector<16xf32>,
      %mul3A_1485 = arith.mulf %get3A_1484, %get3A_1462 : vector<16xf32>
      %swap3A_1486 = arith.constant 2 : i32
      %swap3A_1487 = arith.index_cast %swap3A_1486 : i32 to index
      %swap3A_1488 = arith.index_cast %mul3A_1460 : i32 to index
      %swap3A_1489 = tpu.vector_load %arg8[%swap3A_1487, %swap3A_1488] {strides = array<i32>} : memref<4x4096xf32, #tpu.memory_space<vmem>>, vector<16xf32>,
      tpu.vector_store %arg8[%swap3A_1487, %swap3A_1488], %mul3A_1485 {strides = array<i32>} : memref<4x4096xf32, #tpu.memory_space<vmem>>, vector<16xf32>,
      %get3A_1490 = arith.constant 3 : i32
      %get3A_1491 = arith.index_cast %get3A_1490 : i32 to index
      %get3A_1492 = arith.index_cast %mul3A_1460 : i32 to index
      %get3A_1493 = tpu.vector_load %arg6[%get3A_1491, %get3A_1492] {strides = array<i32>} : memref<4x4096xf32, #tpu.memory_space<vmem>>, vector<16xf32>,
      %mul3A_1494 = arith.mulf %get3A_1493, %get3A_1462 : vector<16xf32>
      %swap3A_1495 = arith.constant 3 : i32
      %swap3A_1496 = arith.index_cast %swap3A_1495 : i32 to index
      %swap3A_1497 = arith.index_cast %mul3A_1460 : i32 to index
      %swap3A_1498 = tpu.vector_load %arg8[%swap3A_1496, %swap3A_1497] {strides = array<i32>} : memref<4x4096xf32, #tpu.memory_space<vmem>>, vector<16xf32>,
      tpu.vector_store %arg8[%swap3A_1496, %swap3A_1497], %mul3A_1494 {strides = array<i32>} : memref<4x4096xf32, #tpu.memory_space<vmem>>, vector<16xf32>,
      %scan3A_1499 = arith.constant 0 : i32
      scf.yield %scan3A_1499 : i32
    }
    %scan3A_1442 = arith.constant 256 : i32
    %add3A_1443 = arith.constant 124 : i32
    %add3A_1444 = arith.addi %mul3A_2, %add3A_1443 : i32
    %dma_start3A_1445 = arith.constant 0 : i32
    %dma_start3A_1446 = tpu.memref_slice %arg4[%add3A_1444, %dma_start3A_1445] : memref<4096x4096xf32, #tpu.memory_space<hbm>> -> memref<4x4096xf32, #tpu.memory_space<hbm>>
    %dma_start3A_1447 = arith.constant 0 : i32
    %dma_start3A_1448 = tpu.memref_slice %arg4[%add3A_1444, %dma_start3A_1447] : memref<4096x4096xf32, #tpu.memory_space<hbm>> -> memref<4x4096xf32, #tpu.memory_space<hbm>>
    tpu.enqueue_dma source(%arg8 : memref<4x4096xf32, #tpu.memory_space<vmem>>) target(%dma_start3A_1448 : memref<4x4096xf32, #tpu.memory_space<hbm>>) target_semaphore(%arg14 : memref<!tpu.dma_semaphore, #tpu.memory_space<semaphore_mem>>)
    %dma_wait3A_1449 = arith.constant 0 : i32
    %dma_wait3A_1450 = tpu.memref_slice %arg4[%add3A_1423, %dma_wait3A_1449] : memref<4096x4096xf32, #tpu.memory_space<hbm>> -> memref<4x4096xf32, #tpu.memory_space<hbm>>
    %dma_wait3A_1451 = arith.constant 0 : i32
    %dma_wait3A_1452 = tpu.memref_slice %arg4[%add3A_1423, %dma_wait3A_1451] : memref<4096x4096xf32, #tpu.memory_space<hbm>> -> memref<4x4096xf32, #tpu.memory_space<hbm>>
    tpu.wait_dma2 semaphore(%arg13 : memref<!tpu.dma_semaphore, #tpu.memory_space<semaphore_mem>>) src(%arg7 : memref<4x4096xf32, #tpu.memory_space<vmem>>) dst(%dma_wait3A_1452 : memref<4x4096xf32, #tpu.memory_space<hbm>>)
    %dma_wait3A_1453 = arith.constant 0 : i32
    %dma_wait3A_1454 = tpu.memref_slice %arg4[%add3A_1444, %dma_wait3A_1453] : memref<4096x4096xf32, #tpu.memory_space<hbm>> -> memref<4x4096xf32, #tpu.memory_space<hbm>>
    %dma_wait3A_1455 = arith.constant 0 : i32
    %dma_wait3A_1456 = tpu.memref_slice %arg4[%add3A_1444, %dma_wait3A_1455] : memref<4096x4096xf32, #tpu.memory_space<hbm>> -> memref<4x4096xf32, #tpu.memory_space<hbm>>
    tpu.wait_dma2 semaphore(%arg14 : memref<!tpu.dma_semaphore, #tpu.memory_space<semaphore_mem>>) src(%arg8 : memref<4x4096xf32, #tpu.memory_space<vmem>>) dst(%dma_wait3A_1456 : memref<4x4096xf32, #tpu.memory_space<hbm>>)
    return
  }
}

</mosaic_0001>

<sc_bundles>
// kernel: kernel.5.cloned.1.call-start
scs
__scs_entry_jumppad:
0x0: {  	(pc) =	sbr.rel $0x88, $3  }
0x1: {  	(tag) =	ssettag $0x0;
	lr =	simm.s32 $0x1  }
0x2: {  	[smem:$0x3FA0] =	sst lr;
	_ =	strace $0xD0000000  }
0x3: {  	_ = 	snop  }
0x4: {  	_ = 	snop  }
0x5: {  	_ = 	snop  }
0x6: {  	_ = 	snop  }
0x7: {  	_ = 	snop  }
__scs_overlays_trampoline_lowered:
0x8: {  	[smem:$0x3FAF] =	sst s0  }
0x9: {  	[smem:$0x3FB0] =	sst s1  }
0xa: {  	[smem:$0x3FB1] =	sst s2  }
0xb: {  	[smem:$0x3FB2] =	sst s3  }
0xc: {  	[smem:$0x3FB3] =	sst s4  }
0xd: {  	[smem:$0x3FB4] =	sst s5  }
0xe: {  	[smem:$0x3FB5] =	sst s6  }
0xf: {  	[smem:$0x3FB6] =	sst s7  }
0x10: {  	[smem:$0x3FB7] =	sst s8  }
0x11: {  	[smem:$0x3FB8] =	sst s9;
	s0 =	simm.s32 @!p0 $0x0  }
0x12: {  	s1 =	sld [smem:$0x3F9E];
	s0 =	simm.s32 @p0 $0x1  }
0x13: {  	[smem:$0x3FB9] =	sst s0;
	s0 =	simm.s32 @!p1 $0x0  }
0x14: {  	s2 =	sld [smem:$0x3F9D];
	s0 =	simm.s32 @p1 $0x1  }
0x15: {  	[smem:$0x3FBA] =	sst s0;
	s0 =	simm.s32 @!p2 $0x0  }
0x16: {  	s3 =	sld [smem:$0x3FDB];
	s0 =	simm.s32 @p2 $0x1  }
0x17: {  	s4 =	simm.s32 $0x1BF5;
	[smem:$0x3FBC] =	sst s0  }
0x18: {  	s0 =	sld [smem:$0x3F9F];
	_ =	swait.ge [sflag:s4], $0x0  }
0x19: {  	s7 =	sld [smem:$0x3FA0]  }
0x1a: {  	s8 =	sadd.s32 $0xFFFFE003, lr  }
0x1b: {  	s9 =	sadd.s32 $0xFFFFFEF7, lr;
	s5 =	simm.s32 $0xFFFFFFFF;
	p2 =	slt.u32 s8, $0xFFFFF086  }
0x1c: {  	p1 =	slt.u32 s9, $0xF7A;
	s5 =	simm.s32 @!p2 $0x0  }
0x1d: {  	s5 =	simm.s32 @p1 $0x1;
	p0 =	seq.s32 s7, s2  }
0x1e: {  	s7 =	smul.u32 @!p0 $0xF7A, s2;
	p2 =	seq.s32 @!p0 s5, $0x0  }
0x1f: {  	s9 =	smul.u32 $0xF7A, s1;
	s8 =	simm.s32 @!p0 $0x1BF5;
	p2 =	por !p2, p0  }
0x20: {  	[sflag:s8] =	ssyncset.s32 @!p0 $0xFFFFF086;
	s6 =	sadd.s32 @!p0 s3, s7;
	s7 =	simm.s32 @!p0 $0x108  }
0x21: {  	s3 =	sadd.s32 s3, s9;
	s6 =	sadd.s32 @!p0 $0x88, s6;
	s7 =	simm.s32 @p2 $0x1082  }
0x22: {  	[simem:s7], [sflag:s8] =	dma.local @!p0 [hbm:s6], $0xF7A  }
0x23: {  	s9 =	sor.u32 $0xD0000000, s2;
	s6 =	simm.s32 $0x108;
	_ =	swait.ge @!p0 [sflag:s8], $0x0  }
0x24: {  	s3 =	sadd.s32 $0x88, s3;
	s6 =	simm.s32 @!p1 $0x1082;
	[sflag:s4] =	ssyncset.s32 $0xFFFFF086  }
0x25: {  	[simem:s6], [sflag:s4] =	dma.local [hbm:s3], $0xF7A  }
0x26: {  	[smem:$0x3FA0] =	sst s1;
	(tag) =	ssettag s2;
	_ =	strace s9  }
0x27: {  	s1 =	sld [smem:$0x3FB0]  }
0x28: {  	s2 =	sld [smem:$0x3FB1]  }
0x29: {  	s4 =	sld [smem:$0x3FB3]  }
0x2a: {  	p0 =	seq.s32 s5, $0x0;
	s5 =	sld [smem:$0x3FB4]  }
0x2b: {  	s6 =	sld [smem:$0x3FB5]  }
0x2c: {  	s7 =	sld [smem:$0x3FB6]  }
0x2d: {  	s3 =	simm.s32 $0x108;
	s8 =	sld [smem:$0x3FB7]  }
0x2e: {  	s3 =	simm.s32 @!p0 $0x1082;
	s9 =	sld [smem:$0x3FB8]  }
0x2f: {  	lr =	sadd.s32 s0, s3;
	s0 =	sld [smem:$0x3FAF]  }
0x30: {  	s3 =	sld [smem:$0x3FB2]  }
0x31: {  	[smem:$0x3FBB] =	sst s10  }
0x32: {  	s10 =	sld [smem:$0x3FB9];
	_ =	sdelay $0x3  }
0x33: {  	p0 =	seq.s32 s10, $0x1;
	s10 =	sld [smem:$0x3FBB];
	_ =	sdelay $0x3  }
0x34: {  	[smem:$0x3FBB] =	sst s10  }
0x35: {  	s10 =	sld [smem:$0x3FBA];
	_ =	sdelay $0x3  }
0x36: {  	p1 =	seq.s32 s10, $0x1;
	s10 =	sld [smem:$0x3FBB];
	_ =	sdelay $0x3  }
0x37: {  	[smem:$0x3FBB] =	sst s10  }
0x38: {  	s10 =	sld [smem:$0x3FBC]  }
0x39: {  	_ = 	snop;
	(pc) =	sbr.ind lr, $3  }
0x3a: {  	_ = 	snop  }
0x3b: {  	_ = 	snop  }
0x3c: {  	p2 =	seq.s32 s10, $0x1;
	s10 =	sld [smem:$0x3FBB]  }
0x3d: {  	_ =	shalt  }
0x3e: {  	_ =	shalt  }
0x3f: {  	_ =	shalt  }
0x40: {  	_ =	shalt  }
0x41: {  	_ =	shalt  }
0x42: {  	_ =	shalt  }
0x43: {  	_ =	shalt  }
0x44: {  	_ =	shalt  }
0x45: {  	_ =	shalt  }
0x46: {  	_ =	shalt  }
0x47: {  	_ =	shalt  }
0x48: {  	_ =	shalt  }
0x49: {  	_ =	shalt  }
0x4a: {  	_ =	shalt  }
0x4b: {  	_ =	shalt  }
0x4c: {  	_ =	shalt  }
0x4d: {  	_ =	shalt  }
0x4e: {  	_ =	shalt  }
0x4f: {  	_ =	shalt  }
0x50: {  	_ =	shalt  }
0x51: {  	_ =	shalt  }
0x52: {  	_ =	shalt  }
0x53: {  	_ =	shalt  }
0x54: {  	_ =	shalt  }
0x55: {  	_ =	shalt  }
0x56: {  	_ =	shalt  }
0x57: {  	_ =	shalt  }
0x58: {  	_ =	shalt  }
0x59: {  	_ =	shalt  }
0x5a: {  	_ =	shalt  }
0x5b: {  	_ =	shalt  }
0x5c: {  	_ =	shalt  }
0x5d: {  	_ =	shalt  }
0x5e: {  	_ =	shalt  }
0x5f: {  	_ =	shalt  }
0x60: {  	_ =	shalt  }
0x61: {  	_ =	shalt  }
0x62: {  	_ =	shalt  }
0x63: {  	_ =	shalt  }
0x64: {  	_ =	shalt  }
0x65: {  	_ =	shalt  }
0x66: {  	_ =	shalt  }
0x67: {  	_ =	shalt  }
0x68: {  	_ =	shalt  }
0x69: {  	_ =	shalt  }
0x6a: {  	_ =	shalt  }
0x6b: {  	_ =	shalt  }
0x6c: {  	_ =	shalt  }
0x6d: {  	_ =	shalt  }
0x6e: {  	_ =	shalt  }
0x6f: {  	_ =	shalt  }
0x70: {  	_ =	shalt  }
0x71: {  	_ =	shalt  }
0x72: {  	_ =	shalt  }
0x73: {  	_ =	shalt  }
0x74: {  	_ =	shalt  }
0x75: {  	_ =	shalt  }
0x76: {  	_ =	shalt  }
0x77: {  	_ =	shalt  }
0x78: {  	_ =	shalt  }
0x79: {  	_ =	shalt  }
0x7a: {  	_ =	shalt  }
0x7b: {  	_ =	shalt  }
0x7c: {  	_ =	shalt  }
0x7d: {  	_ =	shalt  }
0x7e: {  	_ =	shalt  }
0x7f: {  	_ =	shalt  }
0x80: {  	_ =	shalt  }
0x81: {  	_ =	shalt  }
0x82: {  	_ =	shalt  }
0x83: {  	_ =	shalt  }
0x84: {  	_ =	shalt  }
0x85: {  	_ =	shalt  }
0x86: {  	_ =	shalt  }
0x87: {  	_ =	shalt  }
.Lfunc_end0:
.L_simem_size_0:
called_computation_lowered:
.L_overlay_start_0:
0x88: {  	s2 =	sld [smem:$0x3FD9]  }
0x89: {  	s3 =	sld [smem:$0x3FFE];
	_ =	sdelay $0x1  }
0x8a: {  	s1 =	srdreg.scid  }
0x8b: {  	s0 =	sand.u32 $0x1, s1  }
0x8c: {  	s17 =	sshll.u32 s0, $0xA;
	s2 =	sadd.s32 s3, s2  }
0x8d: {  	s2 =	sadd.s32 s2, s17  }
0x8e: {  	[smem:$0x3FC7] =	sst s2  }
0x8f: {  	_ = 	snop  }
0x90: {  	s2 =	sld [smem:$0x3FC9]  }
0x91: {  	s18 =	sld [smem:$0x3FD0];
	(tm) =	ssettm $0x1  }
0x92: {  	s4 =	sld [smem:$0x3FFB];
	_ =	sdelay $0x3  }
0x93: {  	_ =	strace s4  }
0x94: {  	s4 =	sld [smem:$0x3FFC];
	_ =	sdelay $0x3  }
0x95: {  	_ =	strace s4  }
0x96: {  	s4 =	sld [smem:$0x3FFD];
	_ =	sdelay $0x3  }
0x97: {  	_ =	strace s4  }
0x98: {  	_ =	strace $0x8FFFFFFF  }
0x99: {  	s19 =	sld [smem:$0x3FDB];
	_ =	sdelay $0x1  }
0x9a: {  	s5 =	simm.s32 $_scs_section_size  }
0x9b: {  	s6 =	simm.s32 $_size__tile_overlayer_lowered;
	s7 =	simm.s32 $_tile_overlayer_lowered  }
0x9c: {  	s22 =	simm.s32 $0x1BFF;
	s21 =	sshll.u32 s7, $0x1;
	s4 =	sadd.s32 s5, s19  }
0x9d: {  	s8 =	simm.s32 $0x0;
	s20 =	sshll.u32 s6, $0x1;
	s6 =	sadd.s32 s21, s4  }
0x9e: {  	[timem:s8], [sflag:s22] =	dma.local [hbm:s6], s20  }
0x9f: {  	_ =	swait.ge [sflag:s22], s20  }
0xa0: {  	s5 =	ssub.s32 $0x0, s20;
	[sflag:s22] =	ssyncset.done $0x0  }
0xa1: {  	[sflag:s22] =	ssyncadd.s32 s5;
	_ =	sdelay $0x1  }
0xa2: {  	s23 =	simm.s32 $0x1B8B  }
0xa3: {  	_ =	swait.ge [sflag:s23], $0x1  }
0xa4: {  	[sflag:s23] =	ssyncset.done $0x0  }
0xa5: {  	s25 =	simm.s32 $0x1B8E;
	s24 =	sld [smem:$0x3FFE];
	[sflag:s23] =	ssyncadd.s32 $0xFFFFFFFF  }
0xa6: {  	s26 =	simm.s32 $execute0_lowered;
	[smem:$0x3FD2] =	sst s25  }
0xa7: {  	s6 =	sshll.u32 s26, $0x1;
	_ =	strace $0x80000046;
	[dreg:$0x1] =	wrdreg $0xFFFFFFFF  }
0xa8: {  	s28 =	simm.s32 $_size_execute0_lowered;
	s4 =	sadd.s32 s4, s6;
	[dreg:$0x0] =	wrdreg $0x0  }
0xa9: {  	s6 =	sshll.u32 s28, $0x1;
	[dreg:$0x2] =	wrdreg s4  }
0xaa: {  	[dreg:$0x3] =	wrdreg s6  }
0xab: {  	[dreg:$0x4] =	wrdreg $0xC0  }
0xac: {  	_ =	task [dreg:s8], $0x5FFFF  }
0xad: {  	[dreg:$0x1] =	wrdreg $0xFFFFFFFF  }
0xae: {  	[dreg:$0x0] =	wrdreg $0x60  }
0xaf: {  	[dreg:$0x2] =	wrdreg s2  }
0xb0: {  	[dreg:$0x3] =	wrdreg s24  }
0xb1: {  	[dreg:$0x4] =	wrdreg s18  }
0xb2: {  	[dreg:$0x5] =	wrdreg $0x9  }
0xb3: {  	_ =	task.clear_ibuf [dreg:s8], $0x6FFFF;
	_ =	strace $0x90000046  }
0xb4: {  	s29 =	simm.s32 $0x9;
	_ =	strace $0x80000048  }
0xb5: {  	_ =	swait.ge [sflag:s29], $0x1  }
0xb6: {  	[sflag:s29] =	ssyncadd.s32 $0xFFFFFFFF  }
0xb7: {  	_ =	strace $0x90000048  }
0xb8: {  	_ =	sfence  }
0xb9: {  	s30 =	sld [smem:$0x0];
	_ =	sdelay $0x2  }
0xba: {  	s31 =	sshll.u32 s1, $0xD;
	s1 =	sshrl.u32 s1, $0x2  }
0xbb: {  	s3 =	sand.u32 $0x4000, s31;
	s1 =	sadd.s32 s1, s30  }
0xbc: {  	s0 =	sor.u32 s3, s0;
	s1 =	sshll.u32 s1, $0x11  }
0xbd: {  	s0 =	sor.u32 s1, s0  }
0xbe: {  	s0 =	sadd.s32 $0x8F2B, s0  }
0xbf: {  	[sflag:s0] =	ssyncadd.remote.s32 $0x1  }
0xc0: {  	_ =	sfence.sel $0xFFFF  }
0xc1: {  	[dreg:$0x0] =	wrdreg $0xFFFFFFFF;
	(pc) =	sbr.abs _section_cstart, $3  }
0xc2: {  	[dreg:$0x1] =	wrdreg $0xFFFFFFFF  }
0xc3: {  	_ =	task.clear_ibuf [dreg:s8], $0x2FFFF;
	_ =	strace $0x9FFFFFFF  }
0xc4: {  	(tm) =	ssettm $0x7FFFFFFF  }
0xc5: {  	_ =	shalt  }
tec
execute0_lowered:
.L_overlay_start_1:
0x0: {  	(tag) =	ssettag $0x1  }
0x1: {  	s0 =	srdreg.scid  }
0x2: {  	s2 =	stileid.u32;
	s0 =	sand.u32 $0x1, s0  }
0x3: {  	s2 =	sshll.u32 s2, $0x11;
	s4 =	sshll.u32 s0, $0x10  }
0x4: {  	s3 =	rddreg [dreg:$0x0];
	s2 =	sor.u32 s4, s2  }
0x5: {  	s5 =	rddreg [dreg:$0x2];
	s1 =	simm.s32 $0x0;
	s7 =	sor.u32 $0x40, s2  }
0x6: {  	[smem:$0x7FF] =	sst s1;
	s8 =	sor.u32 $0x1000, s2;
	s26 =	sadd.s32 s3, s7  }
0x7: {  	s0 =	ssub.s32 $0x2, s0;
	s4 =	sadd.s32 s3, s8;
	[dreg:$0x4] =	wrdreg s26  }
0x8: {  	s10 =	sor.u32 $0x1040, s2;
	s9 =	sadd.s32 s5, s7;
	[dreg:$0x5] =	wrdreg s4  }
0x9: {  	s25 =	sshrl.u32 s0, $0x1;
	s12 =	sadd.s32 s3, s10;
	[dreg:$0x6] =	wrdreg s9  }
0xa: {  	s11 =	sor.u32 $0x2000, s2;
	s13 =	sadd.s32 s5, s8;
	[dreg:$0x7] =	wrdreg s12  }
0xb: {  	s6 =	ssub.s32 s0, s25;
	s14 =	sadd.s32 s3, s11;
	[dreg:$0x8] =	wrdreg s13  }
0xc: {  	s15 =	sor.u32 $0x2040, s2;
	s0 =	sadd.s32 s5, s10;
	[dreg:$0x9] =	wrdreg s14  }
0xd: {  	s16 =	sor.u32 $0x3000, s2;
	s17 =	sadd.s32 s3, s15;
	[dreg:$0xa] =	wrdreg s0  }
0xe: {  	s19 =	sor.u32 $0x3040, s2;
	s18 =	sadd.s32 s3, s16;
	[dreg:$0xb] =	wrdreg s17  }
0xf: {  	s21 =	sadd.s32 s3, s19;
	[dreg:$0xd] =	wrdreg s18  }
0x10: {  	s20 =	sor.u32 $0x4000, s2;
	s7 =	sadd.s32 s5, s16;
	[dreg:$0xf] =	wrdreg s21  }
0x11: {  	s23 =	sor.u32 $0x4040, s2;
	s22 =	sadd.s32 s3, s20;
	[dreg:$0x10] =	wrdreg s7  }
0x12: {  	s25 =	sadd.s32 s3, s23;
	[dreg:$0x11] =	wrdreg s22  }
0x13: {  	s4 =	sadd.s32 s5, s11;
	[dreg:$0x13] =	wrdreg s25  }
0x14: {  	s24 =	sor.u32 $0x5000, s2;
	s0 =	sadd.s32 s5, s15;
	[dreg:$0xc] =	wrdreg s4  }
0x15: {  	s26 =	sadd.s32 s3, s24;
	[dreg:$0xe] =	wrdreg s0  }
0x16: {  	s31 =	sadd.s32 s3, s2;
	s0 =	sadd.s32 s5, s19;
	[dreg:$0x15] =	wrdreg s26  }
0x17: {  	s7 =	sor.u32 $0x5040, s2;
	s4 =	sadd.s32 s5, s20;
	[dreg:$0x12] =	wrdreg s0  }
0x18: {  	s9 =	sor.u32 $0x6000, s2;
	s8 =	sadd.s32 s3, s7;
	[dreg:$0x14] =	wrdreg s4  }
0x19: {  	s11 =	sor.u32 $0x6040, s2;
	s10 =	sadd.s32 s3, s9;
	[dreg:$0x18] =	wrdreg s8  }
0x1a: {  	s13 =	sor.u32 $0x7000, s2;
	s12 =	sadd.s32 s3, s11;
	[dreg:$0x1a] =	wrdreg s10  }
0x1b: {  	s15 =	sor.u32 $0x7040, s2;
	s14 =	sadd.s32 s3, s13;
	[dreg:$0x1c] =	wrdreg s12  }
0x1c: {  	s17 =	sor.u32 $0x8000, s2;
	s16 =	sadd.s32 s3, s15;
	[dreg:$0x1e] =	wrdreg s14  }
0x1d: {  	s21 =	sor.u32 $0x9000, s2;
	s18 =	sadd.s32 s3, s17;
	[smem:$0x7E6] =	sst s16  }
0x1e: {  	s25 =	sor.u32 $0xA000, s2;
	s22 =	sadd.s32 s3, s21;
	[smem:$0x7E8] =	sst s18  }
0x1f: {  	s6 =	smax.u32 s6, $0x1;
	s26 =	sadd.s32 s3, s25;
	[smem:$0x7EC] =	sst s22  }
0x20: {  	s19 =	sor.u32 $0x8040, s2;
	s0 =	sadd.s32 s5, s23;
	[smem:$0x7F0] =	sst s26  }
0x21: {  	s4 =	sadd.s32 s5, s24;
	s20 =	sadd.s32 s3, s19;
	[dreg:$0x16] =	wrdreg s0  }
0x22: {  	s23 =	sor.u32 $0x9040, s2;
	s22 =	sor.u32 $0xF000, s2;
	[dreg:$0x17] =	wrdreg s4  }
0x23: {  	s0 =	sadd.s32 s5, s7;
	[smem:$0x7EA] =	sst s20;
	s24 =	sadd.s32 s3, s23  }
0x24: {  	s7 =	sor.u32 $0xA040, s2;
	s20 =	sor.u32 $0xE000, s2;
	[dreg:$0x19] =	wrdreg s0  }
0x25: {  	s4 =	sadd.s32 s5, s22;
	s0 =	sadd.s32 s5, s9;
	[smem:$0x7EE] =	sst s24  }
0x26: {  	s8 =	sadd.s32 s3, s7;
	s9 =	sor.u32 $0xB000, s2;
	s26 =	sadd.s32 s3, s20  }
0x27: {  	s28 =	sadd.s32 s5, s20;
	[dreg:$0x1b] =	wrdreg s0;
	s0 =	sadd.s32 s5, s11  }
0x28: {  	[smem:$0x7F2] =	sst s8;
	s10 =	sadd.s32 s3, s9;
	s11 =	sor.u32 $0xB040, s2  }
0x29: {  	s8 =	simm.s32 $0x10000;
	[dreg:$0x1d] =	wrdreg s0;
	s0 =	sadd.s32 s5, s13  }
0x2a: {  	[smem:$0x7F4] =	sst s10;
	s12 =	sadd.s32 s3, s11;
	s13 =	sor.u32 $0xC000, s2  }
0x2b: {  	s10 =	simm.s32 $0x400;
	[dreg:$0x1f] =	wrdreg s0;
	s0 =	sadd.s32 s5, s15  }
0x2c: {  	[smem:$0x7F6] =	sst s12;
	s14 =	sadd.s32 s3, s13;
	s15 =	sor.u32 $0xC040, s2  }
0x2d: {  	s12 =	simm.s32 $0x1;
	[smem:$0x7E7] =	sst s0;
	s0 =	sadd.s32 s5, s17  }
0x2e: {  	[smem:$0x7F8] =	sst s14;
	s16 =	sadd.s32 s3, s15;
	s17 =	sor.u32 $0xD000, s2  }
0x2f: {  	s14 =	simm.s32 $0x2;
	[smem:$0x7E9] =	sst s0;
	s0 =	sadd.s32 s5, s19  }
0x30: {  	[smem:$0x7FA] =	sst s16;
	s18 =	sadd.s32 s3, s17;
	s19 =	sor.u32 $0xD040, s2  }
0x31: {  	s16 =	simm.s32 $0x3;
	[smem:$0x7EB] =	sst s0;
	s0 =	sadd.s32 s5, s21  }
0x32: {  	[smem:$0x7FC] =	sst s18;
	s24 =	sadd.s32 s3, s19;
	s21 =	sor.u32 $0xE040, s2  }
0x33: {  	s18 =	simm.s32 $0x0;
	[smem:$0x7ED] =	sst s0;
	s0 =	sadd.s32 s5, s23  }
0x34: {  	s29 =	sadd.s32 s3, s21;
	s30 =	sadd.s32 s5, s21;
	s23 =	sor.u32 $0xF040, s2  }
0x35: {  	[smem:$0x7EF] =	sst s0;
	s0 =	sadd.s32 s5, s25;
	s25 =	sadd.s32 s5, s19  }
0x36: {  	[smem:$0x7F1] =	sst s0;
	s0 =	sadd.s32 s5, s7;
	s7 =	simm.s32 $0x5  }
0x37: {  	[smem:$0x7F3] =	sst s0;
	s0 =	sadd.s32 s5, s9;
	s9 =	simm.s32 $0x200  }
0x38: {  	[smem:$0x7F5] =	sst s0;
	s0 =	sadd.s32 s5, s11;
	s11 =	simm.s32 $0x4000  }
0x39: {  	[smem:$0x7F7] =	sst s0;
	s0 =	sadd.s32 s5, s13;
	s13 =	simm.s32 $0x8000  }
0x3a: {  	[smem:$0x7F9] =	sst s0;
	s0 =	sadd.s32 s5, s15;
	s15 =	simm.s32 $0xC000  }
0x3b: {  	[smem:$0x7FB] =	sst s0;
	s0 =	sadd.s32 s5, s17;
	s17 =	simm.s32 $0x4  }
0x3c: {  	[smem:$0x7FD] =	sst s0;
	s0 =	sadd.s32 s5, s2;
	s2 =	sadd.s32 s3, s22  }
0x3d: {  	v0 =	vimm.f32 $1.000000000e+00;
	v1 =	vimm.f32 $0.0e+00;
	s3 =	sadd.s32 s3, s23;
	s5 =	sadd.s32 s5, s23;
	_ =	strace $0x80000047  }
.LBB2_1:
0x3e: {  	s19 =	rddreg [dreg:$0x1];
	s20 =	simm.s32 $0x11080  }
0x3f: {  	[tilespmem:s20], [sflag:$0x5] =	stream.linear.gather [hbm4b:s19+s1], $0x280, $0x38;
	[tilespmem:$0x11300] =	vst v63  }
0x40: {  	_ =	swait.ge [sflag:s7], $0x280  }
0x41: {  	[sflag:s7] =	ssyncset.done $0x0  }
0x42: {  	[sflag:s7] =	ssyncadd.s32 $0xFFFFFD80  }
0x43: {  	[tilespmem:$0x10000] =	vst v0  }
0x44: {  	[tilespmem:$0x10010] =	vst v0  }
0x45: {  	[tilespmem:$0x10020] =	vst v0  }
0x46: {  	[tilespmem:$0x10030] =	vst v0  }
0x47: {  	[tilespmem:$0x10040] =	vst v0  }
0x48: {  	[tilespmem:$0x10050] =	vst v0  }
0x49: {  	[tilespmem:$0x10060] =	vst v0  }
0x4a: {  	[tilespmem:$0x10070] =	vst v0  }
0x4b: {  	[tilespmem:$0x10080] =	vst v0  }
0x4c: {  	[tilespmem:$0x10090] =	vst v0  }
0x4d: {  	[tilespmem:$0x100A0] =	vst v0  }
0x4e: {  	[tilespmem:$0x100B0] =	vst v0  }
0x4f: {  	[tilespmem:$0x100C0] =	vst v0  }
0x50: {  	[tilespmem:$0x100D0] =	vst v0  }
0x51: {  	[tilespmem:$0x100E0] =	vst v0  }
0x52: {  	[tilespmem:$0x100F0] =	vst v0  }
0x53: {  	[tilespmem:$0x10100] =	vst v0  }
0x54: {  	[tilespmem:$0x10110] =	vst v0  }
0x55: {  	[tilespmem:$0x10120] =	vst v0  }
0x56: {  	[tilespmem:$0x10130] =	vst v0  }
0x57: {  	[tilespmem:$0x10140] =	vst v0  }
0x58: {  	[tilespmem:$0x10150] =	vst v0  }
0x59: {  	[tilespmem:$0x10160] =	vst v0  }
0x5a: {  	[tilespmem:$0x10170] =	vst v0  }
0x5b: {  	[tilespmem:$0x10180] =	vst v0  }
0x5c: {  	[tilespmem:$0x10190] =	vst v0  }
0x5d: {  	[tilespmem:$0x101A0] =	vst v0  }
0x5e: {  	[tilespmem:$0x101B0] =	vst v0  }
0x5f: {  	[tilespmem:$0x101C0] =	vst v0  }
0x60: {  	[tilespmem:$0x101D0] =	vst v0  }
0x61: {  	[tilespmem:$0x101E0] =	vst v0  }
0x62: {  	[tilespmem:$0x101F0] =	vst v0  }
0x63: {  	[tilespmem:$0x10200] =	vst v0  }
0x64: {  	[tilespmem:$0x10210] =	vst v0  }
0x65: {  	[tilespmem:$0x10220] =	vst v0  }
0x66: {  	[tilespmem:$0x10230] =	vst v0  }
0x67: {  	[tilespmem:$0x10240] =	vst v0  }
0x68: {  	[tilespmem:$0x10250] =	vst v0  }
0x69: {  	[tilespmem:$0x10260] =	vst v0  }
0x6a: {  	[tilespmem:$0x10270] =	vst v0  }
0x6b: {  	[tilespmem:$0x10280] =	vst v0  }
0x6c: {  	[tilespmem:$0x10290] =	vst v0  }
0x6d: {  	[tilespmem:$0x102A0] =	vst v0  }
0x6e: {  	[tilespmem:$0x102B0] =	vst v0  }
0x6f: {  	[tilespmem:$0x102C0] =	vst v0  }
0x70: {  	[tilespmem:$0x102D0] =	vst v0  }
0x71: {  	[tilespmem:$0x102E0] =	vst v0  }
0x72: {  	[tilespmem:$0x102F0] =	vst v0  }
0x73: {  	[tilespmem:$0x10300] =	vst v0  }
0x74: {  	[tilespmem:$0x10310] =	vst v0  }
0x75: {  	[tilespmem:$0x10320] =	vst v0  }
0x76: {  	[tilespmem:$0x10330] =	vst v0  }
0x77: {  	[tilespmem:$0x10340] =	vst v0  }
0x78: {  	[tilespmem:$0x10350] =	vst v0  }
0x79: {  	[tilespmem:$0x10360] =	vst v0  }
0x7a: {  	[tilespmem:$0x10370] =	vst v0  }
0x7b: {  	[tilespmem:$0x10380] =	vst v0  }
0x7c: {  	[tilespmem:$0x10390] =	vst v0  }
0x7d: {  	[tilespmem:$0x103A0] =	vst v0  }
0x7e: {  	[tilespmem:$0x103B0] =	vst v0  }
0x7f: {  	[tilespmem:$0x103C0] =	vst v0  }
0x80: {  	[tilespmem:$0x103D0] =	vst v0  }
0x81: {  	[tilespmem:$0x103E0] =	vst v0  }
0x82: {  	[tilespmem:$0x103F0] =	vst v0  }
0x83: {  	[tilespmem:$0x10400] =	vst v0  }
0x84: {  	[tilespmem:$0x10410] =	vst v0  }
0x85: {  	[tilespmem:$0x10420] =	vst v0  }
0x86: {  	[tilespmem:$0x10430] =	vst v0  }
0x87: {  	[tilespmem:$0x10440] =	vst v0  }
0x88: {  	[tilespmem:$0x10450] =	vst v0  }
0x89: {  	[tilespmem:$0x10460] =	vst v0  }
0x8a: {  	[tilespmem:$0x10470] =	vst v0  }
0x8b: {  	[tilespmem:$0x10480] =	vst v0  }
0x8c: {  	[tilespmem:$0x10490] =	vst v0  }
0x8d: {  	[tilespmem:$0x104A0] =	vst v0  }
0x8e: {  	[tilespmem:$0x104B0] =	vst v0  }
0x8f: {  	[tilespmem:$0x104C0] =	vst v0  }
0x90: {  	[tilespmem:$0x104D0] =	vst v0  }
0x91: {  	[tilespmem:$0x104E0] =	vst v0  }
0x92: {  	[tilespmem:$0x104F0] =	vst v0  }
0x93: {  	[tilespmem:$0x10500] =	vst v0  }
0x94: {  	[tilespmem:$0x10510] =	vst v0  }
0x95: {  	[tilespmem:$0x10520] =	vst v0  }
0x96: {  	[tilespmem:$0x10530] =	vst v0  }
0x97: {  	[tilespmem:$0x10540] =	vst v0  }
0x98: {  	[tilespmem:$0x10550] =	vst v0  }
0x99: {  	[tilespmem:$0x10560] =	vst v0  }
0x9a: {  	[tilespmem:$0x10570] =	vst v0  }
0x9b: {  	[tilespmem:$0x10580] =	vst v0  }
0x9c: {  	[tilespmem:$0x10590] =	vst v0  }
0x9d: {  	[tilespmem:$0x105A0] =	vst v0  }
0x9e: {  	[tilespmem:$0x105B0] =	vst v0  }
0x9f: {  	[tilespmem:$0x105C0] =	vst v0  }
0xa0: {  	[tilespmem:$0x105D0] =	vst v0  }
0xa1: {  	[tilespmem:$0x105E0] =	vst v0  }
0xa2: {  	[tilespmem:$0x105F0] =	vst v0  }
0xa3: {  	[tilespmem:$0x10600] =	vst v0  }
0xa4: {  	[tilespmem:$0x10610] =	vst v0  }
0xa5: {  	[tilespmem:$0x10620] =	vst v0  }
0xa6: {  	[tilespmem:$0x10630] =	vst v0  }
0xa7: {  	[tilespmem:$0x10640] =	vst v0  }
0xa8: {  	[tilespmem:$0x10650] =	vst v0  }
0xa9: {  	[tilespmem:$0x10660] =	vst v0  }
0xaa: {  	[tilespmem:$0x10670] =	vst v0  }
0xab: {  	[tilespmem:$0x10680] =	vst v0  }
0xac: {  	[tilespmem:$0x10690] =	vst v0  }
0xad: {  	[tilespmem:$0x106A0] =	vst v0  }
0xae: {  	[tilespmem:$0x106B0] =	vst v0  }
0xaf: {  	[tilespmem:$0x106C0] =	vst v0  }
0xb0: {  	[tilespmem:$0x106D0] =	vst v0  }
0xb1: {  	[tilespmem:$0x106E0] =	vst v0  }
0xb2: {  	[tilespmem:$0x106F0] =	vst v0  }
0xb3: {  	[tilespmem:$0x10700] =	vst v0  }
0xb4: {  	[tilespmem:$0x10710] =	vst v0  }
0xb5: {  	[tilespmem:$0x10720] =	vst v0  }
0xb6: {  	[tilespmem:$0x10730] =	vst v0  }
0xb7: {  	[tilespmem:$0x10740] =	vst v0  }
0xb8: {  	[tilespmem:$0x10750] =	vst v0  }
0xb9: {  	[tilespmem:$0x10760] =	vst v0  }
0xba: {  	[tilespmem:$0x10770] =	vst v0  }
0xbb: {  	[tilespmem:$0x10780] =	vst v0  }
0xbc: {  	[tilespmem:$0x10790] =	vst v0  }
0xbd: {  	[tilespmem:$0x107A0] =	vst v0  }
0xbe: {  	[tilespmem:$0x107B0] =	vst v0  }
0xbf: {  	[tilespmem:$0x107C0] =	vst v0  }
0xc0: {  	[tilespmem:$0x107D0] =	vst v0  }
0xc1: {  	[tilespmem:$0x107E0] =	vst v0  }
0xc2: {  	[tilespmem:$0x107F0] =	vst v0  }
0xc3: {  	[tilespmem:$0x10800] =	vst v0  }
0xc4: {  	[tilespmem:$0x10810] =	vst v0  }
0xc5: {  	[tilespmem:$0x10820] =	vst v0  }
0xc6: {  	[tilespmem:$0x10830] =	vst v0  }
0xc7: {  	[tilespmem:$0x10840] =	vst v0  }
0xc8: {  	[tilespmem:$0x10850] =	vst v0  }
0xc9: {  	[tilespmem:$0x10860] =	vst v0  }
0xca: {  	[tilespmem:$0x10870] =	vst v0  }
0xcb: {  	[tilespmem:$0x10880] =	vst v0  }
0xcc: {  	[tilespmem:$0x10890] =	vst v0  }
0xcd: {  	[tilespmem:$0x108A0] =	vst v0  }
0xce: {  	[tilespmem:$0x108B0] =	vst v0  }
0xcf: {  	[tilespmem:$0x108C0] =	vst v0  }
0xd0: {  	[tilespmem:$0x108D0] =	vst v0  }
0xd1: {  	[tilespmem:$0x108E0] =	vst v0  }
0xd2: {  	[tilespmem:$0x108F0] =	vst v0  }
0xd3: {  	[tilespmem:$0x10900] =	vst v0  }
0xd4: {  	[tilespmem:$0x10910] =	vst v0  }
0xd5: {  	[tilespmem:$0x10920] =	vst v0  }
0xd6: {  	[tilespmem:$0x10930] =	vst v0  }
0xd7: {  	[tilespmem:$0x10940] =	vst v0  }
0xd8: {  	[tilespmem:$0x10950] =	vst v0  }
0xd9: {  	[tilespmem:$0x10960] =	vst v0  }
0xda: {  	[tilespmem:$0x10970] =	vst v0  }
0xdb: {  	[tilespmem:$0x10980] =	vst v0  }
0xdc: {  	[tilespmem:$0x10990] =	vst v0  }
0xdd: {  	[tilespmem:$0x109A0] =	vst v0  }
0xde: {  	[tilespmem:$0x109B0] =	vst v0  }
0xdf: {  	[tilespmem:$0x109C0] =	vst v0  }
0xe0: {  	[tilespmem:$0x109D0] =	vst v0  }
0xe1: {  	[tilespmem:$0x109E0] =	vst v0  }
0xe2: {  	[tilespmem:$0x109F0] =	vst v0  }
0xe3: {  	[tilespmem:$0x10A00] =	vst v0  }
0xe4: {  	[tilespmem:$0x10A10] =	vst v0  }
0xe5: {  	[tilespmem:$0x10A20] =	vst v0  }
0xe6: {  	[tilespmem:$0x10A30] =	vst v0  }
0xe7: {  	[tilespmem:$0x10A40] =	vst v0  }
0xe8: {  	[tilespmem:$0x10A50] =	vst v0  }
0xe9: {  	[tilespmem:$0x10A60] =	vst v0  }
0xea: {  	[tilespmem:$0x10A70] =	vst v0  }
0xeb: {  	[tilespmem:$0x10A80] =	vst v0  }
0xec: {  	[tilespmem:$0x10A90] =	vst v0  }
0xed: {  	[tilespmem:$0x10AA0] =	vst v0  }
0xee: {  	[tilespmem:$0x10AB0] =	vst v0  }
0xef: {  	[tilespmem:$0x10AC0] =	vst v0  }
0xf0: {  	[tilespmem:$0x10AD0] =	vst v0  }
0xf1: {  	[tilespmem:$0x10AE0] =	vst v0  }
0xf2: {  	[tilespmem:$0x10AF0] =	vst v0  }
0xf3: {  	[tilespmem:$0x10B00] =	vst v0  }
0xf4: {  	[tilespmem:$0x10B10] =	vst v0  }
0xf5: {  	[tilespmem:$0x10B20] =	vst v0  }
0xf6: {  	[tilespmem:$0x10B30] =	vst v0  }
0xf7: {  	[tilespmem:$0x10B40] =	vst v0  }
0xf8: {  	[tilespmem:$0x10B50] =	vst v0  }
0xf9: {  	[tilespmem:$0x10B60] =	vst v0  }
0xfa: {  	[tilespmem:$0x10B70] =	vst v0  }
0xfb: {  	[tilespmem:$0x10B80] =	vst v0  }
0xfc: {  	[tilespmem:$0x10B90] =	vst v0  }
0xfd: {  	[tilespmem:$0x10BA0] =	vst v0  }
0xfe: {  	[tilespmem:$0x10BB0] =	vst v0  }
0xff: {  	[tilespmem:$0x10BC0] =	vst v0  }
0x100: {  	[tilespmem:$0x10BD0] =	vst v0  }
0x101: {  	[tilespmem:$0x10BE0] =	vst v0  }
0x102: {  	[tilespmem:$0x10BF0] =	vst v0  }
0x103: {  	[tilespmem:$0x10C00] =	vst v0  }
0x104: {  	[tilespmem:$0x10C10] =	vst v0  }
0x105: {  	[tilespmem:$0x10C20] =	vst v0  }
0x106: {  	[tilespmem:$0x10C30] =	vst v0  }
0x107: {  	[tilespmem:$0x10C40] =	vst v0  }
0x108: {  	[tilespmem:$0x10C50] =	vst v0  }
0x109: {  	[tilespmem:$0x10C60] =	vst v0  }
0x10a: {  	[tilespmem:$0x10C70] =	vst v0  }
0x10b: {  	[tilespmem:$0x10C80] =	vst v0  }
0x10c: {  	[tilespmem:$0x10C90] =	vst v0  }
0x10d: {  	[tilespmem:$0x10CA0] =	vst v0  }
0x10e: {  	[tilespmem:$0x10CB0] =	vst v0  }
0x10f: {  	[tilespmem:$0x10CC0] =	vst v0  }
0x110: {  	[tilespmem:$0x10CD0] =	vst v0  }
0x111: {  	[tilespmem:$0x10CE0] =	vst v0  }
0x112: {  	[tilespmem:$0x10CF0] =	vst v0  }
0x113: {  	[tilespmem:$0x10D00] =	vst v0  }
0x114: {  	[tilespmem:$0x10D10] =	vst v0  }
0x115: {  	[tilespmem:$0x10D20] =	vst v0  }
0x116: {  	[tilespmem:$0x10D30] =	vst v0  }
0x117: {  	[tilespmem:$0x10D40] =	vst v0  }
0x118: {  	[tilespmem:$0x10D50] =	vst v0  }
0x119: {  	[tilespmem:$0x10D60] =	vst v0  }
0x11a: {  	[tilespmem:$0x10D70] =	vst v0  }
0x11b: {  	[tilespmem:$0x10D80] =	vst v0  }
0x11c: {  	[tilespmem:$0x10D90] =	vst v0  }
0x11d: {  	[tilespmem:$0x10DA0] =	vst v0  }
0x11e: {  	[tilespmem:$0x10DB0] =	vst v0  }
0x11f: {  	[tilespmem:$0x10DC0] =	vst v0  }
0x120: {  	[tilespmem:$0x10DD0] =	vst v0  }
0x121: {  	[tilespmem:$0x10DE0] =	vst v0  }
0x122: {  	[tilespmem:$0x10DF0] =	vst v0  }
0x123: {  	[tilespmem:$0x10E00] =	vst v0  }
0x124: {  	[tilespmem:$0x10E10] =	vst v0  }
0x125: {  	[tilespmem:$0x10E20] =	vst v0  }
0x126: {  	[tilespmem:$0x10E30] =	vst v0  }
0x127: {  	[tilespmem:$0x10E40] =	vst v0  }
0x128: {  	[tilespmem:$0x10E50] =	vst v0  }
0x129: {  	[tilespmem:$0x10E60] =	vst v0  }
0x12a: {  	[tilespmem:$0x10E70] =	vst v0  }
0x12b: {  	[tilespmem:$0x10E80] =	vst v0  }
0x12c: {  	[tilespmem:$0x10E90] =	vst v0  }
0x12d: {  	[tilespmem:$0x10EA0] =	vst v0  }
0x12e: {  	[tilespmem:$0x10EB0] =	vst v0  }
0x12f: {  	[tilespmem:$0x10EC0] =	vst v0  }
0x130: {  	[tilespmem:$0x10ED0] =	vst v0  }
0x131: {  	[tilespmem:$0x10EE0] =	vst v0  }
0x132: {  	[tilespmem:$0x10EF0] =	vst v0  }
0x133: {  	[tilespmem:$0x10F00] =	vst v0  }
0x134: {  	[tilespmem:$0x10F10] =	vst v0  }
0x135: {  	[tilespmem:$0x10F20] =	vst v0  }
0x136: {  	[tilespmem:$0x10F30] =	vst v0  }
0x137: {  	[tilespmem:$0x10F40] =	vst v0  }
0x138: {  	[tilespmem:$0x10F50] =	vst v0  }
0x139: {  	[tilespmem:$0x10F60] =	vst v0  }
0x13a: {  	[tilespmem:$0x10F70] =	vst v0  }
0x13b: {  	[tilespmem:$0x10F80] =	vst v0  }
0x13c: {  	[tilespmem:$0x10F90] =	vst v0;
	v2 =	vld [tilespmem:$0x11080]  }
0x13d: {  	[tilespmem:$0x10FA0] =	vst v0  }
0x13e: {  	[tilespmem:$0x10FB0] =	vst v0  }
0x13f: {  	[tilespmem:$0x10FC0] =	vst v0  }
0x140: {  	[tilespmem:$0x10FD0] =	vst v0  }
0x141: {  	[tilespmem:$0x10FE0] =	vst v0  }
0x142: {  	[tilespmem:$0x10FF0] =	vst v0  }
0x143: {  	[tilespmem:$0x11000] =	vst v0  }
0x144: {  	[tilespmem:v2+s8+$0x0] =	vst.idx.msk $0xffff, v1  }
0x145: {  	v2 =	vld [tilespmem:$0x11090];
	_ =	sdelay $0x7  }
0x146: {  	[tilespmem:v2+s8+$0x0] =	vst.idx.msk $0xffff, v1  }
0x147: {  	v2 =	vld [tilespmem:$0x110A0];
	_ =	sdelay $0x7  }
0x148: {  	[tilespmem:v2+s8+$0x0] =	vst.idx.msk $0xffff, v1  }
0x149: {  	v2 =	vld [tilespmem:$0x110B0];
	_ =	sdelay $0x7  }
0x14a: {  	[tilespmem:v2+s8+$0x0] =	vst.idx.msk $0xffff, v1  }
0x14b: {  	v2 =	vld [tilespmem:$0x110C0];
	_ =	sdelay $0x7  }
0x14c: {  	[tilespmem:v2+s8+$0x0] =	vst.idx.msk $0xffff, v1  }
0x14d: {  	v2 =	vld [tilespmem:$0x110D0];
	_ =	sdelay $0x7  }
0x14e: {  	[tilespmem:v2+s8+$0x0] =	vst.idx.msk $0xffff, v1  }
0x14f: {  	v2 =	vld [tilespmem:$0x110E0];
	_ =	sdelay $0x7  }
0x150: {  	[tilespmem:v2+s8+$0x0] =	vst.idx.msk $0xffff, v1  }
0x151: {  	v2 =	vld [tilespmem:$0x110F0];
	_ =	sdelay $0x7  }
0x152: {  	[tilespmem:v2+s8+$0x0] =	vst.idx.msk $0xffff, v1  }
0x153: {  	v2 =	vld [tilespmem:$0x11100];
	_ =	sdelay $0x7  }
0x154: {  	[tilespmem:v2+s8+$0x0] =	vst.idx.msk $0xffff, v1  }
0x155: {  	v2 =	vld [tilespmem:$0x11110];
	_ =	sdelay $0x7  }
0x156: {  	[tilespmem:v2+s8+$0x0] =	vst.idx.msk $0xffff, v1  }
0x157: {  	v2 =	vld [tilespmem:$0x11120];
	_ =	sdelay $0x7  }
0x158: {  	[tilespmem:v2+s8+$0x0] =	vst.idx.msk $0xffff, v1  }
0x159: {  	v2 =	vld [tilespmem:$0x11130];
	_ =	sdelay $0x7  }
0x15a: {  	[tilespmem:v2+s8+$0x0] =	vst.idx.msk $0xffff, v1  }
0x15b: {  	v2 =	vld [tilespmem:$0x11140];
	_ =	sdelay $0x7  }
0x15c: {  	[tilespmem:v2+s8+$0x0] =	vst.idx.msk $0xffff, v1  }
0x15d: {  	v2 =	vld [tilespmem:$0x11150];
	_ =	sdelay $0x7  }
0x15e: {  	[tilespmem:v2+s8+$0x0] =	vst.idx.msk $0xffff, v1  }
0x15f: {  	v2 =	vld [tilespmem:$0x11160];
	_ =	sdelay $0x7  }
0x160: {  	[tilespmem:v2+s8+$0x0] =	vst.idx.msk $0xffff, v1  }
0x161: {  	v2 =	vld [tilespmem:$0x11170];
	_ =	sdelay $0x7  }
0x162: {  	[tilespmem:v2+s8+$0x0] =	vst.idx.msk $0xffff, v1  }
0x163: {  	v2 =	vld [tilespmem:$0x11180];
	_ =	sdelay $0x7  }
0x164: {  	[tilespmem:v2+s8+$0x0] =	vst.idx.msk $0xffff, v1  }
0x165: {  	v2 =	vld [tilespmem:$0x11190];
	_ =	sdelay $0x7  }
0x166: {  	[tilespmem:v2+s8+$0x0] =	vst.idx.msk $0xffff, v1  }
0x167: {  	v2 =	vld [tilespmem:$0x111A0];
	_ =	sdelay $0x7  }
0x168: {  	[tilespmem:v2+s8+$0x0] =	vst.idx.msk $0xffff, v1  }
0x169: {  	v2 =	vld [tilespmem:$0x111B0];
	_ =	sdelay $0x7  }
0x16a: {  	[tilespmem:v2+s8+$0x0] =	vst.idx.msk $0xffff, v1  }
0x16b: {  	v2 =	vld [tilespmem:$0x111C0];
	_ =	sdelay $0x7  }
0x16c: {  	[tilespmem:v2+s8+$0x0] =	vst.idx.msk $0xffff, v1  }
0x16d: {  	v2 =	vld [tilespmem:$0x111D0];
	_ =	sdelay $0x7  }
0x16e: {  	[tilespmem:v2+s8+$0x0] =	vst.idx.msk $0xffff, v1  }
0x16f: {  	v2 =	vld [tilespmem:$0x111E0];
	_ =	sdelay $0x7  }
0x170: {  	[tilespmem:v2+s8+$0x0] =	vst.idx.msk $0xffff, v1  }
0x171: {  	v2 =	vld [tilespmem:$0x111F0];
	_ =	sdelay $0x7  }
0x172: {  	[tilespmem:v2+s8+$0x0] =	vst.idx.msk $0xffff, v1  }
0x173: {  	v2 =	vld [tilespmem:$0x11200];
	_ =	sdelay $0x7  }
0x174: {  	[tilespmem:v2+s8+$0x0] =	vst.idx.msk $0xffff, v1  }
0x175: {  	v2 =	vld [tilespmem:$0x11210];
	_ =	sdelay $0x7  }
0x176: {  	[tilespmem:v2+s8+$0x0] =	vst.idx.msk $0xffff, v1  }
0x177: {  	v2 =	vld [tilespmem:$0x11220];
	_ =	sdelay $0x7  }
0x178: {  	[tilespmem:v2+s8+$0x0] =	vst.idx.msk $0xffff, v1  }
0x179: {  	v2 =	vld [tilespmem:$0x11230];
	_ =	sdelay $0x7  }
0x17a: {  	[tilespmem:v2+s8+$0x0] =	vst.idx.msk $0xffff, v1  }
0x17b: {  	v2 =	vld [tilespmem:$0x11240];
	_ =	sdelay $0x7  }
0x17c: {  	[tilespmem:v2+s8+$0x0] =	vst.idx.msk $0xffff, v1  }
0x17d: {  	v2 =	vld [tilespmem:$0x11250];
	_ =	sdelay $0x7  }
0x17e: {  	[tilespmem:v2+s8+$0x0] =	vst.idx.msk $0xffff, v1  }
0x17f: {  	v2 =	vld [tilespmem:$0x11260];
	_ =	sdelay $0x7  }
0x180: {  	[tilespmem:v2+s8+$0x0] =	vst.idx.msk $0xffff, v1  }
0x181: {  	v2 =	vld [tilespmem:$0x11270];
	_ =	sdelay $0x7  }
0x182: {  	[tilespmem:v2+s8+$0x0] =	vst.idx.msk $0xffff, v1  }
0x183: {  	v2 =	vld [tilespmem:$0x11280];
	_ =	sdelay $0x7  }
0x184: {  	[tilespmem:v2+s8+$0x0] =	vst.idx.msk $0xffff, v1  }
0x185: {  	v2 =	vld [tilespmem:$0x11290];
	_ =	sdelay $0x7  }
0x186: {  	[tilespmem:v2+s8+$0x0] =	vst.idx.msk $0xffff, v1  }
0x187: {  	v2 =	vld [tilespmem:$0x112A0];
	_ =	sdelay $0x7  }
0x188: {  	[tilespmem:v2+s8+$0x0] =	vst.idx.msk $0xffff, v1  }
0x189: {  	v2 =	vld [tilespmem:$0x112B0];
	_ =	sdelay $0x7  }
0x18a: {  	[tilespmem:v2+s8+$0x0] =	vst.idx.msk $0xffff, v1  }
0x18b: {  	v2 =	vld [tilespmem:$0x112C0];
	_ =	sdelay $0x7  }
0x18c: {  	[tilespmem:v2+s8+$0x0] =	vst.idx.msk $0xffff, v1  }
0x18d: {  	v2 =	vld [tilespmem:$0x112D0];
	_ =	sdelay $0x7  }
0x18e: {  	[tilespmem:v2+s8+$0x0] =	vst.idx.msk $0xffff, v1  }
0x18f: {  	v2 =	vld [tilespmem:$0x112E0];
	_ =	sdelay $0x7  }
0x190: {  	[tilespmem:v2+s8+$0x0] =	vst.idx.msk $0xffff, v1  }
0x191: {  	[tilespmem:s1], [sflag:$0x1] =	stream.strided.gather [hbm4b:s31+s9], $0x4000, s10, s9, $0x38;
	[tilespmem:$0x11300] =	vst v63  }
0x192: {  	s20 =	rddreg [dreg:$0x4]  }
0x193: {  	[tilespmem:s11], [sflag:$0x2] =	stream.strided.gather [hbm4b:s20+s9], $0x4000, s10, s9, $0x38;
	[tilespmem:$0x11300] =	vst v63  }
0x194: {  	_ =	swait.ge [sflag:s12], $0x4000  }
0x195: {  	s21 =	sand.u32 $0x70, s1;
	s22 =	sand.u32 $0x3E00, s1;
	[sflag:s12] =	ssyncset.done $0x0  }
0x196: {  	s19 =	sor.u32 s21, s22;
	[sflag:s12] =	ssyncadd.s32 $0xFFFFC000  }
0x197: {  	s23 =	simm.s32 $0x0;
	v2 =	vld [tilespmem:s19+$0x0]  }
0x198: {  	v4 =	vld [tilespmem:s23+$0x10000]  }
0x199: {  	v3 =	vld [tilespmem:s19+$0x80]  }
0x19a: {  	v5 =	vld [tilespmem:s19+$0x100]  }
0x19b: {  	v6 =	vld [tilespmem:s19+$0x180];
	_ =	sdelay $0x1  }
0x19c: {  	s21 =	simm.s32 $0x10;
	s20 =	simm.s32 $0x40;
	v2 =	vmul.f32 v2, v4  }
0x19d: {  	s21 =	sand.u32 $0x70, s21;
	s22 =	sand.u32 $0x3E00, s20;
	v3 =	vmul.f32 v3, v4  }
0x19e: {  	s21 =	sor.u32 s21, s22;
	v5 =	vmul.f32 v5, v4;
	[tilespmem:s19+$0x8000] =	vst v2  }
0x19f: {  	v4 =	vmul.f32 v6, v4;
	v2 =	vld [tilespmem:s21+$0x0];
	[tilespmem:s19+$0x8080] =	vst v3  }
0x1a0: {  	s22 =	simm.s32 $0x20;
	v3 =	vld [tilespmem:s21+$0x80];
	[tilespmem:s19+$0x8100] =	vst v5  }
.LBB2_2:
0x1a1: {  	p0 =	sne.s32 s22, $0xFF0;
	s23 =	sshra.s32 s20, $0x2;
	v5 =	vld [tilespmem:s21+$0x100];
	[tilespmem:s19+$0x8180] =	vst v4;
	s19 =	smov.u32 s21  }
0x1a2: {  	v4 =	vld [tilespmem:s23+$0x10000]  }
0x1a3: {  	v6 =	vld [tilespmem:s19+$0x180];
	_ =	sdelay $0x3  }
.Ltmp0:
0x1a4: {  	s20 =	sadd.s32 $0x40, s20;
	v2 =	vmul.f32 v2, v4;
	v3 =	vmul.f32 v3, v4;
	(pc) =	sbr.rel @p0 .LBB2_2-.Ltmp0, $4  }
0x1a5: {  	s21 =	sand.u32 $0x70, s22;
	s23 =	sand.u32 $0x3E00, s20;
	v5 =	vmul.f32 v5, v4;
	v4 =	vmul.f32 v6, v4  }
0x1a6: {  	s21 =	sor.u32 s21, s23;
	[tilespmem:s19+$0x8000] =	vst v2  }
0x1a7: {  	v2 =	vld [tilespmem:s21+$0x0];
	[tilespmem:s19+$0x8080] =	vst v3  }
0x1a8: {  	s22 =	sadd.s32 $0x10, s22;
	v3 =	vld [tilespmem:s21+$0x80];
	[tilespmem:s19+$0x8100] =	vst v5  }
0x1a9: {  	v5 =	vld [tilespmem:s21+$0x100];
	s20 =	sshra.s32 s20, $0x2;
	[tilespmem:s19+$0x8180] =	vst v4  }
0x1aa: {  	v4 =	vld [tilespmem:s20+$0x10000];
	_ =	sdelay $0x2  }
0x1ab: {  	v6 =	vld [tilespmem:s21+$0x180];
	_ =	sdelay $0x1  }
0x1ac: {  	v2 =	vmul.f32 v2, v4  }
0x1ad: {  	v3 =	vmul.f32 v3, v4  }
0x1ae: {  	v5 =	vmul.f32 v5, v4;
	[tilespmem:s21+$0x8000] =	vst v2  }
0x1af: {  	v2 =	vmul.f32 v6, v4;
	[tilespmem:s21+$0x8080] =	vst v3  }
0x1b0: {  	[tilespmem:s21+$0x8100] =	vst v5  }
0x1b1: {  	[tilespmem:s21+$0x8180] =	vst v2  }
0x1b2: {  	[hbm4b:s0+s9] =	stream.strided.scatter [tilespmem:s13], [sflag:$0x3], $0x4000, s10, s9, $0x38;
	[tilespmem:$0x11300] =	vst v63  }
0x1b3: {  	s22 =	simm.s32 $0x0;
	s23 =	rddreg [dreg:$0x5]  }
0x1b4: {  	[tilespmem:s22], [sflag:$0x1] =	stream.strided.gather [hbm4b:s23+s9], $0x4000, s10, s9, $0x38;
	[tilespmem:$0x11300] =	vst v63  }
0x1b5: {  	_ =	swait.ge [sflag:s14], $0x4000  }
0x1b6: {  	s19 =	sand.u32 $0x3E00, s22;
	s21 =	sand.u32 $0x70, s22;
	[sflag:s14] =	ssyncset.done $0x0  }
0x1b7: {  	s19 =	sor.u32 s21, s19;
	[sflag:s14] =	ssyncadd.s32 $0xFFFFC000  }
0x1b8: {  	s22 =	simm.s32 $0x0;
	v2 =	vld [tilespmem:s19+$0x4000]  }
0x1b9: {  	v4 =	vld [tilespmem:s22+$0x10000]  }
0x1ba: {  	v3 =	vld [tilespmem:s19+$0x4080]  }
0x1bb: {  	v5 =	vld [tilespmem:s19+$0x4100]  }
0x1bc: {  	v6 =	vld [tilespmem:s19+$0x4180];
	_ =	sdelay $0x1  }
0x1bd: {  	s20 =	simm.s32 $0x40;
	s23 =	simm.s32 $0x10;
	v2 =	vmul.f32 v2, v4  }
0x1be: {  	s21 =	sand.u32 $0x70, s23;
	s22 =	sand.u32 $0x3E00, s20;
	v3 =	vmul.f32 v3, v4  }
0x1bf: {  	s21 =	sor.u32 s21, s22;
	v5 =	vmul.f32 v5, v4;
	[tilespmem:s19+$0xC000] =	vst v2  }
0x1c0: {  	v4 =	vmul.f32 v6, v4;
	v2 =	vld [tilespmem:s21+$0x4000];
	[tilespmem:s19+$0xC080] =	vst v3  }
0x1c1: {  	s22 =	simm.s32 $0x20;
	v3 =	vld [tilespmem:s21+$0x4080];
	[tilespmem:s19+$0xC100] =	vst v5  }
.LBB2_4:
0x1c2: {  	p0 =	sne.s32 s22, $0xFF0;
	s23 =	sshra.s32 s20, $0x2;
	v5 =	vld [tilespmem:s21+$0x4100];
	[tilespmem:s19+$0xC180] =	vst v4;
	s19 =	smov.u32 s21  }
0x1c3: {  	v4 =	vld [tilespmem:s23+$0x10000]  }
0x1c4: {  	v6 =	vld [tilespmem:s19+$0x4180];
	_ =	sdelay $0x3  }
.Ltmp1:
0x1c5: {  	s20 =	sadd.s32 $0x40, s20;
	v2 =	vmul.f32 v2, v4;
	v3 =	vmul.f32 v3, v4;
	(pc) =	sbr.rel @p0 .LBB2_4-.Ltmp1, $4  }
0x1c6: {  	s21 =	sand.u32 $0x70, s22;
	s23 =	sand.u32 $0x3E00, s20;
	v5 =	vmul.f32 v5, v4;
	v4 =	vmul.f32 v6, v4  }
0x1c7: {  	s21 =	sor.u32 s21, s23;
	[tilespmem:s19+$0xC000] =	vst v2  }
0x1c8: {  	v2 =	vld [tilespmem:s21+$0x4000];
	[tilespmem:s19+$0xC080] =	vst v3  }
0x1c9: {  	s22 =	sadd.s32 $0x10, s22;
	v3 =	vld [tilespmem:s21+$0x4080];
	[tilespmem:s19+$0xC100] =	vst v5  }
0x1ca: {  	v5 =	vld [tilespmem:s21+$0x4100];
	s20 =	sshra.s32 s20, $0x2;
	[tilespmem:s19+$0xC180] =	vst v4  }
0x1cb: {  	v4 =	vld [tilespmem:s20+$0x10000];
	_ =	sdelay $0x2  }
0x1cc: {  	v6 =	vld [tilespmem:s21+$0x4180];
	_ =	sdelay $0x1  }
0x1cd: {  	v2 =	vmul.f32 v2, v4  }
0x1ce: {  	v3 =	vmul.f32 v3, v4  }
0x1cf: {  	v5 =	vmul.f32 v5, v4;
	[tilespmem:s21+$0xC000] =	vst v2  }
0x1d0: {  	v2 =	vmul.f32 v6, v4;
	[tilespmem:s21+$0xC080] =	vst v3  }
0x1d1: {  	[tilespmem:s21+$0xC100] =	vst v5  }
0x1d2: {  	s22 =	rddreg [dreg:$0x6];
	[tilespmem:s21+$0xC180] =	vst v2  }
0x1d3: {  	[hbm4b:s22+s9] =	stream.strided.scatter [tilespmem:s15], [sflag:$0x4], $0x4000, s10, s9, $0x38;
	[tilespmem:$0x11300] =	vst v63  }
0x1d4: {  	s23 =	rddreg [dreg:$0x7]  }
0x1d5: {  	[tilespmem:s11], [sflag:$0x2] =	stream.strided.gather [hbm4b:s23+s9], $0x4000, s10, s9, $0x38;
	[tilespmem:$0x11300] =	vst v63  }
0x1d6: {  	_ =	swait.ge [sflag:s12], $0x4000  }
0x1d7: {  	[sflag:s12] =	ssyncset.done $0x0  }
0x1d8: {  	[sflag:s12] =	ssyncadd.s32 $0xFFFFC000  }
0x1d9: {  	s20 =	simm.s32 $0x0;
	_ =	swait.ge [sflag:s16], $0x4000  }
0x1da: {  	s19 =	sand.u32 $0x3E00, s20;
	s21 =	sand.u32 $0x70, s20;
	[sflag:s16] =	ssyncset.done $0x0  }
0x1db: {  	s19 =	sor.u32 s21, s19;
	[sflag:s16] =	ssyncadd.s32 $0xFFFFC000  }
0x1dc: {  	s22 =	simm.s32 $0x0;
	v2 =	vld [tilespmem:s19+$0x0]  }
0x1dd: {  	v4 =	vld [tilespmem:s22+$0x10000]  }
0x1de: {  	v3 =	vld [tilespmem:s19+$0x80]  }
0x1df: {  	v5 =	vld [tilespmem:s19+$0x100]  }
0x1e0: {  	v6 =	vld [tilespmem:s19+$0x180];
	_ =	sdelay $0x1  }
0x1e1: {  	s20 =	simm.s32 $0x40;
	s23 =	simm.s32 $0x10;
	v2 =	vmul.f32 v2, v4  }
0x1e2: {  	s21 =	sand.u32 $0x70, s23;
	s22 =	sand.u32 $0x3E00, s20;
	v3 =	vmul.f32 v3, v4  }
0x1e3: {  	s21 =	sor.u32 s21, s22;
	v5 =	vmul.f32 v5, v4;
	[tilespmem:s19+$0x8000] =	vst v2  }
0x1e4: {  	v4 =	vmul.f32 v6, v4;
	v2 =	vld [tilespmem:s21+$0x0];
	[tilespmem:s19+$0x8080] =	vst v3  }
0x1e5: {  	s22 =	simm.s32 $0x20;
	v3 =	vld [tilespmem:s21+$0x80];
	[tilespmem:s19+$0x8100] =	vst v5  }
.LBB2_6:
0x1e6: {  	p0 =	sne.s32 s22, $0xFF0;
	s23 =	sshra.s32 s20, $0x2;
	v5 =	vld [tilespmem:s21+$0x100];
	[tilespmem:s19+$0x8180] =	vst v4;
	s19 =	smov.u32 s21  }
0x1e7: {  	v4 =	vld [tilespmem:s23+$0x10000]  }
0x1e8: {  	v6 =	vld [tilespmem:s19+$0x180];
	_ =	sdelay $0x3  }
.Ltmp2:
0x1e9: {  	s20 =	sadd.s32 $0x40, s20;
	v2 =	vmul.f32 v2, v4;
	v3 =	vmul.f32 v3, v4;
	(pc) =	sbr.rel @p0 .LBB2_6-.Ltmp2, $4  }
0x1ea: {  	s21 =	sand.u32 $0x70, s22;
	s23 =	sand.u32 $0x3E00, s20;
	v5 =	vmul.f32 v5, v4;
	v4 =	vmul.f32 v6, v4  }
0x1eb: {  	s21 =	sor.u32 s21, s23;
	[tilespmem:s19+$0x8000] =	vst v2  }
0x1ec: {  	v2 =	vld [tilespmem:s21+$0x0];
	[tilespmem:s19+$0x8080] =	vst v3  }
0x1ed: {  	s22 =	sadd.s32 $0x10, s22;
	v3 =	vld [tilespmem:s21+$0x80];
	[tilespmem:s19+$0x8100] =	vst v5  }
0x1ee: {  	v5 =	vld [tilespmem:s21+$0x100];
	s20 =	sshra.s32 s20, $0x2;
	[tilespmem:s19+$0x8180] =	vst v4  }
0x1ef: {  	v4 =	vld [tilespmem:s20+$0x10000];
	_ =	sdelay $0x2  }
0x1f0: {  	v6 =	vld [tilespmem:s21+$0x180];
	_ =	sdelay $0x1  }
0x1f1: {  	v2 =	vmul.f32 v2, v4  }
0x1f2: {  	v3 =	vmul.f32 v3, v4  }
0x1f3: {  	v5 =	vmul.f32 v5, v4;
	[tilespmem:s21+$0x8000] =	vst v2  }
0x1f4: {  	v2 =	vmul.f32 v6, v4;
	[tilespmem:s21+$0x8080] =	vst v3  }
0x1f5: {  	[tilespmem:s21+$0x8100] =	vst v5  }
0x1f6: {  	[tilespmem:s21+$0x8180] =	vst v2;
	s21 =	rddreg [dreg:$0x8]  }
0x1f7: {  	[hbm4b:s21+s9] =	stream.strided.scatter [tilespmem:s13], [sflag:$0x3], $0x4000, s10, s9, $0x38;
	[tilespmem:$0x11300] =	vst v63  }
0x1f8: {  	s22 =	simm.s32 $0x0;
	s23 =	rddreg [dreg:$0x9]  }
0x1f9: {  	[tilespmem:s22], [sflag:$0x1] =	stream.strided.gather [hbm4b:s23+s9], $0x4000, s10, s9, $0x38;
	[tilespmem:$0x11300] =	vst v63  }
0x1fa: {  	_ =	swait.ge [sflag:s14], $0x4000  }
0x1fb: {  	[sflag:s14] =	ssyncset.done $0x0  }
0x1fc: {  	[sflag:s14] =	ssyncadd.s32 $0xFFFFC000  }
0x1fd: {  	_ =	swait.ge [sflag:s17], $0x4000  }
0x1fe: {  	s19 =	sand.u32 $0x3E00, s22;
	s21 =	sand.u32 $0x70, s22;
	[sflag:s17] =	ssyncset.done $0x0  }
0x1ff: {  	s19 =	sor.u32 s21, s19;
	[sflag:s17] =	ssyncadd.s32 $0xFFFFC000  }
0x200: {  	s22 =	simm.s32 $0x0;
	v2 =	vld [tilespmem:s19+$0x4000]  }
0x201: {  	v4 =	vld [tilespmem:s22+$0x10000]  }
0x202: {  	v3 =	vld [tilespmem:s19+$0x4080]  }
0x203: {  	v5 =	vld [tilespmem:s19+$0x4100]  }
0x204: {  	v6 =	vld [tilespmem:s19+$0x4180];
	_ =	sdelay $0x1  }
0x205: {  	s20 =	simm.s32 $0x40;
	s23 =	simm.s32 $0x10;
	v2 =	vmul.f32 v2, v4  }
0x206: {  	s21 =	sand.u32 $0x70, s23;
	s22 =	sand.u32 $0x3E00, s20;
	v3 =	vmul.f32 v3, v4  }
0x207: {  	s21 =	sor.u32 s21, s22;
	v5 =	vmul.f32 v5, v4;
	[tilespmem:s19+$0xC000] =	vst v2  }
0x208: {  	v4 =	vmul.f32 v6, v4;
	v2 =	vld [tilespmem:s21+$0x4000];
	[tilespmem:s19+$0xC080] =	vst v3  }
0x209: {  	s22 =	simm.s32 $0x20;
	v3 =	vld [tilespmem:s21+$0x4080];
	[tilespmem:s19+$0xC100] =	vst v5  }
.LBB2_8:
0x20a: {  	p0 =	sne.s32 s22, $0xFF0;
	s23 =	sshra.s32 s20, $0x2;
	v5 =	vld [tilespmem:s21+$0x4100];
	[tilespmem:s19+$0xC180] =	vst v4;
	s19 =	smov.u32 s21  }
0x20b: {  	v4 =	vld [tilespmem:s23+$0x10000]  }
0x20c: {  	v6 =	vld [tilespmem:s19+$0x4180];
	_ =	sdelay $0x3  }
.Ltmp3:
0x20d: {  	s20 =	sadd.s32 $0x40, s20;
	v2 =	vmul.f32 v2, v4;
	v3 =	vmul.f32 v3, v4;
	(pc) =	sbr.rel @p0 .LBB2_8-.Ltmp3, $4  }
0x20e: {  	s21 =	sand.u32 $0x70, s22;
	s23 =	sand.u32 $0x3E00, s20;
	v5 =	vmul.f32 v5, v4;
	v4 =	vmul.f32 v6, v4  }
0x20f: {  	s21 =	sor.u32 s21, s23;
	[tilespmem:s19+$0xC000] =	vst v2  }
0x210: {  	v2 =	vld [tilespmem:s21+$0x4000];
	[tilespmem:s19+$0xC080] =	vst v3  }
0x211: {  	s22 =	sadd.s32 $0x10, s22;
	v3 =	vld [tilespmem:s21+$0x4080];
	[tilespmem:s19+$0xC100] =	vst v5  }
0x212: {  	v5 =	vld [tilespmem:s21+$0x4100];
	s20 =	sshra.s32 s20, $0x2;
	[tilespmem:s19+$0xC180] =	vst v4  }
0x213: {  	v4 =	vld [tilespmem:s20+$0x10000];
	_ =	sdelay $0x2  }
0x214: {  	v6 =	vld [tilespmem:s21+$0x4180];
	_ =	sdelay $0x1  }
0x215: {  	v2 =	vmul.f32 v2, v4  }
0x216: {  	v3 =	vmul.f32 v3, v4  }
0x217: {  	v5 =	vmul.f32 v5, v4;
	[tilespmem:s21+$0xC000] =	vst v2  }
0x218: {  	v2 =	vmul.f32 v6, v4;
	[tilespmem:s21+$0xC080] =	vst v3  }
0x219: {  	[tilespmem:s21+$0xC100] =	vst v5  }
0x21a: {  	s22 =	rddreg [dreg:$0xa];
	[tilespmem:s21+$0xC180] =	vst v2  }
0x21b: {  	[hbm4b:s22+s9] =	stream.strided.scatter [tilespmem:s15], [sflag:$0x4], $0x4000, s10, s9, $0x38;
	[tilespmem:$0x11300] =	vst v63  }
0x21c: {  	s23 =	rddreg [dreg:$0xb]  }
0x21d: {  	[tilespmem:s11], [sflag:$0x2] =	stream.strided.gather [hbm4b:s23+s9], $0x4000, s10, s9, $0x38;
	[tilespmem:$0x11300] =	vst v63  }
0x21e: {  	_ =	swait.ge [sflag:s12], $0x4000  }
0x21f: {  	[sflag:s12] =	ssyncset.done $0x0  }
0x220: {  	[sflag:s12] =	ssyncadd.s32 $0xFFFFC000  }
0x221: {  	s20 =	simm.s32 $0x0;
	_ =	swait.ge [sflag:s16], $0x4000  }
0x222: {  	s19 =	sand.u32 $0x3E00, s20;
	s21 =	sand.u32 $0x70, s20;
	[sflag:s16] =	ssyncset.done $0x0  }
0x223: {  	s19 =	sor.u32 s21, s19;
	[sflag:s16] =	ssyncadd.s32 $0xFFFFC000  }
0x224: {  	s22 =	simm.s32 $0x0;
	v2 =	vld [tilespmem:s19+$0x0]  }
0x225: {  	v4 =	vld [tilespmem:s22+$0x10000]  }
0x226: {  	v3 =	vld [tilespmem:s19+$0x80]  }
0x227: {  	v5 =	vld [tilespmem:s19+$0x100]  }
0x228: {  	v6 =	vld [tilespmem:s19+$0x180];
	_ =	sdelay $0x1  }
0x229: {  	s20 =	simm.s32 $0x40;
	s23 =	simm.s32 $0x10;
	v2 =	vmul.f32 v2, v4  }
0x22a: {  	s21 =	sand.u32 $0x70, s23;
	s22 =	sand.u32 $0x3E00, s20;
	v3 =	vmul.f32 v3, v4  }
0x22b: {  	s21 =	sor.u32 s21, s22;
	v5 =	vmul.f32 v5, v4;
	[tilespmem:s19+$0x8000] =	vst v2  }
0x22c: {  	v4 =	vmul.f32 v6, v4;
	v2 =	vld [tilespmem:s21+$0x0];
	[tilespmem:s19+$0x8080] =	vst v3  }
0x22d: {  	s22 =	simm.s32 $0x20;
	v3 =	vld [tilespmem:s21+$0x80];
	[tilespmem:s19+$0x8100] =	vst v5  }
.LBB2_10:
0x22e: {  	p0 =	sne.s32 s22, $0xFF0;
	s23 =	sshra.s32 s20, $0x2;
	v5 =	vld [tilespmem:s21+$0x100];
	[tilespmem:s19+$0x8180] =	vst v4;
	s19 =	smov.u32 s21  }
0x22f: {  	v4 =	vld [tilespmem:s23+$0x10000]  }
0x230: {  	v6 =	vld [tilespmem:s19+$0x180];
	_ =	sdelay $0x3  }
.Ltmp4:
0x231: {  	s20 =	sadd.s32 $0x40, s20;
	v2 =	vmul.f32 v2, v4;
	v3 =	vmul.f32 v3, v4;
	(pc) =	sbr.rel @p0 .LBB2_10-.Ltmp4, $4  }
0x232: {  	s21 =	sand.u32 $0x70, s22;
	s23 =	sand.u32 $0x3E00, s20;
	v5 =	vmul.f32 v5, v4;
	v4 =	vmul.f32 v6, v4  }
0x233: {  	s21 =	sor.u32 s21, s23;
	[tilespmem:s19+$0x8000] =	vst v2  }
0x234: {  	v2 =	vld [tilespmem:s21+$0x0];
	[tilespmem:s19+$0x8080] =	vst v3  }
0x235: {  	s22 =	sadd.s32 $0x10, s22;
	v3 =	vld [tilespmem:s21+$0x80];
	[tilespmem:s19+$0x8100] =	vst v5  }
0x236: {  	v5 =	vld [tilespmem:s21+$0x100];
	s20 =	sshra.s32 s20, $0x2;
	[tilespmem:s19+$0x8180] =	vst v4  }
0x237: {  	v4 =	vld [tilespmem:s20+$0x10000];
	_ =	sdelay $0x2  }
0x238: {  	v6 =	vld [tilespmem:s21+$0x180];
	_ =	sdelay $0x1  }
0x239: {  	v2 =	vmul.f32 v2, v4  }
0x23a: {  	v3 =	vmul.f32 v3, v4  }
0x23b: {  	v5 =	vmul.f32 v5, v4;
	[tilespmem:s21+$0x8000] =	vst v2  }
0x23c: {  	v2 =	vmul.f32 v6, v4;
	[tilespmem:s21+$0x8080] =	vst v3  }
0x23d: {  	[tilespmem:s21+$0x8100] =	vst v5  }
0x23e: {  	[tilespmem:s21+$0x8180] =	vst v2;
	s21 =	rddreg [dreg:$0xc]  }
0x23f: {  	[hbm4b:s21+s9] =	stream.strided.scatter [tilespmem:s13], [sflag:$0x3], $0x4000, s10, s9, $0x38;
	[tilespmem:$0x11300] =	vst v63  }
0x240: {  	s22 =	simm.s32 $0x0;
	s23 =	rddreg [dreg:$0xd]  }
0x241: {  	[tilespmem:s22], [sflag:$0x1] =	stream.strided.gather [hbm4b:s23+s9], $0x4000, s10, s9, $0x38;
	[tilespmem:$0x11300] =	vst v63  }
0x242: {  	_ =	swait.ge [sflag:s14], $0x4000  }
0x243: {  	[sflag:s14] =	ssyncset.done $0x0  }
0x244: {  	[sflag:s14] =	ssyncadd.s32 $0xFFFFC000  }
0x245: {  	_ =	swait.ge [sflag:s17], $0x4000  }
0x246: {  	s19 =	sand.u32 $0x3E00, s22;
	s21 =	sand.u32 $0x70, s22;
	[sflag:s17] =	ssyncset.done $0x0  }
0x247: {  	s19 =	sor.u32 s21, s19;
	[sflag:s17] =	ssyncadd.s32 $0xFFFFC000  }
0x248: {  	s22 =	simm.s32 $0x0;
	v2 =	vld [tilespmem:s19+$0x4000]  }
0x249: {  	v4 =	vld [tilespmem:s22+$0x10000]  }
0x24a: {  	v3 =	vld [tilespmem:s19+$0x4080]  }
0x24b: {  	v5 =	vld [tilespmem:s19+$0x4100]  }
0x24c: {  	v6 =	vld [tilespmem:s19+$0x4180];
	_ =	sdelay $0x1  }
0x24d: {  	s20 =	simm.s32 $0x40;
	s23 =	simm.s32 $0x10;
	v2 =	vmul.f32 v2, v4  }
0x24e: {  	s21 =	sand.u32 $0x70, s23;
	s22 =	sand.u32 $0x3E00, s20;
	v3 =	vmul.f32 v3, v4  }
0x24f: {  	s21 =	sor.u32 s21, s22;
	v5 =	vmul.f32 v5, v4;
	[tilespmem:s19+$0xC000] =	vst v2  }
0x250: {  	v4 =	vmul.f32 v6, v4;
	v2 =	vld [tilespmem:s21+$0x4000];
	[tilespmem:s19+$0xC080] =	vst v3  }
0x251: {  	s22 =	simm.s32 $0x20;
	v3 =	vld [tilespmem:s21+$0x4080];
	[tilespmem:s19+$0xC100] =	vst v5  }
.LBB2_12:
0x252: {  	p0 =	sne.s32 s22, $0xFF0;
	s23 =	sshra.s32 s20, $0x2;
	v5 =	vld [tilespmem:s21+$0x4100];
	[tilespmem:s19+$0xC180] =	vst v4;
	s19 =	smov.u32 s21  }
0x253: {  	v4 =	vld [tilespmem:s23+$0x10000]  }
0x254: {  	v6 =	vld [tilespmem:s19+$0x4180];
	_ =	sdelay $0x3  }
.Ltmp5:
0x255: {  	s20 =	sadd.s32 $0x40, s20;
	v2 =	vmul.f32 v2, v4;
	v3 =	vmul.f32 v3, v4;
	(pc) =	sbr.rel @p0 .LBB2_12-.Ltmp5, $4  }
0x256: {  	s21 =	sand.u32 $0x70, s22;
	s23 =	sand.u32 $0x3E00, s20;
	v5 =	vmul.f32 v5, v4;
	v4 =	vmul.f32 v6, v4  }
0x257: {  	s21 =	sor.u32 s21, s23;
	[tilespmem:s19+$0xC000] =	vst v2  }
0x258: {  	v2 =	vld [tilespmem:s21+$0x4000];
	[tilespmem:s19+$0xC080] =	vst v3  }
0x259: {  	s22 =	sadd.s32 $0x10, s22;
	v3 =	vld [tilespmem:s21+$0x4080];
	[tilespmem:s19+$0xC100] =	vst v5  }
0x25a: {  	v5 =	vld [tilespmem:s21+$0x4100];
	s20 =	sshra.s32 s20, $0x2;
	[tilespmem:s19+$0xC180] =	vst v4  }
0x25b: {  	v4 =	vld [tilespmem:s20+$0x10000];
	_ =	sdelay $0x2  }
0x25c: {  	v6 =	vld [tilespmem:s21+$0x4180];
	_ =	sdelay $0x1  }
0x25d: {  	v2 =	vmul.f32 v2, v4  }
0x25e: {  	v3 =	vmul.f32 v3, v4  }
0x25f: {  	v5 =	vmul.f32 v5, v4;
	[tilespmem:s21+$0xC000] =	vst v2  }
0x260: {  	v2 =	vmul.f32 v6, v4;
	[tilespmem:s21+$0xC080] =	vst v3  }
0x261: {  	[tilespmem:s21+$0xC100] =	vst v5  }
0x262: {  	s22 =	rddreg [dreg:$0xe];
	[tilespmem:s21+$0xC180] =	vst v2  }
0x263: {  	[hbm4b:s22+s9] =	stream.strided.scatter [tilespmem:s15], [sflag:$0x4], $0x4000, s10, s9, $0x38;
	[tilespmem:$0x11300] =	vst v63  }
0x264: {  	s23 =	rddreg [dreg:$0xf]  }
0x265: {  	[tilespmem:s11], [sflag:$0x2] =	stream.strided.gather [hbm4b:s23+s9], $0x4000, s10, s9, $0x38;
	[tilespmem:$0x11300] =	vst v63  }
0x266: {  	_ =	swait.ge [sflag:s12], $0x4000  }
0x267: {  	[sflag:s12] =	ssyncset.done $0x0  }
0x268: {  	[sflag:s12] =	ssyncadd.s32 $0xFFFFC000  }
0x269: {  	s20 =	simm.s32 $0x0;
	_ =	swait.ge [sflag:s16], $0x4000  }
0x26a: {  	s19 =	sand.u32 $0x3E00, s20;
	s21 =	sand.u32 $0x70, s20;
	[sflag:s16] =	ssyncset.done $0x0  }
0x26b: {  	s19 =	sor.u32 s21, s19;
	[sflag:s16] =	ssyncadd.s32 $0xFFFFC000  }
0x26c: {  	s22 =	simm.s32 $0x0;
	v2 =	vld [tilespmem:s19+$0x0]  }
0x26d: {  	v4 =	vld [tilespmem:s22+$0x10000]  }
0x26e: {  	v3 =	vld [tilespmem:s19+$0x80]  }
0x26f: {  	v5 =	vld [tilespmem:s19+$0x100]  }
0x270: {  	v6 =	vld [tilespmem:s19+$0x180];
	_ =	sdelay $0x1  }
0x271: {  	s20 =	simm.s32 $0x40;
	s23 =	simm.s32 $0x10;
	v2 =	vmul.f32 v2, v4  }
0x272: {  	s21 =	sand.u32 $0x70, s23;
	s22 =	sand.u32 $0x3E00, s20;
	v3 =	vmul.f32 v3, v4  }
0x273: {  	s21 =	sor.u32 s21, s22;
	v5 =	vmul.f32 v5, v4;
	[tilespmem:s19+$0x8000] =	vst v2  }
0x274: {  	v4 =	vmul.f32 v6, v4;
	v2 =	vld [tilespmem:s21+$0x0];
	[tilespmem:s19+$0x8080] =	vst v3  }
0x275: {  	s22 =	simm.s32 $0x20;
	v3 =	vld [tilespmem:s21+$0x80];
	[tilespmem:s19+$0x8100] =	vst v5  }
.LBB2_14:
0x276: {  	p0 =	sne.s32 s22, $0xFF0;
	s23 =	sshra.s32 s20, $0x2;
	v5 =	vld [tilespmem:s21+$0x100];
	[tilespmem:s19+$0x8180] =	vst v4;
	s19 =	smov.u32 s21  }
0x277: {  	v4 =	vld [tilespmem:s23+$0x10000]  }
0x278: {  	v6 =	vld [tilespmem:s19+$0x180];
	_ =	sdelay $0x3  }
.Ltmp6:
0x279: {  	s20 =	sadd.s32 $0x40, s20;
	v2 =	vmul.f32 v2, v4;
	v3 =	vmul.f32 v3, v4;
	(pc) =	sbr.rel @p0 .LBB2_14-.Ltmp6, $4  }
0x27a: {  	s21 =	sand.u32 $0x70, s22;
	s23 =	sand.u32 $0x3E00, s20;
	v5 =	vmul.f32 v5, v4;
	v4 =	vmul.f32 v6, v4  }
0x27b: {  	s21 =	sor.u32 s21, s23;
	[tilespmem:s19+$0x8000] =	vst v2  }
0x27c: {  	v2 =	vld [tilespmem:s21+$0x0];
	[tilespmem:s19+$0x8080] =	vst v3  }
0x27d: {  	s22 =	sadd.s32 $0x10, s22;
	v3 =	vld [tilespmem:s21+$0x80];
	[tilespmem:s19+$0x8100] =	vst v5  }
0x27e: {  	v5 =	vld [tilespmem:s21+$0x100];
	s20 =	sshra.s32 s20, $0x2;
	[tilespmem:s19+$0x8180] =	vst v4  }
0x27f: {  	v4 =	vld [tilespmem:s20+$0x10000];
	_ =	sdelay $0x2  }
0x280: {  	v6 =	vld [tilespmem:s21+$0x180];
	_ =	sdelay $0x1  }
0x281: {  	v2 =	vmul.f32 v2, v4  }
0x282: {  	v3 =	vmul.f32 v3, v4  }
0x283: {  	v5 =	vmul.f32 v5, v4;
	[tilespmem:s21+$0x8000] =	vst v2  }
0x284: {  	v2 =	vmul.f32 v6, v4;
	[tilespmem:s21+$0x8080] =	vst v3  }
0x285: {  	[tilespmem:s21+$0x8100] =	vst v5  }
0x286: {  	[tilespmem:s21+$0x8180] =	vst v2;
	s21 =	rddreg [dreg:$0x10]  }
0x287: {  	[hbm4b:s21+s9] =	stream.strided.scatter [tilespmem:s13], [sflag:$0x3], $0x4000, s10, s9, $0x38;
	[tilespmem:$0x11300] =	vst v63  }
0x288: {  	s22 =	simm.s32 $0x0;
	s23 =	rddreg [dreg:$0x11]  }
0x289: {  	[tilespmem:s22], [sflag:$0x1] =	stream.strided.gather [hbm4b:s23+s9], $0x4000, s10, s9, $0x38;
	[tilespmem:$0x11300] =	vst v63  }
0x28a: {  	_ =	swait.ge [sflag:s14], $0x4000  }
0x28b: {  	[sflag:s14] =	ssyncset.done $0x0  }
0x28c: {  	[sflag:s14] =	ssyncadd.s32 $0xFFFFC000  }
0x28d: {  	_ =	swait.ge [sflag:s17], $0x4000  }
0x28e: {  	s19 =	sand.u32 $0x3E00, s22;
	s21 =	sand.u32 $0x70, s22;
	[sflag:s17] =	ssyncset.done $0x0  }
0x28f: {  	s19 =	sor.u32 s21, s19;
	[sflag:s17] =	ssyncadd.s32 $0xFFFFC000  }
0x290: {  	s22 =	simm.s32 $0x0;
	v2 =	vld [tilespmem:s19+$0x4000]  }
0x291: {  	v4 =	vld [tilespmem:s22+$0x10000]  }
0x292: {  	v3 =	vld [tilespmem:s19+$0x4080]  }
0x293: {  	v5 =	vld [tilespmem:s19+$0x4100]  }
0x294: {  	v6 =	vld [tilespmem:s19+$0x4180];
	_ =	sdelay $0x1  }
0x295: {  	s20 =	simm.s32 $0x40;
	s23 =	simm.s32 $0x10;
	v2 =	vmul.f32 v2, v4  }
0x296: {  	s21 =	sand.u32 $0x70, s23;
	s22 =	sand.u32 $0x3E00, s20;
	v3 =	vmul.f32 v3, v4  }
0x297: {  	s21 =	sor.u32 s21, s22;
	v5 =	vmul.f32 v5, v4;
	[tilespmem:s19+$0xC000] =	vst v2  }
0x298: {  	v4 =	vmul.f32 v6, v4;
	v2 =	vld [tilespmem:s21+$0x4000];
	[tilespmem:s19+$0xC080] =	vst v3  }
0x299: {  	s22 =	simm.s32 $0x20;
	v3 =	vld [tilespmem:s21+$0x4080];
	[tilespmem:s19+$0xC100] =	vst v5  }
.LBB2_16:
0x29a: {  	p0 =	sne.s32 s22, $0xFF0;
	s23 =	sshra.s32 s20, $0x2;
	v5 =	vld [tilespmem:s21+$0x4100];
	[tilespmem:s19+$0xC180] =	vst v4;
	s19 =	smov.u32 s21  }
0x29b: {  	v4 =	vld [tilespmem:s23+$0x10000]  }
0x29c: {  	v6 =	vld [tilespmem:s19+$0x4180];
	_ =	sdelay $0x3  }
.Ltmp7:
0x29d: {  	s20 =	sadd.s32 $0x40, s20;
	v2 =	vmul.f32 v2, v4;
	v3 =	vmul.f32 v3, v4;
	(pc) =	sbr.rel @p0 .LBB2_16-.Ltmp7, $4  }
0x29e: {  	s21 =	sand.u32 $0x70, s22;
	s23 =	sand.u32 $0x3E00, s20;
	v5 =	vmul.f32 v5, v4;
	v4 =	vmul.f32 v6, v4  }
0x29f: {  	s21 =	sor.u32 s21, s23;
	[tilespmem:s19+$0xC000] =	vst v2  }
0x2a0: {  	v2 =	vld [tilespmem:s21+$0x4000];
	[tilespmem:s19+$0xC080] =	vst v3  }
0x2a1: {  	s22 =	sadd.s32 $0x10, s22;
	v3 =	vld [tilespmem:s21+$0x4080];
	[tilespmem:s19+$0xC100] =	vst v5  }
0x2a2: {  	v5 =	vld [tilespmem:s21+$0x4100];
	s20 =	sshra.s32 s20, $0x2;
	[tilespmem:s19+$0xC180] =	vst v4  }
0x2a3: {  	v4 =	vld [tilespmem:s20+$0x10000];
	_ =	sdelay $0x2  }
0x2a4: {  	v6 =	vld [tilespmem:s21+$0x4180];
	_ =	sdelay $0x1  }
0x2a5: {  	v2 =	vmul.f32 v2, v4  }
0x2a6: {  	v3 =	vmul.f32 v3, v4  }
0x2a7: {  	v5 =	vmul.f32 v5, v4;
	[tilespmem:s21+$0xC000] =	vst v2  }
0x2a8: {  	v2 =	vmul.f32 v6, v4;
	[tilespmem:s21+$0xC080] =	vst v3  }
0x2a9: {  	[tilespmem:s21+$0xC100] =	vst v5  }
0x2aa: {  	s22 =	rddreg [dreg:$0x12];
	[tilespmem:s21+$0xC180] =	vst v2  }
0x2ab: {  	[hbm4b:s22+s9] =	stream.strided.scatter [tilespmem:s15], [sflag:$0x4], $0x4000, s10, s9, $0x38;
	[tilespmem:$0x11300] =	vst v63  }
0x2ac: {  	s23 =	rddreg [dreg:$0x13]  }
0x2ad: {  	[tilespmem:s11], [sflag:$0x2] =	stream.strided.gather [hbm4b:s23+s9], $0x4000, s10, s9, $0x38;
	[tilespmem:$0x11300] =	vst v63  }
0x2ae: {  	_ =	swait.ge [sflag:s12], $0x4000  }
0x2af: {  	[sflag:s12] =	ssyncset.done $0x0  }
0x2b0: {  	[sflag:s12] =	ssyncadd.s32 $0xFFFFC000  }
0x2b1: {  	s20 =	simm.s32 $0x0;
	_ =	swait.ge [sflag:s16], $0x4000  }
0x2b2: {  	s19 =	sand.u32 $0x3E00, s20;
	s21 =	sand.u32 $0x70, s20;
	[sflag:s16] =	ssyncset.done $0x0  }
0x2b3: {  	s19 =	sor.u32 s21, s19;
	[sflag:s16] =	ssyncadd.s32 $0xFFFFC000  }
0x2b4: {  	s22 =	simm.s32 $0x0;
	v2 =	vld [tilespmem:s19+$0x0]  }
0x2b5: {  	v4 =	vld [tilespmem:s22+$0x10000]  }
0x2b6: {  	v3 =	vld [tilespmem:s19+$0x80]  }
0x2b7: {  	v5 =	vld [tilespmem:s19+$0x100]  }
0x2b8: {  	v6 =	vld [tilespmem:s19+$0x180];
	_ =	sdelay $0x1  }
0x2b9: {  	s20 =	simm.s32 $0x40;
	s23 =	simm.s32 $0x10;
	v2 =	vmul.f32 v2, v4  }
0x2ba: {  	s21 =	sand.u32 $0x70, s23;
	s22 =	sand.u32 $0x3E00, s20;
	v3 =	vmul.f32 v3, v4  }
0x2bb: {  	s21 =	sor.u32 s21, s22;
	v5 =	vmul.f32 v5, v4;
	[tilespmem:s19+$0x8000] =	vst v2  }
0x2bc: {  	v4 =	vmul.f32 v6, v4;
	v2 =	vld [tilespmem:s21+$0x0];
	[tilespmem:s19+$0x8080] =	vst v3  }
0x2bd: {  	s22 =	simm.s32 $0x20;
	v3 =	vld [tilespmem:s21+$0x80];
	[tilespmem:s19+$0x8100] =	vst v5  }
.LBB2_18:
0x2be: {  	p0 =	sne.s32 s22, $0xFF0;
	s23 =	sshra.s32 s20, $0x2;
	v5 =	vld [tilespmem:s21+$0x100];
	[tilespmem:s19+$0x8180] =	vst v4;
	s19 =	smov.u32 s21  }
0x2bf: {  	v4 =	vld [tilespmem:s23+$0x10000]  }
0x2c0: {  	v6 =	vld [tilespmem:s19+$0x180];
	_ =	sdelay $0x3  }
.Ltmp8:
0x2c1: {  	s20 =	sadd.s32 $0x40, s20;
	v2 =	vmul.f32 v2, v4;
	v3 =	vmul.f32 v3, v4;
	(pc) =	sbr.rel @p0 .LBB2_18-.Ltmp8, $4  }
0x2c2: {  	s21 =	sand.u32 $0x70, s22;
	s23 =	sand.u32 $0x3E00, s20;
	v5 =	vmul.f32 v5, v4;
	v4 =	vmul.f32 v6, v4  }
0x2c3: {  	s21 =	sor.u32 s21, s23;
	[tilespmem:s19+$0x8000] =	vst v2  }
0x2c4: {  	v2 =	vld [tilespmem:s21+$0x0];
	[tilespmem:s19+$0x8080] =	vst v3  }
0x2c5: {  	s22 =	sadd.s32 $0x10, s22;
	v3 =	vld [tilespmem:s21+$0x80];
	[tilespmem:s19+$0x8100] =	vst v5  }
0x2c6: {  	v5 =	vld [tilespmem:s21+$0x100];
	s20 =	sshra.s32 s20, $0x2;
	[tilespmem:s19+$0x8180] =	vst v4  }
0x2c7: {  	v4 =	vld [tilespmem:s20+$0x10000];
	_ =	sdelay $0x2  }
0x2c8: {  	v6 =	vld [tilespmem:s21+$0x180];
	_ =	sdelay $0x1  }
0x2c9: {  	v2 =	vmul.f32 v2, v4  }
0x2ca: {  	v3 =	vmul.f32 v3, v4  }
0x2cb: {  	v5 =	vmul.f32 v5, v4;
	[tilespmem:s21+$0x8000] =	vst v2  }
0x2cc: {  	v2 =	vmul.f32 v6, v4;
	[tilespmem:s21+$0x8080] =	vst v3  }
0x2cd: {  	[tilespmem:s21+$0x8100] =	vst v5  }
0x2ce: {  	[tilespmem:s21+$0x8180] =	vst v2;
	s21 =	rddreg [dreg:$0x14]  }
0x2cf: {  	[hbm4b:s21+s9] =	stream.strided.scatter [tilespmem:s13], [sflag:$0x3], $0x4000, s10, s9, $0x38;
	[tilespmem:$0x11300] =	vst v63  }
0x2d0: {  	s22 =	simm.s32 $0x0;
	s23 =	rddreg [dreg:$0x15]  }
0x2d1: {  	[tilespmem:s22], [sflag:$0x1] =	stream.strided.gather [hbm4b:s23+s9], $0x4000, s10, s9, $0x38;
	[tilespmem:$0x11300] =	vst v63  }
0x2d2: {  	_ =	swait.ge [sflag:s14], $0x4000  }
0x2d3: {  	[sflag:s14] =	ssyncset.done $0x0  }
0x2d4: {  	[sflag:s14] =	ssyncadd.s32 $0xFFFFC000  }
0x2d5: {  	_ =	swait.ge [sflag:s17], $0x4000  }
0x2d6: {  	s19 =	sand.u32 $0x3E00, s22;
	s21 =	sand.u32 $0x70, s22;
	[sflag:s17] =	ssyncset.done $0x0  }
0x2d7: {  	s19 =	sor.u32 s21, s19;
	[sflag:s17] =	ssyncadd.s32 $0xFFFFC000  }
0x2d8: {  	s22 =	simm.s32 $0x0;
	v2 =	vld [tilespmem:s19+$0x4000]  }
0x2d9: {  	v4 =	vld [tilespmem:s22+$0x10000]  }
0x2da: {  	v3 =	vld [tilespmem:s19+$0x4080]  }
0x2db: {  	v5 =	vld [tilespmem:s19+$0x4100]  }
0x2dc: {  	v6 =	vld [tilespmem:s19+$0x4180];
	_ =	sdelay $0x1  }
0x2dd: {  	s20 =	simm.s32 $0x40;
	s23 =	simm.s32 $0x10;
	v2 =	vmul.f32 v2, v4  }
0x2de: {  	s21 =	sand.u32 $0x70, s23;
	s22 =	sand.u32 $0x3E00, s20;
	v3 =	vmul.f32 v3, v4  }
0x2df: {  	s21 =	sor.u32 s21, s22;
	v5 =	vmul.f32 v5, v4;
	[tilespmem:s19+$0xC000] =	vst v2  }
0x2e0: {  	v4 =	vmul.f32 v6, v4;
	v2 =	vld [tilespmem:s21+$0x4000];
	[tilespmem:s19+$0xC080] =	vst v3  }
0x2e1: {  	s22 =	simm.s32 $0x20;
	v3 =	vld [tilespmem:s21+$0x4080];
	[tilespmem:s19+$0xC100] =	vst v5  }
.LBB2_20:
0x2e2: {  	p0 =	sne.s32 s22, $0xFF0;
	s23 =	sshra.s32 s20, $0x2;
	v5 =	vld [tilespmem:s21+$0x4100];
	[tilespmem:s19+$0xC180] =	vst v4;
	s19 =	smov.u32 s21  }
0x2e3: {  	v4 =	vld [tilespmem:s23+$0x10000]  }
0x2e4: {  	v6 =	vld [tilespmem:s19+$0x4180];
	_ =	sdelay $0x3  }
.Ltmp9:
0x2e5: {  	s20 =	sadd.s32 $0x40, s20;
	v2 =	vmul.f32 v2, v4;
	v3 =	vmul.f32 v3, v4;
	(pc) =	sbr.rel @p0 .LBB2_20-.Ltmp9, $4  }
0x2e6: {  	s21 =	sand.u32 $0x70, s22;
	s23 =	sand.u32 $0x3E00, s20;
	v5 =	vmul.f32 v5, v4;
	v4 =	vmul.f32 v6, v4  }
0x2e7: {  	s21 =	sor.u32 s21, s23;
	[tilespmem:s19+$0xC000] =	vst v2  }
0x2e8: {  	v2 =	vld [tilespmem:s21+$0x4000];
	[tilespmem:s19+$0xC080] =	vst v3  }
0x2e9: {  	s22 =	sadd.s32 $0x10, s22;
	v3 =	vld [tilespmem:s21+$0x4080];
	[tilespmem:s19+$0xC100] =	vst v5  }
0x2ea: {  	v5 =	vld [tilespmem:s21+$0x4100];
	s20 =	sshra.s32 s20, $0x2;
	[tilespmem:s19+$0xC180] =	vst v4  }
0x2eb: {  	v4 =	vld [tilespmem:s20+$0x10000];
	_ =	sdelay $0x2  }
0x2ec: {  	v6 =	vld [tilespmem:s21+$0x4180];
	_ =	sdelay $0x1  }
0x2ed: {  	v2 =	vmul.f32 v2, v4  }
0x2ee: {  	v3 =	vmul.f32 v3, v4  }
0x2ef: {  	v5 =	vmul.f32 v5, v4;
	[tilespmem:s21+$0xC000] =	vst v2  }
0x2f0: {  	v2 =	vmul.f32 v6, v4;
	[tilespmem:s21+$0xC080] =	vst v3  }
0x2f1: {  	[tilespmem:s21+$0xC100] =	vst v5  }
0x2f2: {  	s22 =	rddreg [dreg:$0x16];
	[tilespmem:s21+$0xC180] =	vst v2  }
0x2f3: {  	[hbm4b:s22+s9] =	stream.strided.scatter [tilespmem:s15], [sflag:$0x4], $0x4000, s10, s9, $0x38;
	[tilespmem:$0x11300] =	vst v63  }
0x2f4: {  	s23 =	rddreg [dreg:$0x18]  }
0x2f5: {  	[tilespmem:s11], [sflag:$0x2] =	stream.strided.gather [hbm4b:s23+s9], $0x4000, s10, s9, $0x38;
	[tilespmem:$0x11300] =	vst v63  }
0x2f6: {  	_ =	swait.ge [sflag:s12], $0x4000  }
0x2f7: {  	[sflag:s12] =	ssyncset.done $0x0  }
0x2f8: {  	[sflag:s12] =	ssyncadd.s32 $0xFFFFC000  }
0x2f9: {  	s20 =	simm.s32 $0x0;
	_ =	swait.ge [sflag:s16], $0x4000  }
0x2fa: {  	s19 =	sand.u32 $0x3E00, s20;
	s21 =	sand.u32 $0x70, s20;
	[sflag:s16] =	ssyncset.done $0x0  }
0x2fb: {  	s19 =	sor.u32 s21, s19;
	[sflag:s16] =	ssyncadd.s32 $0xFFFFC000  }
0x2fc: {  	s22 =	simm.s32 $0x0;
	v2 =	vld [tilespmem:s19+$0x0]  }
0x2fd: {  	v4 =	vld [tilespmem:s22+$0x10000]  }
0x2fe: {  	v3 =	vld [tilespmem:s19+$0x80]  }
0x2ff: {  	v5 =	vld [tilespmem:s19+$0x100]  }
0x300: {  	v6 =	vld [tilespmem:s19+$0x180];
	_ =	sdelay $0x1  }
0x301: {  	s20 =	simm.s32 $0x40;
	s23 =	simm.s32 $0x10;
	v2 =	vmul.f32 v2, v4  }
0x302: {  	s21 =	sand.u32 $0x70, s23;
	s22 =	sand.u32 $0x3E00, s20;
	v3 =	vmul.f32 v3, v4  }
0x303: {  	s21 =	sor.u32 s21, s22;
	v5 =	vmul.f32 v5, v4;
	[tilespmem:s19+$0x8000] =	vst v2  }
0x304: {  	v4 =	vmul.f32 v6, v4;
	v2 =	vld [tilespmem:s21+$0x0];
	[tilespmem:s19+$0x8080] =	vst v3  }
0x305: {  	s22 =	simm.s32 $0x20;
	v3 =	vld [tilespmem:s21+$0x80];
	[tilespmem:s19+$0x8100] =	vst v5  }
.LBB2_22:
0x306: {  	p0 =	sne.s32 s22, $0xFF0;
	s23 =	sshra.s32 s20, $0x2;
	v5 =	vld [tilespmem:s21+$0x100];
	[tilespmem:s19+$0x8180] =	vst v4;
	s19 =	smov.u32 s21  }
0x307: {  	v4 =	vld [tilespmem:s23+$0x10000]  }
0x308: {  	v6 =	vld [tilespmem:s19+$0x180];
	_ =	sdelay $0x3  }
.Ltmp10:
0x309: {  	s20 =	sadd.s32 $0x40, s20;
	v2 =	vmul.f32 v2, v4;
	v3 =	vmul.f32 v3, v4;
	(pc) =	sbr.rel @p0 .LBB2_22-.Ltmp10, $4  }
0x30a: {  	s21 =	sand.u32 $0x70, s22;
	s23 =	sand.u32 $0x3E00, s20;
	v5 =	vmul.f32 v5, v4;
	v4 =	vmul.f32 v6, v4  }
0x30b: {  	s21 =	sor.u32 s21, s23;
	[tilespmem:s19+$0x8000] =	vst v2  }
0x30c: {  	v2 =	vld [tilespmem:s21+$0x0];
	[tilespmem:s19+$0x8080] =	vst v3  }
0x30d: {  	s22 =	sadd.s32 $0x10, s22;
	v3 =	vld [tilespmem:s21+$0x80];
	[tilespmem:s19+$0x8100] =	vst v5  }
0x30e: {  	v5 =	vld [tilespmem:s21+$0x100];
	s20 =	sshra.s32 s20, $0x2;
	[tilespmem:s19+$0x8180] =	vst v4  }
0x30f: {  	v4 =	vld [tilespmem:s20+$0x10000];
	_ =	sdelay $0x2  }
0x310: {  	v6 =	vld [tilespmem:s21+$0x180];
	_ =	sdelay $0x1  }
0x311: {  	v2 =	vmul.f32 v2, v4  }
0x312: {  	v3 =	vmul.f32 v3, v4  }
0x313: {  	v5 =	vmul.f32 v5, v4;
	[tilespmem:s21+$0x8000] =	vst v2  }
0x314: {  	v2 =	vmul.f32 v6, v4;
	[tilespmem:s21+$0x8080] =	vst v3  }
0x315: {  	[tilespmem:s21+$0x8100] =	vst v5  }
0x316: {  	[tilespmem:s21+$0x8180] =	vst v2;
	s21 =	rddreg [dreg:$0x17]  }
0x317: {  	[hbm4b:s21+s9] =	stream.strided.scatter [tilespmem:s13], [sflag:$0x3], $0x4000, s10, s9, $0x38;
	[tilespmem:$0x11300] =	vst v63  }
0x318: {  	s22 =	simm.s32 $0x0;
	s23 =	rddreg [dreg:$0x1a]  }
0x319: {  	[tilespmem:s22], [sflag:$0x1] =	stream.strided.gather [hbm4b:s23+s9], $0x4000, s10, s9, $0x38;
	[tilespmem:$0x11300] =	vst v63  }
0x31a: {  	_ =	swait.ge [sflag:s14], $0x4000  }
0x31b: {  	[sflag:s14] =	ssyncset.done $0x0  }
0x31c: {  	[sflag:s14] =	ssyncadd.s32 $0xFFFFC000  }
0x31d: {  	_ =	swait.ge [sflag:s17], $0x4000  }
0x31e: {  	s19 =	sand.u32 $0x3E00, s22;
	s21 =	sand.u32 $0x70, s22;
	[sflag:s17] =	ssyncset.done $0x0  }
0x31f: {  	s19 =	sor.u32 s21, s19;
	[sflag:s17] =	ssyncadd.s32 $0xFFFFC000  }
0x320: {  	s22 =	simm.s32 $0x0;
	v2 =	vld [tilespmem:s19+$0x4000]  }
0x321: {  	v4 =	vld [tilespmem:s22+$0x10000]  }
0x322: {  	v3 =	vld [tilespmem:s19+$0x4080]  }
0x323: {  	v5 =	vld [tilespmem:s19+$0x4100]  }
0x324: {  	v6 =	vld [tilespmem:s19+$0x4180];
	_ =	sdelay $0x1  }
0x325: {  	s20 =	simm.s32 $0x40;
	s23 =	simm.s32 $0x10;
	v2 =	vmul.f32 v2, v4  }
0x326: {  	s21 =	sand.u32 $0x70, s23;
	s22 =	sand.u32 $0x3E00, s20;
	v3 =	vmul.f32 v3, v4  }
0x327: {  	s21 =	sor.u32 s21, s22;
	v5 =	vmul.f32 v5, v4;
	[tilespmem:s19+$0xC000] =	vst v2  }
0x328: {  	v4 =	vmul.f32 v6, v4;
	v2 =	vld [tilespmem:s21+$0x4000];
	[tilespmem:s19+$0xC080] =	vst v3  }
0x329: {  	s22 =	simm.s32 $0x20;
	v3 =	vld [tilespmem:s21+$0x4080];
	[tilespmem:s19+$0xC100] =	vst v5  }
.LBB2_24:
0x32a: {  	p0 =	sne.s32 s22, $0xFF0;
	s23 =	sshra.s32 s20, $0x2;
	v5 =	vld [tilespmem:s21+$0x4100];
	[tilespmem:s19+$0xC180] =	vst v4;
	s19 =	smov.u32 s21  }
0x32b: {  	v4 =	vld [tilespmem:s23+$0x10000]  }
0x32c: {  	v6 =	vld [tilespmem:s19+$0x4180];
	_ =	sdelay $0x3  }
.Ltmp11:
0x32d: {  	s20 =	sadd.s32 $0x40, s20;
	v2 =	vmul.f32 v2, v4;
	v3 =	vmul.f32 v3, v4;
	(pc) =	sbr.rel @p0 .LBB2_24-.Ltmp11, $4  }
0x32e: {  	s21 =	sand.u32 $0x70, s22;
	s23 =	sand.u32 $0x3E00, s20;
	v5 =	vmul.f32 v5, v4;
	v4 =	vmul.f32 v6, v4  }
0x32f: {  	s21 =	sor.u32 s21, s23;
	[tilespmem:s19+$0xC000] =	vst v2  }
0x330: {  	v2 =	vld [tilespmem:s21+$0x4000];
	[tilespmem:s19+$0xC080] =	vst v3  }
0x331: {  	s22 =	sadd.s32 $0x10, s22;
	v3 =	vld [tilespmem:s21+$0x4080];
	[tilespmem:s19+$0xC100] =	vst v5  }
0x332: {  	v5 =	vld [tilespmem:s21+$0x4100];
	s20 =	sshra.s32 s20, $0x2;
	[tilespmem:s19+$0xC180] =	vst v4  }
0x333: {  	v4 =	vld [tilespmem:s20+$0x10000];
	_ =	sdelay $0x2  }
0x334: {  	v6 =	vld [tilespmem:s21+$0x4180];
	_ =	sdelay $0x1  }
0x335: {  	v2 =	vmul.f32 v2, v4  }
0x336: {  	v3 =	vmul.f32 v3, v4  }
0x337: {  	v5 =	vmul.f32 v5, v4;
	[tilespmem:s21+$0xC000] =	vst v2  }
0x338: {  	v2 =	vmul.f32 v6, v4;
	[tilespmem:s21+$0xC080] =	vst v3  }
0x339: {  	[tilespmem:s21+$0xC100] =	vst v5  }
0x33a: {  	s22 =	rddreg [dreg:$0x19];
	[tilespmem:s21+$0xC180] =	vst v2  }
0x33b: {  	[hbm4b:s22+s9] =	stream.strided.scatter [tilespmem:s15], [sflag:$0x4], $0x4000, s10, s9, $0x38;
	[tilespmem:$0x11300] =	vst v63  }
0x33c: {  	s23 =	rddreg [dreg:$0x1c]  }
0x33d: {  	[tilespmem:s11], [sflag:$0x2] =	stream.strided.gather [hbm4b:s23+s9], $0x4000, s10, s9, $0x38;
	[tilespmem:$0x11300] =	vst v63  }
0x33e: {  	_ =	swait.ge [sflag:s12], $0x4000  }
0x33f: {  	[sflag:s12] =	ssyncset.done $0x0  }
0x340: {  	[sflag:s12] =	ssyncadd.s32 $0xFFFFC000  }
0x341: {  	s20 =	simm.s32 $0x0;
	_ =	swait.ge [sflag:s16], $0x4000  }
0x342: {  	s19 =	sand.u32 $0x3E00, s20;
	s21 =	sand.u32 $0x70, s20;
	[sflag:s16] =	ssyncset.done $0x0  }
0x343: {  	s19 =	sor.u32 s21, s19;
	[sflag:s16] =	ssyncadd.s32 $0xFFFFC000  }
0x344: {  	s22 =	simm.s32 $0x0;
	v2 =	vld [tilespmem:s19+$0x0]  }
0x345: {  	v4 =	vld [tilespmem:s22+$0x10000]  }
0x346: {  	v3 =	vld [tilespmem:s19+$0x80]  }
0x347: {  	v5 =	vld [tilespmem:s19+$0x100]  }
0x348: {  	v6 =	vld [tilespmem:s19+$0x180];
	_ =	sdelay $0x1  }
0x349: {  	s20 =	simm.s32 $0x40;
	s23 =	simm.s32 $0x10;
	v2 =	vmul.f32 v2, v4  }
0x34a: {  	s21 =	sand.u32 $0x70, s23;
	s22 =	sand.u32 $0x3E00, s20;
	v3 =	vmul.f32 v3, v4  }
0x34b: {  	s21 =	sor.u32 s21, s22;
	v5 =	vmul.f32 v5, v4;
	[tilespmem:s19+$0x8000] =	vst v2  }
0x34c: {  	v4 =	vmul.f32 v6, v4;
	v2 =	vld [tilespmem:s21+$0x0];
	[tilespmem:s19+$0x8080] =	vst v3  }
0x34d: {  	s22 =	simm.s32 $0x20;
	v3 =	vld [tilespmem:s21+$0x80];
	[tilespmem:s19+$0x8100] =	vst v5  }
.LBB2_26:
0x34e: {  	p0 =	sne.s32 s22, $0xFF0;
	s23 =	sshra.s32 s20, $0x2;
	v5 =	vld [tilespmem:s21+$0x100];
	[tilespmem:s19+$0x8180] =	vst v4;
	s19 =	smov.u32 s21  }
0x34f: {  	v4 =	vld [tilespmem:s23+$0x10000]  }
0x350: {  	v6 =	vld [tilespmem:s19+$0x180];
	_ =	sdelay $0x3  }
.Ltmp12:
0x351: {  	s20 =	sadd.s32 $0x40, s20;
	v2 =	vmul.f32 v2, v4;
	v3 =	vmul.f32 v3, v4;
	(pc) =	sbr.rel @p0 .LBB2_26-.Ltmp12, $4  }
0x352: {  	s21 =	sand.u32 $0x70, s22;
	s23 =	sand.u32 $0x3E00, s20;
	v5 =	vmul.f32 v5, v4;
	v4 =	vmul.f32 v6, v4  }
0x353: {  	s21 =	sor.u32 s21, s23;
	[tilespmem:s19+$0x8000] =	vst v2  }
0x354: {  	v2 =	vld [tilespmem:s21+$0x0];
	[tilespmem:s19+$0x8080] =	vst v3  }
0x355: {  	s22 =	sadd.s32 $0x10, s22;
	v3 =	vld [tilespmem:s21+$0x80];
	[tilespmem:s19+$0x8100] =	vst v5  }
0x356: {  	v5 =	vld [tilespmem:s21+$0x100];
	s20 =	sshra.s32 s20, $0x2;
	[tilespmem:s19+$0x8180] =	vst v4  }
0x357: {  	v4 =	vld [tilespmem:s20+$0x10000];
	_ =	sdelay $0x2  }
0x358: {  	v6 =	vld [tilespmem:s21+$0x180];
	_ =	sdelay $0x1  }
0x359: {  	v2 =	vmul.f32 v2, v4  }
0x35a: {  	v3 =	vmul.f32 v3, v4  }
0x35b: {  	v5 =	vmul.f32 v5, v4;
	[tilespmem:s21+$0x8000] =	vst v2  }
0x35c: {  	v2 =	vmul.f32 v6, v4;
	[tilespmem:s21+$0x8080] =	vst v3  }
0x35d: {  	[tilespmem:s21+$0x8100] =	vst v5  }
0x35e: {  	[tilespmem:s21+$0x8180] =	vst v2;
	s21 =	rddreg [dreg:$0x1b]  }
0x35f: {  	[hbm4b:s21+s9] =	stream.strided.scatter [tilespmem:s13], [sflag:$0x3], $0x4000, s10, s9, $0x38;
	[tilespmem:$0x11300] =	vst v63  }
0x360: {  	s22 =	simm.s32 $0x0;
	s23 =	rddreg [dreg:$0x1e]  }
0x361: {  	[tilespmem:s22], [sflag:$0x1] =	stream.strided.gather [hbm4b:s23+s9], $0x4000, s10, s9, $0x38;
	[tilespmem:$0x11300] =	vst v63  }
0x362: {  	_ =	swait.ge [sflag:s14], $0x4000  }
0x363: {  	[sflag:s14] =	ssyncset.done $0x0  }
0x364: {  	[sflag:s14] =	ssyncadd.s32 $0xFFFFC000  }
0x365: {  	_ =	swait.ge [sflag:s17], $0x4000  }
0x366: {  	s19 =	sand.u32 $0x3E00, s22;
	s21 =	sand.u32 $0x70, s22;
	[sflag:s17] =	ssyncset.done $0x0  }
0x367: {  	s19 =	sor.u32 s21, s19;
	[sflag:s17] =	ssyncadd.s32 $0xFFFFC000  }
0x368: {  	s22 =	simm.s32 $0x0;
	v2 =	vld [tilespmem:s19+$0x4000]  }
0x369: {  	v4 =	vld [tilespmem:s22+$0x10000]  }
0x36a: {  	v3 =	vld [tilespmem:s19+$0x4080]  }
0x36b: {  	v5 =	vld [tilespmem:s19+$0x4100]  }
0x36c: {  	v6 =	vld [tilespmem:s19+$0x4180];
	_ =	sdelay $0x1  }
0x36d: {  	s20 =	simm.s32 $0x40;
	s23 =	simm.s32 $0x10;
	v2 =	vmul.f32 v2, v4  }
0x36e: {  	s21 =	sand.u32 $0x70, s23;
	s22 =	sand.u32 $0x3E00, s20;
	v3 =	vmul.f32 v3, v4  }
0x36f: {  	s21 =	sor.u32 s21, s22;
	v5 =	vmul.f32 v5, v4;
	[tilespmem:s19+$0xC000] =	vst v2  }
0x370: {  	v4 =	vmul.f32 v6, v4;
	v2 =	vld [tilespmem:s21+$0x4000];
	[tilespmem:s19+$0xC080] =	vst v3  }
0x371: {  	s22 =	simm.s32 $0x20;
	v3 =	vld [tilespmem:s21+$0x4080];
	[tilespmem:s19+$0xC100] =	vst v5  }
.LBB2_28:
0x372: {  	p0 =	sne.s32 s22, $0xFF0;
	s23 =	sshra.s32 s20, $0x2;
	v5 =	vld [tilespmem:s21+$0x4100];
	[tilespmem:s19+$0xC180] =	vst v4;
	s19 =	smov.u32 s21  }
0x373: {  	v4 =	vld [tilespmem:s23+$0x10000]  }
0x374: {  	v6 =	vld [tilespmem:s19+$0x4180];
	_ =	sdelay $0x3  }
.Ltmp13:
0x375: {  	s20 =	sadd.s32 $0x40, s20;
	v2 =	vmul.f32 v2, v4;
	v3 =	vmul.f32 v3, v4;
	(pc) =	sbr.rel @p0 .LBB2_28-.Ltmp13, $4  }
0x376: {  	s21 =	sand.u32 $0x70, s22;
	s23 =	sand.u32 $0x3E00, s20;
	v5 =	vmul.f32 v5, v4;
	v4 =	vmul.f32 v6, v4  }
0x377: {  	s21 =	sor.u32 s21, s23;
	[tilespmem:s19+$0xC000] =	vst v2  }
0x378: {  	v2 =	vld [tilespmem:s21+$0x4000];
	[tilespmem:s19+$0xC080] =	vst v3  }
0x379: {  	s22 =	sadd.s32 $0x10, s22;
	v3 =	vld [tilespmem:s21+$0x4080];
	[tilespmem:s19+$0xC100] =	vst v5  }
0x37a: {  	v5 =	vld [tilespmem:s21+$0x4100];
	s20 =	sshra.s32 s20, $0x2;
	[tilespmem:s19+$0xC180] =	vst v4  }
0x37b: {  	v4 =	vld [tilespmem:s20+$0x10000];
	_ =	sdelay $0x2  }
0x37c: {  	v6 =	vld [tilespmem:s21+$0x4180];
	_ =	sdelay $0x1  }
0x37d: {  	v2 =	vmul.f32 v2, v4  }
0x37e: {  	v3 =	vmul.f32 v3, v4  }
0x37f: {  	v5 =	vmul.f32 v5, v4;
	[tilespmem:s21+$0xC000] =	vst v2  }
0x380: {  	v2 =	vmul.f32 v6, v4;
	[tilespmem:s21+$0xC080] =	vst v3  }
0x381: {  	s22 =	rddreg [dreg:$0x1d];
	[tilespmem:s21+$0xC100] =	vst v5  }
0x382: {  	s23 =	sld [smem:$0x7E6];
	[tilespmem:s21+$0xC180] =	vst v2  }
0x383: {  	[hbm4b:s22+s9] =	stream.strided.scatter [tilespmem:s15], [sflag:$0x4], $0x4000, s10, s9, $0x38;
	[tilespmem:$0x11300] =	vst v63  }
0x384: {  	_ = 	snop  }
0x385: {  	[tilespmem:s11], [sflag:$0x2] =	stream.strided.gather [hbm4b:s23+s9], $0x4000, s10, s9, $0x38;
	[tilespmem:$0x11300] =	vst v63  }
0x386: {  	_ =	swait.ge [sflag:s12], $0x4000  }
0x387: {  	[sflag:s12] =	ssyncset.done $0x0  }
0x388: {  	[sflag:s12] =	ssyncadd.s32 $0xFFFFC000  }
0x389: {  	s20 =	simm.s32 $0x0;
	_ =	swait.ge [sflag:s16], $0x4000  }
0x38a: {  	s19 =	sand.u32 $0x3E00, s20;
	s21 =	sand.u32 $0x70, s20;
	[sflag:s16] =	ssyncset.done $0x0  }
0x38b: {  	s19 =	sor.u32 s21, s19;
	[sflag:s16] =	ssyncadd.s32 $0xFFFFC000  }
0x38c: {  	s22 =	simm.s32 $0x0;
	v2 =	vld [tilespmem:s19+$0x0]  }
0x38d: {  	v4 =	vld [tilespmem:s22+$0x10000]  }
0x38e: {  	v3 =	vld [tilespmem:s19+$0x80]  }
0x38f: {  	v5 =	vld [tilespmem:s19+$0x100]  }
0x390: {  	v6 =	vld [tilespmem:s19+$0x180];
	_ =	sdelay $0x1  }
0x391: {  	s20 =	simm.s32 $0x40;
	s23 =	simm.s32 $0x10;
	v2 =	vmul.f32 v2, v4  }
0x392: {  	s21 =	sand.u32 $0x70, s23;
	s22 =	sand.u32 $0x3E00, s20;
	v3 =	vmul.f32 v3, v4  }
0x393: {  	s21 =	sor.u32 s21, s22;
	v5 =	vmul.f32 v5, v4;
	[tilespmem:s19+$0x8000] =	vst v2  }
0x394: {  	v4 =	vmul.f32 v6, v4;
	v2 =	vld [tilespmem:s21+$0x0];
	[tilespmem:s19+$0x8080] =	vst v3  }
0x395: {  	s22 =	simm.s32 $0x20;
	v3 =	vld [tilespmem:s21+$0x80];
	[tilespmem:s19+$0x8100] =	vst v5  }
.LBB2_30:
0x396: {  	p0 =	sne.s32 s22, $0xFF0;
	s23 =	sshra.s32 s20, $0x2;
	v5 =	vld [tilespmem:s21+$0x100];
	[tilespmem:s19+$0x8180] =	vst v4;
	s19 =	smov.u32 s21  }
0x397: {  	v4 =	vld [tilespmem:s23+$0x10000]  }
0x398: {  	v6 =	vld [tilespmem:s19+$0x180];
	_ =	sdelay $0x3  }
.Ltmp14:
0x399: {  	s20 =	sadd.s32 $0x40, s20;
	v2 =	vmul.f32 v2, v4;
	v3 =	vmul.f32 v3, v4;
	(pc) =	sbr.rel @p0 .LBB2_30-.Ltmp14, $4  }
0x39a: {  	s21 =	sand.u32 $0x70, s22;
	s23 =	sand.u32 $0x3E00, s20;
	v5 =	vmul.f32 v5, v4;
	v4 =	vmul.f32 v6, v4  }
0x39b: {  	s21 =	sor.u32 s21, s23;
	[tilespmem:s19+$0x8000] =	vst v2  }
0x39c: {  	v2 =	vld [tilespmem:s21+$0x0];
	[tilespmem:s19+$0x8080] =	vst v3  }
0x39d: {  	s22 =	sadd.s32 $0x10, s22;
	v3 =	vld [tilespmem:s21+$0x80];
	[tilespmem:s19+$0x8100] =	vst v5  }
0x39e: {  	v5 =	vld [tilespmem:s21+$0x100];
	s20 =	sshra.s32 s20, $0x2;
	[tilespmem:s19+$0x8180] =	vst v4  }
0x39f: {  	v4 =	vld [tilespmem:s20+$0x10000];
	_ =	sdelay $0x2  }
0x3a0: {  	v6 =	vld [tilespmem:s21+$0x180];
	_ =	sdelay $0x1  }
0x3a1: {  	v2 =	vmul.f32 v2, v4  }
0x3a2: {  	v3 =	vmul.f32 v3, v4  }
0x3a3: {  	v5 =	vmul.f32 v5, v4;
	[tilespmem:s21+$0x8000] =	vst v2  }
0x3a4: {  	v2 =	vmul.f32 v6, v4;
	[tilespmem:s21+$0x8080] =	vst v3  }
0x3a5: {  	s23 =	sld [smem:$0x7E8];
	[tilespmem:s21+$0x8100] =	vst v5  }
0x3a6: {  	[tilespmem:s21+$0x8180] =	vst v2;
	s21 =	rddreg [dreg:$0x1f]  }
0x3a7: {  	[hbm4b:s21+s9] =	stream.strided.scatter [tilespmem:s13], [sflag:$0x3], $0x4000, s10, s9, $0x38;
	[tilespmem:$0x11300] =	vst v63  }
0x3a8: {  	s22 =	simm.s32 $0x0  }
0x3a9: {  	[tilespmem:s22], [sflag:$0x1] =	stream.strided.gather [hbm4b:s23+s9], $0x4000, s10, s9, $0x38;
	[tilespmem:$0x11300] =	vst v63  }
0x3aa: {  	_ =	swait.ge [sflag:s14], $0x4000  }
0x3ab: {  	[sflag:s14] =	ssyncset.done $0x0  }
0x3ac: {  	[sflag:s14] =	ssyncadd.s32 $0xFFFFC000  }
0x3ad: {  	_ =	swait.ge [sflag:s17], $0x4000  }
0x3ae: {  	s19 =	sand.u32 $0x3E00, s22;
	s21 =	sand.u32 $0x70, s22;
	[sflag:s17] =	ssyncset.done $0x0  }
0x3af: {  	s19 =	sor.u32 s21, s19;
	[sflag:s17] =	ssyncadd.s32 $0xFFFFC000  }
0x3b0: {  	s22 =	simm.s32 $0x0;
	v2 =	vld [tilespmem:s19+$0x4000]  }
0x3b1: {  	v4 =	vld [tilespmem:s22+$0x10000]  }
0x3b2: {  	v3 =	vld [tilespmem:s19+$0x4080]  }
0x3b3: {  	v5 =	vld [tilespmem:s19+$0x4100]  }
0x3b4: {  	v6 =	vld [tilespmem:s19+$0x4180];
	_ =	sdelay $0x1  }
0x3b5: {  	s20 =	simm.s32 $0x40;
	s23 =	simm.s32 $0x10;
	v2 =	vmul.f32 v2, v4  }
0x3b6: {  	s21 =	sand.u32 $0x70, s23;
	s22 =	sand.u32 $0x3E00, s20;
	v3 =	vmul.f32 v3, v4  }
0x3b7: {  	s21 =	sor.u32 s21, s22;
	v5 =	vmul.f32 v5, v4;
	[tilespmem:s19+$0xC000] =	vst v2  }
0x3b8: {  	v4 =	vmul.f32 v6, v4;
	v2 =	vld [tilespmem:s21+$0x4000];
	[tilespmem:s19+$0xC080] =	vst v3  }
0x3b9: {  	s22 =	simm.s32 $0x20;
	v3 =	vld [tilespmem:s21+$0x4080];
	[tilespmem:s19+$0xC100] =	vst v5  }
.LBB2_32:
0x3ba: {  	p0 =	sne.s32 s22, $0xFF0;
	s23 =	sshra.s32 s20, $0x2;
	v5 =	vld [tilespmem:s21+$0x4100];
	[tilespmem:s19+$0xC180] =	vst v4;
	s19 =	smov.u32 s21  }
0x3bb: {  	v4 =	vld [tilespmem:s23+$0x10000]  }
0x3bc: {  	v6 =	vld [tilespmem:s19+$0x4180];
	_ =	sdelay $0x3  }
.Ltmp15:
0x3bd: {  	s20 =	sadd.s32 $0x40, s20;
	v2 =	vmul.f32 v2, v4;
	v3 =	vmul.f32 v3, v4;
	(pc) =	sbr.rel @p0 .LBB2_32-.Ltmp15, $4  }
0x3be: {  	s21 =	sand.u32 $0x70, s22;
	s23 =	sand.u32 $0x3E00, s20;
	v5 =	vmul.f32 v5, v4;
	v4 =	vmul.f32 v6, v4  }
0x3bf: {  	s21 =	sor.u32 s21, s23;
	[tilespmem:s19+$0xC000] =	vst v2  }
0x3c0: {  	v2 =	vld [tilespmem:s21+$0x4000];
	[tilespmem:s19+$0xC080] =	vst v3  }
0x3c1: {  	s22 =	sadd.s32 $0x10, s22;
	v3 =	vld [tilespmem:s21+$0x4080];
	[tilespmem:s19+$0xC100] =	vst v5  }
0x3c2: {  	v5 =	vld [tilespmem:s21+$0x4100];
	s20 =	sshra.s32 s20, $0x2;
	[tilespmem:s19+$0xC180] =	vst v4  }
0x3c3: {  	v4 =	vld [tilespmem:s20+$0x10000];
	_ =	sdelay $0x2  }
0x3c4: {  	v6 =	vld [tilespmem:s21+$0x4180];
	_ =	sdelay $0x1  }
0x3c5: {  	v2 =	vmul.f32 v2, v4  }
0x3c6: {  	v3 =	vmul.f32 v3, v4  }
0x3c7: {  	v5 =	vmul.f32 v5, v4;
	[tilespmem:s21+$0xC000] =	vst v2  }
0x3c8: {  	s22 =	sld [smem:$0x7E7];
	v2 =	vmul.f32 v6, v4;
	[tilespmem:s21+$0xC080] =	vst v3  }
0x3c9: {  	[tilespmem:s21+$0xC100] =	vst v5  }
0x3ca: {  	s23 =	sld [smem:$0x7EA];
	[tilespmem:s21+$0xC180] =	vst v2  }
0x3cb: {  	[hbm4b:s22+s9] =	stream.strided.scatter [tilespmem:s15], [sflag:$0x4], $0x4000, s10, s9, $0x38;
	[tilespmem:$0x11300] =	vst v63  }
0x3cc: {  	_ = 	snop  }
0x3cd: {  	[tilespmem:s11], [sflag:$0x2] =	stream.strided.gather [hbm4b:s23+s9], $0x4000, s10, s9, $0x38;
	[tilespmem:$0x11300] =	vst v63  }
0x3ce: {  	_ =	swait.ge [sflag:s12], $0x4000  }
0x3cf: {  	[sflag:s12] =	ssyncset.done $0x0  }
0x3d0: {  	[sflag:s12] =	ssyncadd.s32 $0xFFFFC000  }
0x3d1: {  	s20 =	simm.s32 $0x0;
	_ =	swait.ge [sflag:s16], $0x4000  }
0x3d2: {  	s19 =	sand.u32 $0x3E00, s20;
	s21 =	sand.u32 $0x70, s20;
	[sflag:s16] =	ssyncset.done $0x0  }
0x3d3: {  	s19 =	sor.u32 s21, s19;
	[sflag:s16] =	ssyncadd.s32 $0xFFFFC000  }
0x3d4: {  	s22 =	simm.s32 $0x0;
	v2 =	vld [tilespmem:s19+$0x0]  }
0x3d5: {  	v4 =	vld [tilespmem:s22+$0x10000]  }
0x3d6: {  	v3 =	vld [tilespmem:s19+$0x80]  }
0x3d7: {  	v5 =	vld [tilespmem:s19+$0x100]  }
0x3d8: {  	v6 =	vld [tilespmem:s19+$0x180];
	_ =	sdelay $0x1  }
0x3d9: {  	s20 =	simm.s32 $0x40;
	s23 =	simm.s32 $0x10;
	v2 =	vmul.f32 v2, v4  }
0x3da: {  	s21 =	sand.u32 $0x70, s23;
	s22 =	sand.u32 $0x3E00, s20;
	v3 =	vmul.f32 v3, v4  }
0x3db: {  	s21 =	sor.u32 s21, s22;
	v5 =	vmul.f32 v5, v4;
	[tilespmem:s19+$0x8000] =	vst v2  }
0x3dc: {  	v4 =	vmul.f32 v6, v4;
	v2 =	vld [tilespmem:s21+$0x0];
	[tilespmem:s19+$0x8080] =	vst v3  }
0x3dd: {  	s22 =	simm.s32 $0x20;
	v3 =	vld [tilespmem:s21+$0x80];
	[tilespmem:s19+$0x8100] =	vst v5  }
.LBB2_34:
0x3de: {  	p0 =	sne.s32 s22, $0xFF0;
	s23 =	sshra.s32 s20, $0x2;
	v5 =	vld [tilespmem:s21+$0x100];
	[tilespmem:s19+$0x8180] =	vst v4;
	s19 =	smov.u32 s21  }
0x3df: {  	v4 =	vld [tilespmem:s23+$0x10000]  }
0x3e0: {  	v6 =	vld [tilespmem:s19+$0x180];
	_ =	sdelay $0x3  }
.Ltmp16:
0x3e1: {  	s20 =	sadd.s32 $0x40, s20;
	v2 =	vmul.f32 v2, v4;
	v3 =	vmul.f32 v3, v4;
	(pc) =	sbr.rel @p0 .LBB2_34-.Ltmp16, $4  }
0x3e2: {  	s21 =	sand.u32 $0x70, s22;
	s23 =	sand.u32 $0x3E00, s20;
	v5 =	vmul.f32 v5, v4;
	v4 =	vmul.f32 v6, v4  }
0x3e3: {  	s21 =	sor.u32 s21, s23;
	[tilespmem:s19+$0x8000] =	vst v2  }
0x3e4: {  	v2 =	vld [tilespmem:s21+$0x0];
	[tilespmem:s19+$0x8080] =	vst v3  }
0x3e5: {  	s22 =	sadd.s32 $0x10, s22;
	v3 =	vld [tilespmem:s21+$0x80];
	[tilespmem:s19+$0x8100] =	vst v5  }
0x3e6: {  	v5 =	vld [tilespmem:s21+$0x100];
	s20 =	sshra.s32 s20, $0x2;
	[tilespmem:s19+$0x8180] =	vst v4  }
0x3e7: {  	v4 =	vld [tilespmem:s20+$0x10000];
	_ =	sdelay $0x2  }
0x3e8: {  	v6 =	vld [tilespmem:s21+$0x180];
	_ =	sdelay $0x1  }
0x3e9: {  	v2 =	vmul.f32 v2, v4  }
0x3ea: {  	v3 =	vmul.f32 v3, v4  }
0x3eb: {  	v5 =	vmul.f32 v5, v4;
	[tilespmem:s21+$0x8000] =	vst v2  }
0x3ec: {  	v2 =	vmul.f32 v6, v4;
	[tilespmem:s21+$0x8080] =	vst v3  }
0x3ed: {  	[tilespmem:s21+$0x8100] =	vst v5  }
0x3ee: {  	[tilespmem:s21+$0x8180] =	vst v2;
	s21 =	sld [smem:$0x7E9];
	_ =	sdelay $0x1  }
0x3ef: {  	s23 =	sld [smem:$0x7EC]  }
0x3f0: {  	[hbm4b:s21+s9] =	stream.strided.scatter [tilespmem:s13], [sflag:$0x3], $0x4000, s10, s9, $0x38;
	[tilespmem:$0x11300] =	vst v63  }
0x3f1: {  	s22 =	simm.s32 $0x0  }
0x3f2: {  	[tilespmem:s22], [sflag:$0x1] =	stream.strided.gather [hbm4b:s23+s9], $0x4000, s10, s9, $0x38;
	[tilespmem:$0x11300] =	vst v63  }
0x3f3: {  	_ =	swait.ge [sflag:s14], $0x4000  }
0x3f4: {  	[sflag:s14] =	ssyncset.done $0x0  }
0x3f5: {  	[sflag:s14] =	ssyncadd.s32 $0xFFFFC000  }
0x3f6: {  	_ =	swait.ge [sflag:s17], $0x4000  }
0x3f7: {  	s19 =	sand.u32 $0x3E00, s22;
	s21 =	sand.u32 $0x70, s22;
	[sflag:s17] =	ssyncset.done $0x0  }
0x3f8: {  	s19 =	sor.u32 s21, s19;
	[sflag:s17] =	ssyncadd.s32 $0xFFFFC000  }
0x3f9: {  	s22 =	simm.s32 $0x0;
	v2 =	vld [tilespmem:s19+$0x4000]  }
0x3fa: {  	v4 =	vld [tilespmem:s22+$0x10000]  }
0x3fb: {  	v3 =	vld [tilespmem:s19+$0x4080]  }
0x3fc: {  	v5 =	vld [tilespmem:s19+$0x4100]  }
0x3fd: {  	v6 =	vld [tilespmem:s19+$0x4180];
	_ =	sdelay $0x1  }
0x3fe: {  	s20 =	simm.s32 $0x40;
	s23 =	simm.s32 $0x10;
	v2 =	vmul.f32 v2, v4  }
0x3ff: {  	s21 =	sand.u32 $0x70, s23;
	s22 =	sand.u32 $0x3E00, s20;
	v3 =	vmul.f32 v3, v4  }
0x400: {  	s21 =	sor.u32 s21, s22;
	v5 =	vmul.f32 v5, v4;
	[tilespmem:s19+$0xC000] =	vst v2  }
0x401: {  	v4 =	vmul.f32 v6, v4;
	v2 =	vld [tilespmem:s21+$0x4000];
	[tilespmem:s19+$0xC080] =	vst v3  }
0x402: {  	s22 =	simm.s32 $0x20;
	v3 =	vld [tilespmem:s21+$0x4080];
	[tilespmem:s19+$0xC100] =	vst v5  }
.LBB2_36:
0x403: {  	p0 =	sne.s32 s22, $0xFF0;
	s23 =	sshra.s32 s20, $0x2;
	v5 =	vld [tilespmem:s21+$0x4100];
	[tilespmem:s19+$0xC180] =	vst v4;
	s19 =	smov.u32 s21  }
0x404: {  	v4 =	vld [tilespmem:s23+$0x10000]  }
0x405: {  	v6 =	vld [tilespmem:s19+$0x4180];
	_ =	sdelay $0x3  }
.Ltmp17:
0x406: {  	s20 =	sadd.s32 $0x40, s20;
	v2 =	vmul.f32 v2, v4;
	v3 =	vmul.f32 v3, v4;
	(pc) =	sbr.rel @p0 .LBB2_36-.Ltmp17, $4  }
0x407: {  	s21 =	sand.u32 $0x70, s22;
	s23 =	sand.u32 $0x3E00, s20;
	v5 =	vmul.f32 v5, v4;
	v4 =	vmul.f32 v6, v4  }
0x408: {  	s21 =	sor.u32 s21, s23;
	[tilespmem:s19+$0xC000] =	vst v2  }
0x409: {  	v2 =	vld [tilespmem:s21+$0x4000];
	[tilespmem:s19+$0xC080] =	vst v3  }
0x40a: {  	s22 =	sadd.s32 $0x10, s22;
	v3 =	vld [tilespmem:s21+$0x4080];
	[tilespmem:s19+$0xC100] =	vst v5  }
0x40b: {  	v5 =	vld [tilespmem:s21+$0x4100];
	s20 =	sshra.s32 s20, $0x2;
	[tilespmem:s19+$0xC180] =	vst v4  }
0x40c: {  	v4 =	vld [tilespmem:s20+$0x10000];
	_ =	sdelay $0x2  }
0x40d: {  	v6 =	vld [tilespmem:s21+$0x4180];
	_ =	sdelay $0x1  }
0x40e: {  	v2 =	vmul.f32 v2, v4  }
0x40f: {  	v3 =	vmul.f32 v3, v4  }
0x410: {  	v5 =	vmul.f32 v5, v4;
	[tilespmem:s21+$0xC000] =	vst v2  }
0x411: {  	s22 =	sld [smem:$0x7EB];
	v2 =	vmul.f32 v6, v4;
	[tilespmem:s21+$0xC080] =	vst v3  }
0x412: {  	[tilespmem:s21+$0xC100] =	vst v5  }
0x413: {  	s23 =	sld [smem:$0x7EE];
	[tilespmem:s21+$0xC180] =	vst v2  }
0x414: {  	[hbm4b:s22+s9] =	stream.strided.scatter [tilespmem:s15], [sflag:$0x4], $0x4000, s10, s9, $0x38;
	[tilespmem:$0x11300] =	vst v63  }
0x415: {  	_ = 	snop  }
0x416: {  	[tilespmem:s11], [sflag:$0x2] =	stream.strided.gather [hbm4b:s23+s9], $0x4000, s10, s9, $0x38;
	[tilespmem:$0x11300] =	vst v63  }
0x417: {  	_ =	swait.ge [sflag:s12], $0x4000  }
0x418: {  	[sflag:s12] =	ssyncset.done $0x0  }
0x419: {  	[sflag:s12] =	ssyncadd.s32 $0xFFFFC000  }
0x41a: {  	s20 =	simm.s32 $0x0;
	_ =	swait.ge [sflag:s16], $0x4000  }
0x41b: {  	s19 =	sand.u32 $0x3E00, s20;
	s21 =	sand.u32 $0x70, s20;
	[sflag:s16] =	ssyncset.done $0x0  }
0x41c: {  	s19 =	sor.u32 s21, s19;
	[sflag:s16] =	ssyncadd.s32 $0xFFFFC000  }
0x41d: {  	s22 =	simm.s32 $0x0;
	v2 =	vld [tilespmem:s19+$0x0]  }
0x41e: {  	v4 =	vld [tilespmem:s22+$0x10000]  }
0x41f: {  	v3 =	vld [tilespmem:s19+$0x80]  }
0x420: {  	v5 =	vld [tilespmem:s19+$0x100]  }
0x421: {  	v6 =	vld [tilespmem:s19+$0x180];
	_ =	sdelay $0x1  }
0x422: {  	s20 =	simm.s32 $0x40;
	s23 =	simm.s32 $0x10;
	v2 =	vmul.f32 v2, v4  }
0x423: {  	s21 =	sand.u32 $0x70, s23;
	s22 =	sand.u32 $0x3E00, s20;
	v3 =	vmul.f32 v3, v4  }
0x424: {  	s21 =	sor.u32 s21, s22;
	v5 =	vmul.f32 v5, v4;
	[tilespmem:s19+$0x8000] =	vst v2  }
0x425: {  	v4 =	vmul.f32 v6, v4;
	v2 =	vld [tilespmem:s21+$0x0];
	[tilespmem:s19+$0x8080] =	vst v3  }
0x426: {  	s22 =	simm.s32 $0x20;
	v3 =	vld [tilespmem:s21+$0x80];
	[tilespmem:s19+$0x8100] =	vst v5  }
.LBB2_38:
0x427: {  	p0 =	sne.s32 s22, $0xFF0;
	s23 =	sshra.s32 s20, $0x2;
	v5 =	vld [tilespmem:s21+$0x100];
	[tilespmem:s19+$0x8180] =	vst v4;
	s19 =	smov.u32 s21  }
0x428: {  	v4 =	vld [tilespmem:s23+$0x10000]  }
0x429: {  	v6 =	vld [tilespmem:s19+$0x180];
	_ =	sdelay $0x3  }
.Ltmp18:
0x42a: {  	s20 =	sadd.s32 $0x40, s20;
	v2 =	vmul.f32 v2, v4;
	v3 =	vmul.f32 v3, v4;
	(pc) =	sbr.rel @p0 .LBB2_38-.Ltmp18, $4  }
0x42b: {  	s21 =	sand.u32 $0x70, s22;
	s23 =	sand.u32 $0x3E00, s20;
	v5 =	vmul.f32 v5, v4;
	v4 =	vmul.f32 v6, v4  }
0x42c: {  	s21 =	sor.u32 s21, s23;
	[tilespmem:s19+$0x8000] =	vst v2  }
0x42d: {  	v2 =	vld [tilespmem:s21+$0x0];
	[tilespmem:s19+$0x8080] =	vst v3  }
0x42e: {  	s22 =	sadd.s32 $0x10, s22;
	v3 =	vld [tilespmem:s21+$0x80];
	[tilespmem:s19+$0x8100] =	vst v5  }
0x42f: {  	v5 =	vld [tilespmem:s21+$0x100];
	s20 =	sshra.s32 s20, $0x2;
	[tilespmem:s19+$0x8180] =	vst v4  }
0x430: {  	v4 =	vld [tilespmem:s20+$0x10000];
	_ =	sdelay $0x2  }
0x431: {  	v6 =	vld [tilespmem:s21+$0x180];
	_ =	sdelay $0x1  }
0x432: {  	v2 =	vmul.f32 v2, v4  }
0x433: {  	v3 =	vmul.f32 v3, v4  }
0x434: {  	v5 =	vmul.f32 v5, v4;
	[tilespmem:s21+$0x8000] =	vst v2  }
0x435: {  	v2 =	vmul.f32 v6, v4;
	[tilespmem:s21+$0x8080] =	vst v3  }
0x436: {  	[tilespmem:s21+$0x8100] =	vst v5  }
0x437: {  	[tilespmem:s21+$0x8180] =	vst v2;
	s21 =	sld [smem:$0x7ED];
	_ =	sdelay $0x1  }
0x438: {  	s23 =	sld [smem:$0x7F0]  }
0x439: {  	[hbm4b:s21+s9] =	stream.strided.scatter [tilespmem:s13], [sflag:$0x3], $0x4000, s10, s9, $0x38;
	[tilespmem:$0x11300] =	vst v63  }
0x43a: {  	s22 =	simm.s32 $0x0  }
0x43b: {  	[tilespmem:s22], [sflag:$0x1] =	stream.strided.gather [hbm4b:s23+s9], $0x4000, s10, s9, $0x38;
	[tilespmem:$0x11300] =	vst v63  }
0x43c: {  	_ =	swait.ge [sflag:s14], $0x4000  }
0x43d: {  	[sflag:s14] =	ssyncset.done $0x0  }
0x43e: {  	[sflag:s14] =	ssyncadd.s32 $0xFFFFC000  }
0x43f: {  	_ =	swait.ge [sflag:s17], $0x4000  }
0x440: {  	s19 =	sand.u32 $0x3E00, s22;
	s21 =	sand.u32 $0x70, s22;
	[sflag:s17] =	ssyncset.done $0x0  }
0x441: {  	s19 =	sor.u32 s21, s19;
	[sflag:s17] =	ssyncadd.s32 $0xFFFFC000  }
0x442: {  	s22 =	simm.s32 $0x0;
	v2 =	vld [tilespmem:s19+$0x4000]  }
0x443: {  	v4 =	vld [tilespmem:s22+$0x10000]  }
0x444: {  	v3 =	vld [tilespmem:s19+$0x4080]  }
0x445: {  	v5 =	vld [tilespmem:s19+$0x4100]  }
0x446: {  	v6 =	vld [tilespmem:s19+$0x4180];
	_ =	sdelay $0x1  }
0x447: {  	s20 =	simm.s32 $0x40;
	s23 =	simm.s32 $0x10;
	v2 =	vmul.f32 v2, v4  }
0x448: {  	s21 =	sand.u32 $0x70, s23;
	s22 =	sand.u32 $0x3E00, s20;
	v3 =	vmul.f32 v3, v4  }
0x449: {  	s21 =	sor.u32 s21, s22;
	v5 =	vmul.f32 v5, v4;
	[tilespmem:s19+$0xC000] =	vst v2  }
0x44a: {  	v4 =	vmul.f32 v6, v4;
	v2 =	vld [tilespmem:s21+$0x4000];
	[tilespmem:s19+$0xC080] =	vst v3  }
0x44b: {  	s22 =	simm.s32 $0x20;
	v3 =	vld [tilespmem:s21+$0x4080];
	[tilespmem:s19+$0xC100] =	vst v5  }
.LBB2_40:
0x44c: {  	p0 =	sne.s32 s22, $0xFF0;
	s23 =	sshra.s32 s20, $0x2;
	v5 =	vld [tilespmem:s21+$0x4100];
	[tilespmem:s19+$0xC180] =	vst v4;
	s19 =	smov.u32 s21  }
0x44d: {  	v4 =	vld [tilespmem:s23+$0x10000]  }
0x44e: {  	v6 =	vld [tilespmem:s19+$0x4180];
	_ =	sdelay $0x3  }
.Ltmp19:
0x44f: {  	s20 =	sadd.s32 $0x40, s20;
	v2 =	vmul.f32 v2, v4;
	v3 =	vmul.f32 v3, v4;
	(pc) =	sbr.rel @p0 .LBB2_40-.Ltmp19, $4  }
0x450: {  	s21 =	sand.u32 $0x70, s22;
	s23 =	sand.u32 $0x3E00, s20;
	v5 =	vmul.f32 v5, v4;
	v4 =	vmul.f32 v6, v4  }
0x451: {  	s21 =	sor.u32 s21, s23;
	[tilespmem:s19+$0xC000] =	vst v2  }
0x452: {  	v2 =	vld [tilespmem:s21+$0x4000];
	[tilespmem:s19+$0xC080] =	vst v3  }
0x453: {  	s22 =	sadd.s32 $0x10, s22;
	v3 =	vld [tilespmem:s21+$0x4080];
	[tilespmem:s19+$0xC100] =	vst v5  }
0x454: {  	v5 =	vld [tilespmem:s21+$0x4100];
	s20 =	sshra.s32 s20, $0x2;
	[tilespmem:s19+$0xC180] =	vst v4  }
0x455: {  	v4 =	vld [tilespmem:s20+$0x10000];
	_ =	sdelay $0x2  }
0x456: {  	v6 =	vld [tilespmem:s21+$0x4180];
	_ =	sdelay $0x1  }
0x457: {  	v2 =	vmul.f32 v2, v4  }
0x458: {  	v3 =	vmul.f32 v3, v4  }
0x459: {  	v5 =	vmul.f32 v5, v4;
	[tilespmem:s21+$0xC000] =	vst v2  }
0x45a: {  	s22 =	sld [smem:$0x7EF];
	v2 =	vmul.f32 v6, v4;
	[tilespmem:s21+$0xC080] =	vst v3  }
0x45b: {  	[tilespmem:s21+$0xC100] =	vst v5  }
0x45c: {  	s23 =	sld [smem:$0x7F2];
	[tilespmem:s21+$0xC180] =	vst v2  }
0x45d: {  	[hbm4b:s22+s9] =	stream.strided.scatter [tilespmem:s15], [sflag:$0x4], $0x4000, s10, s9, $0x38;
	[tilespmem:$0x11300] =	vst v63  }
0x45e: {  	_ = 	snop  }
0x45f: {  	[tilespmem:s11], [sflag:$0x2] =	stream.strided.gather [hbm4b:s23+s9], $0x4000, s10, s9, $0x38;
	[tilespmem:$0x11300] =	vst v63  }
0x460: {  	_ =	swait.ge [sflag:s12], $0x4000  }
0x461: {  	[sflag:s12] =	ssyncset.done $0x0  }
0x462: {  	[sflag:s12] =	ssyncadd.s32 $0xFFFFC000  }
0x463: {  	s20 =	simm.s32 $0x0;
	_ =	swait.ge [sflag:s16], $0x4000  }
0x464: {  	s19 =	sand.u32 $0x3E00, s20;
	s21 =	sand.u32 $0x70, s20;
	[sflag:s16] =	ssyncset.done $0x0  }
0x465: {  	s19 =	sor.u32 s21, s19;
	[sflag:s16] =	ssyncadd.s32 $0xFFFFC000  }
0x466: {  	s22 =	simm.s32 $0x0;
	v2 =	vld [tilespmem:s19+$0x0]  }
0x467: {  	v4 =	vld [tilespmem:s22+$0x10000]  }
0x468: {  	v3 =	vld [tilespmem:s19+$0x80]  }
0x469: {  	v5 =	vld [tilespmem:s19+$0x100]  }
0x46a: {  	v6 =	vld [tilespmem:s19+$0x180];
	_ =	sdelay $0x1  }
0x46b: {  	s20 =	simm.s32 $0x40;
	s23 =	simm.s32 $0x10;
	v2 =	vmul.f32 v2, v4  }
0x46c: {  	s21 =	sand.u32 $0x70, s23;
	s22 =	sand.u32 $0x3E00, s20;
	v3 =	vmul.f32 v3, v4  }
0x46d: {  	s21 =	sor.u32 s21, s22;
	v5 =	vmul.f32 v5, v4;
	[tilespmem:s19+$0x8000] =	vst v2  }
0x46e: {  	v4 =	vmul.f32 v6, v4;
	v2 =	vld [tilespmem:s21+$0x0];
	[tilespmem:s19+$0x8080] =	vst v3  }
0x46f: {  	s22 =	simm.s32 $0x20;
	v3 =	vld [tilespmem:s21+$0x80];
	[tilespmem:s19+$0x8100] =	vst v5  }
.LBB2_42:
0x470: {  	p0 =	sne.s32 s22, $0xFF0;
	s23 =	sshra.s32 s20, $0x2;
	v5 =	vld [tilespmem:s21+$0x100];
	[tilespmem:s19+$0x8180] =	vst v4;
	s19 =	smov.u32 s21  }
0x471: {  	v4 =	vld [tilespmem:s23+$0x10000]  }
0x472: {  	v6 =	vld [tilespmem:s19+$0x180];
	_ =	sdelay $0x3  }
.Ltmp20:
0x473: {  	s20 =	sadd.s32 $0x40, s20;
	v2 =	vmul.f32 v2, v4;
	v3 =	vmul.f32 v3, v4;
	(pc) =	sbr.rel @p0 .LBB2_42-.Ltmp20, $4  }
0x474: {  	s21 =	sand.u32 $0x70, s22;
	s23 =	sand.u32 $0x3E00, s20;
	v5 =	vmul.f32 v5, v4;
	v4 =	vmul.f32 v6, v4  }
0x475: {  	s21 =	sor.u32 s21, s23;
	[tilespmem:s19+$0x8000] =	vst v2  }
0x476: {  	v2 =	vld [tilespmem:s21+$0x0];
	[tilespmem:s19+$0x8080] =	vst v3  }
0x477: {  	s22 =	sadd.s32 $0x10, s22;
	v3 =	vld [tilespmem:s21+$0x80];
	[tilespmem:s19+$0x8100] =	vst v5  }
0x478: {  	v5 =	vld [tilespmem:s21+$0x100];
	s20 =	sshra.s32 s20, $0x2;
	[tilespmem:s19+$0x8180] =	vst v4  }
0x479: {  	v4 =	vld [tilespmem:s20+$0x10000];
	_ =	sdelay $0x2  }
0x47a: {  	v6 =	vld [tilespmem:s21+$0x180];
	_ =	sdelay $0x1  }
0x47b: {  	v2 =	vmul.f32 v2, v4  }
0x47c: {  	v3 =	vmul.f32 v3, v4  }
0x47d: {  	v5 =	vmul.f32 v5, v4;
	[tilespmem:s21+$0x8000] =	vst v2  }
0x47e: {  	v2 =	vmul.f32 v6, v4;
	[tilespmem:s21+$0x8080] =	vst v3  }
0x47f: {  	[tilespmem:s21+$0x8100] =	vst v5  }
0x480: {  	[tilespmem:s21+$0x8180] =	vst v2;
	s21 =	sld [smem:$0x7F1];
	_ =	sdelay $0x1  }
0x481: {  	s23 =	sld [smem:$0x7F4]  }
0x482: {  	[hbm4b:s21+s9] =	stream.strided.scatter [tilespmem:s13], [sflag:$0x3], $0x4000, s10, s9, $0x38;
	[tilespmem:$0x11300] =	vst v63  }
0x483: {  	s22 =	simm.s32 $0x0  }
0x484: {  	[tilespmem:s22], [sflag:$0x1] =	stream.strided.gather [hbm4b:s23+s9], $0x4000, s10, s9, $0x38;
	[tilespmem:$0x11300] =	vst v63  }
0x485: {  	_ =	swait.ge [sflag:s14], $0x4000  }
0x486: {  	[sflag:s14] =	ssyncset.done $0x0  }
0x487: {  	[sflag:s14] =	ssyncadd.s32 $0xFFFFC000  }
0x488: {  	_ =	swait.ge [sflag:s17], $0x4000  }
0x489: {  	s19 =	sand.u32 $0x3E00, s22;
	s21 =	sand.u32 $0x70, s22;
	[sflag:s17] =	ssyncset.done $0x0  }
0x48a: {  	s19 =	sor.u32 s21, s19;
	[sflag:s17] =	ssyncadd.s32 $0xFFFFC000  }
0x48b: {  	s22 =	simm.s32 $0x0;
	v2 =	vld [tilespmem:s19+$0x4000]  }
0x48c: {  	v4 =	vld [tilespmem:s22+$0x10000]  }
0x48d: {  	v3 =	vld [tilespmem:s19+$0x4080]  }
0x48e: {  	v5 =	vld [tilespmem:s19+$0x4100]  }
0x48f: {  	v6 =	vld [tilespmem:s19+$0x4180];
	_ =	sdelay $0x1  }
0x490: {  	s20 =	simm.s32 $0x40;
	s23 =	simm.s32 $0x10;
	v2 =	vmul.f32 v2, v4  }
0x491: {  	s21 =	sand.u32 $0x70, s23;
	s22 =	sand.u32 $0x3E00, s20;
	v3 =	vmul.f32 v3, v4  }
0x492: {  	s21 =	sor.u32 s21, s22;
	v5 =	vmul.f32 v5, v4;
	[tilespmem:s19+$0xC000] =	vst v2  }
0x493: {  	v4 =	vmul.f32 v6, v4;
	v2 =	vld [tilespmem:s21+$0x4000];
	[tilespmem:s19+$0xC080] =	vst v3  }
0x494: {  	s22 =	simm.s32 $0x20;
	v3 =	vld [tilespmem:s21+$0x4080];
	[tilespmem:s19+$0xC100] =	vst v5  }
.LBB2_44:
0x495: {  	p0 =	sne.s32 s22, $0xFF0;
	s23 =	sshra.s32 s20, $0x2;
	v5 =	vld [tilespmem:s21+$0x4100];
	[tilespmem:s19+$0xC180] =	vst v4;
	s19 =	smov.u32 s21  }
0x496: {  	v4 =	vld [tilespmem:s23+$0x10000]  }
0x497: {  	v6 =	vld [tilespmem:s19+$0x4180];
	_ =	sdelay $0x3  }
.Ltmp21:
0x498: {  	s20 =	sadd.s32 $0x40, s20;
	v2 =	vmul.f32 v2, v4;
	v3 =	vmul.f32 v3, v4;
	(pc) =	sbr.rel @p0 .LBB2_44-.Ltmp21, $4  }
0x499: {  	s21 =	sand.u32 $0x70, s22;
	s23 =	sand.u32 $0x3E00, s20;
	v5 =	vmul.f32 v5, v4;
	v4 =	vmul.f32 v6, v4  }
0x49a: {  	s21 =	sor.u32 s21, s23;
	[tilespmem:s19+$0xC000] =	vst v2  }
0x49b: {  	v2 =	vld [tilespmem:s21+$0x4000];
	[tilespmem:s19+$0xC080] =	vst v3  }
0x49c: {  	s22 =	sadd.s32 $0x10, s22;
	v3 =	vld [tilespmem:s21+$0x4080];
	[tilespmem:s19+$0xC100] =	vst v5  }
0x49d: {  	v5 =	vld [tilespmem:s21+$0x4100];
	s20 =	sshra.s32 s20, $0x2;
	[tilespmem:s19+$0xC180] =	vst v4  }
0x49e: {  	v4 =	vld [tilespmem:s20+$0x10000];
	_ =	sdelay $0x2  }
0x49f: {  	v6 =	vld [tilespmem:s21+$0x4180];
	_ =	sdelay $0x1  }
0x4a0: {  	v2 =	vmul.f32 v2, v4  }
0x4a1: {  	v3 =	vmul.f32 v3, v4  }
0x4a2: {  	v5 =	vmul.f32 v5, v4;
	[tilespmem:s21+$0xC000] =	vst v2  }
0x4a3: {  	s22 =	sld [smem:$0x7F3];
	v2 =	vmul.f32 v6, v4;
	[tilespmem:s21+$0xC080] =	vst v3  }
0x4a4: {  	[tilespmem:s21+$0xC100] =	vst v5  }
0x4a5: {  	s23 =	sld [smem:$0x7F6];
	[tilespmem:s21+$0xC180] =	vst v2  }
0x4a6: {  	[hbm4b:s22+s9] =	stream.strided.scatter [tilespmem:s15], [sflag:$0x4], $0x4000, s10, s9, $0x38;
	[tilespmem:$0x11300] =	vst v63  }
0x4a7: {  	_ = 	snop  }
0x4a8: {  	[tilespmem:s11], [sflag:$0x2] =	stream.strided.gather [hbm4b:s23+s9], $0x4000, s10, s9, $0x38;
	[tilespmem:$0x11300] =	vst v63  }
0x4a9: {  	_ =	swait.ge [sflag:s12], $0x4000  }
0x4aa: {  	[sflag:s12] =	ssyncset.done $0x0  }
0x4ab: {  	[sflag:s12] =	ssyncadd.s32 $0xFFFFC000  }
0x4ac: {  	s20 =	simm.s32 $0x0;
	_ =	swait.ge [sflag:s16], $0x4000  }
0x4ad: {  	s19 =	sand.u32 $0x3E00, s20;
	s21 =	sand.u32 $0x70, s20;
	[sflag:s16] =	ssyncset.done $0x0  }
0x4ae: {  	s19 =	sor.u32 s21, s19;
	[sflag:s16] =	ssyncadd.s32 $0xFFFFC000  }
0x4af: {  	s22 =	simm.s32 $0x0;
	v2 =	vld [tilespmem:s19+$0x0]  }
0x4b0: {  	v4 =	vld [tilespmem:s22+$0x10000]  }
0x4b1: {  	v3 =	vld [tilespmem:s19+$0x80]  }
0x4b2: {  	v5 =	vld [tilespmem:s19+$0x100]  }
0x4b3: {  	v6 =	vld [tilespmem:s19+$0x180];
	_ =	sdelay $0x1  }
0x4b4: {  	s20 =	simm.s32 $0x40;
	s23 =	simm.s32 $0x10;
	v2 =	vmul.f32 v2, v4  }
0x4b5: {  	s21 =	sand.u32 $0x70, s23;
	s22 =	sand.u32 $0x3E00, s20;
	v3 =	vmul.f32 v3, v4  }
0x4b6: {  	s21 =	sor.u32 s21, s22;
	v5 =	vmul.f32 v5, v4;
	[tilespmem:s19+$0x8000] =	vst v2  }
0x4b7: {  	v4 =	vmul.f32 v6, v4;
	v2 =	vld [tilespmem:s21+$0x0];
	[tilespmem:s19+$0x8080] =	vst v3  }
0x4b8: {  	s22 =	simm.s32 $0x20;
	v3 =	vld [tilespmem:s21+$0x80];
	[tilespmem:s19+$0x8100] =	vst v5  }
.LBB2_46:
0x4b9: {  	p0 =	sne.s32 s22, $0xFF0;
	s23 =	sshra.s32 s20, $0x2;
	v5 =	vld [tilespmem:s21+$0x100];
	[tilespmem:s19+$0x8180] =	vst v4;
	s19 =	smov.u32 s21  }
0x4ba: {  	v4 =	vld [tilespmem:s23+$0x10000]  }
0x4bb: {  	v6 =	vld [tilespmem:s19+$0x180];
	_ =	sdelay $0x3  }
.Ltmp22:
0x4bc: {  	s20 =	sadd.s32 $0x40, s20;
	v2 =	vmul.f32 v2, v4;
	v3 =	vmul.f32 v3, v4;
	(pc) =	sbr.rel @p0 .LBB2_46-.Ltmp22, $4  }
0x4bd: {  	s21 =	sand.u32 $0x70, s22;
	s23 =	sand.u32 $0x3E00, s20;
	v5 =	vmul.f32 v5, v4;
	v4 =	vmul.f32 v6, v4  }
0x4be: {  	s21 =	sor.u32 s21, s23;
	[tilespmem:s19+$0x8000] =	vst v2  }
0x4bf: {  	v2 =	vld [tilespmem:s21+$0x0];
	[tilespmem:s19+$0x8080] =	vst v3  }
0x4c0: {  	s22 =	sadd.s32 $0x10, s22;
	v3 =	vld [tilespmem:s21+$0x80];
	[tilespmem:s19+$0x8100] =	vst v5  }
0x4c1: {  	v5 =	vld [tilespmem:s21+$0x100];
	s20 =	sshra.s32 s20, $0x2;
	[tilespmem:s19+$0x8180] =	vst v4  }
0x4c2: {  	v4 =	vld [tilespmem:s20+$0x10000];
	_ =	sdelay $0x2  }
0x4c3: {  	v6 =	vld [tilespmem:s21+$0x180];
	_ =	sdelay $0x1  }
0x4c4: {  	v2 =	vmul.f32 v2, v4  }
0x4c5: {  	v3 =	vmul.f32 v3, v4  }
0x4c6: {  	v5 =	vmul.f32 v5, v4;
	[tilespmem:s21+$0x8000] =	vst v2  }
0x4c7: {  	v2 =	vmul.f32 v6, v4;
	[tilespmem:s21+$0x8080] =	vst v3  }
0x4c8: {  	[tilespmem:s21+$0x8100] =	vst v5  }
0x4c9: {  	[tilespmem:s21+$0x8180] =	vst v2;
	s21 =	sld [smem:$0x7F5];
	_ =	sdelay $0x1  }
0x4ca: {  	s23 =	sld [smem:$0x7F8]  }
0x4cb: {  	[hbm4b:s21+s9] =	stream.strided.scatter [tilespmem:s13], [sflag:$0x3], $0x4000, s10, s9, $0x38;
	[tilespmem:$0x11300] =	vst v63  }
0x4cc: {  	s22 =	simm.s32 $0x0  }
0x4cd: {  	[tilespmem:s22], [sflag:$0x1] =	stream.strided.gather [hbm4b:s23+s9], $0x4000, s10, s9, $0x38;
	[tilespmem:$0x11300] =	vst v63  }
0x4ce: {  	_ =	swait.ge [sflag:s14], $0x4000  }
0x4cf: {  	[sflag:s14] =	ssyncset.done $0x0  }
0x4d0: {  	[sflag:s14] =	ssyncadd.s32 $0xFFFFC000  }
0x4d1: {  	_ =	swait.ge [sflag:s17], $0x4000  }
0x4d2: {  	s19 =	sand.u32 $0x3E00, s22;
	s21 =	sand.u32 $0x70, s22;
	[sflag:s17] =	ssyncset.done $0x0  }
0x4d3: {  	s19 =	sor.u32 s21, s19;
	[sflag:s17] =	ssyncadd.s32 $0xFFFFC000  }
0x4d4: {  	s22 =	simm.s32 $0x0;
	v2 =	vld [tilespmem:s19+$0x4000]  }
0x4d5: {  	v4 =	vld [tilespmem:s22+$0x10000]  }
0x4d6: {  	v3 =	vld [tilespmem:s19+$0x4080]  }
0x4d7: {  	v5 =	vld [tilespmem:s19+$0x4100]  }
0x4d8: {  	v6 =	vld [tilespmem:s19+$0x4180];
	_ =	sdelay $0x1  }
0x4d9: {  	s20 =	simm.s32 $0x40;
	s23 =	simm.s32 $0x10;
	v2 =	vmul.f32 v2, v4  }
0x4da: {  	s21 =	sand.u32 $0x70, s23;
	s22 =	sand.u32 $0x3E00, s20;
	v3 =	vmul.f32 v3, v4  }
0x4db: {  	s21 =	sor.u32 s21, s22;
	v5 =	vmul.f32 v5, v4;
	[tilespmem:s19+$0xC000] =	vst v2  }
0x4dc: {  	v4 =	vmul.f32 v6, v4;
	v2 =	vld [tilespmem:s21+$0x4000];
	[tilespmem:s19+$0xC080] =	vst v3  }
0x4dd: {  	s22 =	simm.s32 $0x20;
	v3 =	vld [tilespmem:s21+$0x4080];
	[tilespmem:s19+$0xC100] =	vst v5  }
.LBB2_48:
0x4de: {  	p0 =	sne.s32 s22, $0xFF0;
	s23 =	sshra.s32 s20, $0x2;
	v5 =	vld [tilespmem:s21+$0x4100];
	[tilespmem:s19+$0xC180] =	vst v4;
	s19 =	smov.u32 s21  }
0x4df: {  	v4 =	vld [tilespmem:s23+$0x10000]  }
0x4e0: {  	v6 =	vld [tilespmem:s19+$0x4180];
	_ =	sdelay $0x3  }
.Ltmp23:
0x4e1: {  	s20 =	sadd.s32 $0x40, s20;
	v2 =	vmul.f32 v2, v4;
	v3 =	vmul.f32 v3, v4;
	(pc) =	sbr.rel @p0 .LBB2_48-.Ltmp23, $4  }
0x4e2: {  	s21 =	sand.u32 $0x70, s22;
	s23 =	sand.u32 $0x3E00, s20;
	v5 =	vmul.f32 v5, v4;
	v4 =	vmul.f32 v6, v4  }
0x4e3: {  	s21 =	sor.u32 s21, s23;
	[tilespmem:s19+$0xC000] =	vst v2  }
0x4e4: {  	v2 =	vld [tilespmem:s21+$0x4000];
	[tilespmem:s19+$0xC080] =	vst v3  }
0x4e5: {  	s22 =	sadd.s32 $0x10, s22;
	v3 =	vld [tilespmem:s21+$0x4080];
	[tilespmem:s19+$0xC100] =	vst v5  }
0x4e6: {  	v5 =	vld [tilespmem:s21+$0x4100];
	s20 =	sshra.s32 s20, $0x2;
	[tilespmem:s19+$0xC180] =	vst v4  }
0x4e7: {  	v4 =	vld [tilespmem:s20+$0x10000];
	_ =	sdelay $0x2  }
0x4e8: {  	v6 =	vld [tilespmem:s21+$0x4180];
	_ =	sdelay $0x1  }
0x4e9: {  	v2 =	vmul.f32 v2, v4  }
0x4ea: {  	v3 =	vmul.f32 v3, v4  }
0x4eb: {  	v5 =	vmul.f32 v5, v4;
	[tilespmem:s21+$0xC000] =	vst v2  }
0x4ec: {  	s22 =	sld [smem:$0x7F7];
	v2 =	vmul.f32 v6, v4;
	[tilespmem:s21+$0xC080] =	vst v3  }
0x4ed: {  	[tilespmem:s21+$0xC100] =	vst v5  }
0x4ee: {  	s23 =	sld [smem:$0x7FA];
	[tilespmem:s21+$0xC180] =	vst v2  }
0x4ef: {  	[hbm4b:s22+s9] =	stream.strided.scatter [tilespmem:s15], [sflag:$0x4], $0x4000, s10, s9, $0x38;
	[tilespmem:$0x11300] =	vst v63  }
0x4f0: {  	_ = 	snop  }
0x4f1: {  	[tilespmem:s11], [sflag:$0x2] =	stream.strided.gather [hbm4b:s23+s9], $0x4000, s10, s9, $0x38;
	[tilespmem:$0x11300] =	vst v63  }
0x4f2: {  	_ =	swait.ge [sflag:s12], $0x4000  }
0x4f3: {  	[sflag:s12] =	ssyncset.done $0x0  }
0x4f4: {  	[sflag:s12] =	ssyncadd.s32 $0xFFFFC000  }
0x4f5: {  	s20 =	simm.s32 $0x0;
	_ =	swait.ge [sflag:s16], $0x4000  }
0x4f6: {  	s19 =	sand.u32 $0x3E00, s20;
	s21 =	sand.u32 $0x70, s20;
	[sflag:s16] =	ssyncset.done $0x0  }
0x4f7: {  	s19 =	sor.u32 s21, s19;
	[sflag:s16] =	ssyncadd.s32 $0xFFFFC000  }
0x4f8: {  	s22 =	simm.s32 $0x0;
	v2 =	vld [tilespmem:s19+$0x0]  }
0x4f9: {  	v4 =	vld [tilespmem:s22+$0x10000]  }
0x4fa: {  	v3 =	vld [tilespmem:s19+$0x80]  }
0x4fb: {  	v5 =	vld [tilespmem:s19+$0x100]  }
0x4fc: {  	v6 =	vld [tilespmem:s19+$0x180];
	_ =	sdelay $0x1  }
0x4fd: {  	s20 =	simm.s32 $0x40;
	s23 =	simm.s32 $0x10;
	v2 =	vmul.f32 v2, v4  }
0x4fe: {  	s21 =	sand.u32 $0x70, s23;
	s22 =	sand.u32 $0x3E00, s20;
	v3 =	vmul.f32 v3, v4  }
0x4ff: {  	s21 =	sor.u32 s21, s22;
	v5 =	vmul.f32 v5, v4;
	[tilespmem:s19+$0x8000] =	vst v2  }
0x500: {  	v4 =	vmul.f32 v6, v4;
	v2 =	vld [tilespmem:s21+$0x0];
	[tilespmem:s19+$0x8080] =	vst v3  }
0x501: {  	s22 =	simm.s32 $0x20;
	v3 =	vld [tilespmem:s21+$0x80];
	[tilespmem:s19+$0x8100] =	vst v5  }
.LBB2_50:
0x502: {  	p0 =	sne.s32 s22, $0xFF0;
	s23 =	sshra.s32 s20, $0x2;
	v5 =	vld [tilespmem:s21+$0x100];
	[tilespmem:s19+$0x8180] =	vst v4;
	s19 =	smov.u32 s21  }
0x503: {  	v4 =	vld [tilespmem:s23+$0x10000]  }
0x504: {  	v6 =	vld [tilespmem:s19+$0x180];
	_ =	sdelay $0x3  }
.Ltmp24:
0x505: {  	s20 =	sadd.s32 $0x40, s20;
	v2 =	vmul.f32 v2, v4;
	v3 =	vmul.f32 v3, v4;
	(pc) =	sbr.rel @p0 .LBB2_50-.Ltmp24, $4  }
0x506: {  	s21 =	sand.u32 $0x70, s22;
	s23 =	sand.u32 $0x3E00, s20;
	v5 =	vmul.f32 v5, v4;
	v4 =	vmul.f32 v6, v4  }
0x507: {  	s21 =	sor.u32 s21, s23;
	[tilespmem:s19+$0x8000] =	vst v2  }
0x508: {  	v2 =	vld [tilespmem:s21+$0x0];
	[tilespmem:s19+$0x8080] =	vst v3  }
0x509: {  	s22 =	sadd.s32 $0x10, s22;
	v3 =	vld [tilespmem:s21+$0x80];
	[tilespmem:s19+$0x8100] =	vst v5  }
0x50a: {  	v5 =	vld [tilespmem:s21+$0x100];
	s20 =	sshra.s32 s20, $0x2;
	[tilespmem:s19+$0x8180] =	vst v4  }
0x50b: {  	v4 =	vld [tilespmem:s20+$0x10000];
	_ =	sdelay $0x2  }
0x50c: {  	v6 =	vld [tilespmem:s21+$0x180];
	_ =	sdelay $0x1  }
0x50d: {  	v2 =	vmul.f32 v2, v4  }
0x50e: {  	v3 =	vmul.f32 v3, v4  }
0x50f: {  	v5 =	vmul.f32 v5, v4;
	[tilespmem:s21+$0x8000] =	vst v2  }
0x510: {  	v2 =	vmul.f32 v6, v4;
	[tilespmem:s21+$0x8080] =	vst v3  }
0x511: {  	[tilespmem:s21+$0x8100] =	vst v5  }
0x512: {  	[tilespmem:s21+$0x8180] =	vst v2;
	s21 =	sld [smem:$0x7F9];
	_ =	sdelay $0x1  }
0x513: {  	s23 =	sld [smem:$0x7FC]  }
0x514: {  	[hbm4b:s21+s9] =	stream.strided.scatter [tilespmem:s13], [sflag:$0x3], $0x4000, s10, s9, $0x38;
	[tilespmem:$0x11300] =	vst v63  }
0x515: {  	s22 =	simm.s32 $0x0  }
0x516: {  	[tilespmem:s22], [sflag:$0x1] =	stream.strided.gather [hbm4b:s23+s9], $0x4000, s10, s9, $0x38;
	[tilespmem:$0x11300] =	vst v63  }
0x517: {  	_ =	swait.ge [sflag:s14], $0x4000  }
0x518: {  	[sflag:s14] =	ssyncset.done $0x0  }
0x519: {  	[sflag:s14] =	ssyncadd.s32 $0xFFFFC000  }
0x51a: {  	_ =	swait.ge [sflag:s17], $0x4000  }
0x51b: {  	s19 =	sand.u32 $0x3E00, s22;
	s21 =	sand.u32 $0x70, s22;
	[sflag:s17] =	ssyncset.done $0x0  }
0x51c: {  	s19 =	sor.u32 s21, s19;
	[sflag:s17] =	ssyncadd.s32 $0xFFFFC000  }
0x51d: {  	s22 =	simm.s32 $0x0;
	v2 =	vld [tilespmem:s19+$0x4000]  }
0x51e: {  	v4 =	vld [tilespmem:s22+$0x10000]  }
0x51f: {  	v3 =	vld [tilespmem:s19+$0x4080]  }
0x520: {  	v5 =	vld [tilespmem:s19+$0x4100]  }
0x521: {  	v6 =	vld [tilespmem:s19+$0x4180];
	_ =	sdelay $0x1  }
0x522: {  	s20 =	simm.s32 $0x40;
	s23 =	simm.s32 $0x10;
	v2 =	vmul.f32 v2, v4  }
0x523: {  	s21 =	sand.u32 $0x70, s23;
	s22 =	sand.u32 $0x3E00, s20;
	v3 =	vmul.f32 v3, v4  }
0x524: {  	s21 =	sor.u32 s21, s22;
	v5 =	vmul.f32 v5, v4;
	[tilespmem:s19+$0xC000] =	vst v2  }
0x525: {  	v4 =	vmul.f32 v6, v4;
	v2 =	vld [tilespmem:s21+$0x4000];
	[tilespmem:s19+$0xC080] =	vst v3  }
0x526: {  	s22 =	simm.s32 $0x20;
	v3 =	vld [tilespmem:s21+$0x4080];
	[tilespmem:s19+$0xC100] =	vst v5  }
.LBB2_52:
0x527: {  	p0 =	sne.s32 s22, $0xFF0;
	s23 =	sshra.s32 s20, $0x2;
	v5 =	vld [tilespmem:s21+$0x4100];
	[tilespmem:s19+$0xC180] =	vst v4;
	s19 =	smov.u32 s21  }
0x528: {  	v4 =	vld [tilespmem:s23+$0x10000]  }
0x529: {  	v6 =	vld [tilespmem:s19+$0x4180];
	_ =	sdelay $0x3  }
.Ltmp25:
0x52a: {  	s20 =	sadd.s32 $0x40, s20;
	v2 =	vmul.f32 v2, v4;
	v3 =	vmul.f32 v3, v4;
	(pc) =	sbr.rel @p0 .LBB2_52-.Ltmp25, $4  }
0x52b: {  	s21 =	sand.u32 $0x70, s22;
	s23 =	sand.u32 $0x3E00, s20;
	v5 =	vmul.f32 v5, v4;
	v4 =	vmul.f32 v6, v4  }
0x52c: {  	s21 =	sor.u32 s21, s23;
	[tilespmem:s19+$0xC000] =	vst v2  }
0x52d: {  	v2 =	vld [tilespmem:s21+$0x4000];
	[tilespmem:s19+$0xC080] =	vst v3  }
0x52e: {  	s22 =	sadd.s32 $0x10, s22;
	v3 =	vld [tilespmem:s21+$0x4080];
	[tilespmem:s19+$0xC100] =	vst v5  }
0x52f: {  	v5 =	vld [tilespmem:s21+$0x4100];
	s20 =	sshra.s32 s20, $0x2;
	[tilespmem:s19+$0xC180] =	vst v4  }
0x530: {  	v4 =	vld [tilespmem:s20+$0x10000];
	_ =	sdelay $0x2  }
0x531: {  	v6 =	vld [tilespmem:s21+$0x4180];
	_ =	sdelay $0x1  }
0x532: {  	v2 =	vmul.f32 v2, v4  }
0x533: {  	v3 =	vmul.f32 v3, v4  }
0x534: {  	v5 =	vmul.f32 v5, v4;
	[tilespmem:s21+$0xC000] =	vst v2  }
0x535: {  	s23 =	sld [smem:$0x7FB];
	v2 =	vmul.f32 v6, v4;
	[tilespmem:s21+$0xC080] =	vst v3  }
0x536: {  	[tilespmem:s21+$0xC100] =	vst v5  }
0x537: {  	[tilespmem:s21+$0xC180] =	vst v2  }
0x538: {  	[hbm4b:s23+s9] =	stream.strided.scatter [tilespmem:s15], [sflag:$0x4], $0x4000, s10, s9, $0x38;
	[tilespmem:$0x11300] =	vst v63  }
0x539: {  	_ = 	snop  }
0x53a: {  	[tilespmem:s11], [sflag:$0x2] =	stream.strided.gather [hbm4b:s24+s9], $0x4000, s10, s9, $0x38;
	[tilespmem:$0x11300] =	vst v63  }
0x53b: {  	_ =	swait.ge [sflag:s12], $0x4000  }
0x53c: {  	[sflag:s12] =	ssyncset.done $0x0  }
0x53d: {  	[sflag:s12] =	ssyncadd.s32 $0xFFFFC000  }
0x53e: {  	s20 =	simm.s32 $0x0;
	_ =	swait.ge [sflag:s16], $0x4000  }
0x53f: {  	s19 =	sand.u32 $0x3E00, s20;
	s21 =	sand.u32 $0x70, s20;
	[sflag:s16] =	ssyncset.done $0x0  }
0x540: {  	s19 =	sor.u32 s21, s19;
	[sflag:s16] =	ssyncadd.s32 $0xFFFFC000  }
0x541: {  	s22 =	simm.s32 $0x0;
	v2 =	vld [tilespmem:s19+$0x0]  }
0x542: {  	v4 =	vld [tilespmem:s22+$0x10000]  }
0x543: {  	v3 =	vld [tilespmem:s19+$0x80]  }
0x544: {  	v5 =	vld [tilespmem:s19+$0x100]  }
0x545: {  	v6 =	vld [tilespmem:s19+$0x180];
	_ =	sdelay $0x1  }
0x546: {  	s20 =	simm.s32 $0x40;
	s23 =	simm.s32 $0x10;
	v2 =	vmul.f32 v2, v4  }
0x547: {  	s21 =	sand.u32 $0x70, s23;
	s22 =	sand.u32 $0x3E00, s20;
	v3 =	vmul.f32 v3, v4  }
0x548: {  	s21 =	sor.u32 s21, s22;
	v5 =	vmul.f32 v5, v4;
	[tilespmem:s19+$0x8000] =	vst v2  }
0x549: {  	v4 =	vmul.f32 v6, v4;
	v2 =	vld [tilespmem:s21+$0x0];
	[tilespmem:s19+$0x8080] =	vst v3  }
0x54a: {  	s22 =	simm.s32 $0x20;
	v3 =	vld [tilespmem:s21+$0x80];
	[tilespmem:s19+$0x8100] =	vst v5  }
.LBB2_54:
0x54b: {  	p0 =	sne.s32 s22, $0xFF0;
	s23 =	sshra.s32 s20, $0x2;
	v5 =	vld [tilespmem:s21+$0x100];
	[tilespmem:s19+$0x8180] =	vst v4;
	s19 =	smov.u32 s21  }
0x54c: {  	v4 =	vld [tilespmem:s23+$0x10000]  }
0x54d: {  	v6 =	vld [tilespmem:s19+$0x180];
	_ =	sdelay $0x3  }
.Ltmp26:
0x54e: {  	s20 =	sadd.s32 $0x40, s20;
	v2 =	vmul.f32 v2, v4;
	v3 =	vmul.f32 v3, v4;
	(pc) =	sbr.rel @p0 .LBB2_54-.Ltmp26, $4  }
0x54f: {  	s21 =	sand.u32 $0x70, s22;
	s23 =	sand.u32 $0x3E00, s20;
	v5 =	vmul.f32 v5, v4;
	v4 =	vmul.f32 v6, v4  }
0x550: {  	s21 =	sor.u32 s21, s23;
	[tilespmem:s19+$0x8000] =	vst v2  }
0x551: {  	v2 =	vld [tilespmem:s21+$0x0];
	[tilespmem:s19+$0x8080] =	vst v3  }
0x552: {  	s22 =	sadd.s32 $0x10, s22;
	v3 =	vld [tilespmem:s21+$0x80];
	[tilespmem:s19+$0x8100] =	vst v5  }
0x553: {  	v5 =	vld [tilespmem:s21+$0x100];
	s20 =	sshra.s32 s20, $0x2;
	[tilespmem:s19+$0x8180] =	vst v4  }
0x554: {  	v4 =	vld [tilespmem:s20+$0x10000];
	_ =	sdelay $0x2  }
0x555: {  	v6 =	vld [tilespmem:s21+$0x180];
	_ =	sdelay $0x1  }
0x556: {  	v2 =	vmul.f32 v2, v4  }
0x557: {  	v3 =	vmul.f32 v3, v4  }
0x558: {  	v5 =	vmul.f32 v5, v4;
	[tilespmem:s21+$0x8000] =	vst v2  }
0x559: {  	s23 =	sld [smem:$0x7FD];
	v2 =	vmul.f32 v6, v4;
	[tilespmem:s21+$0x8080] =	vst v3  }
0x55a: {  	[tilespmem:s21+$0x8100] =	vst v5  }
0x55b: {  	[tilespmem:s21+$0x8180] =	vst v2  }
0x55c: {  	[hbm4b:s23+s9] =	stream.strided.scatter [tilespmem:s13], [sflag:$0x3], $0x4000, s10, s9, $0x38;
	[tilespmem:$0x11300] =	vst v63  }
0x55d: {  	s20 =	simm.s32 $0x0  }
0x55e: {  	[tilespmem:s20], [sflag:$0x1] =	stream.strided.gather [hbm4b:s26+s9], $0x4000, s10, s9, $0x38;
	[tilespmem:$0x11300] =	vst v63  }
0x55f: {  	_ =	swait.ge [sflag:s14], $0x4000  }
0x560: {  	[sflag:s14] =	ssyncset.done $0x0  }
0x561: {  	[sflag:s14] =	ssyncadd.s32 $0xFFFFC000  }
0x562: {  	_ =	swait.ge [sflag:s17], $0x4000  }
0x563: {  	s19 =	sand.u32 $0x3E00, s20;
	s21 =	sand.u32 $0x70, s20;
	[sflag:s17] =	ssyncset.done $0x0  }
0x564: {  	s19 =	sor.u32 s21, s19;
	[sflag:s17] =	ssyncadd.s32 $0xFFFFC000  }
0x565: {  	s22 =	simm.s32 $0x0;
	v2 =	vld [tilespmem:s19+$0x4000]  }
0x566: {  	v4 =	vld [tilespmem:s22+$0x10000]  }
0x567: {  	v3 =	vld [tilespmem:s19+$0x4080]  }
0x568: {  	v5 =	vld [tilespmem:s19+$0x4100]  }
0x569: {  	v6 =	vld [tilespmem:s19+$0x4180];
	_ =	sdelay $0x1  }
0x56a: {  	s23 =	simm.s32 $0x10;
	s20 =	simm.s32 $0x40;
	v2 =	vmul.f32 v2, v4  }
0x56b: {  	s21 =	sand.u32 $0x70, s23;
	s22 =	sand.u32 $0x3E00, s20;
	v3 =	vmul.f32 v3, v4  }
0x56c: {  	s21 =	sor.u32 s21, s22;
	v5 =	vmul.f32 v5, v4;
	[tilespmem:s19+$0xC000] =	vst v2  }
0x56d: {  	v4 =	vmul.f32 v6, v4;
	v2 =	vld [tilespmem:s21+$0x4000];
	[tilespmem:s19+$0xC080] =	vst v3  }
0x56e: {  	s22 =	simm.s32 $0x20;
	v3 =	vld [tilespmem:s21+$0x4080];
	[tilespmem:s19+$0xC100] =	vst v5  }
.LBB2_56:
0x56f: {  	p0 =	sne.s32 s22, $0xFF0;
	s23 =	sshra.s32 s20, $0x2;
	v5 =	vld [tilespmem:s21+$0x4100];
	[tilespmem:s19+$0xC180] =	vst v4;
	s19 =	smov.u32 s21  }
0x570: {  	v4 =	vld [tilespmem:s23+$0x10000]  }
0x571: {  	v6 =	vld [tilespmem:s19+$0x4180];
	_ =	sdelay $0x3  }
.Ltmp27:
0x572: {  	s20 =	sadd.s32 $0x40, s20;
	v2 =	vmul.f32 v2, v4;
	v3 =	vmul.f32 v3, v4;
	(pc) =	sbr.rel @p0 .LBB2_56-.Ltmp27, $4  }
0x573: {  	s21 =	sand.u32 $0x70, s22;
	s23 =	sand.u32 $0x3E00, s20;
	v5 =	vmul.f32 v5, v4;
	v4 =	vmul.f32 v6, v4  }
0x574: {  	s21 =	sor.u32 s21, s23;
	[tilespmem:s19+$0xC000] =	vst v2  }
0x575: {  	v2 =	vld [tilespmem:s21+$0x4000];
	[tilespmem:s19+$0xC080] =	vst v3  }
0x576: {  	s22 =	sadd.s32 $0x10, s22;
	v3 =	vld [tilespmem:s21+$0x4080];
	[tilespmem:s19+$0xC100] =	vst v5  }
0x577: {  	v5 =	vld [tilespmem:s21+$0x4100];
	s20 =	sshra.s32 s20, $0x2;
	[tilespmem:s19+$0xC180] =	vst v4  }
0x578: {  	v4 =	vld [tilespmem:s20+$0x10000];
	_ =	sdelay $0x2  }
0x579: {  	v6 =	vld [tilespmem:s21+$0x4180];
	_ =	sdelay $0x1  }
0x57a: {  	v2 =	vmul.f32 v2, v4  }
0x57b: {  	v3 =	vmul.f32 v3, v4  }
0x57c: {  	v5 =	vmul.f32 v5, v4;
	[tilespmem:s21+$0xC000] =	vst v2  }
0x57d: {  	v2 =	vmul.f32 v6, v4;
	[tilespmem:s21+$0xC080] =	vst v3  }
0x57e: {  	[tilespmem:s21+$0xC100] =	vst v5  }
0x57f: {  	[tilespmem:s21+$0xC180] =	vst v2  }
0x580: {  	[hbm4b:s25+s9] =	stream.strided.scatter [tilespmem:s15], [sflag:$0x4], $0x4000, s10, s9, $0x38;
	[tilespmem:$0x11300] =	vst v63  }
0x581: {  	_ = 	snop  }
0x582: {  	[tilespmem:s11], [sflag:$0x2] =	stream.strided.gather [hbm4b:s29+s9], $0x4000, s10, s9, $0x38;
	[tilespmem:$0x11300] =	vst v63  }
0x583: {  	_ =	swait.ge [sflag:s12], $0x4000  }
0x584: {  	[sflag:s12] =	ssyncset.done $0x0  }
0x585: {  	[sflag:s12] =	ssyncadd.s32 $0xFFFFC000  }
0x586: {  	s20 =	simm.s32 $0x0;
	_ =	swait.ge [sflag:s16], $0x4000  }
0x587: {  	s19 =	sand.u32 $0x3E00, s20;
	s21 =	sand.u32 $0x70, s20;
	[sflag:s16] =	ssyncset.done $0x0  }
0x588: {  	s19 =	sor.u32 s21, s19;
	[sflag:s16] =	ssyncadd.s32 $0xFFFFC000  }
0x589: {  	s22 =	simm.s32 $0x0;
	v2 =	vld [tilespmem:s19+$0x0]  }
0x58a: {  	v4 =	vld [tilespmem:s22+$0x10000]  }
0x58b: {  	v3 =	vld [tilespmem:s19+$0x80]  }
0x58c: {  	v5 =	vld [tilespmem:s19+$0x100]  }
0x58d: {  	v6 =	vld [tilespmem:s19+$0x180];
	_ =	sdelay $0x1  }
0x58e: {  	s23 =	simm.s32 $0x10;
	s20 =	simm.s32 $0x40;
	v2 =	vmul.f32 v2, v4  }
0x58f: {  	s21 =	sand.u32 $0x70, s23;
	s22 =	sand.u32 $0x3E00, s20;
	v3 =	vmul.f32 v3, v4  }
0x590: {  	s21 =	sor.u32 s21, s22;
	v5 =	vmul.f32 v5, v4;
	[tilespmem:s19+$0x8000] =	vst v2  }
0x591: {  	v4 =	vmul.f32 v6, v4;
	v2 =	vld [tilespmem:s21+$0x0];
	[tilespmem:s19+$0x8080] =	vst v3  }
0x592: {  	s22 =	simm.s32 $0x20;
	v3 =	vld [tilespmem:s21+$0x80];
	[tilespmem:s19+$0x8100] =	vst v5  }
.LBB2_58:
0x593: {  	p0 =	sne.s32 s22, $0xFF0;
	s23 =	sshra.s32 s20, $0x2;
	v5 =	vld [tilespmem:s21+$0x100];
	[tilespmem:s19+$0x8180] =	vst v4;
	s19 =	smov.u32 s21  }
0x594: {  	v4 =	vld [tilespmem:s23+$0x10000]  }
0x595: {  	v6 =	vld [tilespmem:s19+$0x180];
	_ =	sdelay $0x3  }
.Ltmp28:
0x596: {  	s20 =	sadd.s32 $0x40, s20;
	v2 =	vmul.f32 v2, v4;
	v3 =	vmul.f32 v3, v4;
	(pc) =	sbr.rel @p0 .LBB2_58-.Ltmp28, $4  }
0x597: {  	s21 =	sand.u32 $0x70, s22;
	s23 =	sand.u32 $0x3E00, s20;
	v5 =	vmul.f32 v5, v4;
	v4 =	vmul.f32 v6, v4  }
0x598: {  	s21 =	sor.u32 s21, s23;
	[tilespmem:s19+$0x8000] =	vst v2  }
0x599: {  	v2 =	vld [tilespmem:s21+$0x0];
	[tilespmem:s19+$0x8080] =	vst v3  }
0x59a: {  	s22 =	sadd.s32 $0x10, s22;
	v3 =	vld [tilespmem:s21+$0x80];
	[tilespmem:s19+$0x8100] =	vst v5  }
0x59b: {  	v5 =	vld [tilespmem:s21+$0x100];
	s20 =	sshra.s32 s20, $0x2;
	[tilespmem:s19+$0x8180] =	vst v4  }
0x59c: {  	v4 =	vld [tilespmem:s20+$0x10000];
	_ =	sdelay $0x2  }
0x59d: {  	v6 =	vld [tilespmem:s21+$0x180];
	_ =	sdelay $0x1  }
0x59e: {  	v2 =	vmul.f32 v2, v4  }
0x59f: {  	v3 =	vmul.f32 v3, v4  }
0x5a0: {  	v5 =	vmul.f32 v5, v4;
	[tilespmem:s21+$0x8000] =	vst v2  }
0x5a1: {  	v2 =	vmul.f32 v6, v4;
	[tilespmem:s21+$0x8080] =	vst v3  }
0x5a2: {  	[tilespmem:s21+$0x8100] =	vst v5  }
0x5a3: {  	[tilespmem:s21+$0x8180] =	vst v2  }
0x5a4: {  	[hbm4b:s28+s9] =	stream.strided.scatter [tilespmem:s13], [sflag:$0x3], $0x4000, s10, s9, $0x38;
	[tilespmem:$0x11300] =	vst v63  }
0x5a5: {  	s20 =	simm.s32 $0x0  }
0x5a6: {  	[tilespmem:s20], [sflag:$0x1] =	stream.strided.gather [hbm4b:s2+s9], $0x4000, s10, s9, $0x38;
	[tilespmem:$0x11300] =	vst v63  }
0x5a7: {  	_ =	swait.ge [sflag:s14], $0x4000  }
0x5a8: {  	[sflag:s14] =	ssyncset.done $0x0  }
0x5a9: {  	[sflag:s14] =	ssyncadd.s32 $0xFFFFC000  }
0x5aa: {  	_ =	swait.ge [sflag:s17], $0x4000  }
0x5ab: {  	s19 =	sand.u32 $0x3E00, s20;
	s21 =	sand.u32 $0x70, s20;
	[sflag:s17] =	ssyncset.done $0x0  }
0x5ac: {  	s19 =	sor.u32 s21, s19;
	[sflag:s17] =	ssyncadd.s32 $0xFFFFC000  }
0x5ad: {  	s22 =	simm.s32 $0x0;
	v2 =	vld [tilespmem:s19+$0x4000]  }
0x5ae: {  	v4 =	vld [tilespmem:s22+$0x10000]  }
0x5af: {  	v3 =	vld [tilespmem:s19+$0x4080]  }
0x5b0: {  	v5 =	vld [tilespmem:s19+$0x4100]  }
0x5b1: {  	v6 =	vld [tilespmem:s19+$0x4180];
	_ =	sdelay $0x1  }
0x5b2: {  	s23 =	simm.s32 $0x10;
	s20 =	simm.s32 $0x40;
	v2 =	vmul.f32 v2, v4  }
0x5b3: {  	s21 =	sand.u32 $0x70, s23;
	s22 =	sand.u32 $0x3E00, s20;
	v3 =	vmul.f32 v3, v4  }
0x5b4: {  	s21 =	sor.u32 s21, s22;
	v5 =	vmul.f32 v5, v4;
	[tilespmem:s19+$0xC000] =	vst v2  }
0x5b5: {  	v4 =	vmul.f32 v6, v4;
	v2 =	vld [tilespmem:s21+$0x4000];
	[tilespmem:s19+$0xC080] =	vst v3  }
0x5b6: {  	s22 =	simm.s32 $0x20;
	v3 =	vld [tilespmem:s21+$0x4080];
	[tilespmem:s19+$0xC100] =	vst v5  }
.LBB2_60:
0x5b7: {  	p0 =	sne.s32 s22, $0xFF0;
	s23 =	sshra.s32 s20, $0x2;
	v5 =	vld [tilespmem:s21+$0x4100];
	[tilespmem:s19+$0xC180] =	vst v4;
	s19 =	smov.u32 s21  }
0x5b8: {  	v4 =	vld [tilespmem:s23+$0x10000]  }
0x5b9: {  	v6 =	vld [tilespmem:s19+$0x4180];
	_ =	sdelay $0x3  }
.Ltmp29:
0x5ba: {  	s20 =	sadd.s32 $0x40, s20;
	v2 =	vmul.f32 v2, v4;
	v3 =	vmul.f32 v3, v4;
	(pc) =	sbr.rel @p0 .LBB2_60-.Ltmp29, $4  }
0x5bb: {  	s21 =	sand.u32 $0x70, s22;
	s23 =	sand.u32 $0x3E00, s20;
	v5 =	vmul.f32 v5, v4;
	v4 =	vmul.f32 v6, v4  }
0x5bc: {  	s21 =	sor.u32 s21, s23;
	[tilespmem:s19+$0xC000] =	vst v2  }
0x5bd: {  	v2 =	vld [tilespmem:s21+$0x4000];
	[tilespmem:s19+$0xC080] =	vst v3  }
0x5be: {  	s22 =	sadd.s32 $0x10, s22;
	v3 =	vld [tilespmem:s21+$0x4080];
	[tilespmem:s19+$0xC100] =	vst v5  }
0x5bf: {  	v5 =	vld [tilespmem:s21+$0x4100];
	s20 =	sshra.s32 s20, $0x2;
	[tilespmem:s19+$0xC180] =	vst v4  }
0x5c0: {  	v4 =	vld [tilespmem:s20+$0x10000];
	_ =	sdelay $0x2  }
0x5c1: {  	v6 =	vld [tilespmem:s21+$0x4180];
	_ =	sdelay $0x1  }
0x5c2: {  	v2 =	vmul.f32 v2, v4  }
0x5c3: {  	v3 =	vmul.f32 v3, v4  }
0x5c4: {  	v5 =	vmul.f32 v5, v4;
	[tilespmem:s21+$0xC000] =	vst v2  }
0x5c5: {  	v2 =	vmul.f32 v6, v4;
	[tilespmem:s21+$0xC080] =	vst v3  }
0x5c6: {  	[tilespmem:s21+$0xC100] =	vst v5  }
0x5c7: {  	[tilespmem:s21+$0xC180] =	vst v2  }
0x5c8: {  	[hbm4b:s30+s9] =	stream.strided.scatter [tilespmem:s15], [sflag:$0x4], $0x4000, s10, s9, $0x38;
	[tilespmem:$0x11300] =	vst v63  }
0x5c9: {  	_ = 	snop  }
0x5ca: {  	[tilespmem:s11], [sflag:$0x2] =	stream.strided.gather [hbm4b:s3+s9], $0x4000, s10, s9, $0x38;
	[tilespmem:$0x11300] =	vst v63  }
0x5cb: {  	_ =	swait.ge [sflag:s12], $0x4000  }
0x5cc: {  	[sflag:s12] =	ssyncset.done $0x0  }
0x5cd: {  	[sflag:s12] =	ssyncadd.s32 $0xFFFFC000  }
0x5ce: {  	s20 =	simm.s32 $0x0;
	_ =	swait.ge [sflag:s16], $0x4000  }
0x5cf: {  	s19 =	sand.u32 $0x3E00, s20;
	s21 =	sand.u32 $0x70, s20;
	[sflag:s16] =	ssyncset.done $0x0  }
0x5d0: {  	s19 =	sor.u32 s21, s19;
	[sflag:s16] =	ssyncadd.s32 $0xFFFFC000  }
0x5d1: {  	s22 =	simm.s32 $0x0;
	v2 =	vld [tilespmem:s19+$0x0]  }
0x5d2: {  	v4 =	vld [tilespmem:s22+$0x10000]  }
0x5d3: {  	v3 =	vld [tilespmem:s19+$0x80]  }
0x5d4: {  	v5 =	vld [tilespmem:s19+$0x100]  }
0x5d5: {  	v6 =	vld [tilespmem:s19+$0x180];
	_ =	sdelay $0x1  }
0x5d6: {  	s23 =	simm.s32 $0x10;
	s20 =	simm.s32 $0x40;
	v2 =	vmul.f32 v2, v4  }
0x5d7: {  	s21 =	sand.u32 $0x70, s23;
	s22 =	sand.u32 $0x3E00, s20;
	v3 =	vmul.f32 v3, v4  }
0x5d8: {  	s21 =	sor.u32 s21, s22;
	v5 =	vmul.f32 v5, v4;
	[tilespmem:s19+$0x8000] =	vst v2  }
0x5d9: {  	v4 =	vmul.f32 v6, v4;
	v2 =	vld [tilespmem:s21+$0x0];
	[tilespmem:s19+$0x8080] =	vst v3  }
0x5da: {  	s22 =	simm.s32 $0x20;
	v3 =	vld [tilespmem:s21+$0x80];
	[tilespmem:s19+$0x8100] =	vst v5  }
.LBB2_62:
0x5db: {  	p0 =	sne.s32 s22, $0xFF0;
	s23 =	sshra.s32 s20, $0x2;
	v5 =	vld [tilespmem:s21+$0x100];
	[tilespmem:s19+$0x8180] =	vst v4;
	s19 =	smov.u32 s21  }
0x5dc: {  	v4 =	vld [tilespmem:s23+$0x10000]  }
0x5dd: {  	v6 =	vld [tilespmem:s19+$0x180];
	_ =	sdelay $0x3  }
.Ltmp30:
0x5de: {  	s20 =	sadd.s32 $0x40, s20;
	v2 =	vmul.f32 v2, v4;
	v3 =	vmul.f32 v3, v4;
	(pc) =	sbr.rel @p0 .LBB2_62-.Ltmp30, $4  }
0x5df: {  	s21 =	sand.u32 $0x70, s22;
	s23 =	sand.u32 $0x3E00, s20;
	v5 =	vmul.f32 v5, v4;
	v4 =	vmul.f32 v6, v4  }
0x5e0: {  	s21 =	sor.u32 s21, s23;
	[tilespmem:s19+$0x8000] =	vst v2  }
0x5e1: {  	v2 =	vld [tilespmem:s21+$0x0];
	[tilespmem:s19+$0x8080] =	vst v3  }
0x5e2: {  	s22 =	sadd.s32 $0x10, s22;
	v3 =	vld [tilespmem:s21+$0x80];
	[tilespmem:s19+$0x8100] =	vst v5  }
0x5e3: {  	v5 =	vld [tilespmem:s21+$0x100];
	s20 =	sshra.s32 s20, $0x2;
	[tilespmem:s19+$0x8180] =	vst v4  }
0x5e4: {  	v4 =	vld [tilespmem:s20+$0x10000];
	_ =	sdelay $0x2  }
0x5e5: {  	v6 =	vld [tilespmem:s21+$0x180];
	_ =	sdelay $0x1  }
0x5e6: {  	v2 =	vmul.f32 v2, v4  }
0x5e7: {  	v3 =	vmul.f32 v3, v4  }
0x5e8: {  	v5 =	vmul.f32 v5, v4;
	[tilespmem:s21+$0x8000] =	vst v2  }
0x5e9: {  	v2 =	vmul.f32 v6, v4;
	[tilespmem:s21+$0x8080] =	vst v3  }
0x5ea: {  	[tilespmem:s21+$0x8100] =	vst v5  }
0x5eb: {  	[tilespmem:s21+$0x8180] =	vst v2  }
0x5ec: {  	[hbm4b:s4+s9] =	stream.strided.scatter [tilespmem:s13], [sflag:$0x3], $0x4000, s10, s9, $0x38;
	[tilespmem:$0x11300] =	vst v63  }
0x5ed: {  	_ =	swait.ge [sflag:s14], $0x4000  }
0x5ee: {  	[sflag:s14] =	ssyncset.done $0x0  }
0x5ef: {  	[sflag:s14] =	ssyncadd.s32 $0xFFFFC000  }
0x5f0: {  	s20 =	simm.s32 $0x0;
	_ =	swait.ge [sflag:s17], $0x4000  }
0x5f1: {  	s19 =	sand.u32 $0x3E00, s20;
	s21 =	sand.u32 $0x70, s20;
	[sflag:s17] =	ssyncset.done $0x0  }
0x5f2: {  	s19 =	sor.u32 s21, s19;
	[sflag:s17] =	ssyncadd.s32 $0xFFFFC000  }
0x5f3: {  	s22 =	simm.s32 $0x0;
	v2 =	vld [tilespmem:s19+$0x4000]  }
0x5f4: {  	v4 =	vld [tilespmem:s22+$0x10000]  }
0x5f5: {  	v3 =	vld [tilespmem:s19+$0x4080]  }
0x5f6: {  	v5 =	vld [tilespmem:s19+$0x4100]  }
0x5f7: {  	v6 =	vld [tilespmem:s19+$0x4180];
	_ =	sdelay $0x1  }
0x5f8: {  	s23 =	simm.s32 $0x10;
	s20 =	simm.s32 $0x40;
	v2 =	vmul.f32 v2, v4  }
0x5f9: {  	s21 =	sand.u32 $0x70, s23;
	s22 =	sand.u32 $0x3E00, s20;
	v3 =	vmul.f32 v3, v4  }
0x5fa: {  	s21 =	sor.u32 s21, s22;
	v5 =	vmul.f32 v5, v4;
	[tilespmem:s19+$0xC000] =	vst v2  }
0x5fb: {  	v4 =	vmul.f32 v6, v4;
	v2 =	vld [tilespmem:s21+$0x4000];
	[tilespmem:s19+$0xC080] =	vst v3  }
0x5fc: {  	s22 =	simm.s32 $0x20;
	v3 =	vld [tilespmem:s21+$0x4080];
	[tilespmem:s19+$0xC100] =	vst v5  }
.LBB2_64:
0x5fd: {  	p0 =	sne.s32 s22, $0xFF0;
	s23 =	sshra.s32 s20, $0x2;
	v5 =	vld [tilespmem:s21+$0x4100];
	[tilespmem:s19+$0xC180] =	vst v4;
	s19 =	smov.u32 s21  }
0x5fe: {  	v4 =	vld [tilespmem:s23+$0x10000]  }
0x5ff: {  	v6 =	vld [tilespmem:s19+$0x4180];
	_ =	sdelay $0x3  }
.Ltmp31:
0x600: {  	s20 =	sadd.s32 $0x40, s20;
	v2 =	vmul.f32 v2, v4;
	v3 =	vmul.f32 v3, v4;
	(pc) =	sbr.rel @p0 .LBB2_64-.Ltmp31, $4  }
0x601: {  	s21 =	sand.u32 $0x70, s22;
	s23 =	sand.u32 $0x3E00, s20;
	v5 =	vmul.f32 v5, v4;
	v4 =	vmul.f32 v6, v4  }
0x602: {  	s21 =	sor.u32 s21, s23;
	[tilespmem:s19+$0xC000] =	vst v2  }
0x603: {  	v2 =	vld [tilespmem:s21+$0x4000];
	[tilespmem:s19+$0xC080] =	vst v3  }
0x604: {  	s22 =	sadd.s32 $0x10, s22;
	v3 =	vld [tilespmem:s21+$0x4080];
	[tilespmem:s19+$0xC100] =	vst v5  }
0x605: {  	v5 =	vld [tilespmem:s21+$0x4100];
	s20 =	sshra.s32 s20, $0x2;
	[tilespmem:s19+$0xC180] =	vst v4  }
0x606: {  	v4 =	vld [tilespmem:s20+$0x10000];
	_ =	sdelay $0x2  }
0x607: {  	v6 =	vld [tilespmem:s21+$0x4180];
	_ =	sdelay $0x1  }
0x608: {  	v2 =	vmul.f32 v2, v4  }
0x609: {  	v3 =	vmul.f32 v3, v4  }
0x60a: {  	v5 =	vmul.f32 v5, v4;
	[tilespmem:s21+$0xC000] =	vst v2  }
0x60b: {  	v2 =	vmul.f32 v6, v4;
	[tilespmem:s21+$0xC080] =	vst v3  }
0x60c: {  	[tilespmem:s21+$0xC100] =	vst v5  }
0x60d: {  	s18 =	sadd.s32 $0x1, s18;
	[tilespmem:s21+$0xC180] =	vst v2  }
0x60e: {  	[hbm4b:s5+s9] =	stream.strided.scatter [tilespmem:s15], [sflag:$0x4], $0x4000, s10, s9, $0x38;
	[tilespmem:$0x11300] =	vst v63  }
0x60f: {  	p0 =	sne.s32 s18, s6;
	_ =	swait.ge [sflag:s16], $0x4000  }
.Ltmp32:
0x610: {  	[sflag:s16] =	ssyncset.done $0x0;
	(pc) =	sbr.rel @p0 .LBB2_1-.Ltmp32, $4  }
0x611: {  	[sflag:s16] =	ssyncadd.s32 $0xFFFFC000  }
0x612: {  	_ =	swait.ge [sflag:s17], $0x4000  }
0x613: {  	[sflag:s17] =	ssyncset.done $0x0  }
0x614: {  	[sflag:s17] =	ssyncadd.s32 $0xFFFFC000  }
0x615: {  	_ =	sfence.sel $0x180000  }
0x616: {  	[bflag:$0x0] =	sbarrier.arrive $0xFFFF  }
0x617: {  	_ =	strace $0x90000047  }
0x618: {  	s0 =	stileid.u32;
	[bflag:$0x2] =	sbarrier.arrive $0xFFFF  }
0x619: {  	p0 =	sne.s32 s0, $0x0;
	s0 =	rddreg [dreg:$0x3]  }
0x61a: {  	s0 =	sadd.s32 @!p0 $0x100000, s0  }
0x61b: {  	[sflag:s0] =	ssyncadd.tile.s32 @!p0 $0x1;
	_ =	shalt  }
.Lfunc_end2:
_tile_overlayer_lowered:
.L_overlay_start_2:
0x61c: {  	(tag) =	ssettag $0x2  }
0x61d: {  	s0 =	rddreg [dreg:$0x0];
	s2 =	stileid.u32  }
0x61e: {  	s1 =	rddreg [dreg:$0x1];
	p0 =	sne.s32 s2, $0x0  }
0x61f: {  	s3 =	rddreg [dreg:$0x2];
	[bflag:$0x3] =	sbarrier.arrive $0xFFFF;
	s2 =	simm.s32 @!p0 $0x1C05  }
0x620: {  	[timem:s3], [sflag:s2] =	dma.local @!p0 [hbm:s0], s1  }
0x621: {  	s0 =	simm.s32 @!p0 $0x5  }
0x622: {  	_ =	swait.ge @!p0 [sflag:s0], s1  }
0x623: {  	s1 =	ssub.s32 @!p0 $0x0, s1;
	[sflag:s0] =	ssyncset.done @!p0 $0x0  }
0x624: {  	[sflag:s0] =	ssyncadd.s32 @!p0 s1  }
0x625: {  	[bflag:$0x3] =	sbarrier.arrive $0xFFFF  }
0x626: {  	_ =	shalt  }

</sc_bundles>
